<compile_context>
chip_gen: v7x
topology: tpu7x:2x2x1
jax: 0.10.2.dev20260603
libtpu: 0.0.44.dev20260713+nightly
codegen_flags: <defaults>
</compile_context>

<pallas_src>
import functools

import jax
import jax.numpy as jnp
from jax import lax
from jax.experimental import pallas as pl
from jax.experimental.pallas import tpu as pltpu
from jax.experimental.pallas import tpu_sc as plsc

N_NODES = 10000
D = 256
EPS = 0.5
NC = 2
NS = 16
NW = NC * NS
MASK_HI = -65536
MASK_LO = 0xFFFF



def _mm_bias(x, W, b, edges):
    N, K = x.shape
    M = W.shape[1]
    E = edges.shape[1]

    def body(xr, wr, br, er, qr, sr, dr):
        qr[...] = (jnp.dot(xr[...], wr[...], preferred_element_type=jnp.float32)
                   + 0.5 * br[...])
        sr[...] = er[0, :]
        dr[...] = er[1, :]

    return pl.pallas_call(
        body,
        out_shape=[
            jax.ShapeDtypeStruct((N, M), jnp.float32),
            jax.ShapeDtypeStruct((E,), jnp.int32),
            jax.ShapeDtypeStruct((E,), jnp.int32),
        ],
    )(x, W, b, edges)


def _mid_chain(t, W1, b1, W2, b2, block):
    N, K = t.shape
    M = W2.shape[1] // 2

    def rhu16(x):
        return jax.lax.bitcast_convert_type(x, jnp.int32) + 0x8000

    def body(tr, w1r, b1r, w2r, b2r, outr):
        h = jnp.maximum(tr[...], 0.0)
        h = jnp.dot(h, w1r[...], preferred_element_type=jnp.float32) + b1r[...]
        h = jnp.maximum(EPS * h, 0.0)
        w2 = w2r[...]
        b2 = b2r[...]
        pe = (jnp.dot(h, w2[:, :M], preferred_element_type=jnp.float32)
              + 0.5 * b2[:, :M])
        po = (jnp.dot(h, w2[:, M:], preferred_element_type=jnp.float32)
              + 0.5 * b2[:, M:])
        outr[...] = ((rhu16(po) & MASK_HI)
                     | ((rhu16(pe) >> 16) & MASK_LO))

    return pl.pallas_call(
        body,
        grid=(N // block,),
        in_specs=[
            pl.BlockSpec((block, K), lambda i: (i, 0)),
            pl.BlockSpec((K, W1.shape[1]), lambda i: (0, 0)),
            pl.BlockSpec((1, W1.shape[1]), lambda i: (0, 0)),
            pl.BlockSpec((W2.shape[0], 2 * M), lambda i: (0, 0)),
            pl.BlockSpec((1, 2 * M), lambda i: (0, 0)),
        ],
        out_specs=pl.BlockSpec((block, M), lambda i: (i, 0)),
        out_shape=jax.ShapeDtypeStruct((N, M), jnp.int32),
    )(t, W1, b1, W2, b2)


def _final_mm_part(u32, W, b, block, total_n, col_base, prev=None):
    n = u32.shape[0]
    K2, M = W.shape
    K = K2 // 2
    cb = col_base // block

    def body(ur, wr, br, *rest):
        outr = rest[-1]
        a = ur[...]
        lo = jax.lax.bitcast_convert_type(a << 16, jnp.float32)
        hi = jax.lax.bitcast_convert_type(a & MASK_HI, jnp.float32)
        w = wr[...]
        dn = (((0,), (1,)), ((), ()))
        d = (jax.lax.dot_general(w[:K], jnp.maximum(lo, 0.0), dn,
                                 preferred_element_type=jnp.float32)
             + jax.lax.dot_general(w[K:], jnp.maximum(hi, 0.0), dn,
                                   preferred_element_type=jnp.float32))
        outr[...] = EPS * (d + br[...])

    in_specs = [
        pl.BlockSpec((block, K), lambda i: (i, 0)),
        pl.BlockSpec((K2, M), lambda i: (0, 0)),
        pl.BlockSpec((M, 1), lambda i: (0, 0)),
    ]
    args = [u32, W, b]
    aliases = {}
    if prev is not None:
        in_specs.append(pl.BlockSpec(memory_space=pl.ANY))
        args.append(prev)
        aliases = {3: 0}
    return pl.pallas_call(
        body,
        grid=(n // block,),
        in_specs=in_specs,
        out_specs=pl.BlockSpec((M, block), lambda i: (0, i + cb)),
        out_shape=jax.ShapeDtypeStruct((M, total_n), jnp.float32),
        input_output_aliases=aliases,
    )(*args)



def _gather_add(table, src, dst, n_edges, chunk, n_main, tail_chunk, n_tail,
                edge_base=0):
    dt = table.dtype
    width = table.shape[1]
    """out[i] = table[src[i]] + table[dst[i]] on the SparseCore.

    Each of the NW vector subcores streams `n_main` chunks of `chunk` rows:
    indirect-stream gathers of the src rows and dst rows into TileSpmem,
    a 16-lane vector add, and a linear-stream writeback, double-buffered so
    the adds of chunk c overlap the gathers of chunk c+1. The first `n_tail`
    workers each also handle one extra `tail_chunk`-row chunk at the end.
    Requires NW*n_main*chunk + n_tail*tail_chunk == n_edges and all chunk
    sizes 8-aligned (tail_chunk <= chunk).
    """
    per_w = n_main * chunk
    tail_base = NW * per_w
    mesh = plsc.VectorSubcoreMesh(core_axis_name="c", subcore_axis_name="s")

    @functools.partial(
        pl.kernel,
        out_type=jax.ShapeDtypeStruct((n_edges, width), dt),
        mesh=mesh,
        scratch_types=[
            pltpu.VMEM((per_w,), jnp.int32),
            pltpu.VMEM((per_w,), jnp.int32),
            pltpu.VMEM((tail_chunk,), jnp.int32),
            pltpu.VMEM((tail_chunk,), jnp.int32),
            pltpu.VMEM((chunk, width), dt),
            pltpu.VMEM((chunk, width), dt),
            pltpu.VMEM((chunk, width), dt),
            pltpu.VMEM((chunk, width), dt),
            pltpu.VMEM((tail_chunk, width), dt),
            pltpu.VMEM((tail_chunk, width), dt),
            pltpu.SemaphoreType.DMA,
            pltpu.SemaphoreType.DMA,
            pltpu.SemaphoreType.DMA,
            pltpu.SemaphoreType.DMA,
            pltpu.SemaphoreType.DMA,
            pltpu.SemaphoreType.DMA,
            pltpu.SemaphoreType.DMA,
            pltpu.SemaphoreType.DMA,
        ],
    )
    def k(table_hbm, src_hbm, dst_hbm, out_hbm, sidx, didx, tsidx, tdidx,
          rowsa0, rowsa1, rowsb0, rowsb1, trowsa, trowsb,
          ga0, ga1, gb0, gb1, ws0, ws1, tga, tgb):
        wid = lax.axis_index("s") * NC + lax.axis_index("c")
        base = wid * per_w
        ebase = edge_base + base
        rowsa = (rowsa0, rowsa1)
        rowsb = (rowsb0, rowsb1)
        ga = (ga0, ga1)
        gb = (gb0, gb1)
        ws = (ws0, ws1)

        def add_rows(ba, bb, n_rows):
            def add_row(r, carry):
                for j in range(width // 16):
                    sl = pl.ds(j * 16, 16)
                    a = ba[r, sl]
                    b_ = bb[r, sl]
                    if dt == jnp.int32:
                        bc = jax.lax.bitcast_convert_type
                        alo = bc(a << 16, jnp.float32)
                        ahi = bc(a & MASK_HI, jnp.float32)
                        blo = bc(b_ << 16, jnp.float32)
                        bhi = bc(b_ & MASK_HI, jnp.float32)
                        rlo = bc(alo + blo, jnp.int32) + 0x8000
                        rhi = bc(ahi + bhi, jnp.int32) + 0x8000
                        ba[r, sl] = ((rhi & MASK_HI)
                                     | ((rlo >> 16) & MASK_LO))
                    else:
                        ba[r, sl] = a + b_
                return carry
            lax.fori_loop(0, n_rows, add_row, 0)

        pltpu.sync_copy(src_hbm.at[pl.ds(ebase, per_w)], sidx)
        pltpu.sync_copy(dst_hbm.at[pl.ds(ebase, per_w)], didx)

        @pl.when(wid < n_tail)
        def _():
            toff = tail_base + wid * tail_chunk
            etoff = edge_base + toff
            pltpu.sync_copy(src_hbm.at[pl.ds(etoff, tail_chunk)], tsidx)
            pltpu.sync_copy(dst_hbm.at[pl.ds(etoff, tail_chunk)], tdidx)
            pltpu.async_copy(table_hbm.at[tsidx], trowsa, tga)
            pltpu.async_copy(table_hbm.at[tdidx], trowsb, tgb)

        pltpu.async_copy(table_hbm.at[sidx.at[pl.ds(0, chunk)]], rowsa0, ga0)
        pltpu.async_copy(table_hbm.at[didx.at[pl.ds(0, chunk)]], rowsb0, gb0)

        def step(c, b, nb):
            pltpu.make_async_copy(
                table_hbm.at[pl.ds(0, chunk)], rowsa[b], ga[b]).wait()
            pltpu.make_async_copy(
                table_hbm.at[pl.ds(0, chunk)], rowsb[b], gb[b]).wait()
            @pl.when(c + 1 < n_main)
            def _():
                @pl.when(c >= 1)
                def _():
                    pltpu.make_async_copy(
                        rowsa[nb], out_hbm.at[pl.ds(0, chunk)], ws[nb]).wait()
                pltpu.async_copy(
                    table_hbm.at[sidx.at[pl.ds((c + 1) * chunk, chunk)]],
                    rowsa[nb], ga[nb])
                pltpu.async_copy(
                    table_hbm.at[didx.at[pl.ds((c + 1) * chunk, chunk)]],
                    rowsb[nb], gb[nb])
            add_rows(rowsa[b], rowsb[b], chunk)
            pltpu.async_copy(
                rowsa[b], out_hbm.at[pl.ds(base + c * chunk, chunk)], ws[b])

        def pair(c2, carry):
            c = c2 * 2
            step(c, 0, 1)
            @pl.when(c + 1 < n_main)
            def _():
                step(c + 1, 1, 0)
            return carry

        lax.fori_loop(0, (n_main + 1) // 2, pair, 0)

        @pl.when(wid < n_tail)
        def _():
            toff = tail_base + wid * tail_chunk
            pltpu.make_async_copy(
                table_hbm.at[pl.ds(0, tail_chunk)], trowsa, tga).wait()
            pltpu.make_async_copy(
                table_hbm.at[pl.ds(0, tail_chunk)], trowsb, tgb).wait()
            add_rows(trowsa, trowsb, tail_chunk)
            pltpu.sync_copy(trowsa, out_hbm.at[pl.ds(toff, tail_chunk)])

        pltpu.make_async_copy(rowsa0, out_hbm.at[pl.ds(0, chunk)], ws0).wait()
        pltpu.make_async_copy(rowsa1, out_hbm.at[pl.ds(0, chunk)], ws1).wait()

    return k(table, src, dst)



def kernel(x, edge_index, W1a, b1a, W1b, b1b, W2a, b2a, W2b, b2b):
    n_edges = edge_index.shape[1]
    q, src, dst = _mm_bias(x, W1a, b1a[None, :],
                           edge_index.astype(jnp.int32))
    t = _gather_add(q, src, dst, N_NODES,
                    chunk=104, n_main=3, tail_chunk=16, n_tail=1)
    p32 = _mid_chain(t, W1b, b1b[None, :], W2a, b2a[None, :],
                     block=1000)
    h1, h2 = 102400, 57600
    u1 = _gather_add(p32, src, dst, h1,
                     chunk=128, n_main=25, tail_chunk=8, n_tail=0)
    u2 = _gather_add(p32, src, dst, h2,
                     chunk=72, n_main=25, tail_chunk=8, n_tail=0,
                     edge_base=h1)
    o1 = _final_mm_part(u1, W2b, b2b[:, None], 6400, n_edges, 0)
    o2 = _final_mm_part(u2, W2b, b2b[:, None], 6400, n_edges, h1, prev=o1)
    return o2.T

# --- scband reference (transcript-rebuilt; emitter-appended) ---
"""Pipeline reference for scband-ginmodel-88742614270551 (READ-ONLY COPY).

The authoritative reference and input builder live on the scoring server;
editing this copy changes nothing except your own understanding.
"""

import jax, jax.numpy as jnp
import numpy as np

N_NODES = 10000
N_EDGES = 160000
D_IN = 256
D_HID = 256
N_CLASSES = 40
EPS = 0.5


def setup_inputs(seed: int = 0) -> dict:
    key = jax.random.key(seed)
    ks = jax.random.split(key, 12)
    x = jax.random.normal(ks[0], (N_NODES, D_IN), dtype=jnp.float32)
    edge_index = jax.random.randint(ks[1], (2, N_EDGES), 0, N_NODES, dtype=jnp.int64 if jax.config.jax_enable_x64 else jnp.int32)
    s1 = 1.0 / np.sqrt(D_IN)
    s2 = 1.0 / np.sqrt(D_HID)
    W1a = jax.random.uniform(ks[2], (D_IN, D_HID), jnp.float32, -s1, s1)
    b1a = jax.random.uniform(ks[3], (D_HID,), jnp.float32, -s1, s1)
    W1b = jax.random.uniform(ks[4], (D_HID, D_HID), jnp.float32, -s2, s2)
    b1b = jax.random.uniform(ks[5], (D_HID,), jnp.float32, -s2, s2)
    W2a = jax.random.uniform(ks[6], (D_HID, D_HID), jnp.float32, -s2, s2)
    b2a = jax.random.uniform(ks[7], (D_HID,), jnp.float32, -s2, s2)
    W2b = jax.random.uniform(ks[8], (D_HID, N_CLASSES), jnp.float32, -s2, s2)
    b2b = jax.random.uniform(ks[9], (N_CLASSES,), jnp.float32, -s2, s2)
    return {"x": x, "edge_index": edge_index, "W1a": W1a, "b1a": b1a, "W1b": W1b, "b1b": b1b, "W2a": W2a, "b2a": b2a, "W2b": W2b, "b2b": b2b}


def _gin_conv(x, edge_index, Wa, ba, Wb, bb):
    # edge-level: mlp(x[src] + x[dst]) * eps
    h = jnp.take(x, edge_index[0], axis=0) + jnp.take(x, edge_index[1], axis=0)
    h = jax.nn.relu(h @ Wa + ba)
    h = h @ Wb + bb
    return EPS * h


def reference(x, edge_index, W1a, b1a, W1b, b1b, W2a, b2a, W2b, b2b):
    # conv1: node features -> edge features [E, hidden]
    h = _gin_conv(x, edge_index, W1a, b1a, W1b, b1b)
    h = jax.nn.relu(h)
    # conv2: faithful to original - indexes the edge-feature tensor with node indices
    # (valid since all node indices < N_NODES <= N_EDGES)
    out = _gin_conv(h, edge_index, W2a, b2a, W2b, b2b)
    return out

if __name__ == "__main__":
    import jax
    _d = setup_inputs()
    print(jax.jit(kernel)(*tuple(_d.values())))

</pallas_src>

<mosaic_0001>
#map = affine_map<(d0, d1) -> (0, 0)>
#map1 = affine_map<(d0, d1) -> (0)>
module attributes {stable_mosaic.version = 14 : i64} {
  func.func @k(%arg0: i32, %arg1: i32, %arg2: memref<10000x256xf32, #tpu.memory_space<hbm>>, %arg3: memref<160000xi32, #tpu.memory_space<hbm>>, %arg4: memref<160000xi32, #tpu.memory_space<hbm>>, %arg5: memref<10000x256xf32, #tpu.memory_space<hbm>>, %arg6: memref<312xi32, #tpu.memory_space<vmem>>, %arg7: memref<312xi32, #tpu.memory_space<vmem>>, %arg8: memref<16xi32, #tpu.memory_space<vmem>>, %arg9: memref<16xi32, #tpu.memory_space<vmem>>, %arg10: memref<104x256xf32, #tpu.memory_space<vmem>>, %arg11: memref<104x256xf32, #tpu.memory_space<vmem>>, %arg12: memref<104x256xf32, #tpu.memory_space<vmem>>, %arg13: memref<104x256xf32, #tpu.memory_space<vmem>>, %arg14: memref<16x256xf32, #tpu.memory_space<vmem>>, %arg15: memref<16x256xf32, #tpu.memory_space<vmem>>, %arg16: memref<!tpu.dma_semaphore, #tpu.memory_space<semaphore_mem>>, %arg17: memref<!tpu.dma_semaphore, #tpu.memory_space<semaphore_mem>>, %arg18: memref<!tpu.dma_semaphore, #tpu.memory_space<semaphore_mem>>, %arg19: memref<!tpu.dma_semaphore, #tpu.memory_space<semaphore_mem>>, %arg20: memref<!tpu.dma_semaphore, #tpu.memory_space<semaphore_mem>>, %arg21: memref<!tpu.dma_semaphore, #tpu.memory_space<semaphore_mem>>, %arg22: memref<!tpu.dma_semaphore, #tpu.memory_space<semaphore_mem>>, %arg23: memref<!tpu.dma_semaphore, #tpu.memory_space<semaphore_mem>>) attributes {dimension_semantics = [#tpu.dimension_semantics<core_parallel>, #tpu.dimension_semantics<subcore_parallel>], iteration_bounds = array<i64: 2, 16>, scalar_prefetch = 0 : i64, scratch_operands = 18 : i64, tpu.core_type = #tpu.core_type<sc_vector_subcore>, window_params = [{transform_indices = #map}, {transform_indices = #map1}, {transform_indices = #map1}, {transform_indices = #map}]} {
    %mul3A = arith.constant 2 : i32
    %mul3A_0 = arith.muli %arg1, %mul3A : i32
    %add3A = arith.addi %mul3A_0, %arg0 : i32
    %mul3A_1 = arith.constant 312 : i32
    %mul3A_2 = arith.muli %add3A, %mul3A_1 : i32
    %add3A_3 = arith.constant 0 : i32
    %add3A_4 = arith.addi %add3A_3, %mul3A_2 : i32
    "tpu.region"() ({
      %run_scoped3A = tpu.sem_alloc : memref<!tpu.dma_semaphore, #tpu.memory_space<semaphore_mem>>
      %dma_start3A_37 = tpu.memref_slice %arg3[%add3A_4] : memref<160000xi32, #tpu.memory_space<hbm>> -> memref<312xi32, #tpu.memory_space<hbm>>
      %dma_start3A_38 = tpu.memref_slice %arg3[%add3A_4] : memref<160000xi32, #tpu.memory_space<hbm>> -> memref<312xi32, #tpu.memory_space<hbm>>
      tpu.enqueue_dma source(%dma_start3A_38 : memref<312xi32, #tpu.memory_space<hbm>>) target(%arg6 : memref<312xi32, #tpu.memory_space<vmem>>) target_semaphore(%run_scoped3A : memref<!tpu.dma_semaphore, #tpu.memory_space<semaphore_mem>>)
      %dma_wait3A_39 = tpu.memref_slice %arg3[%add3A_4] : memref<160000xi32, #tpu.memory_space<hbm>> -> memref<312xi32, #tpu.memory_space<hbm>>
      %dma_wait3A_40 = tpu.memref_slice %arg3[%add3A_4] : memref<160000xi32, #tpu.memory_space<hbm>> -> memref<312xi32, #tpu.memory_space<hbm>>
      tpu.wait_dma2 semaphore(%run_scoped3A : memref<!tpu.dma_semaphore, #tpu.memory_space<semaphore_mem>>) src(%dma_wait3A_40 : memref<312xi32, #tpu.memory_space<hbm>>) dst(%arg6 : memref<312xi32, #tpu.memory_space<vmem>>)
      tpu.yield
    }) : () -> ()
    "tpu.region"() ({
      %run_scoped3A = tpu.sem_alloc : memref<!tpu.dma_semaphore, #tpu.memory_space<semaphore_mem>>
      %dma_start3A_37 = tpu.memref_slice %arg4[%add3A_4] : memref<160000xi32, #tpu.memory_space<hbm>> -> memref<312xi32, #tpu.memory_space<hbm>>
      %dma_start3A_38 = tpu.memref_slice %arg4[%add3A_4] : memref<160000xi32, #tpu.memory_space<hbm>> -> memref<312xi32, #tpu.memory_space<hbm>>
      tpu.enqueue_dma source(%dma_start3A_38 : memref<312xi32, #tpu.memory_space<hbm>>) target(%arg7 : memref<312xi32, #tpu.memory_space<vmem>>) target_semaphore(%run_scoped3A : memref<!tpu.dma_semaphore, #tpu.memory_space<semaphore_mem>>)
      %dma_wait3A_39 = tpu.memref_slice %arg4[%add3A_4] : memref<160000xi32, #tpu.memory_space<hbm>> -> memref<312xi32, #tpu.memory_space<hbm>>
      %dma_wait3A_40 = tpu.memref_slice %arg4[%add3A_4] : memref<160000xi32, #tpu.memory_space<hbm>> -> memref<312xi32, #tpu.memory_space<hbm>>
      tpu.wait_dma2 semaphore(%run_scoped3A : memref<!tpu.dma_semaphore, #tpu.memory_space<semaphore_mem>>) src(%dma_wait3A_40 : memref<312xi32, #tpu.memory_space<hbm>>) dst(%arg7 : memref<312xi32, #tpu.memory_space<vmem>>)
      tpu.yield
    }) : () -> ()
    %lt3A = arith.constant 1 : i32
    %lt3A_5 = arith.cmpi slt, %add3A, %lt3A : i32
    %convert_element_type3A = arith.extui %lt3A_5 : i1 to i32
    %cond3A = arith.constant 0 : i32
    %cond3A_6 = arith.cmpi ne, %convert_element_type3A, %cond3A : i32
    scf.if %cond3A_6 {
      %mul3A_37 = arith.constant 16 : i32
      %mul3A_38 = arith.muli %add3A, %mul3A_37 : i32
      %add3A_39 = arith.constant 9984 : i32
      %add3A_40 = arith.addi %add3A_39, %mul3A_38 : i32
      %add3A_41 = arith.constant 0 : i32
      %add3A_42 = arith.addi %add3A_41, %add3A_40 : i32
      "tpu.region"() ({
        %run_scoped3A = tpu.sem_alloc : memref<!tpu.dma_semaphore, #tpu.memory_space<semaphore_mem>>
        %dma_start3A_49 = tpu.memref_slice %arg3[%add3A_42] : memref<160000xi32, #tpu.memory_space<hbm>> -> memref<16xi32, #tpu.memory_space<hbm>>
        %dma_start3A_50 = tpu.memref_slice %arg3[%add3A_42] : memref<160000xi32, #tpu.memory_space<hbm>> -> memref<16xi32, #tpu.memory_space<hbm>>
        tpu.enqueue_dma source(%dma_start3A_50 : memref<16xi32, #tpu.memory_space<hbm>>) target(%arg8 : memref<16xi32, #tpu.memory_space<vmem>>) target_semaphore(%run_scoped3A : memref<!tpu.dma_semaphore, #tpu.memory_space<semaphore_mem>>)
        %dma_wait3A_51 = tpu.memref_slice %arg3[%add3A_42] : memref<160000xi32, #tpu.memory_space<hbm>> -> memref<16xi32, #tpu.memory_space<hbm>>
        %dma_wait3A_52 = tpu.memref_slice %arg3[%add3A_42] : memref<160000xi32, #tpu.memory_space<hbm>> -> memref<16xi32, #tpu.memory_space<hbm>>
        tpu.wait_dma2 semaphore(%run_scoped3A : memref<!tpu.dma_semaphore, #tpu.memory_space<semaphore_mem>>) src(%dma_wait3A_52 : memref<16xi32, #tpu.memory_space<hbm>>) dst(%arg8 : memref<16xi32, #tpu.memory_space<vmem>>)
        tpu.yield
      }) : () -> ()
      "tpu.region"() ({
        %run_scoped3A = tpu.sem_alloc : memref<!tpu.dma_semaphore, #tpu.memory_space<semaphore_mem>>
        %dma_start3A_49 = tpu.memref_slice %arg4[%add3A_42] : memref<160000xi32, #tpu.memory_space<hbm>> -> memref<16xi32, #tpu.memory_space<hbm>>
        %dma_start3A_50 = tpu.memref_slice %arg4[%add3A_42] : memref<160000xi32, #tpu.memory_space<hbm>> -> memref<16xi32, #tpu.memory_space<hbm>>
        tpu.enqueue_dma source(%dma_start3A_50 : memref<16xi32, #tpu.memory_space<hbm>>) target(%arg9 : memref<16xi32, #tpu.memory_space<vmem>>) target_semaphore(%run_scoped3A : memref<!tpu.dma_semaphore, #tpu.memory_space<semaphore_mem>>)
        %dma_wait3A_51 = tpu.memref_slice %arg4[%add3A_42] : memref<160000xi32, #tpu.memory_space<hbm>> -> memref<16xi32, #tpu.memory_space<hbm>>
        %dma_wait3A_52 = tpu.memref_slice %arg4[%add3A_42] : memref<160000xi32, #tpu.memory_space<hbm>> -> memref<16xi32, #tpu.memory_space<hbm>>
        tpu.wait_dma2 semaphore(%run_scoped3A : memref<!tpu.dma_semaphore, #tpu.memory_space<semaphore_mem>>) src(%dma_wait3A_52 : memref<16xi32, #tpu.memory_space<hbm>>) dst(%arg9 : memref<16xi32, #tpu.memory_space<vmem>>)
        tpu.yield
      }) : () -> ()
      %dma_start3A_43 = arith.constant 0 : i32
      %dma_start3A_44 = arith.constant 0 : i32
      %dma_start3A_45 = tpu.memref_slice %arg2[%dma_start3A_43, %dma_start3A_44] : memref<10000x256xf32, #tpu.memory_space<hbm>> -> memref<10000x256xf32, #tpu.memory_space<hbm>>
      tpu.enqueue_indirect_dma source(%dma_start3A_45 : memref<10000x256xf32, #tpu.memory_space<hbm>>) target(%arg14 : memref<16x256xf32, #tpu.memory_space<vmem>>) offsets(%arg8 : memref<16xi32, #tpu.memory_space<vmem>>) semaphore(%arg22 : memref<!tpu.dma_semaphore, #tpu.memory_space<semaphore_mem>>)
      %dma_start3A_46 = arith.constant 0 : i32
      %dma_start3A_47 = arith.constant 0 : i32
      %dma_start3A_48 = tpu.memref_slice %arg2[%dma_start3A_46, %dma_start3A_47] : memref<10000x256xf32, #tpu.memory_space<hbm>> -> memref<10000x256xf32, #tpu.memory_space<hbm>>
      tpu.enqueue_indirect_dma source(%dma_start3A_48 : memref<10000x256xf32, #tpu.memory_space<hbm>>) target(%arg15 : memref<16x256xf32, #tpu.memory_space<vmem>>) offsets(%arg9 : memref<16xi32, #tpu.memory_space<vmem>>) semaphore(%arg23 : memref<!tpu.dma_semaphore, #tpu.memory_space<semaphore_mem>>)
    } else {
    }
    %dma_start3A = arith.constant 0 : i32
    %dma_start3A_7 = tpu.memref_slice %arg6[%dma_start3A] : memref<312xi32, #tpu.memory_space<vmem>> -> memref<104xi32, #tpu.memory_space<vmem>>
    %dma_start3A_8 = arith.constant 0 : i32
    %dma_start3A_9 = arith.constant 0 : i32
    %dma_start3A_10 = tpu.memref_slice %arg2[%dma_start3A_8, %dma_start3A_9] : memref<10000x256xf32, #tpu.memory_space<hbm>> -> memref<10000x256xf32, #tpu.memory_space<hbm>>
    tpu.enqueue_indirect_dma source(%dma_start3A_10 : memref<10000x256xf32, #tpu.memory_space<hbm>>) target(%arg10 : memref<104x256xf32, #tpu.memory_space<vmem>>) offsets(%dma_start3A_7 : memref<104xi32, #tpu.memory_space<vmem>>) semaphore(%arg16 : memref<!tpu.dma_semaphore, #tpu.memory_space<semaphore_mem>>)
    %dma_start3A_11 = arith.constant 0 : i32
    %dma_start3A_12 = tpu.memref_slice %arg7[%dma_start3A_11] : memref<312xi32, #tpu.memory_space<vmem>> -> memref<104xi32, #tpu.memory_space<vmem>>
    %dma_start3A_13 = arith.constant 0 : i32
    %dma_start3A_14 = arith.constant 0 : i32
    %dma_start3A_15 = tpu.memref_slice %arg2[%dma_start3A_13, %dma_start3A_14] : memref<10000x256xf32, #tpu.memory_space<hbm>> -> memref<10000x256xf32, #tpu.memory_space<hbm>>
    tpu.enqueue_indirect_dma source(%dma_start3A_15 : memref<10000x256xf32, #tpu.memory_space<hbm>>) target(%arg12 : memref<104x256xf32, #tpu.memory_space<vmem>>) offsets(%dma_start3A_12 : memref<104xi32, #tpu.memory_space<vmem>>) semaphore(%arg18 : memref<!tpu.dma_semaphore, #tpu.memory_space<semaphore_mem>>)
    %scan3A = arith.constant 0 : i32
    %scan3A_16 = arith.constant 0 : i32
    %scan3A_17 = arith.constant 2 : i32
    %scan3A_18 = arith.addi %scan3A_16, %scan3A_17 : i32
    %scan3A_19 = arith.constant 1 : i32
    scf.for %scan3A_37 = %scan3A_16 to %scan3A_18 step %scan3A_19  : i32 {
      %mul3A_38 = arith.constant 2 : i32
      %mul3A_39 = arith.muli %scan3A_37, %mul3A_38 : i32
      %dma_wait3A_40 = arith.constant 0 : i32
      %dma_wait3A_41 = arith.constant 0 : i32
      %dma_wait3A_42 = tpu.memref_slice %arg2[%dma_wait3A_40, %dma_wait3A_41] : memref<10000x256xf32, #tpu.memory_space<hbm>> -> memref<104x256xf32, #tpu.memory_space<hbm>>
      %dma_wait3A_43 = arith.constant 0 : i32
      %dma_wait3A_44 = arith.constant 0 : i32
      %dma_wait3A_45 = tpu.memref_slice %arg2[%dma_wait3A_43, %dma_wait3A_44] : memref<10000x256xf32, #tpu.memory_space<hbm>> -> memref<104x256xf32, #tpu.memory_space<hbm>>
      tpu.wait_dma2 semaphore(%arg16 : memref<!tpu.dma_semaphore, #tpu.memory_space<semaphore_mem>>) src(%dma_wait3A_45 : memref<104x256xf32, #tpu.memory_space<hbm>>) dst(%arg10 : memref<104x256xf32, #tpu.memory_space<vmem>>)
      %dma_wait3A_46 = arith.constant 0 : i32
      %dma_wait3A_47 = arith.constant 0 : i32
      %dma_wait3A_48 = tpu.memref_slice %arg2[%dma_wait3A_46, %dma_wait3A_47] : memref<10000x256xf32, #tpu.memory_space<hbm>> -> memref<104x256xf32, #tpu.memory_space<hbm>>
      %dma_wait3A_49 = arith.constant 0 : i32
      %dma_wait3A_50 = arith.constant 0 : i32
      %dma_wait3A_51 = tpu.memref_slice %arg2[%dma_wait3A_49, %dma_wait3A_50] : memref<10000x256xf32, #tpu.memory_space<hbm>> -> memref<104x256xf32, #tpu.memory_space<hbm>>
      tpu.wait_dma2 semaphore(%arg18 : memref<!tpu.dma_semaphore, #tpu.memory_space<semaphore_mem>>) src(%dma_wait3A_51 : memref<104x256xf32, #tpu.memory_space<hbm>>) dst(%arg12 : memref<104x256xf32, #tpu.memory_space<vmem>>)
      %add3A_52 = arith.constant 1 : i32
      %add3A_53 = arith.addi %mul3A_39, %add3A_52 : i32
      %lt3A_54 = arith.constant 3 : i32
      %lt3A_55 = arith.cmpi slt, %add3A_53, %lt3A_54 : i32
      %convert_element_type3A_56 = arith.extui %lt3A_55 : i1 to i32
      %cond3A_57 = arith.constant 0 : i32
      %cond3A_58 = arith.cmpi ne, %convert_element_type3A_56, %cond3A_57 : i32
      scf.if %cond3A_58 {
        %ge3A = arith.constant 1 : i32
        %ge3A_79 = arith.cmpi sge, %mul3A_39, %ge3A : i32
        %convert_element_type3A_80 = arith.extui %ge3A_79 : i1 to i32
        %cond3A_81 = arith.constant 0 : i32
        %cond3A_82 = arith.cmpi ne, %convert_element_type3A_80, %cond3A_81 : i32
        scf.if %cond3A_82 {
          %dma_wait3A_99 = arith.constant 0 : i32
          %dma_wait3A_100 = arith.constant 0 : i32
          %dma_wait3A_101 = tpu.memref_slice %arg5[%dma_wait3A_99, %dma_wait3A_100] : memref<10000x256xf32, #tpu.memory_space<hbm>> -> memref<104x256xf32, #tpu.memory_space<hbm>>
          %dma_wait3A_102 = arith.constant 0 : i32
          %dma_wait3A_103 = arith.constant 0 : i32
          %dma_wait3A_104 = tpu.memref_slice %arg5[%dma_wait3A_102, %dma_wait3A_103] : memref<10000x256xf32, #tpu.memory_space<hbm>> -> memref<104x256xf32, #tpu.memory_space<hbm>>
          tpu.wait_dma2 semaphore(%arg21 : memref<!tpu.dma_semaphore, #tpu.memory_space<semaphore_mem>>) src(%arg11 : memref<104x256xf32, #tpu.memory_space<vmem>>) dst(%dma_wait3A_104 : memref<104x256xf32, #tpu.memory_space<hbm>>)
        } else {
        }
        %add3A_83 = arith.constant 1 : i32
        %add3A_84 = arith.addi %mul3A_39, %add3A_83 : i32
        %mul3A_85 = arith.constant 104 : i32
        %mul3A_86 = arith.muli %add3A_84, %mul3A_85 : i32
        %dma_start3A_87 = tpu.memref_slice %arg6[%mul3A_86] : memref<312xi32, #tpu.memory_space<vmem>> -> memref<104xi32, #tpu.memory_space<vmem>>
        %dma_start3A_88 = arith.constant 0 : i32
        %dma_start3A_89 = arith.constant 0 : i32
        %dma_start3A_90 = tpu.memref_slice %arg2[%dma_start3A_88, %dma_start3A_89] : memref<10000x256xf32, #tpu.memory_space<hbm>> -> memref<10000x256xf32, #tpu.memory_space<hbm>>
        tpu.enqueue_indirect_dma source(%dma_start3A_90 : memref<10000x256xf32, #tpu.memory_space<hbm>>) target(%arg11 : memref<104x256xf32, #tpu.memory_space<vmem>>) offsets(%dma_start3A_87 : memref<104xi32, #tpu.memory_space<vmem>>) semaphore(%arg17 : memref<!tpu.dma_semaphore, #tpu.memory_space<semaphore_mem>>)
        %add3A_91 = arith.constant 1 : i32
        %add3A_92 = arith.addi %mul3A_39, %add3A_91 : i32
        %mul3A_93 = arith.constant 104 : i32
        %mul3A_94 = arith.muli %add3A_92, %mul3A_93 : i32
        %dma_start3A_95 = tpu.memref_slice %arg7[%mul3A_94] : memref<312xi32, #tpu.memory_space<vmem>> -> memref<104xi32, #tpu.memory_space<vmem>>
        %dma_start3A_96 = arith.constant 0 : i32
        %dma_start3A_97 = arith.constant 0 : i32
        %dma_start3A_98 = tpu.memref_slice %arg2[%dma_start3A_96, %dma_start3A_97] : memref<10000x256xf32, #tpu.memory_space<hbm>> -> memref<10000x256xf32, #tpu.memory_space<hbm>>
        tpu.enqueue_indirect_dma source(%dma_start3A_98 : memref<10000x256xf32, #tpu.memory_space<hbm>>) target(%arg13 : memref<104x256xf32, #tpu.memory_space<vmem>>) offsets(%dma_start3A_95 : memref<104xi32, #tpu.memory_space<vmem>>) semaphore(%arg19 : memref<!tpu.dma_semaphore, #tpu.memory_space<semaphore_mem>>)
      } else {
      }
      %scan3A_59 = arith.constant 0 : i32
      %scan3A_60 = arith.constant 0 : i32
      %scan3A_61 = arith.constant 104 : i32
      %scan3A_62 = arith.addi %scan3A_60, %scan3A_61 : i32
      %scan3A_63 = arith.constant 1 : i32
      scf.for %scan3A_79 = %scan3A_60 to %scan3A_62 step %scan3A_63  : i32 {
        %get3A = arith.index_cast %scan3A_79 : i32 to index
        %get3A_80 = arith.constant 0 : index
        %get3A_81 = tpu.vector_load %arg10[%get3A, %get3A_80] {strides = array<i32>} : memref<104x256xf32, #tpu.memory_space<vmem>>, vector<1x16xf32>,
        %get3A_82 = vector.shape_cast %get3A_81 : vector<1x16xf32> to vector<16xf32>
        %get3A_83 = arith.index_cast %scan3A_79 : i32 to index
        %get3A_84 = arith.constant 0 : index
        %get3A_85 = tpu.vector_load %arg12[%get3A_83, %get3A_84] {strides = array<i32>} : memref<104x256xf32, #tpu.memory_space<vmem>>, vector<1x16xf32>,
        %get3A_86 = vector.shape_cast %get3A_85 : vector<1x16xf32> to vector<16xf32>
        %add3A_87 = arith.addf %get3A_82, %get3A_86 : vector<16xf32>
        %swap3A = arith.index_cast %scan3A_79 : i32 to index
        %swap3A_88 = arith.constant 0 : index
        %swap3A_89 = tpu.vector_load %arg10[%swap3A, %swap3A_88] {strides = array<i32>} : memref<104x256xf32, #tpu.memory_space<vmem>>, vector<1x16xf32>,
        %swap3A_90 = vector.shape_cast %swap3A_89 : vector<1x16xf32> to vector<16xf32>
        %swap3A_91 = vector.shape_cast %add3A_87 : vector<16xf32> to vector<1x16xf32>
        tpu.vector_store %arg10[%swap3A, %swap3A_88], %swap3A_91 {strides = array<i32>} : memref<104x256xf32, #tpu.memory_space<vmem>>, vector<1x16xf32>,
        %get3A_92 = arith.index_cast %scan3A_79 : i32 to index
        %get3A_93 = arith.constant 16 : index
        %get3A_94 = tpu.vector_load %arg10[%get3A_92, %get3A_93] {strides = array<i32>} : memref<104x256xf32, #tpu.memory_space<vmem>>, vector<1x16xf32>,
        %get3A_95 = vector.shape_cast %get3A_94 : vector<1x16xf32> to vector<16xf32>
        %get3A_96 = arith.index_cast %scan3A_79 : i32 to index
        %get3A_97 = arith.constant 16 : index
        %get3A_98 = tpu.vector_load %arg12[%get3A_96, %get3A_97] {strides = array<i32>} : memref<104x256xf32, #tpu.memory_space<vmem>>, vector<1x16xf32>,
        %get3A_99 = vector.shape_cast %get3A_98 : vector<1x16xf32> to vector<16xf32>
        %add3A_100 = arith.addf %get3A_95, %get3A_99 : vector<16xf32>
        %swap3A_101 = arith.index_cast %scan3A_79 : i32 to index
        %swap3A_102 = arith.constant 16 : index
        %swap3A_103 = tpu.vector_load %arg10[%swap3A_101, %swap3A_102] {strides = array<i32>} : memref<104x256xf32, #tpu.memory_space<vmem>>, vector<1x16xf32>,
        %swap3A_104 = vector.shape_cast %swap3A_103 : vector<1x16xf32> to vector<16xf32>
        %swap3A_105 = vector.shape_cast %add3A_100 : vector<16xf32> to vector<1x16xf32>
        tpu.vector_store %arg10[%swap3A_101, %swap3A_102], %swap3A_105 {strides = array<i32>} : memref<104x256xf32, #tpu.memory_space<vmem>>, vector<1x16xf32>,
        %get3A_106 = arith.index_cast %scan3A_79 : i32 to index
        %get3A_107 = arith.constant 32 : index
        %get3A_108 = tpu.vector_load %arg10[%get3A_106, %get3A_107] {strides = array<i32>} : memref<104x256xf32, #tpu.memory_space<vmem>>, vector<1x16xf32>,
        %get3A_109 = vector.shape_cast %get3A_108 : vector<1x16xf32> to vector<16xf32>
        %get3A_110 = arith.index_cast %scan3A_79 : i32 to index
        %get3A_111 = arith.constant 32 : index
        %get3A_112 = tpu.vector_load %arg12[%get3A_110, %get3A_111] {strides = array<i32>} : memref<104x256xf32, #tpu.memory_space<vmem>>, vector<1x16xf32>,
        %get3A_113 = vector.shape_cast %get3A_112 : vector<1x16xf32> to vector<16xf32>
        %add3A_114 = arith.addf %get3A_109, %get3A_113 : vector<16xf32>
        %swap3A_115 = arith.index_cast %scan3A_79 : i32 to index
        %swap3A_116 = arith.constant 32 : index
        %swap3A_117 = tpu.vector_load %arg10[%swap3A_115, %swap3A_116] {strides = array<i32>} : memref<104x256xf32, #tpu.memory_space<vmem>>, vector<1x16xf32>,
        %swap3A_118 = vector.shape_cast %swap3A_117 : vector<1x16xf32> to vector<16xf32>
        %swap3A_119 = vector.shape_cast %add3A_114 : vector<16xf32> to vector<1x16xf32>
        tpu.vector_store %arg10[%swap3A_115, %swap3A_116], %swap3A_119 {strides = array<i32>} : memref<104x256xf32, #tpu.memory_space<vmem>>, vector<1x16xf32>,
        %get3A_120 = arith.index_cast %scan3A_79 : i32 to index
        %get3A_121 = arith.constant 48 : index
        %get3A_122 = tpu.vector_load %arg10[%get3A_120, %get3A_121] {strides = array<i32>} : memref<104x256xf32, #tpu.memory_space<vmem>>, vector<1x16xf32>,
        %get3A_123 = vector.shape_cast %get3A_122 : vector<1x16xf32> to vector<16xf32>
        %get3A_124 = arith.index_cast %scan3A_79 : i32 to index
        %get3A_125 = arith.constant 48 : index
        %get3A_126 = tpu.vector_load %arg12[%get3A_124, %get3A_125] {strides = array<i32>} : memref<104x256xf32, #tpu.memory_space<vmem>>, vector<1x16xf32>,
        %get3A_127 = vector.shape_cast %get3A_126 : vector<1x16xf32> to vector<16xf32>
        %add3A_128 = arith.addf %get3A_123, %get3A_127 : vector<16xf32>
        %swap3A_129 = arith.index_cast %scan3A_79 : i32 to index
        %swap3A_130 = arith.constant 48 : index
        %swap3A_131 = tpu.vector_load %arg10[%swap3A_129, %swap3A_130] {strides = array<i32>} : memref<104x256xf32, #tpu.memory_space<vmem>>, vector<1x16xf32>,
        %swap3A_132 = vector.shape_cast %swap3A_131 : vector<1x16xf32> to vector<16xf32>
        %swap3A_133 = vector.shape_cast %add3A_128 : vector<16xf32> to vector<1x16xf32>
        tpu.vector_store %arg10[%swap3A_129, %swap3A_130], %swap3A_133 {strides = array<i32>} : memref<104x256xf32, #tpu.memory_space<vmem>>, vector<1x16xf32>,
        %get3A_134 = arith.index_cast %scan3A_79 : i32 to index
        %get3A_135 = arith.constant 64 : index
        %get3A_136 = tpu.vector_load %arg10[%get3A_134, %get3A_135] {strides = array<i32>} : memref<104x256xf32, #tpu.memory_space<vmem>>, vector<1x16xf32>,
        %get3A_137 = vector.shape_cast %get3A_136 : vector<1x16xf32> to vector<16xf32>
        %get3A_138 = arith.index_cast %scan3A_79 : i32 to index
        %get3A_139 = arith.constant 64 : index
        %get3A_140 = tpu.vector_load %arg12[%get3A_138, %get3A_139] {strides = array<i32>} : memref<104x256xf32, #tpu.memory_space<vmem>>, vector<1x16xf32>,
        %get3A_141 = vector.shape_cast %get3A_140 : vector<1x16xf32> to vector<16xf32>
        %add3A_142 = arith.addf %get3A_137, %get3A_141 : vector<16xf32>
        %swap3A_143 = arith.index_cast %scan3A_79 : i32 to index
        %swap3A_144 = arith.constant 64 : index
        %swap3A_145 = tpu.vector_load %arg10[%swap3A_143, %swap3A_144] {strides = array<i32>} : memref<104x256xf32, #tpu.memory_space<vmem>>, vector<1x16xf32>,
        %swap3A_146 = vector.shape_cast %swap3A_145 : vector<1x16xf32> to vector<16xf32>
        %swap3A_147 = vector.shape_cast %add3A_142 : vector<16xf32> to vector<1x16xf32>
        tpu.vector_store %arg10[%swap3A_143, %swap3A_144], %swap3A_147 {strides = array<i32>} : memref<104x256xf32, #tpu.memory_space<vmem>>, vector<1x16xf32>,
        %get3A_148 = arith.index_cast %scan3A_79 : i32 to index
        %get3A_149 = arith.constant 80 : index
        %get3A_150 = tpu.vector_load %arg10[%get3A_148, %get3A_149] {strides = array<i32>} : memref<104x256xf32, #tpu.memory_space<vmem>>, vector<1x16xf32>,
        %get3A_151 = vector.shape_cast %get3A_150 : vector<1x16xf32> to vector<16xf32>
        %get3A_152 = arith.index_cast %scan3A_79 : i32 to index
        %get3A_153 = arith.constant 80 : index
        %get3A_154 = tpu.vector_load %arg12[%get3A_152, %get3A_153] {strides = array<i32>} : memref<104x256xf32, #tpu.memory_space<vmem>>, vector<1x16xf32>,
        %get3A_155 = vector.shape_cast %get3A_154 : vector<1x16xf32> to vector<16xf32>
        %add3A_156 = arith.addf %get3A_151, %get3A_155 : vector<16xf32>
        %swap3A_157 = arith.index_cast %scan3A_79 : i32 to index
        %swap3A_158 = arith.constant 80 : index
        %swap3A_159 = tpu.vector_load %arg10[%swap3A_157, %swap3A_158] {strides = array<i32>} : memref<104x256xf32, #tpu.memory_space<vmem>>, vector<1x16xf32>,
        %swap3A_160 = vector.shape_cast %swap3A_159 : vector<1x16xf32> to vector<16xf32>
        %swap3A_161 = vector.shape_cast %add3A_156 : vector<16xf32> to vector<1x16xf32>
        tpu.vector_store %arg10[%swap3A_157, %swap3A_158], %swap3A_161 {strides = array<i32>} : memref<104x256xf32, #tpu.memory_space<vmem>>, vector<1x16xf32>,
        %get3A_162 = arith.index_cast %scan3A_79 : i32 to index
        %get3A_163 = arith.constant 96 : index
        %get3A_164 = tpu.vector_load %arg10[%get3A_162, %get3A_163] {strides = array<i32>} : memref<104x256xf32, #tpu.memory_space<vmem>>, vector<1x16xf32>,
        %get3A_165 = vector.shape_cast %get3A_164 : vector<1x16xf32> to vector<16xf32>
        %get3A_166 = arith.index_cast %scan3A_79 : i32 to index
        %get3A_167 = arith.constant 96 : index
        %get3A_168 = tpu.vector_load %arg12[%get3A_166, %get3A_167] {strides = array<i32>} : memref<104x256xf32, #tpu.memory_space<vmem>>, vector<1x16xf32>,
        %get3A_169 = vector.shape_cast %get3A_168 : vector<1x16xf32> to vector<16xf32>
        %add3A_170 = arith.addf %get3A_165, %get3A_169 : vector<16xf32>
        %swap3A_171 = arith.index_cast %scan3A_79 : i32 to index
        %swap3A_172 = arith.constant 96 : index
        %swap3A_173 = tpu.vector_load %arg10[%swap3A_171, %swap3A_172] {strides = array<i32>} : memref<104x256xf32, #tpu.memory_space<vmem>>, vector<1x16xf32>,
        %swap3A_174 = vector.shape_cast %swap3A_173 : vector<1x16xf32> to vector<16xf32>
        %swap3A_175 = vector.shape_cast %add3A_170 : vector<16xf32> to vector<1x16xf32>
        tpu.vector_store %arg10[%swap3A_171, %swap3A_172], %swap3A_175 {strides = array<i32>} : memref<104x256xf32, #tpu.memory_space<vmem>>, vector<1x16xf32>,
        %get3A_176 = arith.index_cast %scan3A_79 : i32 to index
        %get3A_177 = arith.constant 112 : index
        %get3A_178 = tpu.vector_load %arg10[%get3A_176, %get3A_177] {strides = array<i32>} : memref<104x256xf32, #tpu.memory_space<vmem>>, vector<1x16xf32>,
        %get3A_179 = vector.shape_cast %get3A_178 : vector<1x16xf32> to vector<16xf32>
        %get3A_180 = arith.index_cast %scan3A_79 : i32 to index
        %get3A_181 = arith.constant 112 : index
        %get3A_182 = tpu.vector_load %arg12[%get3A_180, %get3A_181] {strides = array<i32>} : memref<104x256xf32, #tpu.memory_space<vmem>>, vector<1x16xf32>,
        %get3A_183 = vector.shape_cast %get3A_182 : vector<1x16xf32> to vector<16xf32>
        %add3A_184 = arith.addf %get3A_179, %get3A_183 : vector<16xf32>
        %swap3A_185 = arith.index_cast %scan3A_79 : i32 to index
        %swap3A_186 = arith.constant 112 : index
        %swap3A_187 = tpu.vector_load %arg10[%swap3A_185, %swap3A_186] {strides = array<i32>} : memref<104x256xf32, #tpu.memory_space<vmem>>, vector<1x16xf32>,
        %swap3A_188 = vector.shape_cast %swap3A_187 : vector<1x16xf32> to vector<16xf32>
        %swap3A_189 = vector.shape_cast %add3A_184 : vector<16xf32> to vector<1x16xf32>
        tpu.vector_store %arg10[%swap3A_185, %swap3A_186], %swap3A_189 {strides = array<i32>} : memref<104x256xf32, #tpu.memory_space<vmem>>, vector<1x16xf32>,
        %get3A_190 = arith.index_cast %scan3A_79 : i32 to index
        %get3A_191 = arith.constant 128 : index
        %get3A_192 = tpu.vector_load %arg10[%get3A_190, %get3A_191] {strides = array<i32>} : memref<104x256xf32, #tpu.memory_space<vmem>>, vector<1x16xf32>,
        %get3A_193 = vector.shape_cast %get3A_192 : vector<1x16xf32> to vector<16xf32>
        %get3A_194 = arith.index_cast %scan3A_79 : i32 to index
        %get3A_195 = arith.constant 128 : index
        %get3A_196 = tpu.vector_load %arg12[%get3A_194, %get3A_195] {strides = array<i32>} : memref<104x256xf32, #tpu.memory_space<vmem>>, vector<1x16xf32>,
        %get3A_197 = vector.shape_cast %get3A_196 : vector<1x16xf32> to vector<16xf32>
        %add3A_198 = arith.addf %get3A_193, %get3A_197 : vector<16xf32>
        %swap3A_199 = arith.index_cast %scan3A_79 : i32 to index
        %swap3A_200 = arith.constant 128 : index
        %swap3A_201 = tpu.vector_load %arg10[%swap3A_199, %swap3A_200] {strides = array<i32>} : memref<104x256xf32, #tpu.memory_space<vmem>>, vector<1x16xf32>,
        %swap3A_202 = vector.shape_cast %swap3A_201 : vector<1x16xf32> to vector<16xf32>
        %swap3A_203 = vector.shape_cast %add3A_198 : vector<16xf32> to vector<1x16xf32>
        tpu.vector_store %arg10[%swap3A_199, %swap3A_200], %swap3A_203 {strides = array<i32>} : memref<104x256xf32, #tpu.memory_space<vmem>>, vector<1x16xf32>,
        %get3A_204 = arith.index_cast %scan3A_79 : i32 to index
        %get3A_205 = arith.constant 144 : index
        %get3A_206 = tpu.vector_load %arg10[%get3A_204, %get3A_205] {strides = array<i32>} : memref<104x256xf32, #tpu.memory_space<vmem>>, vector<1x16xf32>,
        %get3A_207 = vector.shape_cast %get3A_206 : vector<1x16xf32> to vector<16xf32>
        %get3A_208 = arith.index_cast %scan3A_79 : i32 to index
        %get3A_209 = arith.constant 144 : index
        %get3A_210 = tpu.vector_load %arg12[%get3A_208, %get3A_209] {strides = array<i32>} : memref<104x256xf32, #tpu.memory_space<vmem>>, vector<1x16xf32>,
        %get3A_211 = vector.shape_cast %get3A_210 : vector<1x16xf32> to vector<16xf32>
        %add3A_212 = arith.addf %get3A_207, %get3A_211 : vector<16xf32>
        %swap3A_213 = arith.index_cast %scan3A_79 : i32 to index
        %swap3A_214 = arith.constant 144 : index
        %swap3A_215 = tpu.vector_load %arg10[%swap3A_213, %swap3A_214] {strides = array<i32>} : memref<104x256xf32, #tpu.memory_space<vmem>>, vector<1x16xf32>,
        %swap3A_216 = vector.shape_cast %swap3A_215 : vector<1x16xf32> to vector<16xf32>
        %swap3A_217 = vector.shape_cast %add3A_212 : vector<16xf32> to vector<1x16xf32>
        tpu.vector_store %arg10[%swap3A_213, %swap3A_214], %swap3A_217 {strides = array<i32>} : memref<104x256xf32, #tpu.memory_space<vmem>>, vector<1x16xf32>,
        %get3A_218 = arith.index_cast %scan3A_79 : i32 to index
        %get3A_219 = arith.constant 160 : index
        %get3A_220 = tpu.vector_load %arg10[%get3A_218, %get3A_219] {strides = array<i32>} : memref<104x256xf32, #tpu.memory_space<vmem>>, vector<1x16xf32>,
        %get3A_221 = vector.shape_cast %get3A_220 : vector<1x16xf32> to vector<16xf32>
        %get3A_222 = arith.index_cast %scan3A_79 : i32 to index
        %get3A_223 = arith.constant 160 : index
        %get3A_224 = tpu.vector_load %arg12[%get3A_222, %get3A_223] {strides = array<i32>} : memref<104x256xf32, #tpu.memory_space<vmem>>, vector<1x16xf32>,
        %get3A_225 = vector.shape_cast %get3A_224 : vector<1x16xf32> to vector<16xf32>
        %add3A_226 = arith.addf %get3A_221, %get3A_225 : vector<16xf32>
        %swap3A_227 = arith.index_cast %scan3A_79 : i32 to index
        %swap3A_228 = arith.constant 160 : index
        %swap3A_229 = tpu.vector_load %arg10[%swap3A_227, %swap3A_228] {strides = array<i32>} : memref<104x256xf32, #tpu.memory_space<vmem>>, vector<1x16xf32>,
        %swap3A_230 = vector.shape_cast %swap3A_229 : vector<1x16xf32> to vector<16xf32>
        %swap3A_231 = vector.shape_cast %add3A_226 : vector<16xf32> to vector<1x16xf32>
        tpu.vector_store %arg10[%swap3A_227, %swap3A_228], %swap3A_231 {strides = array<i32>} : memref<104x256xf32, #tpu.memory_space<vmem>>, vector<1x16xf32>,
        %get3A_232 = arith.index_cast %scan3A_79 : i32 to index
        %get3A_233 = arith.constant 176 : index
        %get3A_234 = tpu.vector_load %arg10[%get3A_232, %get3A_233] {strides = array<i32>} : memref<104x256xf32, #tpu.memory_space<vmem>>, vector<1x16xf32>,
        %get3A_235 = vector.shape_cast %get3A_234 : vector<1x16xf32> to vector<16xf32>
        %get3A_236 = arith.index_cast %scan3A_79 : i32 to index
        %get3A_237 = arith.constant 176 : index
        %get3A_238 = tpu.vector_load %arg12[%get3A_236, %get3A_237] {strides = array<i32>} : memref<104x256xf32, #tpu.memory_space<vmem>>, vector<1x16xf32>,
        %get3A_239 = vector.shape_cast %get3A_238 : vector<1x16xf32> to vector<16xf32>
        %add3A_240 = arith.addf %get3A_235, %get3A_239 : vector<16xf32>
        %swap3A_241 = arith.index_cast %scan3A_79 : i32 to index
        %swap3A_242 = arith.constant 176 : index
        %swap3A_243 = tpu.vector_load %arg10[%swap3A_241, %swap3A_242] {strides = array<i32>} : memref<104x256xf32, #tpu.memory_space<vmem>>, vector<1x16xf32>,
        %swap3A_244 = vector.shape_cast %swap3A_243 : vector<1x16xf32> to vector<16xf32>
        %swap3A_245 = vector.shape_cast %add3A_240 : vector<16xf32> to vector<1x16xf32>
        tpu.vector_store %arg10[%swap3A_241, %swap3A_242], %swap3A_245 {strides = array<i32>} : memref<104x256xf32, #tpu.memory_space<vmem>>, vector<1x16xf32>,
        %get3A_246 = arith.index_cast %scan3A_79 : i32 to index
        %get3A_247 = arith.constant 192 : index
        %get3A_248 = tpu.vector_load %arg10[%get3A_246, %get3A_247] {strides = array<i32>} : memref<104x256xf32, #tpu.memory_space<vmem>>, vector<1x16xf32>,
        %get3A_249 = vector.shape_cast %get3A_248 : vector<1x16xf32> to vector<16xf32>
        %get3A_250 = arith.index_cast %scan3A_79 : i32 to index
        %get3A_251 = arith.constant 192 : index
        %get3A_252 = tpu.vector_load %arg12[%get3A_250, %get3A_251] {strides = array<i32>} : memref<104x256xf32, #tpu.memory_space<vmem>>, vector<1x16xf32>,
        %get3A_253 = vector.shape_cast %get3A_252 : vector<1x16xf32> to vector<16xf32>
        %add3A_254 = arith.addf %get3A_249, %get3A_253 : vector<16xf32>
        %swap3A_255 = arith.index_cast %scan3A_79 : i32 to index
        %swap3A_256 = arith.constant 192 : index
        %swap3A_257 = tpu.vector_load %arg10[%swap3A_255, %swap3A_256] {strides = array<i32>} : memref<104x256xf32, #tpu.memory_space<vmem>>, vector<1x16xf32>,
        %swap3A_258 = vector.shape_cast %swap3A_257 : vector<1x16xf32> to vector<16xf32>
        %swap3A_259 = vector.shape_cast %add3A_254 : vector<16xf32> to vector<1x16xf32>
        tpu.vector_store %arg10[%swap3A_255, %swap3A_256], %swap3A_259 {strides = array<i32>} : memref<104x256xf32, #tpu.memory_space<vmem>>, vector<1x16xf32>,
        %get3A_260 = arith.index_cast %scan3A_79 : i32 to index
        %get3A_261 = arith.constant 208 : index
        %get3A_262 = tpu.vector_load %arg10[%get3A_260, %get3A_261] {strides = array<i32>} : memref<104x256xf32, #tpu.memory_space<vmem>>, vector<1x16xf32>,
        %get3A_263 = vector.shape_cast %get3A_262 : vector<1x16xf32> to vector<16xf32>
        %get3A_264 = arith.index_cast %scan3A_79 : i32 to index
        %get3A_265 = arith.constant 208 : index
        %get3A_266 = tpu.vector_load %arg12[%get3A_264, %get3A_265] {strides = array<i32>} : memref<104x256xf32, #tpu.memory_space<vmem>>, vector<1x16xf32>,
        %get3A_267 = vector.shape_cast %get3A_266 : vector<1x16xf32> to vector<16xf32>
        %add3A_268 = arith.addf %get3A_263, %get3A_267 : vector<16xf32>
        %swap3A_269 = arith.index_cast %scan3A_79 : i32 to index
        %swap3A_270 = arith.constant 208 : index
        %swap3A_271 = tpu.vector_load %arg10[%swap3A_269, %swap3A_270] {strides = array<i32>} : memref<104x256xf32, #tpu.memory_space<vmem>>, vector<1x16xf32>,
        %swap3A_272 = vector.shape_cast %swap3A_271 : vector<1x16xf32> to vector<16xf32>
        %swap3A_273 = vector.shape_cast %add3A_268 : vector<16xf32> to vector<1x16xf32>
        tpu.vector_store %arg10[%swap3A_269, %swap3A_270], %swap3A_273 {strides = array<i32>} : memref<104x256xf32, #tpu.memory_space<vmem>>, vector<1x16xf32>,
        %get3A_274 = arith.index_cast %scan3A_79 : i32 to index
        %get3A_275 = arith.constant 224 : index
        %get3A_276 = tpu.vector_load %arg10[%get3A_274, %get3A_275] {strides = array<i32>} : memref<104x256xf32, #tpu.memory_space<vmem>>, vector<1x16xf32>,
        %get3A_277 = vector.shape_cast %get3A_276 : vector<1x16xf32> to vector<16xf32>
        %get3A_278 = arith.index_cast %scan3A_79 : i32 to index
        %get3A_279 = arith.constant 224 : index
        %get3A_280 = tpu.vector_load %arg12[%get3A_278, %get3A_279] {strides = array<i32>} : memref<104x256xf32, #tpu.memory_space<vmem>>, vector<1x16xf32>,
        %get3A_281 = vector.shape_cast %get3A_280 : vector<1x16xf32> to vector<16xf32>
        %add3A_282 = arith.addf %get3A_277, %get3A_281 : vector<16xf32>
        %swap3A_283 = arith.index_cast %scan3A_79 : i32 to index
        %swap3A_284 = arith.constant 224 : index
        %swap3A_285 = tpu.vector_load %arg10[%swap3A_283, %swap3A_284] {strides = array<i32>} : memref<104x256xf32, #tpu.memory_space<vmem>>, vector<1x16xf32>,
        %swap3A_286 = vector.shape_cast %swap3A_285 : vector<1x16xf32> to vector<16xf32>
        %swap3A_287 = vector.shape_cast %add3A_282 : vector<16xf32> to vector<1x16xf32>
        tpu.vector_store %arg10[%swap3A_283, %swap3A_284], %swap3A_287 {strides = array<i32>} : memref<104x256xf32, #tpu.memory_space<vmem>>, vector<1x16xf32>,
        %get3A_288 = arith.index_cast %scan3A_79 : i32 to index
        %get3A_289 = arith.constant 240 : index
        %get3A_290 = tpu.vector_load %arg10[%get3A_288, %get3A_289] {strides = array<i32>} : memref<104x256xf32, #tpu.memory_space<vmem>>, vector<1x16xf32>,
        %get3A_291 = vector.shape_cast %get3A_290 : vector<1x16xf32> to vector<16xf32>
        %get3A_292 = arith.index_cast %scan3A_79 : i32 to index
        %get3A_293 = arith.constant 240 : index
        %get3A_294 = tpu.vector_load %arg12[%get3A_292, %get3A_293] {strides = array<i32>} : memref<104x256xf32, #tpu.memory_space<vmem>>, vector<1x16xf32>,
        %get3A_295 = vector.shape_cast %get3A_294 : vector<1x16xf32> to vector<16xf32>
        %add3A_296 = arith.addf %get3A_291, %get3A_295 : vector<16xf32>
        %swap3A_297 = arith.index_cast %scan3A_79 : i32 to index
        %swap3A_298 = arith.constant 240 : index
        %swap3A_299 = tpu.vector_load %arg10[%swap3A_297, %swap3A_298] {strides = array<i32>} : memref<104x256xf32, #tpu.memory_space<vmem>>, vector<1x16xf32>,
        %swap3A_300 = vector.shape_cast %swap3A_299 : vector<1x16xf32> to vector<16xf32>
        %swap3A_301 = vector.shape_cast %add3A_296 : vector<16xf32> to vector<1x16xf32>
        tpu.vector_store %arg10[%swap3A_297, %swap3A_298], %swap3A_301 {strides = array<i32>} : memref<104x256xf32, #tpu.memory_space<vmem>>, vector<1x16xf32>,
      }
      %scan3A_64 = arith.constant 104 : i32
      %mul3A_65 = arith.constant 104 : i32
      %mul3A_66 = arith.muli %mul3A_39, %mul3A_65 : i32
      %add3A_67 = arith.addi %mul3A_2, %mul3A_66 : i32
      %dma_start3A_68 = arith.constant 0 : i32
      %dma_start3A_69 = tpu.memref_slice %arg5[%add3A_67, %dma_start3A_68] : memref<10000x256xf32, #tpu.memory_space<hbm>> -> memref<104x256xf32, #tpu.memory_space<hbm>>
      %dma_start3A_70 = arith.constant 0 : i32
      %dma_start3A_71 = tpu.memref_slice %arg5[%add3A_67, %dma_start3A_70] : memref<10000x256xf32, #tpu.memory_space<hbm>> -> memref<104x256xf32, #tpu.memory_space<hbm>>
      tpu.enqueue_dma source(%arg10 : memref<104x256xf32, #tpu.memory_space<vmem>>) target(%dma_start3A_71 : memref<104x256xf32, #tpu.memory_space<hbm>>) target_semaphore(%arg20 : memref<!tpu.dma_semaphore, #tpu.memory_space<semaphore_mem>>)
      %add3A_72 = arith.constant 1 : i32
      %add3A_73 = arith.addi %mul3A_39, %add3A_72 : i32
      %lt3A_74 = arith.constant 3 : i32
      %lt3A_75 = arith.cmpi slt, %add3A_73, %lt3A_74 : i32
      %convert_element_type3A_76 = arith.extui %lt3A_75 : i1 to i32
      %cond3A_77 = arith.constant 0 : i32
      %cond3A_78 = arith.cmpi ne, %convert_element_type3A_76, %cond3A_77 : i32
      scf.if %cond3A_78 {
        %add3A_79 = arith.constant 1 : i32
        %add3A_80 = arith.addi %mul3A_39, %add3A_79 : i32
        %dma_wait3A_81 = arith.constant 0 : i32
        %dma_wait3A_82 = arith.constant 0 : i32
        %dma_wait3A_83 = tpu.memref_slice %arg2[%dma_wait3A_81, %dma_wait3A_82] : memref<10000x256xf32, #tpu.memory_space<hbm>> -> memref<104x256xf32, #tpu.memory_space<hbm>>
        %dma_wait3A_84 = arith.constant 0 : i32
        %dma_wait3A_85 = arith.constant 0 : i32
        %dma_wait3A_86 = tpu.memref_slice %arg2[%dma_wait3A_84, %dma_wait3A_85] : memref<10000x256xf32, #tpu.memory_space<hbm>> -> memref<104x256xf32, #tpu.memory_space<hbm>>
        tpu.wait_dma2 semaphore(%arg17 : memref<!tpu.dma_semaphore, #tpu.memory_space<semaphore_mem>>) src(%dma_wait3A_86 : memref<104x256xf32, #tpu.memory_space<hbm>>) dst(%arg11 : memref<104x256xf32, #tpu.memory_space<vmem>>)
        %dma_wait3A_87 = arith.constant 0 : i32
        %dma_wait3A_88 = arith.constant 0 : i32
        %dma_wait3A_89 = tpu.memref_slice %arg2[%dma_wait3A_87, %dma_wait3A_88] : memref<10000x256xf32, #tpu.memory_space<hbm>> -> memref<104x256xf32, #tpu.memory_space<hbm>>
        %dma_wait3A_90 = arith.constant 0 : i32
        %dma_wait3A_91 = arith.constant 0 : i32
        %dma_wait3A_92 = tpu.memref_slice %arg2[%dma_wait3A_90, %dma_wait3A_91] : memref<10000x256xf32, #tpu.memory_space<hbm>> -> memref<104x256xf32, #tpu.memory_space<hbm>>
        tpu.wait_dma2 semaphore(%arg19 : memref<!tpu.dma_semaphore, #tpu.memory_space<semaphore_mem>>) src(%dma_wait3A_92 : memref<104x256xf32, #tpu.memory_space<hbm>>) dst(%arg13 : memref<104x256xf32, #tpu.memory_space<vmem>>)
        %add3A_93 = arith.constant 1 : i32
        %add3A_94 = arith.addi %add3A_80, %add3A_93 : i32
        %lt3A_95 = arith.constant 3 : i32
        %lt3A_96 = arith.cmpi slt, %add3A_94, %lt3A_95 : i32
        %convert_element_type3A_97 = arith.extui %lt3A_96 : i1 to i32
        %cond3A_98 = arith.constant 0 : i32
        %cond3A_99 = arith.cmpi ne, %convert_element_type3A_97, %cond3A_98 : i32
        scf.if %cond3A_99 {
          %ge3A = arith.constant 1 : i32
          %ge3A_113 = arith.cmpi sge, %add3A_80, %ge3A : i32
          %convert_element_type3A_114 = arith.extui %ge3A_113 : i1 to i32
          %cond3A_115 = arith.constant 0 : i32
          %cond3A_116 = arith.cmpi ne, %convert_element_type3A_114, %cond3A_115 : i32
          scf.if %cond3A_116 {
            %dma_wait3A_133 = arith.constant 0 : i32
            %dma_wait3A_134 = arith.constant 0 : i32
            %dma_wait3A_135 = tpu.memref_slice %arg5[%dma_wait3A_133, %dma_wait3A_134] : memref<10000x256xf32, #tpu.memory_space<hbm>> -> memref<104x256xf32, #tpu.memory_space<hbm>>
            %dma_wait3A_136 = arith.constant 0 : i32
            %dma_wait3A_137 = arith.constant 0 : i32
            %dma_wait3A_138 = tpu.memref_slice %arg5[%dma_wait3A_136, %dma_wait3A_137] : memref<10000x256xf32, #tpu.memory_space<hbm>> -> memref<104x256xf32, #tpu.memory_space<hbm>>
            tpu.wait_dma2 semaphore(%arg20 : memref<!tpu.dma_semaphore, #tpu.memory_space<semaphore_mem>>) src(%arg10 : memref<104x256xf32, #tpu.memory_space<vmem>>) dst(%dma_wait3A_138 : memref<104x256xf32, #tpu.memory_space<hbm>>)
          } else {
          }
          %add3A_117 = arith.constant 1 : i32
          %add3A_118 = arith.addi %add3A_80, %add3A_117 : i32
          %mul3A_119 = arith.constant 104 : i32
          %mul3A_120 = arith.muli %add3A_118, %mul3A_119 : i32
          %dma_start3A_121 = tpu.memref_slice %arg6[%mul3A_120] : memref<312xi32, #tpu.memory_space<vmem>> -> memref<104xi32, #tpu.memory_space<vmem>>
          %dma_start3A_122 = arith.constant 0 : i32
          %dma_start3A_123 = arith.constant 0 : i32
          %dma_start3A_124 = tpu.memref_slice %arg2[%dma_start3A_122, %dma_start3A_123] : memref<10000x256xf32, #tpu.memory_space<hbm>> -> memref<10000x256xf32, #tpu.memory_space<hbm>>
          tpu.enqueue_indirect_dma source(%dma_start3A_124 : memref<10000x256xf32, #tpu.memory_space<hbm>>) target(%arg10 : memref<104x256xf32, #tpu.memory_space<vmem>>) offsets(%dma_start3A_121 : memref<104xi32, #tpu.memory_space<vmem>>) semaphore(%arg16 : memref<!tpu.dma_semaphore, #tpu.memory_space<semaphore_mem>>)
          %add3A_125 = arith.constant 1 : i32
          %add3A_126 = arith.addi %add3A_80, %add3A_125 : i32
          %mul3A_127 = arith.constant 104 : i32
          %mul3A_128 = arith.muli %add3A_126, %mul3A_127 : i32
          %dma_start3A_129 = tpu.memref_slice %arg7[%mul3A_128] : memref<312xi32, #tpu.memory_space<vmem>> -> memref<104xi32, #tpu.memory_space<vmem>>
          %dma_start3A_130 = arith.constant 0 : i32
          %dma_start3A_131 = arith.constant 0 : i32
          %dma_start3A_132 = tpu.memref_slice %arg2[%dma_start3A_130, %dma_start3A_131] : memref<10000x256xf32, #tpu.memory_space<hbm>> -> memref<10000x256xf32, #tpu.memory_space<hbm>>
          tpu.enqueue_indirect_dma source(%dma_start3A_132 : memref<10000x256xf32, #tpu.memory_space<hbm>>) target(%arg12 : memref<104x256xf32, #tpu.memory_space<vmem>>) offsets(%dma_start3A_129 : memref<104xi32, #tpu.memory_space<vmem>>) semaphore(%arg18 : memref<!tpu.dma_semaphore, #tpu.memory_space<semaphore_mem>>)
        } else {
        }
        %scan3A_100 = arith.constant 0 : i32
        %scan3A_101 = arith.constant 0 : i32
        %scan3A_102 = arith.constant 104 : i32
        %scan3A_103 = arith.addi %scan3A_101, %scan3A_102 : i32
        %scan3A_104 = arith.constant 1 : i32
        scf.for %scan3A_113 = %scan3A_101 to %scan3A_103 step %scan3A_104  : i32 {
          %get3A = arith.index_cast %scan3A_113 : i32 to index
          %get3A_114 = arith.constant 0 : index
          %get3A_115 = tpu.vector_load %arg11[%get3A, %get3A_114] {strides = array<i32>} : memref<104x256xf32, #tpu.memory_space<vmem>>, vector<1x16xf32>,
          %get3A_116 = vector.shape_cast %get3A_115 : vector<1x16xf32> to vector<16xf32>
          %get3A_117 = arith.index_cast %scan3A_113 : i32 to index
          %get3A_118 = arith.constant 0 : index
          %get3A_119 = tpu.vector_load %arg13[%get3A_117, %get3A_118] {strides = array<i32>} : memref<104x256xf32, #tpu.memory_space<vmem>>, vector<1x16xf32>,
          %get3A_120 = vector.shape_cast %get3A_119 : vector<1x16xf32> to vector<16xf32>
          %add3A_121 = arith.addf %get3A_116, %get3A_120 : vector<16xf32>
          %swap3A = arith.index_cast %scan3A_113 : i32 to index
          %swap3A_122 = arith.constant 0 : index
          %swap3A_123 = tpu.vector_load %arg11[%swap3A, %swap3A_122] {strides = array<i32>} : memref<104x256xf32, #tpu.memory_space<vmem>>, vector<1x16xf32>,
          %swap3A_124 = vector.shape_cast %swap3A_123 : vector<1x16xf32> to vector<16xf32>
          %swap3A_125 = vector.shape_cast %add3A_121 : vector<16xf32> to vector<1x16xf32>
          tpu.vector_store %arg11[%swap3A, %swap3A_122], %swap3A_125 {strides = array<i32>} : memref<104x256xf32, #tpu.memory_space<vmem>>, vector<1x16xf32>,
          %get3A_126 = arith.index_cast %scan3A_113 : i32 to index
          %get3A_127 = arith.constant 16 : index
          %get3A_128 = tpu.vector_load %arg11[%get3A_126, %get3A_127] {strides = array<i32>} : memref<104x256xf32, #tpu.memory_space<vmem>>, vector<1x16xf32>,
          %get3A_129 = vector.shape_cast %get3A_128 : vector<1x16xf32> to vector<16xf32>
          %get3A_130 = arith.index_cast %scan3A_113 : i32 to index
          %get3A_131 = arith.constant 16 : index
          %get3A_132 = tpu.vector_load %arg13[%get3A_130, %get3A_131] {strides = array<i32>} : memref<104x256xf32, #tpu.memory_space<vmem>>, vector<1x16xf32>,
          %get3A_133 = vector.shape_cast %get3A_132 : vector<1x16xf32> to vector<16xf32>
          %add3A_134 = arith.addf %get3A_129, %get3A_133 : vector<16xf32>
          %swap3A_135 = arith.index_cast %scan3A_113 : i32 to index
          %swap3A_136 = arith.constant 16 : index
          %swap3A_137 = tpu.vector_load %arg11[%swap3A_135, %swap3A_136] {strides = array<i32>} : memref<104x256xf32, #tpu.memory_space<vmem>>, vector<1x16xf32>,
          %swap3A_138 = vector.shape_cast %swap3A_137 : vector<1x16xf32> to vector<16xf32>
          %swap3A_139 = vector.shape_cast %add3A_134 : vector<16xf32> to vector<1x16xf32>
          tpu.vector_store %arg11[%swap3A_135, %swap3A_136], %swap3A_139 {strides = array<i32>} : memref<104x256xf32, #tpu.memory_space<vmem>>, vector<1x16xf32>,
          %get3A_140 = arith.index_cast %scan3A_113 : i32 to index
          %get3A_141 = arith.constant 32 : index
          %get3A_142 = tpu.vector_load %arg11[%get3A_140, %get3A_141] {strides = array<i32>} : memref<104x256xf32, #tpu.memory_space<vmem>>, vector<1x16xf32>,
          %get3A_143 = vector.shape_cast %get3A_142 : vector<1x16xf32> to vector<16xf32>
          %get3A_144 = arith.index_cast %scan3A_113 : i32 to index
          %get3A_145 = arith.constant 32 : index
          %get3A_146 = tpu.vector_load %arg13[%get3A_144, %get3A_145] {strides = array<i32>} : memref<104x256xf32, #tpu.memory_space<vmem>>, vector<1x16xf32>,
          %get3A_147 = vector.shape_cast %get3A_146 : vector<1x16xf32> to vector<16xf32>
          %add3A_148 = arith.addf %get3A_143, %get3A_147 : vector<16xf32>
          %swap3A_149 = arith.index_cast %scan3A_113 : i32 to index
          %swap3A_150 = arith.constant 32 : index
          %swap3A_151 = tpu.vector_load %arg11[%swap3A_149, %swap3A_150] {strides = array<i32>} : memref<104x256xf32, #tpu.memory_space<vmem>>, vector<1x16xf32>,
          %swap3A_152 = vector.shape_cast %swap3A_151 : vector<1x16xf32> to vector<16xf32>
          %swap3A_153 = vector.shape_cast %add3A_148 : vector<16xf32> to vector<1x16xf32>
          tpu.vector_store %arg11[%swap3A_149, %swap3A_150], %swap3A_153 {strides = array<i32>} : memref<104x256xf32, #tpu.memory_space<vmem>>, vector<1x16xf32>,
          %get3A_154 = arith.index_cast %scan3A_113 : i32 to index
          %get3A_155 = arith.constant 48 : index
          %get3A_156 = tpu.vector_load %arg11[%get3A_154, %get3A_155] {strides = array<i32>} : memref<104x256xf32, #tpu.memory_space<vmem>>, vector<1x16xf32>,
          %get3A_157 = vector.shape_cast %get3A_156 : vector<1x16xf32> to vector<16xf32>
          %get3A_158 = arith.index_cast %scan3A_113 : i32 to index
          %get3A_159 = arith.constant 48 : index
          %get3A_160 = tpu.vector_load %arg13[%get3A_158, %get3A_159] {strides = array<i32>} : memref<104x256xf32, #tpu.memory_space<vmem>>, vector<1x16xf32>,
          %get3A_161 = vector.shape_cast %get3A_160 : vector<1x16xf32> to vector<16xf32>
          %add3A_162 = arith.addf %get3A_157, %get3A_161 : vector<16xf32>
          %swap3A_163 = arith.index_cast %scan3A_113 : i32 to index
          %swap3A_164 = arith.constant 48 : index
          %swap3A_165 = tpu.vector_load %arg11[%swap3A_163, %swap3A_164] {strides = array<i32>} : memref<104x256xf32, #tpu.memory_space<vmem>>, vector<1x16xf32>,
          %swap3A_166 = vector.shape_cast %swap3A_165 : vector<1x16xf32> to vector<16xf32>
          %swap3A_167 = vector.shape_cast %add3A_162 : vector<16xf32> to vector<1x16xf32>
          tpu.vector_store %arg11[%swap3A_163, %swap3A_164], %swap3A_167 {strides = array<i32>} : memref<104x256xf32, #tpu.memory_space<vmem>>, vector<1x16xf32>,
          %get3A_168 = arith.index_cast %scan3A_113 : i32 to index
          %get3A_169 = arith.constant 64 : index
          %get3A_170 = tpu.vector_load %arg11[%get3A_168, %get3A_169] {strides = array<i32>} : memref<104x256xf32, #tpu.memory_space<vmem>>, vector<1x16xf32>,
          %get3A_171 = vector.shape_cast %get3A_170 : vector<1x16xf32> to vector<16xf32>
          %get3A_172 = arith.index_cast %scan3A_113 : i32 to index
          %get3A_173 = arith.constant 64 : index
          %get3A_174 = tpu.vector_load %arg13[%get3A_172, %get3A_173] {strides = array<i32>} : memref<104x256xf32, #tpu.memory_space<vmem>>, vector<1x16xf32>,
          %get3A_175 = vector.shape_cast %get3A_174 : vector<1x16xf32> to vector<16xf32>
          %add3A_176 = arith.addf %get3A_171, %get3A_175 : vector<16xf32>
          %swap3A_177 = arith.index_cast %scan3A_113 : i32 to index
          %swap3A_178 = arith.constant 64 : index
          %swap3A_179 = tpu.vector_load %arg11[%swap3A_177, %swap3A_178] {strides = array<i32>} : memref<104x256xf32, #tpu.memory_space<vmem>>, vector<1x16xf32>,
          %swap3A_180 = vector.shape_cast %swap3A_179 : vector<1x16xf32> to vector<16xf32>
          %swap3A_181 = vector.shape_cast %add3A_176 : vector<16xf32> to vector<1x16xf32>
          tpu.vector_store %arg11[%swap3A_177, %swap3A_178], %swap3A_181 {strides = array<i32>} : memref<104x256xf32, #tpu.memory_space<vmem>>, vector<1x16xf32>,
          %get3A_182 = arith.index_cast %scan3A_113 : i32 to index
          %get3A_183 = arith.constant 80 : index
          %get3A_184 = tpu.vector_load %arg11[%get3A_182, %get3A_183] {strides = array<i32>} : memref<104x256xf32, #tpu.memory_space<vmem>>, vector<1x16xf32>,
          %get3A_185 = vector.shape_cast %get3A_184 : vector<1x16xf32> to vector<16xf32>
          %get3A_186 = arith.index_cast %scan3A_113 : i32 to index
          %get3A_187 = arith.constant 80 : index
          %get3A_188 = tpu.vector_load %arg13[%get3A_186, %get3A_187] {strides = array<i32>} : memref<104x256xf32, #tpu.memory_space<vmem>>, vector<1x16xf32>,
          %get3A_189 = vector.shape_cast %get3A_188 : vector<1x16xf32> to vector<16xf32>
          %add3A_190 = arith.addf %get3A_185, %get3A_189 : vector<16xf32>
          %swap3A_191 = arith.index_cast %scan3A_113 : i32 to index
          %swap3A_192 = arith.constant 80 : index
          %swap3A_193 = tpu.vector_load %arg11[%swap3A_191, %swap3A_192] {strides = array<i32>} : memref<104x256xf32, #tpu.memory_space<vmem>>, vector<1x16xf32>,
          %swap3A_194 = vector.shape_cast %swap3A_193 : vector<1x16xf32> to vector<16xf32>
          %swap3A_195 = vector.shape_cast %add3A_190 : vector<16xf32> to vector<1x16xf32>
          tpu.vector_store %arg11[%swap3A_191, %swap3A_192], %swap3A_195 {strides = array<i32>} : memref<104x256xf32, #tpu.memory_space<vmem>>, vector<1x16xf32>,
          %get3A_196 = arith.index_cast %scan3A_113 : i32 to index
          %get3A_197 = arith.constant 96 : index
          %get3A_198 = tpu.vector_load %arg11[%get3A_196, %get3A_197] {strides = array<i32>} : memref<104x256xf32, #tpu.memory_space<vmem>>, vector<1x16xf32>,
          %get3A_199 = vector.shape_cast %get3A_198 : vector<1x16xf32> to vector<16xf32>
          %get3A_200 = arith.index_cast %scan3A_113 : i32 to index
          %get3A_201 = arith.constant 96 : index
          %get3A_202 = tpu.vector_load %arg13[%get3A_200, %get3A_201] {strides = array<i32>} : memref<104x256xf32, #tpu.memory_space<vmem>>, vector<1x16xf32>,
          %get3A_203 = vector.shape_cast %get3A_202 : vector<1x16xf32> to vector<16xf32>
          %add3A_204 = arith.addf %get3A_199, %get3A_203 : vector<16xf32>
          %swap3A_205 = arith.index_cast %scan3A_113 : i32 to index
          %swap3A_206 = arith.constant 96 : index
          %swap3A_207 = tpu.vector_load %arg11[%swap3A_205, %swap3A_206] {strides = array<i32>} : memref<104x256xf32, #tpu.memory_space<vmem>>, vector<1x16xf32>,
          %swap3A_208 = vector.shape_cast %swap3A_207 : vector<1x16xf32> to vector<16xf32>
          %swap3A_209 = vector.shape_cast %add3A_204 : vector<16xf32> to vector<1x16xf32>
          tpu.vector_store %arg11[%swap3A_205, %swap3A_206], %swap3A_209 {strides = array<i32>} : memref<104x256xf32, #tpu.memory_space<vmem>>, vector<1x16xf32>,
          %get3A_210 = arith.index_cast %scan3A_113 : i32 to index
          %get3A_211 = arith.constant 112 : index
          %get3A_212 = tpu.vector_load %arg11[%get3A_210, %get3A_211] {strides = array<i32>} : memref<104x256xf32, #tpu.memory_space<vmem>>, vector<1x16xf32>,
          %get3A_213 = vector.shape_cast %get3A_212 : vector<1x16xf32> to vector<16xf32>
          %get3A_214 = arith.index_cast %scan3A_113 : i32 to index
          %get3A_215 = arith.constant 112 : index
          %get3A_216 = tpu.vector_load %arg13[%get3A_214, %get3A_215] {strides = array<i32>} : memref<104x256xf32, #tpu.memory_space<vmem>>, vector<1x16xf32>,
          %get3A_217 = vector.shape_cast %get3A_216 : vector<1x16xf32> to vector<16xf32>
          %add3A_218 = arith.addf %get3A_213, %get3A_217 : vector<16xf32>
          %swap3A_219 = arith.index_cast %scan3A_113 : i32 to index
          %swap3A_220 = arith.constant 112 : index
          %swap3A_221 = tpu.vector_load %arg11[%swap3A_219, %swap3A_220] {strides = array<i32>} : memref<104x256xf32, #tpu.memory_space<vmem>>, vector<1x16xf32>,
          %swap3A_222 = vector.shape_cast %swap3A_221 : vector<1x16xf32> to vector<16xf32>
          %swap3A_223 = vector.shape_cast %add3A_218 : vector<16xf32> to vector<1x16xf32>
          tpu.vector_store %arg11[%swap3A_219, %swap3A_220], %swap3A_223 {strides = array<i32>} : memref<104x256xf32, #tpu.memory_space<vmem>>, vector<1x16xf32>,
          %get3A_224 = arith.index_cast %scan3A_113 : i32 to index
          %get3A_225 = arith.constant 128 : index
          %get3A_226 = tpu.vector_load %arg11[%get3A_224, %get3A_225] {strides = array<i32>} : memref<104x256xf32, #tpu.memory_space<vmem>>, vector<1x16xf32>,
          %get3A_227 = vector.shape_cast %get3A_226 : vector<1x16xf32> to vector<16xf32>
          %get3A_228 = arith.index_cast %scan3A_113 : i32 to index
          %get3A_229 = arith.constant 128 : index
          %get3A_230 = tpu.vector_load %arg13[%get3A_228, %get3A_229] {strides = array<i32>} : memref<104x256xf32, #tpu.memory_space<vmem>>, vector<1x16xf32>,
          %get3A_231 = vector.shape_cast %get3A_230 : vector<1x16xf32> to vector<16xf32>
          %add3A_232 = arith.addf %get3A_227, %get3A_231 : vector<16xf32>
          %swap3A_233 = arith.index_cast %scan3A_113 : i32 to index
          %swap3A_234 = arith.constant 128 : index
          %swap3A_235 = tpu.vector_load %arg11[%swap3A_233, %swap3A_234] {strides = array<i32>} : memref<104x256xf32, #tpu.memory_space<vmem>>, vector<1x16xf32>,
          %swap3A_236 = vector.shape_cast %swap3A_235 : vector<1x16xf32> to vector<16xf32>
          %swap3A_237 = vector.shape_cast %add3A_232 : vector<16xf32> to vector<1x16xf32>
          tpu.vector_store %arg11[%swap3A_233, %swap3A_234], %swap3A_237 {strides = array<i32>} : memref<104x256xf32, #tpu.memory_space<vmem>>, vector<1x16xf32>,
          %get3A_238 = arith.index_cast %scan3A_113 : i32 to index
          %get3A_239 = arith.constant 144 : index
          %get3A_240 = tpu.vector_load %arg11[%get3A_238, %get3A_239] {strides = array<i32>} : memref<104x256xf32, #tpu.memory_space<vmem>>, vector<1x16xf32>,
          %get3A_241 = vector.shape_cast %get3A_240 : vector<1x16xf32> to vector<16xf32>
          %get3A_242 = arith.index_cast %scan3A_113 : i32 to index
          %get3A_243 = arith.constant 144 : index
          %get3A_244 = tpu.vector_load %arg13[%get3A_242, %get3A_243] {strides = array<i32>} : memref<104x256xf32, #tpu.memory_space<vmem>>, vector<1x16xf32>,
          %get3A_245 = vector.shape_cast %get3A_244 : vector<1x16xf32> to vector<16xf32>
          %add3A_246 = arith.addf %get3A_241, %get3A_245 : vector<16xf32>
          %swap3A_247 = arith.index_cast %scan3A_113 : i32 to index
          %swap3A_248 = arith.constant 144 : index
          %swap3A_249 = tpu.vector_load %arg11[%swap3A_247, %swap3A_248] {strides = array<i32>} : memref<104x256xf32, #tpu.memory_space<vmem>>, vector<1x16xf32>,
          %swap3A_250 = vector.shape_cast %swap3A_249 : vector<1x16xf32> to vector<16xf32>
          %swap3A_251 = vector.shape_cast %add3A_246 : vector<16xf32> to vector<1x16xf32>
          tpu.vector_store %arg11[%swap3A_247, %swap3A_248], %swap3A_251 {strides = array<i32>} : memref<104x256xf32, #tpu.memory_space<vmem>>, vector<1x16xf32>,
          %get3A_252 = arith.index_cast %scan3A_113 : i32 to index
          %get3A_253 = arith.constant 160 : index
          %get3A_254 = tpu.vector_load %arg11[%get3A_252, %get3A_253] {strides = array<i32>} : memref<104x256xf32, #tpu.memory_space<vmem>>, vector<1x16xf32>,
          %get3A_255 = vector.shape_cast %get3A_254 : vector<1x16xf32> to vector<16xf32>
          %get3A_256 = arith.index_cast %scan3A_113 : i32 to index
          %get3A_257 = arith.constant 160 : index
          %get3A_258 = tpu.vector_load %arg13[%get3A_256, %get3A_257] {strides = array<i32>} : memref<104x256xf32, #tpu.memory_space<vmem>>, vector<1x16xf32>,
          %get3A_259 = vector.shape_cast %get3A_258 : vector<1x16xf32> to vector<16xf32>
          %add3A_260 = arith.addf %get3A_255, %get3A_259 : vector<16xf32>
          %swap3A_261 = arith.index_cast %scan3A_113 : i32 to index
          %swap3A_262 = arith.constant 160 : index
          %swap3A_263 = tpu.vector_load %arg11[%swap3A_261, %swap3A_262] {strides = array<i32>} : memref<104x256xf32, #tpu.memory_space<vmem>>, vector<1x16xf32>,
          %swap3A_264 = vector.shape_cast %swap3A_263 : vector<1x16xf32> to vector<16xf32>
          %swap3A_265 = vector.shape_cast %add3A_260 : vector<16xf32> to vector<1x16xf32>
          tpu.vector_store %arg11[%swap3A_261, %swap3A_262], %swap3A_265 {strides = array<i32>} : memref<104x256xf32, #tpu.memory_space<vmem>>, vector<1x16xf32>,
          %get3A_266 = arith.index_cast %scan3A_113 : i32 to index
          %get3A_267 = arith.constant 176 : index
          %get3A_268 = tpu.vector_load %arg11[%get3A_266, %get3A_267] {strides = array<i32>} : memref<104x256xf32, #tpu.memory_space<vmem>>, vector<1x16xf32>,
          %get3A_269 = vector.shape_cast %get3A_268 : vector<1x16xf32> to vector<16xf32>
          %get3A_270 = arith.index_cast %scan3A_113 : i32 to index
          %get3A_271 = arith.constant 176 : index
          %get3A_272 = tpu.vector_load %arg13[%get3A_270, %get3A_271] {strides = array<i32>} : memref<104x256xf32, #tpu.memory_space<vmem>>, vector<1x16xf32>,
          %get3A_273 = vector.shape_cast %get3A_272 : vector<1x16xf32> to vector<16xf32>
          %add3A_274 = arith.addf %get3A_269, %get3A_273 : vector<16xf32>
          %swap3A_275 = arith.index_cast %scan3A_113 : i32 to index
          %swap3A_276 = arith.constant 176 : index
          %swap3A_277 = tpu.vector_load %arg11[%swap3A_275, %swap3A_276] {strides = array<i32>} : memref<104x256xf32, #tpu.memory_space<vmem>>, vector<1x16xf32>,
          %swap3A_278 = vector.shape_cast %swap3A_277 : vector<1x16xf32> to vector<16xf32>
          %swap3A_279 = vector.shape_cast %add3A_274 : vector<16xf32> to vector<1x16xf32>
          tpu.vector_store %arg11[%swap3A_275, %swap3A_276], %swap3A_279 {strides = array<i32>} : memref<104x256xf32, #tpu.memory_space<vmem>>, vector<1x16xf32>,
          %get3A_280 = arith.index_cast %scan3A_113 : i32 to index
          %get3A_281 = arith.constant 192 : index
          %get3A_282 = tpu.vector_load %arg11[%get3A_280, %get3A_281] {strides = array<i32>} : memref<104x256xf32, #tpu.memory_space<vmem>>, vector<1x16xf32>,
          %get3A_283 = vector.shape_cast %get3A_282 : vector<1x16xf32> to vector<16xf32>
          %get3A_284 = arith.index_cast %scan3A_113 : i32 to index
          %get3A_285 = arith.constant 192 : index
          %get3A_286 = tpu.vector_load %arg13[%get3A_284, %get3A_285] {strides = array<i32>} : memref<104x256xf32, #tpu.memory_space<vmem>>, vector<1x16xf32>,
          %get3A_287 = vector.shape_cast %get3A_286 : vector<1x16xf32> to vector<16xf32>
          %add3A_288 = arith.addf %get3A_283, %get3A_287 : vector<16xf32>
          %swap3A_289 = arith.index_cast %scan3A_113 : i32 to index
          %swap3A_290 = arith.constant 192 : index
          %swap3A_291 = tpu.vector_load %arg11[%swap3A_289, %swap3A_290] {strides = array<i32>} : memref<104x256xf32, #tpu.memory_space<vmem>>, vector<1x16xf32>,
          %swap3A_292 = vector.shape_cast %swap3A_291 : vector<1x16xf32> to vector<16xf32>
          %swap3A_293 = vector.shape_cast %add3A_288 : vector<16xf32> to vector<1x16xf32>
          tpu.vector_store %arg11[%swap3A_289, %swap3A_290], %swap3A_293 {strides = array<i32>} : memref<104x256xf32, #tpu.memory_space<vmem>>, vector<1x16xf32>,
          %get3A_294 = arith.index_cast %scan3A_113 : i32 to index
          %get3A_295 = arith.constant 208 : index
          %get3A_296 = tpu.vector_load %arg11[%get3A_294, %get3A_295] {strides = array<i32>} : memref<104x256xf32, #tpu.memory_space<vmem>>, vector<1x16xf32>,
          %get3A_297 = vector.shape_cast %get3A_296 : vector<1x16xf32> to vector<16xf32>
          %get3A_298 = arith.index_cast %scan3A_113 : i32 to index
          %get3A_299 = arith.constant 208 : index
          %get3A_300 = tpu.vector_load %arg13[%get3A_298, %get3A_299] {strides = array<i32>} : memref<104x256xf32, #tpu.memory_space<vmem>>, vector<1x16xf32>,
          %get3A_301 = vector.shape_cast %get3A_300 : vector<1x16xf32> to vector<16xf32>
          %add3A_302 = arith.addf %get3A_297, %get3A_301 : vector<16xf32>
          %swap3A_303 = arith.index_cast %scan3A_113 : i32 to index
          %swap3A_304 = arith.constant 208 : index
          %swap3A_305 = tpu.vector_load %arg11[%swap3A_303, %swap3A_304] {strides = array<i32>} : memref<104x256xf32, #tpu.memory_space<vmem>>, vector<1x16xf32>,
          %swap3A_306 = vector.shape_cast %swap3A_305 : vector<1x16xf32> to vector<16xf32>
          %swap3A_307 = vector.shape_cast %add3A_302 : vector<16xf32> to vector<1x16xf32>
          tpu.vector_store %arg11[%swap3A_303, %swap3A_304], %swap3A_307 {strides = array<i32>} : memref<104x256xf32, #tpu.memory_space<vmem>>, vector<1x16xf32>,
          %get3A_308 = arith.index_cast %scan3A_113 : i32 to index
          %get3A_309 = arith.constant 224 : index
          %get3A_310 = tpu.vector_load %arg11[%get3A_308, %get3A_309] {strides = array<i32>} : memref<104x256xf32, #tpu.memory_space<vmem>>, vector<1x16xf32>,
          %get3A_311 = vector.shape_cast %get3A_310 : vector<1x16xf32> to vector<16xf32>
          %get3A_312 = arith.index_cast %scan3A_113 : i32 to index
          %get3A_313 = arith.constant 224 : index
          %get3A_314 = tpu.vector_load %arg13[%get3A_312, %get3A_313] {strides = array<i32>} : memref<104x256xf32, #tpu.memory_space<vmem>>, vector<1x16xf32>,
          %get3A_315 = vector.shape_cast %get3A_314 : vector<1x16xf32> to vector<16xf32>
          %add3A_316 = arith.addf %get3A_311, %get3A_315 : vector<16xf32>
          %swap3A_317 = arith.index_cast %scan3A_113 : i32 to index
          %swap3A_318 = arith.constant 224 : index
          %swap3A_319 = tpu.vector_load %arg11[%swap3A_317, %swap3A_318] {strides = array<i32>} : memref<104x256xf32, #tpu.memory_space<vmem>>, vector<1x16xf32>,
          %swap3A_320 = vector.shape_cast %swap3A_319 : vector<1x16xf32> to vector<16xf32>
          %swap3A_321 = vector.shape_cast %add3A_316 : vector<16xf32> to vector<1x16xf32>
          tpu.vector_store %arg11[%swap3A_317, %swap3A_318], %swap3A_321 {strides = array<i32>} : memref<104x256xf32, #tpu.memory_space<vmem>>, vector<1x16xf32>,
          %get3A_322 = arith.index_cast %scan3A_113 : i32 to index
          %get3A_323 = arith.constant 240 : index
          %get3A_324 = tpu.vector_load %arg11[%get3A_322, %get3A_323] {strides = array<i32>} : memref<104x256xf32, #tpu.memory_space<vmem>>, vector<1x16xf32>,
          %get3A_325 = vector.shape_cast %get3A_324 : vector<1x16xf32> to vector<16xf32>
          %get3A_326 = arith.index_cast %scan3A_113 : i32 to index
          %get3A_327 = arith.constant 240 : index
          %get3A_328 = tpu.vector_load %arg13[%get3A_326, %get3A_327] {strides = array<i32>} : memref<104x256xf32, #tpu.memory_space<vmem>>, vector<1x16xf32>,
          %get3A_329 = vector.shape_cast %get3A_328 : vector<1x16xf32> to vector<16xf32>
          %add3A_330 = arith.addf %get3A_325, %get3A_329 : vector<16xf32>
          %swap3A_331 = arith.index_cast %scan3A_113 : i32 to index
          %swap3A_332 = arith.constant 240 : index
          %swap3A_333 = tpu.vector_load %arg11[%swap3A_331, %swap3A_332] {strides = array<i32>} : memref<104x256xf32, #tpu.memory_space<vmem>>, vector<1x16xf32>,
          %swap3A_334 = vector.shape_cast %swap3A_333 : vector<1x16xf32> to vector<16xf32>
          %swap3A_335 = vector.shape_cast %add3A_330 : vector<16xf32> to vector<1x16xf32>
          tpu.vector_store %arg11[%swap3A_331, %swap3A_332], %swap3A_335 {strides = array<i32>} : memref<104x256xf32, #tpu.memory_space<vmem>>, vector<1x16xf32>,
        }
        %scan3A_105 = arith.constant 104 : i32
        %mul3A_106 = arith.constant 104 : i32
        %mul3A_107 = arith.muli %add3A_80, %mul3A_106 : i32
        %add3A_108 = arith.addi %mul3A_2, %mul3A_107 : i32
        %dma_start3A_109 = arith.constant 0 : i32
        %dma_start3A_110 = tpu.memref_slice %arg5[%add3A_108, %dma_start3A_109] : memref<10000x256xf32, #tpu.memory_space<hbm>> -> memref<104x256xf32, #tpu.memory_space<hbm>>
        %dma_start3A_111 = arith.constant 0 : i32
        %dma_start3A_112 = tpu.memref_slice %arg5[%add3A_108, %dma_start3A_111] : memref<10000x256xf32, #tpu.memory_space<hbm>> -> memref<104x256xf32, #tpu.memory_space<hbm>>
        tpu.enqueue_dma source(%arg11 : memref<104x256xf32, #tpu.memory_space<vmem>>) target(%dma_start3A_112 : memref<104x256xf32, #tpu.memory_space<hbm>>) target_semaphore(%arg21 : memref<!tpu.dma_semaphore, #tpu.memory_space<semaphore_mem>>)
      } else {
      }
    }
    %scan3A_20 = arith.constant 2 : i32
    %lt3A_21 = arith.constant 1 : i32
    %lt3A_22 = arith.cmpi slt, %add3A, %lt3A_21 : i32
    %convert_element_type3A_23 = arith.extui %lt3A_22 : i1 to i32
    %cond3A_24 = arith.constant 0 : i32
    %cond3A_25 = arith.cmpi ne, %convert_element_type3A_23, %cond3A_24 : i32
    scf.if %cond3A_25 {
      %mul3A_37 = arith.constant 16 : i32
      %mul3A_38 = arith.muli %add3A, %mul3A_37 : i32
      %add3A_39 = arith.constant 9984 : i32
      %add3A_40 = arith.addi %add3A_39, %mul3A_38 : i32
      %dma_wait3A_41 = arith.constant 0 : i32
      %dma_wait3A_42 = arith.constant 0 : i32
      %dma_wait3A_43 = tpu.memref_slice %arg2[%dma_wait3A_41, %dma_wait3A_42] : memref<10000x256xf32, #tpu.memory_space<hbm>> -> memref<16x256xf32, #tpu.memory_space<hbm>>
      %dma_wait3A_44 = arith.constant 0 : i32
      %dma_wait3A_45 = arith.constant 0 : i32
      %dma_wait3A_46 = tpu.memref_slice %arg2[%dma_wait3A_44, %dma_wait3A_45] : memref<10000x256xf32, #tpu.memory_space<hbm>> -> memref<16x256xf32, #tpu.memory_space<hbm>>
      tpu.wait_dma2 semaphore(%arg22 : memref<!tpu.dma_semaphore, #tpu.memory_space<semaphore_mem>>) src(%dma_wait3A_46 : memref<16x256xf32, #tpu.memory_space<hbm>>) dst(%arg14 : memref<16x256xf32, #tpu.memory_space<vmem>>)
      %dma_wait3A_47 = arith.constant 0 : i32
      %dma_wait3A_48 = arith.constant 0 : i32
      %dma_wait3A_49 = tpu.memref_slice %arg2[%dma_wait3A_47, %dma_wait3A_48] : memref<10000x256xf32, #tpu.memory_space<hbm>> -> memref<16x256xf32, #tpu.memory_space<hbm>>
      %dma_wait3A_50 = arith.constant 0 : i32
      %dma_wait3A_51 = arith.constant 0 : i32
      %dma_wait3A_52 = tpu.memref_slice %arg2[%dma_wait3A_50, %dma_wait3A_51] : memref<10000x256xf32, #tpu.memory_space<hbm>> -> memref<16x256xf32, #tpu.memory_space<hbm>>
      tpu.wait_dma2 semaphore(%arg23 : memref<!tpu.dma_semaphore, #tpu.memory_space<semaphore_mem>>) src(%dma_wait3A_52 : memref<16x256xf32, #tpu.memory_space<hbm>>) dst(%arg15 : memref<16x256xf32, #tpu.memory_space<vmem>>)
      %scan3A_53 = arith.constant 0 : i32
      %scan3A_54 = arith.constant 0 : i32
      %scan3A_55 = arith.constant 16 : i32
      %scan3A_56 = arith.addi %scan3A_54, %scan3A_55 : i32
      %scan3A_57 = arith.constant 1 : i32
      scf.for %scan3A_59 = %scan3A_54 to %scan3A_56 step %scan3A_57  : i32 {
        %get3A = arith.index_cast %scan3A_59 : i32 to index
        %get3A_60 = arith.constant 0 : index
        %get3A_61 = tpu.vector_load %arg14[%get3A, %get3A_60] {strides = array<i32>} : memref<16x256xf32, #tpu.memory_space<vmem>>, vector<1x16xf32>,
        %get3A_62 = vector.shape_cast %get3A_61 : vector<1x16xf32> to vector<16xf32>
        %get3A_63 = arith.index_cast %scan3A_59 : i32 to index
        %get3A_64 = arith.constant 0 : index
        %get3A_65 = tpu.vector_load %arg15[%get3A_63, %get3A_64] {strides = array<i32>} : memref<16x256xf32, #tpu.memory_space<vmem>>, vector<1x16xf32>,
        %get3A_66 = vector.shape_cast %get3A_65 : vector<1x16xf32> to vector<16xf32>
        %add3A_67 = arith.addf %get3A_62, %get3A_66 : vector<16xf32>
        %swap3A = arith.index_cast %scan3A_59 : i32 to index
        %swap3A_68 = arith.constant 0 : index
        %swap3A_69 = tpu.vector_load %arg14[%swap3A, %swap3A_68] {strides = array<i32>} : memref<16x256xf32, #tpu.memory_space<vmem>>, vector<1x16xf32>,
        %swap3A_70 = vector.shape_cast %swap3A_69 : vector<1x16xf32> to vector<16xf32>
        %swap3A_71 = vector.shape_cast %add3A_67 : vector<16xf32> to vector<1x16xf32>
        tpu.vector_store %arg14[%swap3A, %swap3A_68], %swap3A_71 {strides = array<i32>} : memref<16x256xf32, #tpu.memory_space<vmem>>, vector<1x16xf32>,
        %get3A_72 = arith.index_cast %scan3A_59 : i32 to index
        %get3A_73 = arith.constant 16 : index
        %get3A_74 = tpu.vector_load %arg14[%get3A_72, %get3A_73] {strides = array<i32>} : memref<16x256xf32, #tpu.memory_space<vmem>>, vector<1x16xf32>,
        %get3A_75 = vector.shape_cast %get3A_74 : vector<1x16xf32> to vector<16xf32>
        %get3A_76 = arith.index_cast %scan3A_59 : i32 to index
        %get3A_77 = arith.constant 16 : index
        %get3A_78 = tpu.vector_load %arg15[%get3A_76, %get3A_77] {strides = array<i32>} : memref<16x256xf32, #tpu.memory_space<vmem>>, vector<1x16xf32>,
        %get3A_79 = vector.shape_cast %get3A_78 : vector<1x16xf32> to vector<16xf32>
        %add3A_80 = arith.addf %get3A_75, %get3A_79 : vector<16xf32>
        %swap3A_81 = arith.index_cast %scan3A_59 : i32 to index
        %swap3A_82 = arith.constant 16 : index
        %swap3A_83 = tpu.vector_load %arg14[%swap3A_81, %swap3A_82] {strides = array<i32>} : memref<16x256xf32, #tpu.memory_space<vmem>>, vector<1x16xf32>,
        %swap3A_84 = vector.shape_cast %swap3A_83 : vector<1x16xf32> to vector<16xf32>
        %swap3A_85 = vector.shape_cast %add3A_80 : vector<16xf32> to vector<1x16xf32>
        tpu.vector_store %arg14[%swap3A_81, %swap3A_82], %swap3A_85 {strides = array<i32>} : memref<16x256xf32, #tpu.memory_space<vmem>>, vector<1x16xf32>,
        %get3A_86 = arith.index_cast %scan3A_59 : i32 to index
        %get3A_87 = arith.constant 32 : index
        %get3A_88 = tpu.vector_load %arg14[%get3A_86, %get3A_87] {strides = array<i32>} : memref<16x256xf32, #tpu.memory_space<vmem>>, vector<1x16xf32>,
        %get3A_89 = vector.shape_cast %get3A_88 : vector<1x16xf32> to vector<16xf32>
        %get3A_90 = arith.index_cast %scan3A_59 : i32 to index
        %get3A_91 = arith.constant 32 : index
        %get3A_92 = tpu.vector_load %arg15[%get3A_90, %get3A_91] {strides = array<i32>} : memref<16x256xf32, #tpu.memory_space<vmem>>, vector<1x16xf32>,
        %get3A_93 = vector.shape_cast %get3A_92 : vector<1x16xf32> to vector<16xf32>
        %add3A_94 = arith.addf %get3A_89, %get3A_93 : vector<16xf32>
        %swap3A_95 = arith.index_cast %scan3A_59 : i32 to index
        %swap3A_96 = arith.constant 32 : index
        %swap3A_97 = tpu.vector_load %arg14[%swap3A_95, %swap3A_96] {strides = array<i32>} : memref<16x256xf32, #tpu.memory_space<vmem>>, vector<1x16xf32>,
        %swap3A_98 = vector.shape_cast %swap3A_97 : vector<1x16xf32> to vector<16xf32>
        %swap3A_99 = vector.shape_cast %add3A_94 : vector<16xf32> to vector<1x16xf32>
        tpu.vector_store %arg14[%swap3A_95, %swap3A_96], %swap3A_99 {strides = array<i32>} : memref<16x256xf32, #tpu.memory_space<vmem>>, vector<1x16xf32>,
        %get3A_100 = arith.index_cast %scan3A_59 : i32 to index
        %get3A_101 = arith.constant 48 : index
        %get3A_102 = tpu.vector_load %arg14[%get3A_100, %get3A_101] {strides = array<i32>} : memref<16x256xf32, #tpu.memory_space<vmem>>, vector<1x16xf32>,
        %get3A_103 = vector.shape_cast %get3A_102 : vector<1x16xf32> to vector<16xf32>
        %get3A_104 = arith.index_cast %scan3A_59 : i32 to index
        %get3A_105 = arith.constant 48 : index
        %get3A_106 = tpu.vector_load %arg15[%get3A_104, %get3A_105] {strides = array<i32>} : memref<16x256xf32, #tpu.memory_space<vmem>>, vector<1x16xf32>,
        %get3A_107 = vector.shape_cast %get3A_106 : vector<1x16xf32> to vector<16xf32>
        %add3A_108 = arith.addf %get3A_103, %get3A_107 : vector<16xf32>
        %swap3A_109 = arith.index_cast %scan3A_59 : i32 to index
        %swap3A_110 = arith.constant 48 : index
        %swap3A_111 = tpu.vector_load %arg14[%swap3A_109, %swap3A_110] {strides = array<i32>} : memref<16x256xf32, #tpu.memory_space<vmem>>, vector<1x16xf32>,
        %swap3A_112 = vector.shape_cast %swap3A_111 : vector<1x16xf32> to vector<16xf32>
        %swap3A_113 = vector.shape_cast %add3A_108 : vector<16xf32> to vector<1x16xf32>
        tpu.vector_store %arg14[%swap3A_109, %swap3A_110], %swap3A_113 {strides = array<i32>} : memref<16x256xf32, #tpu.memory_space<vmem>>, vector<1x16xf32>,
        %get3A_114 = arith.index_cast %scan3A_59 : i32 to index
        %get3A_115 = arith.constant 64 : index
        %get3A_116 = tpu.vector_load %arg14[%get3A_114, %get3A_115] {strides = array<i32>} : memref<16x256xf32, #tpu.memory_space<vmem>>, vector<1x16xf32>,
        %get3A_117 = vector.shape_cast %get3A_116 : vector<1x16xf32> to vector<16xf32>
        %get3A_118 = arith.index_cast %scan3A_59 : i32 to index
        %get3A_119 = arith.constant 64 : index
        %get3A_120 = tpu.vector_load %arg15[%get3A_118, %get3A_119] {strides = array<i32>} : memref<16x256xf32, #tpu.memory_space<vmem>>, vector<1x16xf32>,
        %get3A_121 = vector.shape_cast %get3A_120 : vector<1x16xf32> to vector<16xf32>
        %add3A_122 = arith.addf %get3A_117, %get3A_121 : vector<16xf32>
        %swap3A_123 = arith.index_cast %scan3A_59 : i32 to index
        %swap3A_124 = arith.constant 64 : index
        %swap3A_125 = tpu.vector_load %arg14[%swap3A_123, %swap3A_124] {strides = array<i32>} : memref<16x256xf32, #tpu.memory_space<vmem>>, vector<1x16xf32>,
        %swap3A_126 = vector.shape_cast %swap3A_125 : vector<1x16xf32> to vector<16xf32>
        %swap3A_127 = vector.shape_cast %add3A_122 : vector<16xf32> to vector<1x16xf32>
        tpu.vector_store %arg14[%swap3A_123, %swap3A_124], %swap3A_127 {strides = array<i32>} : memref<16x256xf32, #tpu.memory_space<vmem>>, vector<1x16xf32>,
        %get3A_128 = arith.index_cast %scan3A_59 : i32 to index
        %get3A_129 = arith.constant 80 : index
        %get3A_130 = tpu.vector_load %arg14[%get3A_128, %get3A_129] {strides = array<i32>} : memref<16x256xf32, #tpu.memory_space<vmem>>, vector<1x16xf32>,
        %get3A_131 = vector.shape_cast %get3A_130 : vector<1x16xf32> to vector<16xf32>
        %get3A_132 = arith.index_cast %scan3A_59 : i32 to index
        %get3A_133 = arith.constant 80 : index
        %get3A_134 = tpu.vector_load %arg15[%get3A_132, %get3A_133] {strides = array<i32>} : memref<16x256xf32, #tpu.memory_space<vmem>>, vector<1x16xf32>,
        %get3A_135 = vector.shape_cast %get3A_134 : vector<1x16xf32> to vector<16xf32>
        %add3A_136 = arith.addf %get3A_131, %get3A_135 : vector<16xf32>
        %swap3A_137 = arith.index_cast %scan3A_59 : i32 to index
        %swap3A_138 = arith.constant 80 : index
        %swap3A_139 = tpu.vector_load %arg14[%swap3A_137, %swap3A_138] {strides = array<i32>} : memref<16x256xf32, #tpu.memory_space<vmem>>, vector<1x16xf32>,
        %swap3A_140 = vector.shape_cast %swap3A_139 : vector<1x16xf32> to vector<16xf32>
        %swap3A_141 = vector.shape_cast %add3A_136 : vector<16xf32> to vector<1x16xf32>
        tpu.vector_store %arg14[%swap3A_137, %swap3A_138], %swap3A_141 {strides = array<i32>} : memref<16x256xf32, #tpu.memory_space<vmem>>, vector<1x16xf32>,
        %get3A_142 = arith.index_cast %scan3A_59 : i32 to index
        %get3A_143 = arith.constant 96 : index
        %get3A_144 = tpu.vector_load %arg14[%get3A_142, %get3A_143] {strides = array<i32>} : memref<16x256xf32, #tpu.memory_space<vmem>>, vector<1x16xf32>,
        %get3A_145 = vector.shape_cast %get3A_144 : vector<1x16xf32> to vector<16xf32>
        %get3A_146 = arith.index_cast %scan3A_59 : i32 to index
        %get3A_147 = arith.constant 96 : index
        %get3A_148 = tpu.vector_load %arg15[%get3A_146, %get3A_147] {strides = array<i32>} : memref<16x256xf32, #tpu.memory_space<vmem>>, vector<1x16xf32>,
        %get3A_149 = vector.shape_cast %get3A_148 : vector<1x16xf32> to vector<16xf32>
        %add3A_150 = arith.addf %get3A_145, %get3A_149 : vector<16xf32>
        %swap3A_151 = arith.index_cast %scan3A_59 : i32 to index
        %swap3A_152 = arith.constant 96 : index
        %swap3A_153 = tpu.vector_load %arg14[%swap3A_151, %swap3A_152] {strides = array<i32>} : memref<16x256xf32, #tpu.memory_space<vmem>>, vector<1x16xf32>,
        %swap3A_154 = vector.shape_cast %swap3A_153 : vector<1x16xf32> to vector<16xf32>
        %swap3A_155 = vector.shape_cast %add3A_150 : vector<16xf32> to vector<1x16xf32>
        tpu.vector_store %arg14[%swap3A_151, %swap3A_152], %swap3A_155 {strides = array<i32>} : memref<16x256xf32, #tpu.memory_space<vmem>>, vector<1x16xf32>,
        %get3A_156 = arith.index_cast %scan3A_59 : i32 to index
        %get3A_157 = arith.constant 112 : index
        %get3A_158 = tpu.vector_load %arg14[%get3A_156, %get3A_157] {strides = array<i32>} : memref<16x256xf32, #tpu.memory_space<vmem>>, vector<1x16xf32>,
        %get3A_159 = vector.shape_cast %get3A_158 : vector<1x16xf32> to vector<16xf32>
        %get3A_160 = arith.index_cast %scan3A_59 : i32 to index
        %get3A_161 = arith.constant 112 : index
        %get3A_162 = tpu.vector_load %arg15[%get3A_160, %get3A_161] {strides = array<i32>} : memref<16x256xf32, #tpu.memory_space<vmem>>, vector<1x16xf32>,
        %get3A_163 = vector.shape_cast %get3A_162 : vector<1x16xf32> to vector<16xf32>
        %add3A_164 = arith.addf %get3A_159, %get3A_163 : vector<16xf32>
        %swap3A_165 = arith.index_cast %scan3A_59 : i32 to index
        %swap3A_166 = arith.constant 112 : index
        %swap3A_167 = tpu.vector_load %arg14[%swap3A_165, %swap3A_166] {strides = array<i32>} : memref<16x256xf32, #tpu.memory_space<vmem>>, vector<1x16xf32>,
        %swap3A_168 = vector.shape_cast %swap3A_167 : vector<1x16xf32> to vector<16xf32>
        %swap3A_169 = vector.shape_cast %add3A_164 : vector<16xf32> to vector<1x16xf32>
        tpu.vector_store %arg14[%swap3A_165, %swap3A_166], %swap3A_169 {strides = array<i32>} : memref<16x256xf32, #tpu.memory_space<vmem>>, vector<1x16xf32>,
        %get3A_170 = arith.index_cast %scan3A_59 : i32 to index
        %get3A_171 = arith.constant 128 : index
        %get3A_172 = tpu.vector_load %arg14[%get3A_170, %get3A_171] {strides = array<i32>} : memref<16x256xf32, #tpu.memory_space<vmem>>, vector<1x16xf32>,
        %get3A_173 = vector.shape_cast %get3A_172 : vector<1x16xf32> to vector<16xf32>
        %get3A_174 = arith.index_cast %scan3A_59 : i32 to index
        %get3A_175 = arith.constant 128 : index
        %get3A_176 = tpu.vector_load %arg15[%get3A_174, %get3A_175] {strides = array<i32>} : memref<16x256xf32, #tpu.memory_space<vmem>>, vector<1x16xf32>,
        %get3A_177 = vector.shape_cast %get3A_176 : vector<1x16xf32> to vector<16xf32>
        %add3A_178 = arith.addf %get3A_173, %get3A_177 : vector<16xf32>
        %swap3A_179 = arith.index_cast %scan3A_59 : i32 to index
        %swap3A_180 = arith.constant 128 : index
        %swap3A_181 = tpu.vector_load %arg14[%swap3A_179, %swap3A_180] {strides = array<i32>} : memref<16x256xf32, #tpu.memory_space<vmem>>, vector<1x16xf32>,
        %swap3A_182 = vector.shape_cast %swap3A_181 : vector<1x16xf32> to vector<16xf32>
        %swap3A_183 = vector.shape_cast %add3A_178 : vector<16xf32> to vector<1x16xf32>
        tpu.vector_store %arg14[%swap3A_179, %swap3A_180], %swap3A_183 {strides = array<i32>} : memref<16x256xf32, #tpu.memory_space<vmem>>, vector<1x16xf32>,
        %get3A_184 = arith.index_cast %scan3A_59 : i32 to index
        %get3A_185 = arith.constant 144 : index
        %get3A_186 = tpu.vector_load %arg14[%get3A_184, %get3A_185] {strides = array<i32>} : memref<16x256xf32, #tpu.memory_space<vmem>>, vector<1x16xf32>,
        %get3A_187 = vector.shape_cast %get3A_186 : vector<1x16xf32> to vector<16xf32>
        %get3A_188 = arith.index_cast %scan3A_59 : i32 to index
        %get3A_189 = arith.constant 144 : index
        %get3A_190 = tpu.vector_load %arg15[%get3A_188, %get3A_189] {strides = array<i32>} : memref<16x256xf32, #tpu.memory_space<vmem>>, vector<1x16xf32>,
        %get3A_191 = vector.shape_cast %get3A_190 : vector<1x16xf32> to vector<16xf32>
        %add3A_192 = arith.addf %get3A_187, %get3A_191 : vector<16xf32>
        %swap3A_193 = arith.index_cast %scan3A_59 : i32 to index
        %swap3A_194 = arith.constant 144 : index
        %swap3A_195 = tpu.vector_load %arg14[%swap3A_193, %swap3A_194] {strides = array<i32>} : memref<16x256xf32, #tpu.memory_space<vmem>>, vector<1x16xf32>,
        %swap3A_196 = vector.shape_cast %swap3A_195 : vector<1x16xf32> to vector<16xf32>
        %swap3A_197 = vector.shape_cast %add3A_192 : vector<16xf32> to vector<1x16xf32>
        tpu.vector_store %arg14[%swap3A_193, %swap3A_194], %swap3A_197 {strides = array<i32>} : memref<16x256xf32, #tpu.memory_space<vmem>>, vector<1x16xf32>,
        %get3A_198 = arith.index_cast %scan3A_59 : i32 to index
        %get3A_199 = arith.constant 160 : index
        %get3A_200 = tpu.vector_load %arg14[%get3A_198, %get3A_199] {strides = array<i32>} : memref<16x256xf32, #tpu.memory_space<vmem>>, vector<1x16xf32>,
        %get3A_201 = vector.shape_cast %get3A_200 : vector<1x16xf32> to vector<16xf32>
        %get3A_202 = arith.index_cast %scan3A_59 : i32 to index
        %get3A_203 = arith.constant 160 : index
        %get3A_204 = tpu.vector_load %arg15[%get3A_202, %get3A_203] {strides = array<i32>} : memref<16x256xf32, #tpu.memory_space<vmem>>, vector<1x16xf32>,
        %get3A_205 = vector.shape_cast %get3A_204 : vector<1x16xf32> to vector<16xf32>
        %add3A_206 = arith.addf %get3A_201, %get3A_205 : vector<16xf32>
        %swap3A_207 = arith.index_cast %scan3A_59 : i32 to index
        %swap3A_208 = arith.constant 160 : index
        %swap3A_209 = tpu.vector_load %arg14[%swap3A_207, %swap3A_208] {strides = array<i32>} : memref<16x256xf32, #tpu.memory_space<vmem>>, vector<1x16xf32>,
        %swap3A_210 = vector.shape_cast %swap3A_209 : vector<1x16xf32> to vector<16xf32>
        %swap3A_211 = vector.shape_cast %add3A_206 : vector<16xf32> to vector<1x16xf32>
        tpu.vector_store %arg14[%swap3A_207, %swap3A_208], %swap3A_211 {strides = array<i32>} : memref<16x256xf32, #tpu.memory_space<vmem>>, vector<1x16xf32>,
        %get3A_212 = arith.index_cast %scan3A_59 : i32 to index
        %get3A_213 = arith.constant 176 : index
        %get3A_214 = tpu.vector_load %arg14[%get3A_212, %get3A_213] {strides = array<i32>} : memref<16x256xf32, #tpu.memory_space<vmem>>, vector<1x16xf32>,
        %get3A_215 = vector.shape_cast %get3A_214 : vector<1x16xf32> to vector<16xf32>
        %get3A_216 = arith.index_cast %scan3A_59 : i32 to index
        %get3A_217 = arith.constant 176 : index
        %get3A_218 = tpu.vector_load %arg15[%get3A_216, %get3A_217] {strides = array<i32>} : memref<16x256xf32, #tpu.memory_space<vmem>>, vector<1x16xf32>,
        %get3A_219 = vector.shape_cast %get3A_218 : vector<1x16xf32> to vector<16xf32>
        %add3A_220 = arith.addf %get3A_215, %get3A_219 : vector<16xf32>
        %swap3A_221 = arith.index_cast %scan3A_59 : i32 to index
        %swap3A_222 = arith.constant 176 : index
        %swap3A_223 = tpu.vector_load %arg14[%swap3A_221, %swap3A_222] {strides = array<i32>} : memref<16x256xf32, #tpu.memory_space<vmem>>, vector<1x16xf32>,
        %swap3A_224 = vector.shape_cast %swap3A_223 : vector<1x16xf32> to vector<16xf32>
        %swap3A_225 = vector.shape_cast %add3A_220 : vector<16xf32> to vector<1x16xf32>
        tpu.vector_store %arg14[%swap3A_221, %swap3A_222], %swap3A_225 {strides = array<i32>} : memref<16x256xf32, #tpu.memory_space<vmem>>, vector<1x16xf32>,
        %get3A_226 = arith.index_cast %scan3A_59 : i32 to index
        %get3A_227 = arith.constant 192 : index
        %get3A_228 = tpu.vector_load %arg14[%get3A_226, %get3A_227] {strides = array<i32>} : memref<16x256xf32, #tpu.memory_space<vmem>>, vector<1x16xf32>,
        %get3A_229 = vector.shape_cast %get3A_228 : vector<1x16xf32> to vector<16xf32>
        %get3A_230 = arith.index_cast %scan3A_59 : i32 to index
        %get3A_231 = arith.constant 192 : index
        %get3A_232 = tpu.vector_load %arg15[%get3A_230, %get3A_231] {strides = array<i32>} : memref<16x256xf32, #tpu.memory_space<vmem>>, vector<1x16xf32>,
        %get3A_233 = vector.shape_cast %get3A_232 : vector<1x16xf32> to vector<16xf32>
        %add3A_234 = arith.addf %get3A_229, %get3A_233 : vector<16xf32>
        %swap3A_235 = arith.index_cast %scan3A_59 : i32 to index
        %swap3A_236 = arith.constant 192 : index
        %swap3A_237 = tpu.vector_load %arg14[%swap3A_235, %swap3A_236] {strides = array<i32>} : memref<16x256xf32, #tpu.memory_space<vmem>>, vector<1x16xf32>,
        %swap3A_238 = vector.shape_cast %swap3A_237 : vector<1x16xf32> to vector<16xf32>
        %swap3A_239 = vector.shape_cast %add3A_234 : vector<16xf32> to vector<1x16xf32>
        tpu.vector_store %arg14[%swap3A_235, %swap3A_236], %swap3A_239 {strides = array<i32>} : memref<16x256xf32, #tpu.memory_space<vmem>>, vector<1x16xf32>,
        %get3A_240 = arith.index_cast %scan3A_59 : i32 to index
        %get3A_241 = arith.constant 208 : index
        %get3A_242 = tpu.vector_load %arg14[%get3A_240, %get3A_241] {strides = array<i32>} : memref<16x256xf32, #tpu.memory_space<vmem>>, vector<1x16xf32>,
        %get3A_243 = vector.shape_cast %get3A_242 : vector<1x16xf32> to vector<16xf32>
        %get3A_244 = arith.index_cast %scan3A_59 : i32 to index
        %get3A_245 = arith.constant 208 : index
        %get3A_246 = tpu.vector_load %arg15[%get3A_244, %get3A_245] {strides = array<i32>} : memref<16x256xf32, #tpu.memory_space<vmem>>, vector<1x16xf32>,
        %get3A_247 = vector.shape_cast %get3A_246 : vector<1x16xf32> to vector<16xf32>
        %add3A_248 = arith.addf %get3A_243, %get3A_247 : vector<16xf32>
        %swap3A_249 = arith.index_cast %scan3A_59 : i32 to index
        %swap3A_250 = arith.constant 208 : index
        %swap3A_251 = tpu.vector_load %arg14[%swap3A_249, %swap3A_250] {strides = array<i32>} : memref<16x256xf32, #tpu.memory_space<vmem>>, vector<1x16xf32>,
        %swap3A_252 = vector.shape_cast %swap3A_251 : vector<1x16xf32> to vector<16xf32>
        %swap3A_253 = vector.shape_cast %add3A_248 : vector<16xf32> to vector<1x16xf32>
        tpu.vector_store %arg14[%swap3A_249, %swap3A_250], %swap3A_253 {strides = array<i32>} : memref<16x256xf32, #tpu.memory_space<vmem>>, vector<1x16xf32>,
        %get3A_254 = arith.index_cast %scan3A_59 : i32 to index
        %get3A_255 = arith.constant 224 : index
        %get3A_256 = tpu.vector_load %arg14[%get3A_254, %get3A_255] {strides = array<i32>} : memref<16x256xf32, #tpu.memory_space<vmem>>, vector<1x16xf32>,
        %get3A_257 = vector.shape_cast %get3A_256 : vector<1x16xf32> to vector<16xf32>
        %get3A_258 = arith.index_cast %scan3A_59 : i32 to index
        %get3A_259 = arith.constant 224 : index
        %get3A_260 = tpu.vector_load %arg15[%get3A_258, %get3A_259] {strides = array<i32>} : memref<16x256xf32, #tpu.memory_space<vmem>>, vector<1x16xf32>,
        %get3A_261 = vector.shape_cast %get3A_260 : vector<1x16xf32> to vector<16xf32>
        %add3A_262 = arith.addf %get3A_257, %get3A_261 : vector<16xf32>
        %swap3A_263 = arith.index_cast %scan3A_59 : i32 to index
        %swap3A_264 = arith.constant 224 : index
        %swap3A_265 = tpu.vector_load %arg14[%swap3A_263, %swap3A_264] {strides = array<i32>} : memref<16x256xf32, #tpu.memory_space<vmem>>, vector<1x16xf32>,
        %swap3A_266 = vector.shape_cast %swap3A_265 : vector<1x16xf32> to vector<16xf32>
        %swap3A_267 = vector.shape_cast %add3A_262 : vector<16xf32> to vector<1x16xf32>
        tpu.vector_store %arg14[%swap3A_263, %swap3A_264], %swap3A_267 {strides = array<i32>} : memref<16x256xf32, #tpu.memory_space<vmem>>, vector<1x16xf32>,
        %get3A_268 = arith.index_cast %scan3A_59 : i32 to index
        %get3A_269 = arith.constant 240 : index
        %get3A_270 = tpu.vector_load %arg14[%get3A_268, %get3A_269] {strides = array<i32>} : memref<16x256xf32, #tpu.memory_space<vmem>>, vector<1x16xf32>,
        %get3A_271 = vector.shape_cast %get3A_270 : vector<1x16xf32> to vector<16xf32>
        %get3A_272 = arith.index_cast %scan3A_59 : i32 to index
        %get3A_273 = arith.constant 240 : index
        %get3A_274 = tpu.vector_load %arg15[%get3A_272, %get3A_273] {strides = array<i32>} : memref<16x256xf32, #tpu.memory_space<vmem>>, vector<1x16xf32>,
        %get3A_275 = vector.shape_cast %get3A_274 : vector<1x16xf32> to vector<16xf32>
        %add3A_276 = arith.addf %get3A_271, %get3A_275 : vector<16xf32>
        %swap3A_277 = arith.index_cast %scan3A_59 : i32 to index
        %swap3A_278 = arith.constant 240 : index
        %swap3A_279 = tpu.vector_load %arg14[%swap3A_277, %swap3A_278] {strides = array<i32>} : memref<16x256xf32, #tpu.memory_space<vmem>>, vector<1x16xf32>,
        %swap3A_280 = vector.shape_cast %swap3A_279 : vector<1x16xf32> to vector<16xf32>
        %swap3A_281 = vector.shape_cast %add3A_276 : vector<16xf32> to vector<1x16xf32>
        tpu.vector_store %arg14[%swap3A_277, %swap3A_278], %swap3A_281 {strides = array<i32>} : memref<16x256xf32, #tpu.memory_space<vmem>>, vector<1x16xf32>,
      }
      %scan3A_58 = arith.constant 16 : i32
      "tpu.region"() ({
        %run_scoped3A = tpu.sem_alloc : memref<!tpu.dma_semaphore, #tpu.memory_space<semaphore_mem>>
        %dma_start3A_59 = arith.constant 0 : i32
        %dma_start3A_60 = tpu.memref_slice %arg5[%add3A_40, %dma_start3A_59] : memref<10000x256xf32, #tpu.memory_space<hbm>> -> memref<16x256xf32, #tpu.memory_space<hbm>>
        %dma_start3A_61 = arith.constant 0 : i32
        %dma_start3A_62 = tpu.memref_slice %arg5[%add3A_40, %dma_start3A_61] : memref<10000x256xf32, #tpu.memory_space<hbm>> -> memref<16x256xf32, #tpu.memory_space<hbm>>
        tpu.enqueue_dma source(%arg14 : memref<16x256xf32, #tpu.memory_space<vmem>>) target(%dma_start3A_62 : memref<16x256xf32, #tpu.memory_space<hbm>>) target_semaphore(%run_scoped3A : memref<!tpu.dma_semaphore, #tpu.memory_space<semaphore_mem>>)
        %dma_wait3A_63 = arith.constant 0 : i32
        %dma_wait3A_64 = tpu.memref_slice %arg5[%add3A_40, %dma_wait3A_63] : memref<10000x256xf32, #tpu.memory_space<hbm>> -> memref<16x256xf32, #tpu.memory_space<hbm>>
        %dma_wait3A_65 = arith.constant 0 : i32
        %dma_wait3A_66 = tpu.memref_slice %arg5[%add3A_40, %dma_wait3A_65] : memref<10000x256xf32, #tpu.memory_space<hbm>> -> memref<16x256xf32, #tpu.memory_space<hbm>>
        tpu.wait_dma2 semaphore(%run_scoped3A : memref<!tpu.dma_semaphore, #tpu.memory_space<semaphore_mem>>) src(%arg14 : memref<16x256xf32, #tpu.memory_space<vmem>>) dst(%dma_wait3A_66 : memref<16x256xf32, #tpu.memory_space<hbm>>)
        tpu.yield
      }) : () -> ()
    } else {
    }
    %dma_wait3A = arith.constant 0 : i32
    %dma_wait3A_26 = arith.constant 0 : i32
    %dma_wait3A_27 = tpu.memref_slice %arg5[%dma_wait3A, %dma_wait3A_26] : memref<10000x256xf32, #tpu.memory_space<hbm>> -> memref<104x256xf32, #tpu.memory_space<hbm>>
    %dma_wait3A_28 = arith.constant 0 : i32
    %dma_wait3A_29 = arith.constant 0 : i32
    %dma_wait3A_30 = tpu.memref_slice %arg5[%dma_wait3A_28, %dma_wait3A_29] : memref<10000x256xf32, #tpu.memory_space<hbm>> -> memref<104x256xf32, #tpu.memory_space<hbm>>
    tpu.wait_dma2 semaphore(%arg20 : memref<!tpu.dma_semaphore, #tpu.memory_space<semaphore_mem>>) src(%arg10 : memref<104x256xf32, #tpu.memory_space<vmem>>) dst(%dma_wait3A_30 : memref<104x256xf32, #tpu.memory_space<hbm>>)
    %dma_wait3A_31 = arith.constant 0 : i32
    %dma_wait3A_32 = arith.constant 0 : i32
    %dma_wait3A_33 = tpu.memref_slice %arg5[%dma_wait3A_31, %dma_wait3A_32] : memref<10000x256xf32, #tpu.memory_space<hbm>> -> memref<104x256xf32, #tpu.memory_space<hbm>>
    %dma_wait3A_34 = arith.constant 0 : i32
    %dma_wait3A_35 = arith.constant 0 : i32
    %dma_wait3A_36 = tpu.memref_slice %arg5[%dma_wait3A_34, %dma_wait3A_35] : memref<10000x256xf32, #tpu.memory_space<hbm>> -> memref<104x256xf32, #tpu.memory_space<hbm>>
    tpu.wait_dma2 semaphore(%arg21 : memref<!tpu.dma_semaphore, #tpu.memory_space<semaphore_mem>>) src(%arg11 : memref<104x256xf32, #tpu.memory_space<vmem>>) dst(%dma_wait3A_36 : memref<104x256xf32, #tpu.memory_space<hbm>>)
    return
  }
}

#map = affine_map<(d0, d1) -> (0, 0)>
#map1 = affine_map<(d0, d1) -> (0)>
module attributes {stable_mosaic.version = 14 : i64} {
  func.func @k(%arg0: i32, %arg1: i32, %arg2: memref<10000x128xi32, #tpu.memory_space<hbm>>, %arg3: memref<160000xi32, #tpu.memory_space<hbm>>, %arg4: memref<160000xi32, #tpu.memory_space<hbm>>, %arg5: memref<57600x128xi32, #tpu.memory_space<hbm>>, %arg6: memref<1800xi32, #tpu.memory_space<vmem>>, %arg7: memref<1800xi32, #tpu.memory_space<vmem>>, %arg8: memref<8xi32, #tpu.memory_space<vmem>>, %arg9: memref<8xi32, #tpu.memory_space<vmem>>, %arg10: memref<72x128xi32, #tpu.memory_space<vmem>>, %arg11: memref<72x128xi32, #tpu.memory_space<vmem>>, %arg12: memref<72x128xi32, #tpu.memory_space<vmem>>, %arg13: memref<72x128xi32, #tpu.memory_space<vmem>>, %arg14: memref<8x128xi32, #tpu.memory_space<vmem>>, %arg15: memref<8x128xi32, #tpu.memory_space<vmem>>, %arg16: memref<!tpu.dma_semaphore, #tpu.memory_space<semaphore_mem>>, %arg17: memref<!tpu.dma_semaphore, #tpu.memory_space<semaphore_mem>>, %arg18: memref<!tpu.dma_semaphore, #tpu.memory_space<semaphore_mem>>, %arg19: memref<!tpu.dma_semaphore, #tpu.memory_space<semaphore_mem>>, %arg20: memref<!tpu.dma_semaphore, #tpu.memory_space<semaphore_mem>>, %arg21: memref<!tpu.dma_semaphore, #tpu.memory_space<semaphore_mem>>, %arg22: memref<!tpu.dma_semaphore, #tpu.memory_space<semaphore_mem>>, %arg23: memref<!tpu.dma_semaphore, #tpu.memory_space<semaphore_mem>>) attributes {dimension_semantics = [#tpu.dimension_semantics<core_parallel>, #tpu.dimension_semantics<subcore_parallel>], iteration_bounds = array<i64: 2, 16>, scalar_prefetch = 0 : i64, scratch_operands = 18 : i64, tpu.core_type = #tpu.core_type<sc_vector_subcore>, window_params = [{transform_indices = #map}, {transform_indices = #map1}, {transform_indices = #map1}, {transform_indices = #map}]} {
    %mul3A = arith.constant 2 : i32
    %mul3A_0 = arith.muli %arg1, %mul3A : i32
    %add3A = arith.addi %mul3A_0, %arg0 : i32
    %mul3A_1 = arith.constant 1800 : i32
    %mul3A_2 = arith.muli %add3A, %mul3A_1 : i32
    %add3A_3 = arith.constant 102400 : i32
    %add3A_4 = arith.addi %add3A_3, %mul3A_2 : i32
    "tpu.region"() ({
      %run_scoped3A = tpu.sem_alloc : memref<!tpu.dma_semaphore, #tpu.memory_space<semaphore_mem>>
      %dma_start3A_37 = tpu.memref_slice %arg3[%add3A_4] : memref<160000xi32, #tpu.memory_space<hbm>> -> memref<1800xi32, #tpu.memory_space<hbm>>
      %dma_start3A_38 = tpu.memref_slice %arg3[%add3A_4] : memref<160000xi32, #tpu.memory_space<hbm>> -> memref<1800xi32, #tpu.memory_space<hbm>>
      tpu.enqueue_dma source(%dma_start3A_38 : memref<1800xi32, #tpu.memory_space<hbm>>) target(%arg6 : memref<1800xi32, #tpu.memory_space<vmem>>) target_semaphore(%run_scoped3A : memref<!tpu.dma_semaphore, #tpu.memory_space<semaphore_mem>>)
      %dma_wait3A_39 = tpu.memref_slice %arg3[%add3A_4] : memref<160000xi32, #tpu.memory_space<hbm>> -> memref<1800xi32, #tpu.memory_space<hbm>>
      %dma_wait3A_40 = tpu.memref_slice %arg3[%add3A_4] : memref<160000xi32, #tpu.memory_space<hbm>> -> memref<1800xi32, #tpu.memory_space<hbm>>
      tpu.wait_dma2 semaphore(%run_scoped3A : memref<!tpu.dma_semaphore, #tpu.memory_space<semaphore_mem>>) src(%dma_wait3A_40 : memref<1800xi32, #tpu.memory_space<hbm>>) dst(%arg6 : memref<1800xi32, #tpu.memory_space<vmem>>)
      tpu.yield
    }) : () -> ()
    "tpu.region"() ({
      %run_scoped3A = tpu.sem_alloc : memref<!tpu.dma_semaphore, #tpu.memory_space<semaphore_mem>>
      %dma_start3A_37 = tpu.memref_slice %arg4[%add3A_4] : memref<160000xi32, #tpu.memory_space<hbm>> -> memref<1800xi32, #tpu.memory_space<hbm>>
      %dma_start3A_38 = tpu.memref_slice %arg4[%add3A_4] : memref<160000xi32, #tpu.memory_space<hbm>> -> memref<1800xi32, #tpu.memory_space<hbm>>
      tpu.enqueue_dma source(%dma_start3A_38 : memref<1800xi32, #tpu.memory_space<hbm>>) target(%arg7 : memref<1800xi32, #tpu.memory_space<vmem>>) target_semaphore(%run_scoped3A : memref<!tpu.dma_semaphore, #tpu.memory_space<semaphore_mem>>)
      %dma_wait3A_39 = tpu.memref_slice %arg4[%add3A_4] : memref<160000xi32, #tpu.memory_space<hbm>> -> memref<1800xi32, #tpu.memory_space<hbm>>
      %dma_wait3A_40 = tpu.memref_slice %arg4[%add3A_4] : memref<160000xi32, #tpu.memory_space<hbm>> -> memref<1800xi32, #tpu.memory_space<hbm>>
      tpu.wait_dma2 semaphore(%run_scoped3A : memref<!tpu.dma_semaphore, #tpu.memory_space<semaphore_mem>>) src(%dma_wait3A_40 : memref<1800xi32, #tpu.memory_space<hbm>>) dst(%arg7 : memref<1800xi32, #tpu.memory_space<vmem>>)
      tpu.yield
    }) : () -> ()
    %lt3A = arith.constant 0 : i32
    %lt3A_5 = arith.cmpi slt, %add3A, %lt3A : i32
    %convert_element_type3A = arith.extui %lt3A_5 : i1 to i32
    %cond3A = arith.constant 0 : i32
    %cond3A_6 = arith.cmpi ne, %convert_element_type3A, %cond3A : i32
    scf.if %cond3A_6 {
      %mul3A_37 = arith.constant 8 : i32
      %mul3A_38 = arith.muli %add3A, %mul3A_37 : i32
      %add3A_39 = arith.constant 57600 : i32
      %add3A_40 = arith.addi %add3A_39, %mul3A_38 : i32
      %add3A_41 = arith.constant 102400 : i32
      %add3A_42 = arith.addi %add3A_41, %add3A_40 : i32
      "tpu.region"() ({
        %run_scoped3A = tpu.sem_alloc : memref<!tpu.dma_semaphore, #tpu.memory_space<semaphore_mem>>
        %dma_start3A_49 = tpu.memref_slice %arg3[%add3A_42] : memref<160000xi32, #tpu.memory_space<hbm>> -> memref<8xi32, #tpu.memory_space<hbm>>
        %dma_start3A_50 = tpu.memref_slice %arg3[%add3A_42] : memref<160000xi32, #tpu.memory_space<hbm>> -> memref<8xi32, #tpu.memory_space<hbm>>
        tpu.enqueue_dma source(%dma_start3A_50 : memref<8xi32, #tpu.memory_space<hbm>>) target(%arg8 : memref<8xi32, #tpu.memory_space<vmem>>) target_semaphore(%run_scoped3A : memref<!tpu.dma_semaphore, #tpu.memory_space<semaphore_mem>>)
        %dma_wait3A_51 = tpu.memref_slice %arg3[%add3A_42] : memref<160000xi32, #tpu.memory_space<hbm>> -> memref<8xi32, #tpu.memory_space<hbm>>
        %dma_wait3A_52 = tpu.memref_slice %arg3[%add3A_42] : memref<160000xi32, #tpu.memory_space<hbm>> -> memref<8xi32, #tpu.memory_space<hbm>>
        tpu.wait_dma2 semaphore(%run_scoped3A : memref<!tpu.dma_semaphore, #tpu.memory_space<semaphore_mem>>) src(%dma_wait3A_52 : memref<8xi32, #tpu.memory_space<hbm>>) dst(%arg8 : memref<8xi32, #tpu.memory_space<vmem>>)
        tpu.yield
      }) : () -> ()
      "tpu.region"() ({
        %run_scoped3A = tpu.sem_alloc : memref<!tpu.dma_semaphore, #tpu.memory_space<semaphore_mem>>
        %dma_start3A_49 = tpu.memref_slice %arg4[%add3A_42] : memref<160000xi32, #tpu.memory_space<hbm>> -> memref<8xi32, #tpu.memory_space<hbm>>
        %dma_start3A_50 = tpu.memref_slice %arg4[%add3A_42] : memref<160000xi32, #tpu.memory_space<hbm>> -> memref<8xi32, #tpu.memory_space<hbm>>
        tpu.enqueue_dma source(%dma_start3A_50 : memref<8xi32, #tpu.memory_space<hbm>>) target(%arg9 : memref<8xi32, #tpu.memory_space<vmem>>) target_semaphore(%run_scoped3A : memref<!tpu.dma_semaphore, #tpu.memory_space<semaphore_mem>>)
        %dma_wait3A_51 = tpu.memref_slice %arg4[%add3A_42] : memref<160000xi32, #tpu.memory_space<hbm>> -> memref<8xi32, #tpu.memory_space<hbm>>
        %dma_wait3A_52 = tpu.memref_slice %arg4[%add3A_42] : memref<160000xi32, #tpu.memory_space<hbm>> -> memref<8xi32, #tpu.memory_space<hbm>>
        tpu.wait_dma2 semaphore(%run_scoped3A : memref<!tpu.dma_semaphore, #tpu.memory_space<semaphore_mem>>) src(%dma_wait3A_52 : memref<8xi32, #tpu.memory_space<hbm>>) dst(%arg9 : memref<8xi32, #tpu.memory_space<vmem>>)
        tpu.yield
      }) : () -> ()
      %dma_start3A_43 = arith.constant 0 : i32
      %dma_start3A_44 = arith.constant 0 : i32
      %dma_start3A_45 = tpu.memref_slice %arg2[%dma_start3A_43, %dma_start3A_44] : memref<10000x128xi32, #tpu.memory_space<hbm>> -> memref<10000x128xi32, #tpu.memory_space<hbm>>
      tpu.enqueue_indirect_dma source(%dma_start3A_45 : memref<10000x128xi32, #tpu.memory_space<hbm>>) target(%arg14 : memref<8x128xi32, #tpu.memory_space<vmem>>) offsets(%arg8 : memref<8xi32, #tpu.memory_space<vmem>>) semaphore(%arg22 : memref<!tpu.dma_semaphore, #tpu.memory_space<semaphore_mem>>)
      %dma_start3A_46 = arith.constant 0 : i32
      %dma_start3A_47 = arith.constant 0 : i32
      %dma_start3A_48 = tpu.memref_slice %arg2[%dma_start3A_46, %dma_start3A_47] : memref<10000x128xi32, #tpu.memory_space<hbm>> -> memref<10000x128xi32, #tpu.memory_space<hbm>>
      tpu.enqueue_indirect_dma source(%dma_start3A_48 : memref<10000x128xi32, #tpu.memory_space<hbm>>) target(%arg15 : memref<8x128xi32, #tpu.memory_space<vmem>>) offsets(%arg9 : memref<8xi32, #tpu.memory_space<vmem>>) semaphore(%arg23 : memref<!tpu.dma_semaphore, #tpu.memory_space<semaphore_mem>>)
    } else {
    }
    %dma_start3A = arith.constant 0 : i32
    %dma_start3A_7 = tpu.memref_slice %arg6[%dma_start3A] : memref<1800xi32, #tpu.memory_space<vmem>> -> memref<72xi32, #tpu.memory_space<vmem>>
    %dma_start3A_8 = arith.constant 0 : i32
    %dma_start3A_9 = arith.constant 0 : i32
    %dma_start3A_10 = tpu.memref_slice %arg2[%dma_start3A_8, %dma_start3A_9] : memref<10000x128xi32, #tpu.memory_space<hbm>> -> memref<10000x128xi32, #tpu.memory_space<hbm>>
    tpu.enqueue_indirect_dma source(%dma_start3A_10 : memref<10000x128xi32, #tpu.memory_space<hbm>>) target(%arg10 : memref<72x128xi32, #tpu.memory_space<vmem>>) offsets(%dma_start3A_7 : memref<72xi32, #tpu.memory_space<vmem>>) semaphore(%arg16 : memref<!tpu.dma_semaphore, #tpu.memory_space<semaphore_mem>>)
    %dma_start3A_11 = arith.constant 0 : i32
    %dma_start3A_12 = tpu.memref_slice %arg7[%dma_start3A_11] : memref<1800xi32, #tpu.memory_space<vmem>> -> memref<72xi32, #tpu.memory_space<vmem>>
    %dma_start3A_13 = arith.constant 0 : i32
    %dma_start3A_14 = arith.constant 0 : i32
    %dma_start3A_15 = tpu.memref_slice %arg2[%dma_start3A_13, %dma_start3A_14] : memref<10000x128xi32, #tpu.memory_space<hbm>> -> memref<10000x128xi32, #tpu.memory_space<hbm>>
    tpu.enqueue_indirect_dma source(%dma_start3A_15 : memref<10000x128xi32, #tpu.memory_space<hbm>>) target(%arg12 : memref<72x128xi32, #tpu.memory_space<vmem>>) offsets(%dma_start3A_12 : memref<72xi32, #tpu.memory_space<vmem>>) semaphore(%arg18 : memref<!tpu.dma_semaphore, #tpu.memory_space<semaphore_mem>>)
    %scan3A = arith.constant 0 : i32
    %scan3A_16 = arith.constant 0 : i32
    %scan3A_17 = arith.constant 13 : i32
    %scan3A_18 = arith.addi %scan3A_16, %scan3A_17 : i32
    %scan3A_19 = arith.constant 1 : i32
    scf.for %scan3A_37 = %scan3A_16 to %scan3A_18 step %scan3A_19  : i32 {
      %mul3A_38 = arith.constant 2 : i32
      %mul3A_39 = arith.muli %scan3A_37, %mul3A_38 : i32
      %dma_wait3A_40 = arith.constant 0 : i32
      %dma_wait3A_41 = arith.constant 0 : i32
      %dma_wait3A_42 = tpu.memref_slice %arg2[%dma_wait3A_40, %dma_wait3A_41] : memref<10000x128xi32, #tpu.memory_space<hbm>> -> memref<72x128xi32, #tpu.memory_space<hbm>>
      %dma_wait3A_43 = arith.constant 0 : i32
      %dma_wait3A_44 = arith.constant 0 : i32
      %dma_wait3A_45 = tpu.memref_slice %arg2[%dma_wait3A_43, %dma_wait3A_44] : memref<10000x128xi32, #tpu.memory_space<hbm>> -> memref<72x128xi32, #tpu.memory_space<hbm>>
      tpu.wait_dma2 semaphore(%arg16 : memref<!tpu.dma_semaphore, #tpu.memory_space<semaphore_mem>>) src(%dma_wait3A_45 : memref<72x128xi32, #tpu.memory_space<hbm>>) dst(%arg10 : memref<72x128xi32, #tpu.memory_space<vmem>>)
      %dma_wait3A_46 = arith.constant 0 : i32
      %dma_wait3A_47 = arith.constant 0 : i32
      %dma_wait3A_48 = tpu.memref_slice %arg2[%dma_wait3A_46, %dma_wait3A_47] : memref<10000x128xi32, #tpu.memory_space<hbm>> -> memref<72x128xi32, #tpu.memory_space<hbm>>
      %dma_wait3A_49 = arith.constant 0 : i32
      %dma_wait3A_50 = arith.constant 0 : i32
      %dma_wait3A_51 = tpu.memref_slice %arg2[%dma_wait3A_49, %dma_wait3A_50] : memref<10000x128xi32, #tpu.memory_space<hbm>> -> memref<72x128xi32, #tpu.memory_space<hbm>>
      tpu.wait_dma2 semaphore(%arg18 : memref<!tpu.dma_semaphore, #tpu.memory_space<semaphore_mem>>) src(%dma_wait3A_51 : memref<72x128xi32, #tpu.memory_space<hbm>>) dst(%arg12 : memref<72x128xi32, #tpu.memory_space<vmem>>)
      %add3A_52 = arith.constant 1 : i32
      %add3A_53 = arith.addi %mul3A_39, %add3A_52 : i32
      %lt3A_54 = arith.constant 25 : i32
      %lt3A_55 = arith.cmpi slt, %add3A_53, %lt3A_54 : i32
      %convert_element_type3A_56 = arith.extui %lt3A_55 : i1 to i32
      %cond3A_57 = arith.constant 0 : i32
      %cond3A_58 = arith.cmpi ne, %convert_element_type3A_56, %cond3A_57 : i32
      scf.if %cond3A_58 {
        %ge3A = arith.constant 1 : i32
        %ge3A_79 = arith.cmpi sge, %mul3A_39, %ge3A : i32
        %convert_element_type3A_80 = arith.extui %ge3A_79 : i1 to i32
        %cond3A_81 = arith.constant 0 : i32
        %cond3A_82 = arith.cmpi ne, %convert_element_type3A_80, %cond3A_81 : i32
        scf.if %cond3A_82 {
          %dma_wait3A_99 = arith.constant 0 : i32
          %dma_wait3A_100 = arith.constant 0 : i32
          %dma_wait3A_101 = tpu.memref_slice %arg5[%dma_wait3A_99, %dma_wait3A_100] : memref<57600x128xi32, #tpu.memory_space<hbm>> -> memref<72x128xi32, #tpu.memory_space<hbm>>
          %dma_wait3A_102 = arith.constant 0 : i32
          %dma_wait3A_103 = arith.constant 0 : i32
          %dma_wait3A_104 = tpu.memref_slice %arg5[%dma_wait3A_102, %dma_wait3A_103] : memref<57600x128xi32, #tpu.memory_space<hbm>> -> memref<72x128xi32, #tpu.memory_space<hbm>>
          tpu.wait_dma2 semaphore(%arg21 : memref<!tpu.dma_semaphore, #tpu.memory_space<semaphore_mem>>) src(%arg11 : memref<72x128xi32, #tpu.memory_space<vmem>>) dst(%dma_wait3A_104 : memref<72x128xi32, #tpu.memory_space<hbm>>)
        } else {
        }
        %add3A_83 = arith.constant 1 : i32
        %add3A_84 = arith.addi %mul3A_39, %add3A_83 : i32
        %mul3A_85 = arith.constant 72 : i32
        %mul3A_86 = arith.muli %add3A_84, %mul3A_85 : i32
        %dma_start3A_87 = tpu.memref_slice %arg6[%mul3A_86] : memref<1800xi32, #tpu.memory_space<vmem>> -> memref<72xi32, #tpu.memory_space<vmem>>
        %dma_start3A_88 = arith.constant 0 : i32
        %dma_start3A_89 = arith.constant 0 : i32
        %dma_start3A_90 = tpu.memref_slice %arg2[%dma_start3A_88, %dma_start3A_89] : memref<10000x128xi32, #tpu.memory_space<hbm>> -> memref<10000x128xi32, #tpu.memory_space<hbm>>
        tpu.enqueue_indirect_dma source(%dma_start3A_90 : memref<10000x128xi32, #tpu.memory_space<hbm>>) target(%arg11 : memref<72x128xi32, #tpu.memory_space<vmem>>) offsets(%dma_start3A_87 : memref<72xi32, #tpu.memory_space<vmem>>) semaphore(%arg17 : memref<!tpu.dma_semaphore, #tpu.memory_space<semaphore_mem>>)
        %add3A_91 = arith.constant 1 : i32
        %add3A_92 = arith.addi %mul3A_39, %add3A_91 : i32
        %mul3A_93 = arith.constant 72 : i32
        %mul3A_94 = arith.muli %add3A_92, %mul3A_93 : i32
        %dma_start3A_95 = tpu.memref_slice %arg7[%mul3A_94] : memref<1800xi32, #tpu.memory_space<vmem>> -> memref<72xi32, #tpu.memory_space<vmem>>
        %dma_start3A_96 = arith.constant 0 : i32
        %dma_start3A_97 = arith.constant 0 : i32
        %dma_start3A_98 = tpu.memref_slice %arg2[%dma_start3A_96, %dma_start3A_97] : memref<10000x128xi32, #tpu.memory_space<hbm>> -> memref<10000x128xi32, #tpu.memory_space<hbm>>
        tpu.enqueue_indirect_dma source(%dma_start3A_98 : memref<10000x128xi32, #tpu.memory_space<hbm>>) target(%arg13 : memref<72x128xi32, #tpu.memory_space<vmem>>) offsets(%dma_start3A_95 : memref<72xi32, #tpu.memory_space<vmem>>) semaphore(%arg19 : memref<!tpu.dma_semaphore, #tpu.memory_space<semaphore_mem>>)
      } else {
      }
      %scan3A_59 = arith.constant 0 : i32
      %scan3A_60 = arith.constant 0 : i32
      %scan3A_61 = arith.constant 72 : i32
      %scan3A_62 = arith.addi %scan3A_60, %scan3A_61 : i32
      %scan3A_63 = arith.constant 1 : i32
      scf.for %scan3A_79 = %scan3A_60 to %scan3A_62 step %scan3A_63  : i32 {
        %get3A = arith.index_cast %scan3A_79 : i32 to index
        %get3A_80 = arith.constant 0 : index
        %get3A_81 = tpu.vector_load %arg10[%get3A, %get3A_80] {strides = array<i32>} : memref<72x128xi32, #tpu.memory_space<vmem>>, vector<1x16xi32>,
        %get3A_82 = vector.shape_cast %get3A_81 : vector<1x16xi32> to vector<16xi32>
        %get3A_83 = arith.index_cast %scan3A_79 : i32 to index
        %get3A_84 = arith.constant 0 : index
        %get3A_85 = tpu.vector_load %arg12[%get3A_83, %get3A_84] {strides = array<i32>} : memref<72x128xi32, #tpu.memory_space<vmem>>, vector<1x16xi32>,
        %get3A_86 = vector.shape_cast %get3A_85 : vector<1x16xi32> to vector<16xi32>
        %shift_left3A = arith.constant 16 : i32
        %shift_left3A_87 = vector.broadcast %shift_left3A : i32 to vector<16xi32>
        %shift_left3A_88 = arith.shli %get3A_82, %shift_left3A_87 : vector<16xi32>
        %bitcast_convert_type3A = tpu.bitcast %shift_left3A_88 : vector<16xi32> -> vector<16xf32>
        %and3A = arith.constant -65536 : i32
        %and3A_89 = vector.broadcast %and3A : i32 to vector<16xi32>
        %and3A_90 = arith.andi %get3A_82, %and3A_89 : vector<16xi32>
        %bitcast_convert_type3A_91 = tpu.bitcast %and3A_90 : vector<16xi32> -> vector<16xf32>
        %shift_left3A_92 = arith.constant 16 : i32
        %shift_left3A_93 = vector.broadcast %shift_left3A_92 : i32 to vector<16xi32>
        %shift_left3A_94 = arith.shli %get3A_86, %shift_left3A_93 : vector<16xi32>
        %bitcast_convert_type3A_95 = tpu.bitcast %shift_left3A_94 : vector<16xi32> -> vector<16xf32>
        %and3A_96 = arith.constant -65536 : i32
        %and3A_97 = vector.broadcast %and3A_96 : i32 to vector<16xi32>
        %and3A_98 = arith.andi %get3A_86, %and3A_97 : vector<16xi32>
        %bitcast_convert_type3A_99 = tpu.bitcast %and3A_98 : vector<16xi32> -> vector<16xf32>
        %add3A_100 = arith.addf %bitcast_convert_type3A, %bitcast_convert_type3A_95 : vector<16xf32>
        %bitcast_convert_type3A_101 = tpu.bitcast %add3A_100 : vector<16xf32> -> vector<16xi32>
        %add3A_102 = arith.constant 32768 : i32
        %add3A_103 = vector.broadcast %add3A_102 : i32 to vector<16xi32>
        %add3A_104 = arith.addi %bitcast_convert_type3A_101, %add3A_103 : vector<16xi32>
        %add3A_105 = arith.addf %bitcast_convert_type3A_91, %bitcast_convert_type3A_99 : vector<16xf32>
        %bitcast_convert_type3A_106 = tpu.bitcast %add3A_105 : vector<16xf32> -> vector<16xi32>
        %add3A_107 = arith.constant 32768 : i32
        %add3A_108 = vector.broadcast %add3A_107 : i32 to vector<16xi32>
        %add3A_109 = arith.addi %bitcast_convert_type3A_106, %add3A_108 : vector<16xi32>
        %and3A_110 = arith.constant -65536 : i32
        %and3A_111 = vector.broadcast %and3A_110 : i32 to vector<16xi32>
        %and3A_112 = arith.andi %add3A_109, %and3A_111 : vector<16xi32>
        %shift_right_arithmetic3A = arith.constant 16 : i32
        %shift_right_arithmetic3A_113 = vector.broadcast %shift_right_arithmetic3A : i32 to vector<16xi32>
        %shift_right_arithmetic3A_114 = arith.shrsi %add3A_104, %shift_right_arithmetic3A_113 : vector<16xi32>
        %and3A_115 = arith.constant 65535 : i32
        %and3A_116 = vector.broadcast %and3A_115 : i32 to vector<16xi32>
        %and3A_117 = arith.andi %shift_right_arithmetic3A_114, %and3A_116 : vector<16xi32>
        %or3A = arith.ori %and3A_112, %and3A_117 : vector<16xi32>
        %swap3A = arith.index_cast %scan3A_79 : i32 to index
        %swap3A_118 = arith.constant 0 : index
        %swap3A_119 = tpu.vector_load %arg10[%swap3A, %swap3A_118] {strides = array<i32>} : memref<72x128xi32, #tpu.memory_space<vmem>>, vector<1x16xi32>,
        %swap3A_120 = vector.shape_cast %swap3A_119 : vector<1x16xi32> to vector<16xi32>
        %swap3A_121 = vector.shape_cast %or3A : vector<16xi32> to vector<1x16xi32>
        tpu.vector_store %arg10[%swap3A, %swap3A_118], %swap3A_121 {strides = array<i32>} : memref<72x128xi32, #tpu.memory_space<vmem>>, vector<1x16xi32>,
        %get3A_122 = arith.index_cast %scan3A_79 : i32 to index
        %get3A_123 = arith.constant 16 : index
        %get3A_124 = tpu.vector_load %arg10[%get3A_122, %get3A_123] {strides = array<i32>} : memref<72x128xi32, #tpu.memory_space<vmem>>, vector<1x16xi32>,
        %get3A_125 = vector.shape_cast %get3A_124 : vector<1x16xi32> to vector<16xi32>
        %get3A_126 = arith.index_cast %scan3A_79 : i32 to index
        %get3A_127 = arith.constant 16 : index
        %get3A_128 = tpu.vector_load %arg12[%get3A_126, %get3A_127] {strides = array<i32>} : memref<72x128xi32, #tpu.memory_space<vmem>>, vector<1x16xi32>,
        %get3A_129 = vector.shape_cast %get3A_128 : vector<1x16xi32> to vector<16xi32>
        %shift_left3A_130 = arith.constant 16 : i32
        %shift_left3A_131 = vector.broadcast %shift_left3A_130 : i32 to vector<16xi32>
        %shift_left3A_132 = arith.shli %get3A_125, %shift_left3A_131 : vector<16xi32>
        %bitcast_convert_type3A_133 = tpu.bitcast %shift_left3A_132 : vector<16xi32> -> vector<16xf32>
        %and3A_134 = arith.constant -65536 : i32
        %and3A_135 = vector.broadcast %and3A_134 : i32 to vector<16xi32>
        %and3A_136 = arith.andi %get3A_125, %and3A_135 : vector<16xi32>
        %bitcast_convert_type3A_137 = tpu.bitcast %and3A_136 : vector<16xi32> -> vector<16xf32>
        %shift_left3A_138 = arith.constant 16 : i32
        %shift_left3A_139 = vector.broadcast %shift_left3A_138 : i32 to vector<16xi32>
        %shift_left3A_140 = arith.shli %get3A_129, %shift_left3A_139 : vector<16xi32>
        %bitcast_convert_type3A_141 = tpu.bitcast %shift_left3A_140 : vector<16xi32> -> vector<16xf32>
        %and3A_142 = arith.constant -65536 : i32
        %and3A_143 = vector.broadcast %and3A_142 : i32 to vector<16xi32>
        %and3A_144 = arith.andi %get3A_129, %and3A_143 : vector<16xi32>
        %bitcast_convert_type3A_145 = tpu.bitcast %and3A_144 : vector<16xi32> -> vector<16xf32>
        %add3A_146 = arith.addf %bitcast_convert_type3A_133, %bitcast_convert_type3A_141 : vector<16xf32>
        %bitcast_convert_type3A_147 = tpu.bitcast %add3A_146 : vector<16xf32> -> vector<16xi32>
        %add3A_148 = arith.constant 32768 : i32
        %add3A_149 = vector.broadcast %add3A_148 : i32 to vector<16xi32>
        %add3A_150 = arith.addi %bitcast_convert_type3A_147, %add3A_149 : vector<16xi32>
        %add3A_151 = arith.addf %bitcast_convert_type3A_137, %bitcast_convert_type3A_145 : vector<16xf32>
        %bitcast_convert_type3A_152 = tpu.bitcast %add3A_151 : vector<16xf32> -> vector<16xi32>
        %add3A_153 = arith.constant 32768 : i32
        %add3A_154 = vector.broadcast %add3A_153 : i32 to vector<16xi32>
        %add3A_155 = arith.addi %bitcast_convert_type3A_152, %add3A_154 : vector<16xi32>
        %and3A_156 = arith.constant -65536 : i32
        %and3A_157 = vector.broadcast %and3A_156 : i32 to vector<16xi32>
        %and3A_158 = arith.andi %add3A_155, %and3A_157 : vector<16xi32>
        %shift_right_arithmetic3A_159 = arith.constant 16 : i32
        %shift_right_arithmetic3A_160 = vector.broadcast %shift_right_arithmetic3A_159 : i32 to vector<16xi32>
        %shift_right_arithmetic3A_161 = arith.shrsi %add3A_150, %shift_right_arithmetic3A_160 : vector<16xi32>
        %and3A_162 = arith.constant 65535 : i32
        %and3A_163 = vector.broadcast %and3A_162 : i32 to vector<16xi32>
        %and3A_164 = arith.andi %shift_right_arithmetic3A_161, %and3A_163 : vector<16xi32>
        %or3A_165 = arith.ori %and3A_158, %and3A_164 : vector<16xi32>
        %swap3A_166 = arith.index_cast %scan3A_79 : i32 to index
        %swap3A_167 = arith.constant 16 : index
        %swap3A_168 = tpu.vector_load %arg10[%swap3A_166, %swap3A_167] {strides = array<i32>} : memref<72x128xi32, #tpu.memory_space<vmem>>, vector<1x16xi32>,
        %swap3A_169 = vector.shape_cast %swap3A_168 : vector<1x16xi32> to vector<16xi32>
        %swap3A_170 = vector.shape_cast %or3A_165 : vector<16xi32> to vector<1x16xi32>
        tpu.vector_store %arg10[%swap3A_166, %swap3A_167], %swap3A_170 {strides = array<i32>} : memref<72x128xi32, #tpu.memory_space<vmem>>, vector<1x16xi32>,
        %get3A_171 = arith.index_cast %scan3A_79 : i32 to index
        %get3A_172 = arith.constant 32 : index
        %get3A_173 = tpu.vector_load %arg10[%get3A_171, %get3A_172] {strides = array<i32>} : memref<72x128xi32, #tpu.memory_space<vmem>>, vector<1x16xi32>,
        %get3A_174 = vector.shape_cast %get3A_173 : vector<1x16xi32> to vector<16xi32>
        %get3A_175 = arith.index_cast %scan3A_79 : i32 to index
        %get3A_176 = arith.constant 32 : index
        %get3A_177 = tpu.vector_load %arg12[%get3A_175, %get3A_176] {strides = array<i32>} : memref<72x128xi32, #tpu.memory_space<vmem>>, vector<1x16xi32>,
        %get3A_178 = vector.shape_cast %get3A_177 : vector<1x16xi32> to vector<16xi32>
        %shift_left3A_179 = arith.constant 16 : i32
        %shift_left3A_180 = vector.broadcast %shift_left3A_179 : i32 to vector<16xi32>
        %shift_left3A_181 = arith.shli %get3A_174, %shift_left3A_180 : vector<16xi32>
        %bitcast_convert_type3A_182 = tpu.bitcast %shift_left3A_181 : vector<16xi32> -> vector<16xf32>
        %and3A_183 = arith.constant -65536 : i32
        %and3A_184 = vector.broadcast %and3A_183 : i32 to vector<16xi32>
        %and3A_185 = arith.andi %get3A_174, %and3A_184 : vector<16xi32>
        %bitcast_convert_type3A_186 = tpu.bitcast %and3A_185 : vector<16xi32> -> vector<16xf32>
        %shift_left3A_187 = arith.constant 16 : i32
        %shift_left3A_188 = vector.broadcast %shift_left3A_187 : i32 to vector<16xi32>
        %shift_left3A_189 = arith.shli %get3A_178, %shift_left3A_188 : vector<16xi32>
        %bitcast_convert_type3A_190 = tpu.bitcast %shift_left3A_189 : vector<16xi32> -> vector<16xf32>
        %and3A_191 = arith.constant -65536 : i32
        %and3A_192 = vector.broadcast %and3A_191 : i32 to vector<16xi32>
        %and3A_193 = arith.andi %get3A_178, %and3A_192 : vector<16xi32>
        %bitcast_convert_type3A_194 = tpu.bitcast %and3A_193 : vector<16xi32> -> vector<16xf32>
        %add3A_195 = arith.addf %bitcast_convert_type3A_182, %bitcast_convert_type3A_190 : vector<16xf32>
        %bitcast_convert_type3A_196 = tpu.bitcast %add3A_195 : vector<16xf32> -> vector<16xi32>
        %add3A_197 = arith.constant 32768 : i32
        %add3A_198 = vector.broadcast %add3A_197 : i32 to vector<16xi32>
        %add3A_199 = arith.addi %bitcast_convert_type3A_196, %add3A_198 : vector<16xi32>
        %add3A_200 = arith.addf %bitcast_convert_type3A_186, %bitcast_convert_type3A_194 : vector<16xf32>
        %bitcast_convert_type3A_201 = tpu.bitcast %add3A_200 : vector<16xf32> -> vector<16xi32>
        %add3A_202 = arith.constant 32768 : i32
        %add3A_203 = vector.broadcast %add3A_202 : i32 to vector<16xi32>
        %add3A_204 = arith.addi %bitcast_convert_type3A_201, %add3A_203 : vector<16xi32>
        %and3A_205 = arith.constant -65536 : i32
        %and3A_206 = vector.broadcast %and3A_205 : i32 to vector<16xi32>
        %and3A_207 = arith.andi %add3A_204, %and3A_206 : vector<16xi32>
        %shift_right_arithmetic3A_208 = arith.constant 16 : i32
        %shift_right_arithmetic3A_209 = vector.broadcast %shift_right_arithmetic3A_208 : i32 to vector<16xi32>
        %shift_right_arithmetic3A_210 = arith.shrsi %add3A_199, %shift_right_arithmetic3A_209 : vector<16xi32>
        %and3A_211 = arith.constant 65535 : i32
        %and3A_212 = vector.broadcast %and3A_211 : i32 to vector<16xi32>
        %and3A_213 = arith.andi %shift_right_arithmetic3A_210, %and3A_212 : vector<16xi32>
        %or3A_214 = arith.ori %and3A_207, %and3A_213 : vector<16xi32>
        %swap3A_215 = arith.index_cast %scan3A_79 : i32 to index
        %swap3A_216 = arith.constant 32 : index
        %swap3A_217 = tpu.vector_load %arg10[%swap3A_215, %swap3A_216] {strides = array<i32>} : memref<72x128xi32, #tpu.memory_space<vmem>>, vector<1x16xi32>,
        %swap3A_218 = vector.shape_cast %swap3A_217 : vector<1x16xi32> to vector<16xi32>
        %swap3A_219 = vector.shape_cast %or3A_214 : vector<16xi32> to vector<1x16xi32>
        tpu.vector_store %arg10[%swap3A_215, %swap3A_216], %swap3A_219 {strides = array<i32>} : memref<72x128xi32, #tpu.memory_space<vmem>>, vector<1x16xi32>,
        %get3A_220 = arith.index_cast %scan3A_79 : i32 to index
        %get3A_221 = arith.constant 48 : index
        %get3A_222 = tpu.vector_load %arg10[%get3A_220, %get3A_221] {strides = array<i32>} : memref<72x128xi32, #tpu.memory_space<vmem>>, vector<1x16xi32>,
        %get3A_223 = vector.shape_cast %get3A_222 : vector<1x16xi32> to vector<16xi32>
        %get3A_224 = arith.index_cast %scan3A_79 : i32 to index
        %get3A_225 = arith.constant 48 : index
        %get3A_226 = tpu.vector_load %arg12[%get3A_224, %get3A_225] {strides = array<i32>} : memref<72x128xi32, #tpu.memory_space<vmem>>, vector<1x16xi32>,
        %get3A_227 = vector.shape_cast %get3A_226 : vector<1x16xi32> to vector<16xi32>
        %shift_left3A_228 = arith.constant 16 : i32
        %shift_left3A_229 = vector.broadcast %shift_left3A_228 : i32 to vector<16xi32>
        %shift_left3A_230 = arith.shli %get3A_223, %shift_left3A_229 : vector<16xi32>
        %bitcast_convert_type3A_231 = tpu.bitcast %shift_left3A_230 : vector<16xi32> -> vector<16xf32>
        %and3A_232 = arith.constant -65536 : i32
        %and3A_233 = vector.broadcast %and3A_232 : i32 to vector<16xi32>
        %and3A_234 = arith.andi %get3A_223, %and3A_233 : vector<16xi32>
        %bitcast_convert_type3A_235 = tpu.bitcast %and3A_234 : vector<16xi32> -> vector<16xf32>
        %shift_left3A_236 = arith.constant 16 : i32
        %shift_left3A_237 = vector.broadcast %shift_left3A_236 : i32 to vector<16xi32>
        %shift_left3A_238 = arith.shli %get3A_227, %shift_left3A_237 : vector<16xi32>
        %bitcast_convert_type3A_239 = tpu.bitcast %shift_left3A_238 : vector<16xi32> -> vector<16xf32>
        %and3A_240 = arith.constant -65536 : i32
        %and3A_241 = vector.broadcast %and3A_240 : i32 to vector<16xi32>
        %and3A_242 = arith.andi %get3A_227, %and3A_241 : vector<16xi32>
        %bitcast_convert_type3A_243 = tpu.bitcast %and3A_242 : vector<16xi32> -> vector<16xf32>
        %add3A_244 = arith.addf %bitcast_convert_type3A_231, %bitcast_convert_type3A_239 : vector<16xf32>
        %bitcast_convert_type3A_245 = tpu.bitcast %add3A_244 : vector<16xf32> -> vector<16xi32>
        %add3A_246 = arith.constant 32768 : i32
        %add3A_247 = vector.broadcast %add3A_246 : i32 to vector<16xi32>
        %add3A_248 = arith.addi %bitcast_convert_type3A_245, %add3A_247 : vector<16xi32>
        %add3A_249 = arith.addf %bitcast_convert_type3A_235, %bitcast_convert_type3A_243 : vector<16xf32>
        %bitcast_convert_type3A_250 = tpu.bitcast %add3A_249 : vector<16xf32> -> vector<16xi32>
        %add3A_251 = arith.constant 32768 : i32
        %add3A_252 = vector.broadcast %add3A_251 : i32 to vector<16xi32>
        %add3A_253 = arith.addi %bitcast_convert_type3A_250, %add3A_252 : vector<16xi32>
        %and3A_254 = arith.constant -65536 : i32
        %and3A_255 = vector.broadcast %and3A_254 : i32 to vector<16xi32>
        %and3A_256 = arith.andi %add3A_253, %and3A_255 : vector<16xi32>
        %shift_right_arithmetic3A_257 = arith.constant 16 : i32
        %shift_right_arithmetic3A_258 = vector.broadcast %shift_right_arithmetic3A_257 : i32 to vector<16xi32>
        %shift_right_arithmetic3A_259 = arith.shrsi %add3A_248, %shift_right_arithmetic3A_258 : vector<16xi32>
        %and3A_260 = arith.constant 65535 : i32
        %and3A_261 = vector.broadcast %and3A_260 : i32 to vector<16xi32>
        %and3A_262 = arith.andi %shift_right_arithmetic3A_259, %and3A_261 : vector<16xi32>
        %or3A_263 = arith.ori %and3A_256, %and3A_262 : vector<16xi32>
        %swap3A_264 = arith.index_cast %scan3A_79 : i32 to index
        %swap3A_265 = arith.constant 48 : index
        %swap3A_266 = tpu.vector_load %arg10[%swap3A_264, %swap3A_265] {strides = array<i32>} : memref<72x128xi32, #tpu.memory_space<vmem>>, vector<1x16xi32>,
        %swap3A_267 = vector.shape_cast %swap3A_266 : vector<1x16xi32> to vector<16xi32>
        %swap3A_268 = vector.shape_cast %or3A_263 : vector<16xi32> to vector<1x16xi32>
        tpu.vector_store %arg10[%swap3A_264, %swap3A_265], %swap3A_268 {strides = array<i32>} : memref<72x128xi32, #tpu.memory_space<vmem>>, vector<1x16xi32>,
        %get3A_269 = arith.index_cast %scan3A_79 : i32 to index
        %get3A_270 = arith.constant 64 : index
        %get3A_271 = tpu.vector_load %arg10[%get3A_269, %get3A_270] {strides = array<i32>} : memref<72x128xi32, #tpu.memory_space<vmem>>, vector<1x16xi32>,
        %get3A_272 = vector.shape_cast %get3A_271 : vector<1x16xi32> to vector<16xi32>
        %get3A_273 = arith.index_cast %scan3A_79 : i32 to index
        %get3A_274 = arith.constant 64 : index
        %get3A_275 = tpu.vector_load %arg12[%get3A_273, %get3A_274] {strides = array<i32>} : memref<72x128xi32, #tpu.memory_space<vmem>>, vector<1x16xi32>,
        %get3A_276 = vector.shape_cast %get3A_275 : vector<1x16xi32> to vector<16xi32>
        %shift_left3A_277 = arith.constant 16 : i32
        %shift_left3A_278 = vector.broadcast %shift_left3A_277 : i32 to vector<16xi32>
        %shift_left3A_279 = arith.shli %get3A_272, %shift_left3A_278 : vector<16xi32>
        %bitcast_convert_type3A_280 = tpu.bitcast %shift_left3A_279 : vector<16xi32> -> vector<16xf32>
        %and3A_281 = arith.constant -65536 : i32
        %and3A_282 = vector.broadcast %and3A_281 : i32 to vector<16xi32>
        %and3A_283 = arith.andi %get3A_272, %and3A_282 : vector<16xi32>
        %bitcast_convert_type3A_284 = tpu.bitcast %and3A_283 : vector<16xi32> -> vector<16xf32>
        %shift_left3A_285 = arith.constant 16 : i32
        %shift_left3A_286 = vector.broadcast %shift_left3A_285 : i32 to vector<16xi32>
        %shift_left3A_287 = arith.shli %get3A_276, %shift_left3A_286 : vector<16xi32>
        %bitcast_convert_type3A_288 = tpu.bitcast %shift_left3A_287 : vector<16xi32> -> vector<16xf32>
        %and3A_289 = arith.constant -65536 : i32
        %and3A_290 = vector.broadcast %and3A_289 : i32 to vector<16xi32>
        %and3A_291 = arith.andi %get3A_276, %and3A_290 : vector<16xi32>
        %bitcast_convert_type3A_292 = tpu.bitcast %and3A_291 : vector<16xi32> -> vector<16xf32>
        %add3A_293 = arith.addf %bitcast_convert_type3A_280, %bitcast_convert_type3A_288 : vector<16xf32>
        %bitcast_convert_type3A_294 = tpu.bitcast %add3A_293 : vector<16xf32> -> vector<16xi32>
        %add3A_295 = arith.constant 32768 : i32
        %add3A_296 = vector.broadcast %add3A_295 : i32 to vector<16xi32>
        %add3A_297 = arith.addi %bitcast_convert_type3A_294, %add3A_296 : vector<16xi32>
        %add3A_298 = arith.addf %bitcast_convert_type3A_284, %bitcast_convert_type3A_292 : vector<16xf32>
        %bitcast_convert_type3A_299 = tpu.bitcast %add3A_298 : vector<16xf32> -> vector<16xi32>
        %add3A_300 = arith.constant 32768 : i32
        %add3A_301 = vector.broadcast %add3A_300 : i32 to vector<16xi32>
        %add3A_302 = arith.addi %bitcast_convert_type3A_299, %add3A_301 : vector<16xi32>
        %and3A_303 = arith.constant -65536 : i32
        %and3A_304 = vector.broadcast %and3A_303 : i32 to vector<16xi32>
        %and3A_305 = arith.andi %add3A_302, %and3A_304 : vector<16xi32>
        %shift_right_arithmetic3A_306 = arith.constant 16 : i32
        %shift_right_arithmetic3A_307 = vector.broadcast %shift_right_arithmetic3A_306 : i32 to vector<16xi32>
        %shift_right_arithmetic3A_308 = arith.shrsi %add3A_297, %shift_right_arithmetic3A_307 : vector<16xi32>
        %and3A_309 = arith.constant 65535 : i32
        %and3A_310 = vector.broadcast %and3A_309 : i32 to vector<16xi32>
        %and3A_311 = arith.andi %shift_right_arithmetic3A_308, %and3A_310 : vector<16xi32>
        %or3A_312 = arith.ori %and3A_305, %and3A_311 : vector<16xi32>
        %swap3A_313 = arith.index_cast %scan3A_79 : i32 to index
        %swap3A_314 = arith.constant 64 : index
        %swap3A_315 = tpu.vector_load %arg10[%swap3A_313, %swap3A_314] {strides = array<i32>} : memref<72x128xi32, #tpu.memory_space<vmem>>, vector<1x16xi32>,
        %swap3A_316 = vector.shape_cast %swap3A_315 : vector<1x16xi32> to vector<16xi32>
        %swap3A_317 = vector.shape_cast %or3A_312 : vector<16xi32> to vector<1x16xi32>
        tpu.vector_store %arg10[%swap3A_313, %swap3A_314], %swap3A_317 {strides = array<i32>} : memref<72x128xi32, #tpu.memory_space<vmem>>, vector<1x16xi32>,
        %get3A_318 = arith.index_cast %scan3A_79 : i32 to index
        %get3A_319 = arith.constant 80 : index
        %get3A_320 = tpu.vector_load %arg10[%get3A_318, %get3A_319] {strides = array<i32>} : memref<72x128xi32, #tpu.memory_space<vmem>>, vector<1x16xi32>,
        %get3A_321 = vector.shape_cast %get3A_320 : vector<1x16xi32> to vector<16xi32>
        %get3A_322 = arith.index_cast %scan3A_79 : i32 to index
        %get3A_323 = arith.constant 80 : index
        %get3A_324 = tpu.vector_load %arg12[%get3A_322, %get3A_323] {strides = array<i32>} : memref<72x128xi32, #tpu.memory_space<vmem>>, vector<1x16xi32>,
        %get3A_325 = vector.shape_cast %get3A_324 : vector<1x16xi32> to vector<16xi32>
        %shift_left3A_326 = arith.constant 16 : i32
        %shift_left3A_327 = vector.broadcast %shift_left3A_326 : i32 to vector<16xi32>
        %shift_left3A_328 = arith.shli %get3A_321, %shift_left3A_327 : vector<16xi32>
        %bitcast_convert_type3A_329 = tpu.bitcast %shift_left3A_328 : vector<16xi32> -> vector<16xf32>
        %and3A_330 = arith.constant -65536 : i32
        %and3A_331 = vector.broadcast %and3A_330 : i32 to vector<16xi32>
        %and3A_332 = arith.andi %get3A_321, %and3A_331 : vector<16xi32>
        %bitcast_convert_type3A_333 = tpu.bitcast %and3A_332 : vector<16xi32> -> vector<16xf32>
        %shift_left3A_334 = arith.constant 16 : i32
        %shift_left3A_335 = vector.broadcast %shift_left3A_334 : i32 to vector<16xi32>
        %shift_left3A_336 = arith.shli %get3A_325, %shift_left3A_335 : vector<16xi32>
        %bitcast_convert_type3A_337 = tpu.bitcast %shift_left3A_336 : vector<16xi32> -> vector<16xf32>
        %and3A_338 = arith.constant -65536 : i32
        %and3A_339 = vector.broadcast %and3A_338 : i32 to vector<16xi32>
        %and3A_340 = arith.andi %get3A_325, %and3A_339 : vector<16xi32>
        %bitcast_convert_type3A_341 = tpu.bitcast %and3A_340 : vector<16xi32> -> vector<16xf32>
        %add3A_342 = arith.addf %bitcast_convert_type3A_329, %bitcast_convert_type3A_337 : vector<16xf32>
        %bitcast_convert_type3A_343 = tpu.bitcast %add3A_342 : vector<16xf32> -> vector<16xi32>
        %add3A_344 = arith.constant 32768 : i32
        %add3A_345 = vector.broadcast %add3A_344 : i32 to vector<16xi32>
        %add3A_346 = arith.addi %bitcast_convert_type3A_343, %add3A_345 : vector<16xi32>
        %add3A_347 = arith.addf %bitcast_convert_type3A_333, %bitcast_convert_type3A_341 : vector<16xf32>
        %bitcast_convert_type3A_348 = tpu.bitcast %add3A_347 : vector<16xf32> -> vector<16xi32>
        %add3A_349 = arith.constant 32768 : i32
        %add3A_350 = vector.broadcast %add3A_349 : i32 to vector<16xi32>
        %add3A_351 = arith.addi %bitcast_convert_type3A_348, %add3A_350 : vector<16xi32>
        %and3A_352 = arith.constant -65536 : i32
        %and3A_353 = vector.broadcast %and3A_352 : i32 to vector<16xi32>
        %and3A_354 = arith.andi %add3A_351, %and3A_353 : vector<16xi32>
        %shift_right_arithmetic3A_355 = arith.constant 16 : i32
        %shift_right_arithmetic3A_356 = vector.broadcast %shift_right_arithmetic3A_355 : i32 to vector<16xi32>
        %shift_right_arithmetic3A_357 = arith.shrsi %add3A_346, %shift_right_arithmetic3A_356 : vector<16xi32>
        %and3A_358 = arith.constant 65535 : i32
        %and3A_359 = vector.broadcast %and3A_358 : i32 to vector<16xi32>
        %and3A_360 = arith.andi %shift_right_arithmetic3A_357, %and3A_359 : vector<16xi32>
        %or3A_361 = arith.ori %and3A_354, %and3A_360 : vector<16xi32>
        %swap3A_362 = arith.index_cast %scan3A_79 : i32 to index
        %swap3A_363 = arith.constant 80 : index
        %swap3A_364 = tpu.vector_load %arg10[%swap3A_362, %swap3A_363] {strides = array<i32>} : memref<72x128xi32, #tpu.memory_space<vmem>>, vector<1x16xi32>,
        %swap3A_365 = vector.shape_cast %swap3A_364 : vector<1x16xi32> to vector<16xi32>
        %swap3A_366 = vector.shape_cast %or3A_361 : vector<16xi32> to vector<1x16xi32>
        tpu.vector_store %arg10[%swap3A_362, %swap3A_363], %swap3A_366 {strides = array<i32>} : memref<72x128xi32, #tpu.memory_space<vmem>>, vector<1x16xi32>,
        %get3A_367 = arith.index_cast %scan3A_79 : i32 to index
        %get3A_368 = arith.constant 96 : index
        %get3A_369 = tpu.vector_load %arg10[%get3A_367, %get3A_368] {strides = array<i32>} : memref<72x128xi32, #tpu.memory_space<vmem>>, vector<1x16xi32>,
        %get3A_370 = vector.shape_cast %get3A_369 : vector<1x16xi32> to vector<16xi32>
        %get3A_371 = arith.index_cast %scan3A_79 : i32 to index
        %get3A_372 = arith.constant 96 : index
        %get3A_373 = tpu.vector_load %arg12[%get3A_371, %get3A_372] {strides = array<i32>} : memref<72x128xi32, #tpu.memory_space<vmem>>, vector<1x16xi32>,
        %get3A_374 = vector.shape_cast %get3A_373 : vector<1x16xi32> to vector<16xi32>
        %shift_left3A_375 = arith.constant 16 : i32
        %shift_left3A_376 = vector.broadcast %shift_left3A_375 : i32 to vector<16xi32>
        %shift_left3A_377 = arith.shli %get3A_370, %shift_left3A_376 : vector<16xi32>
        %bitcast_convert_type3A_378 = tpu.bitcast %shift_left3A_377 : vector<16xi32> -> vector<16xf32>
        %and3A_379 = arith.constant -65536 : i32
        %and3A_380 = vector.broadcast %and3A_379 : i32 to vector<16xi32>
        %and3A_381 = arith.andi %get3A_370, %and3A_380 : vector<16xi32>
        %bitcast_convert_type3A_382 = tpu.bitcast %and3A_381 : vector<16xi32> -> vector<16xf32>
        %shift_left3A_383 = arith.constant 16 : i32
        %shift_left3A_384 = vector.broadcast %shift_left3A_383 : i32 to vector<16xi32>
        %shift_left3A_385 = arith.shli %get3A_374, %shift_left3A_384 : vector<16xi32>
        %bitcast_convert_type3A_386 = tpu.bitcast %shift_left3A_385 : vector<16xi32> -> vector<16xf32>
        %and3A_387 = arith.constant -65536 : i32
        %and3A_388 = vector.broadcast %and3A_387 : i32 to vector<16xi32>
        %and3A_389 = arith.andi %get3A_374, %and3A_388 : vector<16xi32>
        %bitcast_convert_type3A_390 = tpu.bitcast %and3A_389 : vector<16xi32> -> vector<16xf32>
        %add3A_391 = arith.addf %bitcast_convert_type3A_378, %bitcast_convert_type3A_386 : vector<16xf32>
        %bitcast_convert_type3A_392 = tpu.bitcast %add3A_391 : vector<16xf32> -> vector<16xi32>
        %add3A_393 = arith.constant 32768 : i32
        %add3A_394 = vector.broadcast %add3A_393 : i32 to vector<16xi32>
        %add3A_395 = arith.addi %bitcast_convert_type3A_392, %add3A_394 : vector<16xi32>
        %add3A_396 = arith.addf %bitcast_convert_type3A_382, %bitcast_convert_type3A_390 : vector<16xf32>
        %bitcast_convert_type3A_397 = tpu.bitcast %add3A_396 : vector<16xf32> -> vector<16xi32>
        %add3A_398 = arith.constant 32768 : i32
        %add3A_399 = vector.broadcast %add3A_398 : i32 to vector<16xi32>
        %add3A_400 = arith.addi %bitcast_convert_type3A_397, %add3A_399 : vector<16xi32>
        %and3A_401 = arith.constant -65536 : i32
        %and3A_402 = vector.broadcast %and3A_401 : i32 to vector<16xi32>
        %and3A_403 = arith.andi %add3A_400, %and3A_402 : vector<16xi32>
        %shift_right_arithmetic3A_404 = arith.constant 16 : i32
        %shift_right_arithmetic3A_405 = vector.broadcast %shift_right_arithmetic3A_404 : i32 to vector<16xi32>
        %shift_right_arithmetic3A_406 = arith.shrsi %add3A_395, %shift_right_arithmetic3A_405 : vector<16xi32>
        %and3A_407 = arith.constant 65535 : i32
        %and3A_408 = vector.broadcast %and3A_407 : i32 to vector<16xi32>
        %and3A_409 = arith.andi %shift_right_arithmetic3A_406, %and3A_408 : vector<16xi32>
        %or3A_410 = arith.ori %and3A_403, %and3A_409 : vector<16xi32>
        %swap3A_411 = arith.index_cast %scan3A_79 : i32 to index
        %swap3A_412 = arith.constant 96 : index
        %swap3A_413 = tpu.vector_load %arg10[%swap3A_411, %swap3A_412] {strides = array<i32>} : memref<72x128xi32, #tpu.memory_space<vmem>>, vector<1x16xi32>,
        %swap3A_414 = vector.shape_cast %swap3A_413 : vector<1x16xi32> to vector<16xi32>
        %swap3A_415 = vector.shape_cast %or3A_410 : vector<16xi32> to vector<1x16xi32>
        tpu.vector_store %arg10[%swap3A_411, %swap3A_412], %swap3A_415 {strides = array<i32>} : memref<72x128xi32, #tpu.memory_space<vmem>>, vector<1x16xi32>,
        %get3A_416 = arith.index_cast %scan3A_79 : i32 to index
        %get3A_417 = arith.constant 112 : index
        %get3A_418 = tpu.vector_load %arg10[%get3A_416, %get3A_417] {strides = array<i32>} : memref<72x128xi32, #tpu.memory_space<vmem>>, vector<1x16xi32>,
        %get3A_419 = vector.shape_cast %get3A_418 : vector<1x16xi32> to vector<16xi32>
        %get3A_420 = arith.index_cast %scan3A_79 : i32 to index
        %get3A_421 = arith.constant 112 : index
        %get3A_422 = tpu.vector_load %arg12[%get3A_420, %get3A_421] {strides = array<i32>} : memref<72x128xi32, #tpu.memory_space<vmem>>, vector<1x16xi32>,
        %get3A_423 = vector.shape_cast %get3A_422 : vector<1x16xi32> to vector<16xi32>
        %shift_left3A_424 = arith.constant 16 : i32
        %shift_left3A_425 = vector.broadcast %shift_left3A_424 : i32 to vector<16xi32>
        %shift_left3A_426 = arith.shli %get3A_419, %shift_left3A_425 : vector<16xi32>
        %bitcast_convert_type3A_427 = tpu.bitcast %shift_left3A_426 : vector<16xi32> -> vector<16xf32>
        %and3A_428 = arith.constant -65536 : i32
        %and3A_429 = vector.broadcast %and3A_428 : i32 to vector<16xi32>
        %and3A_430 = arith.andi %get3A_419, %and3A_429 : vector<16xi32>
        %bitcast_convert_type3A_431 = tpu.bitcast %and3A_430 : vector<16xi32> -> vector<16xf32>
        %shift_left3A_432 = arith.constant 16 : i32
        %shift_left3A_433 = vector.broadcast %shift_left3A_432 : i32 to vector<16xi32>
        %shift_left3A_434 = arith.shli %get3A_423, %shift_left3A_433 : vector<16xi32>
        %bitcast_convert_type3A_435 = tpu.bitcast %shift_left3A_434 : vector<16xi32> -> vector<16xf32>
        %and3A_436 = arith.constant -65536 : i32
        %and3A_437 = vector.broadcast %and3A_436 : i32 to vector<16xi32>
        %and3A_438 = arith.andi %get3A_423, %and3A_437 : vector<16xi32>
        %bitcast_convert_type3A_439 = tpu.bitcast %and3A_438 : vector<16xi32> -> vector<16xf32>
        %add3A_440 = arith.addf %bitcast_convert_type3A_427, %bitcast_convert_type3A_435 : vector<16xf32>
        %bitcast_convert_type3A_441 = tpu.bitcast %add3A_440 : vector<16xf32> -> vector<16xi32>
        %add3A_442 = arith.constant 32768 : i32
        %add3A_443 = vector.broadcast %add3A_442 : i32 to vector<16xi32>
        %add3A_444 = arith.addi %bitcast_convert_type3A_441, %add3A_443 : vector<16xi32>
        %add3A_445 = arith.addf %bitcast_convert_type3A_431, %bitcast_convert_type3A_439 : vector<16xf32>
        %bitcast_convert_type3A_446 = tpu.bitcast %add3A_445 : vector<16xf32> -> vector<16xi32>
        %add3A_447 = arith.constant 32768 : i32
        %add3A_448 = vector.broadcast %add3A_447 : i32 to vector<16xi32>
        %add3A_449 = arith.addi %bitcast_convert_type3A_446, %add3A_448 : vector<16xi32>
        %and3A_450 = arith.constant -65536 : i32
        %and3A_451 = vector.broadcast %and3A_450 : i32 to vector<16xi32>
        %and3A_452 = arith.andi %add3A_449, %and3A_451 : vector<16xi32>
        %shift_right_arithmetic3A_453 = arith.constant 16 : i32
        %shift_right_arithmetic3A_454 = vector.broadcast %shift_right_arithmetic3A_453 : i32 to vector<16xi32>
        %shift_right_arithmetic3A_455 = arith.shrsi %add3A_444, %shift_right_arithmetic3A_454 : vector<16xi32>
        %and3A_456 = arith.constant 65535 : i32
        %and3A_457 = vector.broadcast %and3A_456 : i32 to vector<16xi32>
        %and3A_458 = arith.andi %shift_right_arithmetic3A_455, %and3A_457 : vector<16xi32>
        %or3A_459 = arith.ori %and3A_452, %and3A_458 : vector<16xi32>
        %swap3A_460 = arith.index_cast %scan3A_79 : i32 to index
        %swap3A_461 = arith.constant 112 : index
        %swap3A_462 = tpu.vector_load %arg10[%swap3A_460, %swap3A_461] {strides = array<i32>} : memref<72x128xi32, #tpu.memory_space<vmem>>, vector<1x16xi32>,
        %swap3A_463 = vector.shape_cast %swap3A_462 : vector<1x16xi32> to vector<16xi32>
        %swap3A_464 = vector.shape_cast %or3A_459 : vector<16xi32> to vector<1x16xi32>
        tpu.vector_store %arg10[%swap3A_460, %swap3A_461], %swap3A_464 {strides = array<i32>} : memref<72x128xi32, #tpu.memory_space<vmem>>, vector<1x16xi32>,
      }
      %scan3A_64 = arith.constant 72 : i32
      %mul3A_65 = arith.constant 72 : i32
      %mul3A_66 = arith.muli %mul3A_39, %mul3A_65 : i32
      %add3A_67 = arith.addi %mul3A_2, %mul3A_66 : i32
      %dma_start3A_68 = arith.constant 0 : i32
      %dma_start3A_69 = tpu.memref_slice %arg5[%add3A_67, %dma_start3A_68] : memref<57600x128xi32, #tpu.memory_space<hbm>> -> memref<72x128xi32, #tpu.memory_space<hbm>>
      %dma_start3A_70 = arith.constant 0 : i32
      %dma_start3A_71 = tpu.memref_slice %arg5[%add3A_67, %dma_start3A_70] : memref<57600x128xi32, #tpu.memory_space<hbm>> -> memref<72x128xi32, #tpu.memory_space<hbm>>
      tpu.enqueue_dma source(%arg10 : memref<72x128xi32, #tpu.memory_space<vmem>>) target(%dma_start3A_71 : memref<72x128xi32, #tpu.memory_space<hbm>>) target_semaphore(%arg20 : memref<!tpu.dma_semaphore, #tpu.memory_space<semaphore_mem>>)
      %add3A_72 = arith.constant 1 : i32
      %add3A_73 = arith.addi %mul3A_39, %add3A_72 : i32
      %lt3A_74 = arith.constant 25 : i32
      %lt3A_75 = arith.cmpi slt, %add3A_73, %lt3A_74 : i32
      %convert_element_type3A_76 = arith.extui %lt3A_75 : i1 to i32
      %cond3A_77 = arith.constant 0 : i32
      %cond3A_78 = arith.cmpi ne, %convert_element_type3A_76, %cond3A_77 : i32
      scf.if %cond3A_78 {
        %add3A_79 = arith.constant 1 : i32
        %add3A_80 = arith.addi %mul3A_39, %add3A_79 : i32
        %dma_wait3A_81 = arith.constant 0 : i32
        %dma_wait3A_82 = arith.constant 0 : i32
        %dma_wait3A_83 = tpu.memref_slice %arg2[%dma_wait3A_81, %dma_wait3A_82] : memref<10000x128xi32, #tpu.memory_space<hbm>> -> memref<72x128xi32, #tpu.memory_space<hbm>>
        %dma_wait3A_84 = arith.constant 0 : i32
        %dma_wait3A_85 = arith.constant 0 : i32
        %dma_wait3A_86 = tpu.memref_slice %arg2[%dma_wait3A_84, %dma_wait3A_85] : memref<10000x128xi32, #tpu.memory_space<hbm>> -> memref<72x128xi32, #tpu.memory_space<hbm>>
        tpu.wait_dma2 semaphore(%arg17 : memref<!tpu.dma_semaphore, #tpu.memory_space<semaphore_mem>>) src(%dma_wait3A_86 : memref<72x128xi32, #tpu.memory_space<hbm>>) dst(%arg11 : memref<72x128xi32, #tpu.memory_space<vmem>>)
        %dma_wait3A_87 = arith.constant 0 : i32
        %dma_wait3A_88 = arith.constant 0 : i32
        %dma_wait3A_89 = tpu.memref_slice %arg2[%dma_wait3A_87, %dma_wait3A_88] : memref<10000x128xi32, #tpu.memory_space<hbm>> -> memref<72x128xi32, #tpu.memory_space<hbm>>
        %dma_wait3A_90 = arith.constant 0 : i32
        %dma_wait3A_91 = arith.constant 0 : i32
        %dma_wait3A_92 = tpu.memref_slice %arg2[%dma_wait3A_90, %dma_wait3A_91] : memref<10000x128xi32, #tpu.memory_space<hbm>> -> memref<72x128xi32, #tpu.memory_space<hbm>>
        tpu.wait_dma2 semaphore(%arg19 : memref<!tpu.dma_semaphore, #tpu.memory_space<semaphore_mem>>) src(%dma_wait3A_92 : memref<72x128xi32, #tpu.memory_space<hbm>>) dst(%arg13 : memref<72x128xi32, #tpu.memory_space<vmem>>)
        %add3A_93 = arith.constant 1 : i32
        %add3A_94 = arith.addi %add3A_80, %add3A_93 : i32
        %lt3A_95 = arith.constant 25 : i32
        %lt3A_96 = arith.cmpi slt, %add3A_94, %lt3A_95 : i32
        %convert_element_type3A_97 = arith.extui %lt3A_96 : i1 to i32
        %cond3A_98 = arith.constant 0 : i32
        %cond3A_99 = arith.cmpi ne, %convert_element_type3A_97, %cond3A_98 : i32
        scf.if %cond3A_99 {
          %ge3A = arith.constant 1 : i32
          %ge3A_113 = arith.cmpi sge, %add3A_80, %ge3A : i32
          %convert_element_type3A_114 = arith.extui %ge3A_113 : i1 to i32
          %cond3A_115 = arith.constant 0 : i32
          %cond3A_116 = arith.cmpi ne, %convert_element_type3A_114, %cond3A_115 : i32
          scf.if %cond3A_116 {
            %dma_wait3A_133 = arith.constant 0 : i32
            %dma_wait3A_134 = arith.constant 0 : i32
            %dma_wait3A_135 = tpu.memref_slice %arg5[%dma_wait3A_133, %dma_wait3A_134] : memref<57600x128xi32, #tpu.memory_space<hbm>> -> memref<72x128xi32, #tpu.memory_space<hbm>>
            %dma_wait3A_136 = arith.constant 0 : i32
            %dma_wait3A_137 = arith.constant 0 : i32
            %dma_wait3A_138 = tpu.memref_slice %arg5[%dma_wait3A_136, %dma_wait3A_137] : memref<57600x128xi32, #tpu.memory_space<hbm>> -> memref<72x128xi32, #tpu.memory_space<hbm>>
            tpu.wait_dma2 semaphore(%arg20 : memref<!tpu.dma_semaphore, #tpu.memory_space<semaphore_mem>>) src(%arg10 : memref<72x128xi32, #tpu.memory_space<vmem>>) dst(%dma_wait3A_138 : memref<72x128xi32, #tpu.memory_space<hbm>>)
          } else {
          }
          %add3A_117 = arith.constant 1 : i32
          %add3A_118 = arith.addi %add3A_80, %add3A_117 : i32
          %mul3A_119 = arith.constant 72 : i32
          %mul3A_120 = arith.muli %add3A_118, %mul3A_119 : i32
          %dma_start3A_121 = tpu.memref_slice %arg6[%mul3A_120] : memref<1800xi32, #tpu.memory_space<vmem>> -> memref<72xi32, #tpu.memory_space<vmem>>
          %dma_start3A_122 = arith.constant 0 : i32
          %dma_start3A_123 = arith.constant 0 : i32
          %dma_start3A_124 = tpu.memref_slice %arg2[%dma_start3A_122, %dma_start3A_123] : memref<10000x128xi32, #tpu.memory_space<hbm>> -> memref<10000x128xi32, #tpu.memory_space<hbm>>
          tpu.enqueue_indirect_dma source(%dma_start3A_124 : memref<10000x128xi32, #tpu.memory_space<hbm>>) target(%arg10 : memref<72x128xi32, #tpu.memory_space<vmem>>) offsets(%dma_start3A_121 : memref<72xi32, #tpu.memory_space<vmem>>) semaphore(%arg16 : memref<!tpu.dma_semaphore, #tpu.memory_space<semaphore_mem>>)
          %add3A_125 = arith.constant 1 : i32
          %add3A_126 = arith.addi %add3A_80, %add3A_125 : i32
          %mul3A_127 = arith.constant 72 : i32
          %mul3A_128 = arith.muli %add3A_126, %mul3A_127 : i32
          %dma_start3A_129 = tpu.memref_slice %arg7[%mul3A_128] : memref<1800xi32, #tpu.memory_space<vmem>> -> memref<72xi32, #tpu.memory_space<vmem>>
          %dma_start3A_130 = arith.constant 0 : i32
          %dma_start3A_131 = arith.constant 0 : i32
          %dma_start3A_132 = tpu.memref_slice %arg2[%dma_start3A_130, %dma_start3A_131] : memref<10000x128xi32, #tpu.memory_space<hbm>> -> memref<10000x128xi32, #tpu.memory_space<hbm>>
          tpu.enqueue_indirect_dma source(%dma_start3A_132 : memref<10000x128xi32, #tpu.memory_space<hbm>>) target(%arg12 : memref<72x128xi32, #tpu.memory_space<vmem>>) offsets(%dma_start3A_129 : memref<72xi32, #tpu.memory_space<vmem>>) semaphore(%arg18 : memref<!tpu.dma_semaphore, #tpu.memory_space<semaphore_mem>>)
        } else {
        }
        %scan3A_100 = arith.constant 0 : i32
        %scan3A_101 = arith.constant 0 : i32
        %scan3A_102 = arith.constant 72 : i32
        %scan3A_103 = arith.addi %scan3A_101, %scan3A_102 : i32
        %scan3A_104 = arith.constant 1 : i32
        scf.for %scan3A_113 = %scan3A_101 to %scan3A_103 step %scan3A_104  : i32 {
          %get3A = arith.index_cast %scan3A_113 : i32 to index
          %get3A_114 = arith.constant 0 : index
          %get3A_115 = tpu.vector_load %arg11[%get3A, %get3A_114] {strides = array<i32>} : memref<72x128xi32, #tpu.memory_space<vmem>>, vector<1x16xi32>,
          %get3A_116 = vector.shape_cast %get3A_115 : vector<1x16xi32> to vector<16xi32>
          %get3A_117 = arith.index_cast %scan3A_113 : i32 to index
          %get3A_118 = arith.constant 0 : index
          %get3A_119 = tpu.vector_load %arg13[%get3A_117, %get3A_118] {strides = array<i32>} : memref<72x128xi32, #tpu.memory_space<vmem>>, vector<1x16xi32>,
          %get3A_120 = vector.shape_cast %get3A_119 : vector<1x16xi32> to vector<16xi32>
          %shift_left3A = arith.constant 16 : i32
          %shift_left3A_121 = vector.broadcast %shift_left3A : i32 to vector<16xi32>
          %shift_left3A_122 = arith.shli %get3A_116, %shift_left3A_121 : vector<16xi32>
          %bitcast_convert_type3A = tpu.bitcast %shift_left3A_122 : vector<16xi32> -> vector<16xf32>
          %and3A = arith.constant -65536 : i32
          %and3A_123 = vector.broadcast %and3A : i32 to vector<16xi32>
          %and3A_124 = arith.andi %get3A_116, %and3A_123 : vector<16xi32>
          %bitcast_convert_type3A_125 = tpu.bitcast %and3A_124 : vector<16xi32> -> vector<16xf32>
          %shift_left3A_126 = arith.constant 16 : i32
          %shift_left3A_127 = vector.broadcast %shift_left3A_126 : i32 to vector<16xi32>
          %shift_left3A_128 = arith.shli %get3A_120, %shift_left3A_127 : vector<16xi32>
          %bitcast_convert_type3A_129 = tpu.bitcast %shift_left3A_128 : vector<16xi32> -> vector<16xf32>
          %and3A_130 = arith.constant -65536 : i32
          %and3A_131 = vector.broadcast %and3A_130 : i32 to vector<16xi32>
          %and3A_132 = arith.andi %get3A_120, %and3A_131 : vector<16xi32>
          %bitcast_convert_type3A_133 = tpu.bitcast %and3A_132 : vector<16xi32> -> vector<16xf32>
          %add3A_134 = arith.addf %bitcast_convert_type3A, %bitcast_convert_type3A_129 : vector<16xf32>
          %bitcast_convert_type3A_135 = tpu.bitcast %add3A_134 : vector<16xf32> -> vector<16xi32>
          %add3A_136 = arith.constant 32768 : i32
          %add3A_137 = vector.broadcast %add3A_136 : i32 to vector<16xi32>
          %add3A_138 = arith.addi %bitcast_convert_type3A_135, %add3A_137 : vector<16xi32>
          %add3A_139 = arith.addf %bitcast_convert_type3A_125, %bitcast_convert_type3A_133 : vector<16xf32>
          %bitcast_convert_type3A_140 = tpu.bitcast %add3A_139 : vector<16xf32> -> vector<16xi32>
          %add3A_141 = arith.constant 32768 : i32
          %add3A_142 = vector.broadcast %add3A_141 : i32 to vector<16xi32>
          %add3A_143 = arith.addi %bitcast_convert_type3A_140, %add3A_142 : vector<16xi32>
          %and3A_144 = arith.constant -65536 : i32
          %and3A_145 = vector.broadcast %and3A_144 : i32 to vector<16xi32>
          %and3A_146 = arith.andi %add3A_143, %and3A_145 : vector<16xi32>
          %shift_right_arithmetic3A = arith.constant 16 : i32
          %shift_right_arithmetic3A_147 = vector.broadcast %shift_right_arithmetic3A : i32 to vector<16xi32>
          %shift_right_arithmetic3A_148 = arith.shrsi %add3A_138, %shift_right_arithmetic3A_147 : vector<16xi32>
          %and3A_149 = arith.constant 65535 : i32
          %and3A_150 = vector.broadcast %and3A_149 : i32 to vector<16xi32>
          %and3A_151 = arith.andi %shift_right_arithmetic3A_148, %and3A_150 : vector<16xi32>
          %or3A = arith.ori %and3A_146, %and3A_151 : vector<16xi32>
          %swap3A = arith.index_cast %scan3A_113 : i32 to index
          %swap3A_152 = arith.constant 0 : index
          %swap3A_153 = tpu.vector_load %arg11[%swap3A, %swap3A_152] {strides = array<i32>} : memref<72x128xi32, #tpu.memory_space<vmem>>, vector<1x16xi32>,
          %swap3A_154 = vector.shape_cast %swap3A_153 : vector<1x16xi32> to vector<16xi32>
          %swap3A_155 = vector.shape_cast %or3A : vector<16xi32> to vector<1x16xi32>
          tpu.vector_store %arg11[%swap3A, %swap3A_152], %swap3A_155 {strides = array<i32>} : memref<72x128xi32, #tpu.memory_space<vmem>>, vector<1x16xi32>,
          %get3A_156 = arith.index_cast %scan3A_113 : i32 to index
          %get3A_157 = arith.constant 16 : index
          %get3A_158 = tpu.vector_load %arg11[%get3A_156, %get3A_157] {strides = array<i32>} : memref<72x128xi32, #tpu.memory_space<vmem>>, vector<1x16xi32>,
          %get3A_159 = vector.shape_cast %get3A_158 : vector<1x16xi32> to vector<16xi32>
          %get3A_160 = arith.index_cast %scan3A_113 : i32 to index
          %get3A_161 = arith.constant 16 : index
          %get3A_162 = tpu.vector_load %arg13[%get3A_160, %get3A_161] {strides = array<i32>} : memref<72x128xi32, #tpu.memory_space<vmem>>, vector<1x16xi32>,
          %get3A_163 = vector.shape_cast %get3A_162 : vector<1x16xi32> to vector<16xi32>
          %shift_left3A_164 = arith.constant 16 : i32
          %shift_left3A_165 = vector.broadcast %shift_left3A_164 : i32 to vector<16xi32>
          %shift_left3A_166 = arith.shli %get3A_159, %shift_left3A_165 : vector<16xi32>
          %bitcast_convert_type3A_167 = tpu.bitcast %shift_left3A_166 : vector<16xi32> -> vector<16xf32>
          %and3A_168 = arith.constant -65536 : i32
          %and3A_169 = vector.broadcast %and3A_168 : i32 to vector<16xi32>
          %and3A_170 = arith.andi %get3A_159, %and3A_169 : vector<16xi32>
          %bitcast_convert_type3A_171 = tpu.bitcast %and3A_170 : vector<16xi32> -> vector<16xf32>
          %shift_left3A_172 = arith.constant 16 : i32
          %shift_left3A_173 = vector.broadcast %shift_left3A_172 : i32 to vector<16xi32>
          %shift_left3A_174 = arith.shli %get3A_163, %shift_left3A_173 : vector<16xi32>
          %bitcast_convert_type3A_175 = tpu.bitcast %shift_left3A_174 : vector<16xi32> -> vector<16xf32>
          %and3A_176 = arith.constant -65536 : i32
          %and3A_177 = vector.broadcast %and3A_176 : i32 to vector<16xi32>
          %and3A_178 = arith.andi %get3A_163, %and3A_177 : vector<16xi32>
          %bitcast_convert_type3A_179 = tpu.bitcast %and3A_178 : vector<16xi32> -> vector<16xf32>
          %add3A_180 = arith.addf %bitcast_convert_type3A_167, %bitcast_convert_type3A_175 : vector<16xf32>
          %bitcast_convert_type3A_181 = tpu.bitcast %add3A_180 : vector<16xf32> -> vector<16xi32>
          %add3A_182 = arith.constant 32768 : i32
          %add3A_183 = vector.broadcast %add3A_182 : i32 to vector<16xi32>
          %add3A_184 = arith.addi %bitcast_convert_type3A_181, %add3A_183 : vector<16xi32>
          %add3A_185 = arith.addf %bitcast_convert_type3A_171, %bitcast_convert_type3A_179 : vector<16xf32>
          %bitcast_convert_type3A_186 = tpu.bitcast %add3A_185 : vector<16xf32> -> vector<16xi32>
          %add3A_187 = arith.constant 32768 : i32
          %add3A_188 = vector.broadcast %add3A_187 : i32 to vector<16xi32>
          %add3A_189 = arith.addi %bitcast_convert_type3A_186, %add3A_188 : vector<16xi32>
          %and3A_190 = arith.constant -65536 : i32
          %and3A_191 = vector.broadcast %and3A_190 : i32 to vector<16xi32>
          %and3A_192 = arith.andi %add3A_189, %and3A_191 : vector<16xi32>
          %shift_right_arithmetic3A_193 = arith.constant 16 : i32
          %shift_right_arithmetic3A_194 = vector.broadcast %shift_right_arithmetic3A_193 : i32 to vector<16xi32>
          %shift_right_arithmetic3A_195 = arith.shrsi %add3A_184, %shift_right_arithmetic3A_194 : vector<16xi32>
          %and3A_196 = arith.constant 65535 : i32
          %and3A_197 = vector.broadcast %and3A_196 : i32 to vector<16xi32>
          %and3A_198 = arith.andi %shift_right_arithmetic3A_195, %and3A_197 : vector<16xi32>
          %or3A_199 = arith.ori %and3A_192, %and3A_198 : vector<16xi32>
          %swap3A_200 = arith.index_cast %scan3A_113 : i32 to index
          %swap3A_201 = arith.constant 16 : index
          %swap3A_202 = tpu.vector_load %arg11[%swap3A_200, %swap3A_201] {strides = array<i32>} : memref<72x128xi32, #tpu.memory_space<vmem>>, vector<1x16xi32>,
          %swap3A_203 = vector.shape_cast %swap3A_202 : vector<1x16xi32> to vector<16xi32>
          %swap3A_204 = vector.shape_cast %or3A_199 : vector<16xi32> to vector<1x16xi32>
          tpu.vector_store %arg11[%swap3A_200, %swap3A_201], %swap3A_204 {strides = array<i32>} : memref<72x128xi32, #tpu.memory_space<vmem>>, vector<1x16xi32>,
          %get3A_205 = arith.index_cast %scan3A_113 : i32 to index
          %get3A_206 = arith.constant 32 : index
          %get3A_207 = tpu.vector_load %arg11[%get3A_205, %get3A_206] {strides = array<i32>} : memref<72x128xi32, #tpu.memory_space<vmem>>, vector<1x16xi32>,
          %get3A_208 = vector.shape_cast %get3A_207 : vector<1x16xi32> to vector<16xi32>
          %get3A_209 = arith.index_cast %scan3A_113 : i32 to index
          %get3A_210 = arith.constant 32 : index
          %get3A_211 = tpu.vector_load %arg13[%get3A_209, %get3A_210] {strides = array<i32>} : memref<72x128xi32, #tpu.memory_space<vmem>>, vector<1x16xi32>,
          %get3A_212 = vector.shape_cast %get3A_211 : vector<1x16xi32> to vector<16xi32>
          %shift_left3A_213 = arith.constant 16 : i32
          %shift_left3A_214 = vector.broadcast %shift_left3A_213 : i32 to vector<16xi32>
          %shift_left3A_215 = arith.shli %get3A_208, %shift_left3A_214 : vector<16xi32>
          %bitcast_convert_type3A_216 = tpu.bitcast %shift_left3A_215 : vector<16xi32> -> vector<16xf32>
          %and3A_217 = arith.constant -65536 : i32
          %and3A_218 = vector.broadcast %and3A_217 : i32 to vector<16xi32>
          %and3A_219 = arith.andi %get3A_208, %and3A_218 : vector<16xi32>
          %bitcast_convert_type3A_220 = tpu.bitcast %and3A_219 : vector<16xi32> -> vector<16xf32>
          %shift_left3A_221 = arith.constant 16 : i32
          %shift_left3A_222 = vector.broadcast %shift_left3A_221 : i32 to vector<16xi32>
          %shift_left3A_223 = arith.shli %get3A_212, %shift_left3A_222 : vector<16xi32>
          %bitcast_convert_type3A_224 = tpu.bitcast %shift_left3A_223 : vector<16xi32> -> vector<16xf32>
          %and3A_225 = arith.constant -65536 : i32
          %and3A_226 = vector.broadcast %and3A_225 : i32 to vector<16xi32>
          %and3A_227 = arith.andi %get3A_212, %and3A_226 : vector<16xi32>
          %bitcast_convert_type3A_228 = tpu.bitcast %and3A_227 : vector<16xi32> -> vector<16xf32>
          %add3A_229 = arith.addf %bitcast_convert_type3A_216, %bitcast_convert_type3A_224 : vector<16xf32>
          %bitcast_convert_type3A_230 = tpu.bitcast %add3A_229 : vector<16xf32> -> vector<16xi32>
          %add3A_231 = arith.constant 32768 : i32
          %add3A_232 = vector.broadcast %add3A_231 : i32 to vector<16xi32>
          %add3A_233 = arith.addi %bitcast_convert_type3A_230, %add3A_232 : vector<16xi32>
          %add3A_234 = arith.addf %bitcast_convert_type3A_220, %bitcast_convert_type3A_228 : vector<16xf32>
          %bitcast_convert_type3A_235 = tpu.bitcast %add3A_234 : vector<16xf32> -> vector<16xi32>
          %add3A_236 = arith.constant 32768 : i32
          %add3A_237 = vector.broadcast %add3A_236 : i32 to vector<16xi32>
          %add3A_238 = arith.addi %bitcast_convert_type3A_235, %add3A_237 : vector<16xi32>
          %and3A_239 = arith.constant -65536 : i32
          %and3A_240 = vector.broadcast %and3A_239 : i32 to vector<16xi32>
          %and3A_241 = arith.andi %add3A_238, %and3A_240 : vector<16xi32>
          %shift_right_arithmetic3A_242 = arith.constant 16 : i32
          %shift_right_arithmetic3A_243 = vector.broadcast %shift_right_arithmetic3A_242 : i32 to vector<16xi32>
          %shift_right_arithmetic3A_244 = arith.shrsi %add3A_233, %shift_right_arithmetic3A_243 : vector<16xi32>
          %and3A_245 = arith.constant 65535 : i32
          %and3A_246 = vector.broadcast %and3A_245 : i32 to vector<16xi32>
          %and3A_247 = arith.andi %shift_right_arithmetic3A_244, %and3A_246 : vector<16xi32>
          %or3A_248 = arith.ori %and3A_241, %and3A_247 : vector<16xi32>
          %swap3A_249 = arith.index_cast %scan3A_113 : i32 to index
          %swap3A_250 = arith.constant 32 : index
          %swap3A_251 = tpu.vector_load %arg11[%swap3A_249, %swap3A_250] {strides = array<i32>} : memref<72x128xi32, #tpu.memory_space<vmem>>, vector<1x16xi32>,
          %swap3A_252 = vector.shape_cast %swap3A_251 : vector<1x16xi32> to vector<16xi32>
          %swap3A_253 = vector.shape_cast %or3A_248 : vector<16xi32> to vector<1x16xi32>
          tpu.vector_store %arg11[%swap3A_249, %swap3A_250], %swap3A_253 {strides = array<i32>} : memref<72x128xi32, #tpu.memory_space<vmem>>, vector<1x16xi32>,
          %get3A_254 = arith.index_cast %scan3A_113 : i32 to index
          %get3A_255 = arith.constant 48 : index
          %get3A_256 = tpu.vector_load %arg11[%get3A_254, %get3A_255] {strides = array<i32>} : memref<72x128xi32, #tpu.memory_space<vmem>>, vector<1x16xi32>,
          %get3A_257 = vector.shape_cast %get3A_256 : vector<1x16xi32> to vector<16xi32>
          %get3A_258 = arith.index_cast %scan3A_113 : i32 to index
          %get3A_259 = arith.constant 48 : index
          %get3A_260 = tpu.vector_load %arg13[%get3A_258, %get3A_259] {strides = array<i32>} : memref<72x128xi32, #tpu.memory_space<vmem>>, vector<1x16xi32>,
          %get3A_261 = vector.shape_cast %get3A_260 : vector<1x16xi32> to vector<16xi32>
          %shift_left3A_262 = arith.constant 16 : i32
          %shift_left3A_263 = vector.broadcast %shift_left3A_262 : i32 to vector<16xi32>
          %shift_left3A_264 = arith.shli %get3A_257, %shift_left3A_263 : vector<16xi32>
          %bitcast_convert_type3A_265 = tpu.bitcast %shift_left3A_264 : vector<16xi32> -> vector<16xf32>
          %and3A_266 = arith.constant -65536 : i32
          %and3A_267 = vector.broadcast %and3A_266 : i32 to vector<16xi32>
          %and3A_268 = arith.andi %get3A_257, %and3A_267 : vector<16xi32>
          %bitcast_convert_type3A_269 = tpu.bitcast %and3A_268 : vector<16xi32> -> vector<16xf32>
          %shift_left3A_270 = arith.constant 16 : i32
          %shift_left3A_271 = vector.broadcast %shift_left3A_270 : i32 to vector<16xi32>
          %shift_left3A_272 = arith.shli %get3A_261, %shift_left3A_271 : vector<16xi32>
          %bitcast_convert_type3A_273 = tpu.bitcast %shift_left3A_272 : vector<16xi32> -> vector<16xf32>
          %and3A_274 = arith.constant -65536 : i32
          %and3A_275 = vector.broadcast %and3A_274 : i32 to vector<16xi32>
          %and3A_276 = arith.andi %get3A_261, %and3A_275 : vector<16xi32>
          %bitcast_convert_type3A_277 = tpu.bitcast %and3A_276 : vector<16xi32> -> vector<16xf32>
          %add3A_278 = arith.addf %bitcast_convert_type3A_265, %bitcast_convert_type3A_273 : vector<16xf32>
          %bitcast_convert_type3A_279 = tpu.bitcast %add3A_278 : vector<16xf32> -> vector<16xi32>
          %add3A_280 = arith.constant 32768 : i32
          %add3A_281 = vector.broadcast %add3A_280 : i32 to vector<16xi32>
          %add3A_282 = arith.addi %bitcast_convert_type3A_279, %add3A_281 : vector<16xi32>
          %add3A_283 = arith.addf %bitcast_convert_type3A_269, %bitcast_convert_type3A_277 : vector<16xf32>
          %bitcast_convert_type3A_284 = tpu.bitcast %add3A_283 : vector<16xf32> -> vector<16xi32>
          %add3A_285 = arith.constant 32768 : i32
          %add3A_286 = vector.broadcast %add3A_285 : i32 to vector<16xi32>
          %add3A_287 = arith.addi %bitcast_convert_type3A_284, %add3A_286 : vector<16xi32>
          %and3A_288 = arith.constant -65536 : i32
          %and3A_289 = vector.broadcast %and3A_288 : i32 to vector<16xi32>
          %and3A_290 = arith.andi %add3A_287, %and3A_289 : vector<16xi32>
          %shift_right_arithmetic3A_291 = arith.constant 16 : i32
          %shift_right_arithmetic3A_292 = vector.broadcast %shift_right_arithmetic3A_291 : i32 to vector<16xi32>
          %shift_right_arithmetic3A_293 = arith.shrsi %add3A_282, %shift_right_arithmetic3A_292 : vector<16xi32>
          %and3A_294 = arith.constant 65535 : i32
          %and3A_295 = vector.broadcast %and3A_294 : i32 to vector<16xi32>
          %and3A_296 = arith.andi %shift_right_arithmetic3A_293, %and3A_295 : vector<16xi32>
          %or3A_297 = arith.ori %and3A_290, %and3A_296 : vector<16xi32>
          %swap3A_298 = arith.index_cast %scan3A_113 : i32 to index
          %swap3A_299 = arith.constant 48 : index
          %swap3A_300 = tpu.vector_load %arg11[%swap3A_298, %swap3A_299] {strides = array<i32>} : memref<72x128xi32, #tpu.memory_space<vmem>>, vector<1x16xi32>,
          %swap3A_301 = vector.shape_cast %swap3A_300 : vector<1x16xi32> to vector<16xi32>
          %swap3A_302 = vector.shape_cast %or3A_297 : vector<16xi32> to vector<1x16xi32>
          tpu.vector_store %arg11[%swap3A_298, %swap3A_299], %swap3A_302 {strides = array<i32>} : memref<72x128xi32, #tpu.memory_space<vmem>>, vector<1x16xi32>,
          %get3A_303 = arith.index_cast %scan3A_113 : i32 to index
          %get3A_304 = arith.constant 64 : index
          %get3A_305 = tpu.vector_load %arg11[%get3A_303, %get3A_304] {strides = array<i32>} : memref<72x128xi32, #tpu.memory_space<vmem>>, vector<1x16xi32>,
          %get3A_306 = vector.shape_cast %get3A_305 : vector<1x16xi32> to vector<16xi32>
          %get3A_307 = arith.index_cast %scan3A_113 : i32 to index
          %get3A_308 = arith.constant 64 : index
          %get3A_309 = tpu.vector_load %arg13[%get3A_307, %get3A_308] {strides = array<i32>} : memref<72x128xi32, #tpu.memory_space<vmem>>, vector<1x16xi32>,
          %get3A_310 = vector.shape_cast %get3A_309 : vector<1x16xi32> to vector<16xi32>
          %shift_left3A_311 = arith.constant 16 : i32
          %shift_left3A_312 = vector.broadcast %shift_left3A_311 : i32 to vector<16xi32>
          %shift_left3A_313 = arith.shli %get3A_306, %shift_left3A_312 : vector<16xi32>
          %bitcast_convert_type3A_314 = tpu.bitcast %shift_left3A_313 : vector<16xi32> -> vector<16xf32>
          %and3A_315 = arith.constant -65536 : i32
          %and3A_316 = vector.broadcast %and3A_315 : i32 to vector<16xi32>
          %and3A_317 = arith.andi %get3A_306, %and3A_316 : vector<16xi32>
          %bitcast_convert_type3A_318 = tpu.bitcast %and3A_317 : vector<16xi32> -> vector<16xf32>
          %shift_left3A_319 = arith.constant 16 : i32
          %shift_left3A_320 = vector.broadcast %shift_left3A_319 : i32 to vector<16xi32>
          %shift_left3A_321 = arith.shli %get3A_310, %shift_left3A_320 : vector<16xi32>
          %bitcast_convert_type3A_322 = tpu.bitcast %shift_left3A_321 : vector<16xi32> -> vector<16xf32>
          %and3A_323 = arith.constant -65536 : i32
          %and3A_324 = vector.broadcast %and3A_323 : i32 to vector<16xi32>
          %and3A_325 = arith.andi %get3A_310, %and3A_324 : vector<16xi32>
          %bitcast_convert_type3A_326 = tpu.bitcast %and3A_325 : vector<16xi32> -> vector<16xf32>
          %add3A_327 = arith.addf %bitcast_convert_type3A_314, %bitcast_convert_type3A_322 : vector<16xf32>
          %bitcast_convert_type3A_328 = tpu.bitcast %add3A_327 : vector<16xf32> -> vector<16xi32>
          %add3A_329 = arith.constant 32768 : i32
          %add3A_330 = vector.broadcast %add3A_329 : i32 to vector<16xi32>
          %add3A_331 = arith.addi %bitcast_convert_type3A_328, %add3A_330 : vector<16xi32>
          %add3A_332 = arith.addf %bitcast_convert_type3A_318, %bitcast_convert_type3A_326 : vector<16xf32>
          %bitcast_convert_type3A_333 = tpu.bitcast %add3A_332 : vector<16xf32> -> vector<16xi32>
          %add3A_334 = arith.constant 32768 : i32
          %add3A_335 = vector.broadcast %add3A_334 : i32 to vector<16xi32>
          %add3A_336 = arith.addi %bitcast_convert_type3A_333, %add3A_335 : vector<16xi32>
          %and3A_337 = arith.constant -65536 : i32
          %and3A_338 = vector.broadcast %and3A_337 : i32 to vector<16xi32>
          %and3A_339 = arith.andi %add3A_336, %and3A_338 : vector<16xi32>
          %shift_right_arithmetic3A_340 = arith.constant 16 : i32
          %shift_right_arithmetic3A_341 = vector.broadcast %shift_right_arithmetic3A_340 : i32 to vector<16xi32>
          %shift_right_arithmetic3A_342 = arith.shrsi %add3A_331, %shift_right_arithmetic3A_341 : vector<16xi32>
          %and3A_343 = arith.constant 65535 : i32
          %and3A_344 = vector.broadcast %and3A_343 : i32 to vector<16xi32>
          %and3A_345 = arith.andi %shift_right_arithmetic3A_342, %and3A_344 : vector<16xi32>
          %or3A_346 = arith.ori %and3A_339, %and3A_345 : vector<16xi32>
          %swap3A_347 = arith.index_cast %scan3A_113 : i32 to index
          %swap3A_348 = arith.constant 64 : index
          %swap3A_349 = tpu.vector_load %arg11[%swap3A_347, %swap3A_348] {strides = array<i32>} : memref<72x128xi32, #tpu.memory_space<vmem>>, vector<1x16xi32>,
          %swap3A_350 = vector.shape_cast %swap3A_349 : vector<1x16xi32> to vector<16xi32>
          %swap3A_351 = vector.shape_cast %or3A_346 : vector<16xi32> to vector<1x16xi32>
          tpu.vector_store %arg11[%swap3A_347, %swap3A_348], %swap3A_351 {strides = array<i32>} : memref<72x128xi32, #tpu.memory_space<vmem>>, vector<1x16xi32>,
          %get3A_352 = arith.index_cast %scan3A_113 : i32 to index
          %get3A_353 = arith.constant 80 : index
          %get3A_354 = tpu.vector_load %arg11[%get3A_352, %get3A_353] {strides = array<i32>} : memref<72x128xi32, #tpu.memory_space<vmem>>, vector<1x16xi32>,
          %get3A_355 = vector.shape_cast %get3A_354 : vector<1x16xi32> to vector<16xi32>
          %get3A_356 = arith.index_cast %scan3A_113 : i32 to index
          %get3A_357 = arith.constant 80 : index
          %get3A_358 = tpu.vector_load %arg13[%get3A_356, %get3A_357] {strides = array<i32>} : memref<72x128xi32, #tpu.memory_space<vmem>>, vector<1x16xi32>,
          %get3A_359 = vector.shape_cast %get3A_358 : vector<1x16xi32> to vector<16xi32>
          %shift_left3A_360 = arith.constant 16 : i32
          %shift_left3A_361 = vector.broadcast %shift_left3A_360 : i32 to vector<16xi32>
          %shift_left3A_362 = arith.shli %get3A_355, %shift_left3A_361 : vector<16xi32>
          %bitcast_convert_type3A_363 = tpu.bitcast %shift_left3A_362 : vector<16xi32> -> vector<16xf32>
          %and3A_364 = arith.constant -65536 : i32
          %and3A_365 = vector.broadcast %and3A_364 : i32 to vector<16xi32>
          %and3A_366 = arith.andi %get3A_355, %and3A_365 : vector<16xi32>
          %bitcast_convert_type3A_367 = tpu.bitcast %and3A_366 : vector<16xi32> -> vector<16xf32>
          %shift_left3A_368 = arith.constant 16 : i32
          %shift_left3A_369 = vector.broadcast %shift_left3A_368 : i32 to vector<16xi32>
          %shift_left3A_370 = arith.shli %get3A_359, %shift_left3A_369 : vector<16xi32>
          %bitcast_convert_type3A_371 = tpu.bitcast %shift_left3A_370 : vector<16xi32> -> vector<16xf32>
          %and3A_372 = arith.constant -65536 : i32
          %and3A_373 = vector.broadcast %and3A_372 : i32 to vector<16xi32>
          %and3A_374 = arith.andi %get3A_359, %and3A_373 : vector<16xi32>
          %bitcast_convert_type3A_375 = tpu.bitcast %and3A_374 : vector<16xi32> -> vector<16xf32>
          %add3A_376 = arith.addf %bitcast_convert_type3A_363, %bitcast_convert_type3A_371 : vector<16xf32>
          %bitcast_convert_type3A_377 = tpu.bitcast %add3A_376 : vector<16xf32> -> vector<16xi32>
          %add3A_378 = arith.constant 32768 : i32
          %add3A_379 = vector.broadcast %add3A_378 : i32 to vector<16xi32>
          %add3A_380 = arith.addi %bitcast_convert_type3A_377, %add3A_379 : vector<16xi32>
          %add3A_381 = arith.addf %bitcast_convert_type3A_367, %bitcast_convert_type3A_375 : vector<16xf32>
          %bitcast_convert_type3A_382 = tpu.bitcast %add3A_381 : vector<16xf32> -> vector<16xi32>
          %add3A_383 = arith.constant 32768 : i32
          %add3A_384 = vector.broadcast %add3A_383 : i32 to vector<16xi32>
          %add3A_385 = arith.addi %bitcast_convert_type3A_382, %add3A_384 : vector<16xi32>
          %and3A_386 = arith.constant -65536 : i32
          %and3A_387 = vector.broadcast %and3A_386 : i32 to vector<16xi32>
          %and3A_388 = arith.andi %add3A_385, %and3A_387 : vector<16xi32>
          %shift_right_arithmetic3A_389 = arith.constant 16 : i32
          %shift_right_arithmetic3A_390 = vector.broadcast %shift_right_arithmetic3A_389 : i32 to vector<16xi32>
          %shift_right_arithmetic3A_391 = arith.shrsi %add3A_380, %shift_right_arithmetic3A_390 : vector<16xi32>
          %and3A_392 = arith.constant 65535 : i32
          %and3A_393 = vector.broadcast %and3A_392 : i32 to vector<16xi32>
          %and3A_394 = arith.andi %shift_right_arithmetic3A_391, %and3A_393 : vector<16xi32>
          %or3A_395 = arith.ori %and3A_388, %and3A_394 : vector<16xi32>
          %swap3A_396 = arith.index_cast %scan3A_113 : i32 to index
          %swap3A_397 = arith.constant 80 : index
          %swap3A_398 = tpu.vector_load %arg11[%swap3A_396, %swap3A_397] {strides = array<i32>} : memref<72x128xi32, #tpu.memory_space<vmem>>, vector<1x16xi32>,
          %swap3A_399 = vector.shape_cast %swap3A_398 : vector<1x16xi32> to vector<16xi32>
          %swap3A_400 = vector.shape_cast %or3A_395 : vector<16xi32> to vector<1x16xi32>
          tpu.vector_store %arg11[%swap3A_396, %swap3A_397], %swap3A_400 {strides = array<i32>} : memref<72x128xi32, #tpu.memory_space<vmem>>, vector<1x16xi32>,
          %get3A_401 = arith.index_cast %scan3A_113 : i32 to index
          %get3A_402 = arith.constant 96 : index
          %get3A_403 = tpu.vector_load %arg11[%get3A_401, %get3A_402] {strides = array<i32>} : memref<72x128xi32, #tpu.memory_space<vmem>>, vector<1x16xi32>,
          %get3A_404 = vector.shape_cast %get3A_403 : vector<1x16xi32> to vector<16xi32>
          %get3A_405 = arith.index_cast %scan3A_113 : i32 to index
          %get3A_406 = arith.constant 96 : index
          %get3A_407 = tpu.vector_load %arg13[%get3A_405, %get3A_406] {strides = array<i32>} : memref<72x128xi32, #tpu.memory_space<vmem>>, vector<1x16xi32>,
          %get3A_408 = vector.shape_cast %get3A_407 : vector<1x16xi32> to vector<16xi32>
          %shift_left3A_409 = arith.constant 16 : i32
          %shift_left3A_410 = vector.broadcast %shift_left3A_409 : i32 to vector<16xi32>
          %shift_left3A_411 = arith.shli %get3A_404, %shift_left3A_410 : vector<16xi32>
          %bitcast_convert_type3A_412 = tpu.bitcast %shift_left3A_411 : vector<16xi32> -> vector<16xf32>
          %and3A_413 = arith.constant -65536 : i32
          %and3A_414 = vector.broadcast %and3A_413 : i32 to vector<16xi32>
          %and3A_415 = arith.andi %get3A_404, %and3A_414 : vector<16xi32>
          %bitcast_convert_type3A_416 = tpu.bitcast %and3A_415 : vector<16xi32> -> vector<16xf32>
          %shift_left3A_417 = arith.constant 16 : i32
          %shift_left3A_418 = vector.broadcast %shift_left3A_417 : i32 to vector<16xi32>
          %shift_left3A_419 = arith.shli %get3A_408, %shift_left3A_418 : vector<16xi32>
          %bitcast_convert_type3A_420 = tpu.bitcast %shift_left3A_419 : vector<16xi32> -> vector<16xf32>
          %and3A_421 = arith.constant -65536 : i32
          %and3A_422 = vector.broadcast %and3A_421 : i32 to vector<16xi32>
          %and3A_423 = arith.andi %get3A_408, %and3A_422 : vector<16xi32>
          %bitcast_convert_type3A_424 = tpu.bitcast %and3A_423 : vector<16xi32> -> vector<16xf32>
          %add3A_425 = arith.addf %bitcast_convert_type3A_412, %bitcast_convert_type3A_420 : vector<16xf32>
          %bitcast_convert_type3A_426 = tpu.bitcast %add3A_425 : vector<16xf32> -> vector<16xi32>
          %add3A_427 = arith.constant 32768 : i32
          %add3A_428 = vector.broadcast %add3A_427 : i32 to vector<16xi32>
          %add3A_429 = arith.addi %bitcast_convert_type3A_426, %add3A_428 : vector<16xi32>
          %add3A_430 = arith.addf %bitcast_convert_type3A_416, %bitcast_convert_type3A_424 : vector<16xf32>
          %bitcast_convert_type3A_431 = tpu.bitcast %add3A_430 : vector<16xf32> -> vector<16xi32>
          %add3A_432 = arith.constant 32768 : i32
          %add3A_433 = vector.broadcast %add3A_432 : i32 to vector<16xi32>
          %add3A_434 = arith.addi %bitcast_convert_type3A_431, %add3A_433 : vector<16xi32>
          %and3A_435 = arith.constant -65536 : i32
          %and3A_436 = vector.broadcast %and3A_435 : i32 to vector<16xi32>
          %and3A_437 = arith.andi %add3A_434, %and3A_436 : vector<16xi32>
          %shift_right_arithmetic3A_438 = arith.constant 16 : i32
          %shift_right_arithmetic3A_439 = vector.broadcast %shift_right_arithmetic3A_438 : i32 to vector<16xi32>
          %shift_right_arithmetic3A_440 = arith.shrsi %add3A_429, %shift_right_arithmetic3A_439 : vector<16xi32>
          %and3A_441 = arith.constant 65535 : i32
          %and3A_442 = vector.broadcast %and3A_441 : i32 to vector<16xi32>
          %and3A_443 = arith.andi %shift_right_arithmetic3A_440, %and3A_442 : vector<16xi32>
          %or3A_444 = arith.ori %and3A_437, %and3A_443 : vector<16xi32>
          %swap3A_445 = arith.index_cast %scan3A_113 : i32 to index
          %swap3A_446 = arith.constant 96 : index
          %swap3A_447 = tpu.vector_load %arg11[%swap3A_445, %swap3A_446] {strides = array<i32>} : memref<72x128xi32, #tpu.memory_space<vmem>>, vector<1x16xi32>,
          %swap3A_448 = vector.shape_cast %swap3A_447 : vector<1x16xi32> to vector<16xi32>
          %swap3A_449 = vector.shape_cast %or3A_444 : vector<16xi32> to vector<1x16xi32>
          tpu.vector_store %arg11[%swap3A_445, %swap3A_446], %swap3A_449 {strides = array<i32>} : memref<72x128xi32, #tpu.memory_space<vmem>>, vector<1x16xi32>,
          %get3A_450 = arith.index_cast %scan3A_113 : i32 to index
          %get3A_451 = arith.constant 112 : index
          %get3A_452 = tpu.vector_load %arg11[%get3A_450, %get3A_451] {strides = array<i32>} : memref<72x128xi32, #tpu.memory_space<vmem>>, vector<1x16xi32>,
          %get3A_453 = vector.shape_cast %get3A_452 : vector<1x16xi32> to vector<16xi32>
          %get3A_454 = arith.index_cast %scan3A_113 : i32 to index
          %get3A_455 = arith.constant 112 : index
          %get3A_456 = tpu.vector_load %arg13[%get3A_454, %get3A_455] {strides = array<i32>} : memref<72x128xi32, #tpu.memory_space<vmem>>, vector<1x16xi32>,
          %get3A_457 = vector.shape_cast %get3A_456 : vector<1x16xi32> to vector<16xi32>
          %shift_left3A_458 = arith.constant 16 : i32
          %shift_left3A_459 = vector.broadcast %shift_left3A_458 : i32 to vector<16xi32>
          %shift_left3A_460 = arith.shli %get3A_453, %shift_left3A_459 : vector<16xi32>
          %bitcast_convert_type3A_461 = tpu.bitcast %shift_left3A_460 : vector<16xi32> -> vector<16xf32>
          %and3A_462 = arith.constant -65536 : i32
          %and3A_463 = vector.broadcast %and3A_462 : i32 to vector<16xi32>
          %and3A_464 = arith.andi %get3A_453, %and3A_463 : vector<16xi32>
          %bitcast_convert_type3A_465 = tpu.bitcast %and3A_464 : vector<16xi32> -> vector<16xf32>
          %shift_left3A_466 = arith.constant 16 : i32
          %shift_left3A_467 = vector.broadcast %shift_left3A_466 : i32 to vector<16xi32>
          %shift_left3A_468 = arith.shli %get3A_457, %shift_left3A_467 : vector<16xi32>
          %bitcast_convert_type3A_469 = tpu.bitcast %shift_left3A_468 : vector<16xi32> -> vector<16xf32>
          %and3A_470 = arith.constant -65536 : i32
          %and3A_471 = vector.broadcast %and3A_470 : i32 to vector<16xi32>
          %and3A_472 = arith.andi %get3A_457, %and3A_471 : vector<16xi32>
          %bitcast_convert_type3A_473 = tpu.bitcast %and3A_472 : vector<16xi32> -> vector<16xf32>
          %add3A_474 = arith.addf %bitcast_convert_type3A_461, %bitcast_convert_type3A_469 : vector<16xf32>
          %bitcast_convert_type3A_475 = tpu.bitcast %add3A_474 : vector<16xf32> -> vector<16xi32>
          %add3A_476 = arith.constant 32768 : i32
          %add3A_477 = vector.broadcast %add3A_476 : i32 to vector<16xi32>
          %add3A_478 = arith.addi %bitcast_convert_type3A_475, %add3A_477 : vector<16xi32>
          %add3A_479 = arith.addf %bitcast_convert_type3A_465, %bitcast_convert_type3A_473 : vector<16xf32>
          %bitcast_convert_type3A_480 = tpu.bitcast %add3A_479 : vector<16xf32> -> vector<16xi32>
          %add3A_481 = arith.constant 32768 : i32
          %add3A_482 = vector.broadcast %add3A_481 : i32 to vector<16xi32>
          %add3A_483 = arith.addi %bitcast_convert_type3A_480, %add3A_482 : vector<16xi32>
          %and3A_484 = arith.constant -65536 : i32
          %and3A_485 = vector.broadcast %and3A_484 : i32 to vector<16xi32>
          %and3A_486 = arith.andi %add3A_483, %and3A_485 : vector<16xi32>
          %shift_right_arithmetic3A_487 = arith.constant 16 : i32
          %shift_right_arithmetic3A_488 = vector.broadcast %shift_right_arithmetic3A_487 : i32 to vector<16xi32>
          %shift_right_arithmetic3A_489 = arith.shrsi %add3A_478, %shift_right_arithmetic3A_488 : vector<16xi32>
          %and3A_490 = arith.constant 65535 : i32
          %and3A_491 = vector.broadcast %and3A_490 : i32 to vector<16xi32>
          %and3A_492 = arith.andi %shift_right_arithmetic3A_489, %and3A_491 : vector<16xi32>
          %or3A_493 = arith.ori %and3A_486, %and3A_492 : vector<16xi32>
          %swap3A_494 = arith.index_cast %scan3A_113 : i32 to index
          %swap3A_495 = arith.constant 112 : index
          %swap3A_496 = tpu.vector_load %arg11[%swap3A_494, %swap3A_495] {strides = array<i32>} : memref<72x128xi32, #tpu.memory_space<vmem>>, vector<1x16xi32>,
          %swap3A_497 = vector.shape_cast %swap3A_496 : vector<1x16xi32> to vector<16xi32>
          %swap3A_498 = vector.shape_cast %or3A_493 : vector<16xi32> to vector<1x16xi32>
          tpu.vector_store %arg11[%swap3A_494, %swap3A_495], %swap3A_498 {strides = array<i32>} : memref<72x128xi32, #tpu.memory_space<vmem>>, vector<1x16xi32>,
        }
        %scan3A_105 = arith.constant 72 : i32
        %mul3A_106 = arith.constant 72 : i32
        %mul3A_107 = arith.muli %add3A_80, %mul3A_106 : i32
        %add3A_108 = arith.addi %mul3A_2, %mul3A_107 : i32
        %dma_start3A_109 = arith.constant 0 : i32
        %dma_start3A_110 = tpu.memref_slice %arg5[%add3A_108, %dma_start3A_109] : memref<57600x128xi32, #tpu.memory_space<hbm>> -> memref<72x128xi32, #tpu.memory_space<hbm>>
        %dma_start3A_111 = arith.constant 0 : i32
        %dma_start3A_112 = tpu.memref_slice %arg5[%add3A_108, %dma_start3A_111] : memref<57600x128xi32, #tpu.memory_space<hbm>> -> memref<72x128xi32, #tpu.memory_space<hbm>>
        tpu.enqueue_dma source(%arg11 : memref<72x128xi32, #tpu.memory_space<vmem>>) target(%dma_start3A_112 : memref<72x128xi32, #tpu.memory_space<hbm>>) target_semaphore(%arg21 : memref<!tpu.dma_semaphore, #tpu.memory_space<semaphore_mem>>)
      } else {
      }
    }
    %scan3A_20 = arith.constant 13 : i32
    %lt3A_21 = arith.constant 0 : i32
    %lt3A_22 = arith.cmpi slt, %add3A, %lt3A_21 : i32
    %convert_element_type3A_23 = arith.extui %lt3A_22 : i1 to i32
    %cond3A_24 = arith.constant 0 : i32
    %cond3A_25 = arith.cmpi ne, %convert_element_type3A_23, %cond3A_24 : i32
    scf.if %cond3A_25 {
      %mul3A_37 = arith.constant 8 : i32
      %mul3A_38 = arith.muli %add3A, %mul3A_37 : i32
      %add3A_39 = arith.constant 57600 : i32
      %add3A_40 = arith.addi %add3A_39, %mul3A_38 : i32
      %dma_wait3A_41 = arith.constant 0 : i32
      %dma_wait3A_42 = arith.constant 0 : i32
      %dma_wait3A_43 = tpu.memref_slice %arg2[%dma_wait3A_41, %dma_wait3A_42] : memref<10000x128xi32, #tpu.memory_space<hbm>> -> memref<8x128xi32, #tpu.memory_space<hbm>>
      %dma_wait3A_44 = arith.constant 0 : i32
      %dma_wait3A_45 = arith.constant 0 : i32
      %dma_wait3A_46 = tpu.memref_slice %arg2[%dma_wait3A_44, %dma_wait3A_45] : memref<10000x128xi32, #tpu.memory_space<hbm>> -> memref<8x128xi32, #tpu.memory_space<hbm>>
      tpu.wait_dma2 semaphore(%arg22 : memref<!tpu.dma_semaphore, #tpu.memory_space<semaphore_mem>>) src(%dma_wait3A_46 : memref<8x128xi32, #tpu.memory_space<hbm>>) dst(%arg14 : memref<8x128xi32, #tpu.memory_space<vmem>>)
      %dma_wait3A_47 = arith.constant 0 : i32
      %dma_wait3A_48 = arith.constant 0 : i32
      %dma_wait3A_49 = tpu.memref_slice %arg2[%dma_wait3A_47, %dma_wait3A_48] : memref<10000x128xi32, #tpu.memory_space<hbm>> -> memref<8x128xi32, #tpu.memory_space<hbm>>
      %dma_wait3A_50 = arith.constant 0 : i32
      %dma_wait3A_51 = arith.constant 0 : i32
      %dma_wait3A_52 = tpu.memref_slice %arg2[%dma_wait3A_50, %dma_wait3A_51] : memref<10000x128xi32, #tpu.memory_space<hbm>> -> memref<8x128xi32, #tpu.memory_space<hbm>>
      tpu.wait_dma2 semaphore(%arg23 : memref<!tpu.dma_semaphore, #tpu.memory_space<semaphore_mem>>) src(%dma_wait3A_52 : memref<8x128xi32, #tpu.memory_space<hbm>>) dst(%arg15 : memref<8x128xi32, #tpu.memory_space<vmem>>)
      %scan3A_53 = arith.constant 0 : i32
      %scan3A_54 = arith.constant 0 : i32
      %scan3A_55 = arith.constant 8 : i32
      %scan3A_56 = arith.addi %scan3A_54, %scan3A_55 : i32
      %scan3A_57 = arith.constant 1 : i32
      scf.for %scan3A_59 = %scan3A_54 to %scan3A_56 step %scan3A_57  : i32 {
        %get3A = arith.index_cast %scan3A_59 : i32 to index
        %get3A_60 = arith.constant 0 : index
        %get3A_61 = tpu.vector_load %arg14[%get3A, %get3A_60] {strides = array<i32>} : memref<8x128xi32, #tpu.memory_space<vmem>>, vector<1x16xi32>,
        %get3A_62 = vector.shape_cast %get3A_61 : vector<1x16xi32> to vector<16xi32>
        %get3A_63 = arith.index_cast %scan3A_59 : i32 to index
        %get3A_64 = arith.constant 0 : index
        %get3A_65 = tpu.vector_load %arg15[%get3A_63, %get3A_64] {strides = array<i32>} : memref<8x128xi32, #tpu.memory_space<vmem>>, vector<1x16xi32>,
        %get3A_66 = vector.shape_cast %get3A_65 : vector<1x16xi32> to vector<16xi32>
        %shift_left3A = arith.constant 16 : i32
        %shift_left3A_67 = vector.broadcast %shift_left3A : i32 to vector<16xi32>
        %shift_left3A_68 = arith.shli %get3A_62, %shift_left3A_67 : vector<16xi32>
        %bitcast_convert_type3A = tpu.bitcast %shift_left3A_68 : vector<16xi32> -> vector<16xf32>
        %and3A = arith.constant -65536 : i32
        %and3A_69 = vector.broadcast %and3A : i32 to vector<16xi32>
        %and3A_70 = arith.andi %get3A_62, %and3A_69 : vector<16xi32>
        %bitcast_convert_type3A_71 = tpu.bitcast %and3A_70 : vector<16xi32> -> vector<16xf32>
        %shift_left3A_72 = arith.constant 16 : i32
        %shift_left3A_73 = vector.broadcast %shift_left3A_72 : i32 to vector<16xi32>
        %shift_left3A_74 = arith.shli %get3A_66, %shift_left3A_73 : vector<16xi32>
        %bitcast_convert_type3A_75 = tpu.bitcast %shift_left3A_74 : vector<16xi32> -> vector<16xf32>
        %and3A_76 = arith.constant -65536 : i32
        %and3A_77 = vector.broadcast %and3A_76 : i32 to vector<16xi32>
        %and3A_78 = arith.andi %get3A_66, %and3A_77 : vector<16xi32>
        %bitcast_convert_type3A_79 = tpu.bitcast %and3A_78 : vector<16xi32> -> vector<16xf32>
        %add3A_80 = arith.addf %bitcast_convert_type3A, %bitcast_convert_type3A_75 : vector<16xf32>
        %bitcast_convert_type3A_81 = tpu.bitcast %add3A_80 : vector<16xf32> -> vector<16xi32>
        %add3A_82 = arith.constant 32768 : i32
        %add3A_83 = vector.broadcast %add3A_82 : i32 to vector<16xi32>
        %add3A_84 = arith.addi %bitcast_convert_type3A_81, %add3A_83 : vector<16xi32>
        %add3A_85 = arith.addf %bitcast_convert_type3A_71, %bitcast_convert_type3A_79 : vector<16xf32>
        %bitcast_convert_type3A_86 = tpu.bitcast %add3A_85 : vector<16xf32> -> vector<16xi32>
        %add3A_87 = arith.constant 32768 : i32
        %add3A_88 = vector.broadcast %add3A_87 : i32 to vector<16xi32>
        %add3A_89 = arith.addi %bitcast_convert_type3A_86, %add3A_88 : vector<16xi32>
        %and3A_90 = arith.constant -65536 : i32
        %and3A_91 = vector.broadcast %and3A_90 : i32 to vector<16xi32>
        %and3A_92 = arith.andi %add3A_89, %and3A_91 : vector<16xi32>
        %shift_right_arithmetic3A = arith.constant 16 : i32
        %shift_right_arithmetic3A_93 = vector.broadcast %shift_right_arithmetic3A : i32 to vector<16xi32>
        %shift_right_arithmetic3A_94 = arith.shrsi %add3A_84, %shift_right_arithmetic3A_93 : vector<16xi32>
        %and3A_95 = arith.constant 65535 : i32
        %and3A_96 = vector.broadcast %and3A_95 : i32 to vector<16xi32>
        %and3A_97 = arith.andi %shift_right_arithmetic3A_94, %and3A_96 : vector<16xi32>
        %or3A = arith.ori %and3A_92, %and3A_97 : vector<16xi32>
        %swap3A = arith.index_cast %scan3A_59 : i32 to index
        %swap3A_98 = arith.constant 0 : index
        %swap3A_99 = tpu.vector_load %arg14[%swap3A, %swap3A_98] {strides = array<i32>} : memref<8x128xi32, #tpu.memory_space<vmem>>, vector<1x16xi32>,
        %swap3A_100 = vector.shape_cast %swap3A_99 : vector<1x16xi32> to vector<16xi32>
        %swap3A_101 = vector.shape_cast %or3A : vector<16xi32> to vector<1x16xi32>
        tpu.vector_store %arg14[%swap3A, %swap3A_98], %swap3A_101 {strides = array<i32>} : memref<8x128xi32, #tpu.memory_space<vmem>>, vector<1x16xi32>,
        %get3A_102 = arith.index_cast %scan3A_59 : i32 to index
        %get3A_103 = arith.constant 16 : index
        %get3A_104 = tpu.vector_load %arg14[%get3A_102, %get3A_103] {strides = array<i32>} : memref<8x128xi32, #tpu.memory_space<vmem>>, vector<1x16xi32>,
        %get3A_105 = vector.shape_cast %get3A_104 : vector<1x16xi32> to vector<16xi32>
        %get3A_106 = arith.index_cast %scan3A_59 : i32 to index
        %get3A_107 = arith.constant 16 : index
        %get3A_108 = tpu.vector_load %arg15[%get3A_106, %get3A_107] {strides = array<i32>} : memref<8x128xi32, #tpu.memory_space<vmem>>, vector<1x16xi32>,
        %get3A_109 = vector.shape_cast %get3A_108 : vector<1x16xi32> to vector<16xi32>
        %shift_left3A_110 = arith.constant 16 : i32
        %shift_left3A_111 = vector.broadcast %shift_left3A_110 : i32 to vector<16xi32>
        %shift_left3A_112 = arith.shli %get3A_105, %shift_left3A_111 : vector<16xi32>
        %bitcast_convert_type3A_113 = tpu.bitcast %shift_left3A_112 : vector<16xi32> -> vector<16xf32>
        %and3A_114 = arith.constant -65536 : i32
        %and3A_115 = vector.broadcast %and3A_114 : i32 to vector<16xi32>
        %and3A_116 = arith.andi %get3A_105, %and3A_115 : vector<16xi32>
        %bitcast_convert_type3A_117 = tpu.bitcast %and3A_116 : vector<16xi32> -> vector<16xf32>
        %shift_left3A_118 = arith.constant 16 : i32
        %shift_left3A_119 = vector.broadcast %shift_left3A_118 : i32 to vector<16xi32>
        %shift_left3A_120 = arith.shli %get3A_109, %shift_left3A_119 : vector<16xi32>
        %bitcast_convert_type3A_121 = tpu.bitcast %shift_left3A_120 : vector<16xi32> -> vector<16xf32>
        %and3A_122 = arith.constant -65536 : i32
        %and3A_123 = vector.broadcast %and3A_122 : i32 to vector<16xi32>
        %and3A_124 = arith.andi %get3A_109, %and3A_123 : vector<16xi32>
        %bitcast_convert_type3A_125 = tpu.bitcast %and3A_124 : vector<16xi32> -> vector<16xf32>
        %add3A_126 = arith.addf %bitcast_convert_type3A_113, %bitcast_convert_type3A_121 : vector<16xf32>
        %bitcast_convert_type3A_127 = tpu.bitcast %add3A_126 : vector<16xf32> -> vector<16xi32>
        %add3A_128 = arith.constant 32768 : i32
        %add3A_129 = vector.broadcast %add3A_128 : i32 to vector<16xi32>
        %add3A_130 = arith.addi %bitcast_convert_type3A_127, %add3A_129 : vector<16xi32>
        %add3A_131 = arith.addf %bitcast_convert_type3A_117, %bitcast_convert_type3A_125 : vector<16xf32>
        %bitcast_convert_type3A_132 = tpu.bitcast %add3A_131 : vector<16xf32> -> vector<16xi32>
        %add3A_133 = arith.constant 32768 : i32
        %add3A_134 = vector.broadcast %add3A_133 : i32 to vector<16xi32>
        %add3A_135 = arith.addi %bitcast_convert_type3A_132, %add3A_134 : vector<16xi32>
        %and3A_136 = arith.constant -65536 : i32
        %and3A_137 = vector.broadcast %and3A_136 : i32 to vector<16xi32>
        %and3A_138 = arith.andi %add3A_135, %and3A_137 : vector<16xi32>
        %shift_right_arithmetic3A_139 = arith.constant 16 : i32
        %shift_right_arithmetic3A_140 = vector.broadcast %shift_right_arithmetic3A_139 : i32 to vector<16xi32>
        %shift_right_arithmetic3A_141 = arith.shrsi %add3A_130, %shift_right_arithmetic3A_140 : vector<16xi32>
        %and3A_142 = arith.constant 65535 : i32
        %and3A_143 = vector.broadcast %and3A_142 : i32 to vector<16xi32>
        %and3A_144 = arith.andi %shift_right_arithmetic3A_141, %and3A_143 : vector<16xi32>
        %or3A_145 = arith.ori %and3A_138, %and3A_144 : vector<16xi32>
        %swap3A_146 = arith.index_cast %scan3A_59 : i32 to index
        %swap3A_147 = arith.constant 16 : index
        %swap3A_148 = tpu.vector_load %arg14[%swap3A_146, %swap3A_147] {strides = array<i32>} : memref<8x128xi32, #tpu.memory_space<vmem>>, vector<1x16xi32>,
        %swap3A_149 = vector.shape_cast %swap3A_148 : vector<1x16xi32> to vector<16xi32>
        %swap3A_150 = vector.shape_cast %or3A_145 : vector<16xi32> to vector<1x16xi32>
        tpu.vector_store %arg14[%swap3A_146, %swap3A_147], %swap3A_150 {strides = array<i32>} : memref<8x128xi32, #tpu.memory_space<vmem>>, vector<1x16xi32>,
        %get3A_151 = arith.index_cast %scan3A_59 : i32 to index
        %get3A_152 = arith.constant 32 : index
        %get3A_153 = tpu.vector_load %arg14[%get3A_151, %get3A_152] {strides = array<i32>} : memref<8x128xi32, #tpu.memory_space<vmem>>, vector<1x16xi32>,
        %get3A_154 = vector.shape_cast %get3A_153 : vector<1x16xi32> to vector<16xi32>
        %get3A_155 = arith.index_cast %scan3A_59 : i32 to index
        %get3A_156 = arith.constant 32 : index
        %get3A_157 = tpu.vector_load %arg15[%get3A_155, %get3A_156] {strides = array<i32>} : memref<8x128xi32, #tpu.memory_space<vmem>>, vector<1x16xi32>,
        %get3A_158 = vector.shape_cast %get3A_157 : vector<1x16xi32> to vector<16xi32>
        %shift_left3A_159 = arith.constant 16 : i32
        %shift_left3A_160 = vector.broadcast %shift_left3A_159 : i32 to vector<16xi32>
        %shift_left3A_161 = arith.shli %get3A_154, %shift_left3A_160 : vector<16xi32>
        %bitcast_convert_type3A_162 = tpu.bitcast %shift_left3A_161 : vector<16xi32> -> vector<16xf32>
        %and3A_163 = arith.constant -65536 : i32
        %and3A_164 = vector.broadcast %and3A_163 : i32 to vector<16xi32>
        %and3A_165 = arith.andi %get3A_154, %and3A_164 : vector<16xi32>
        %bitcast_convert_type3A_166 = tpu.bitcast %and3A_165 : vector<16xi32> -> vector<16xf32>
        %shift_left3A_167 = arith.constant 16 : i32
        %shift_left3A_168 = vector.broadcast %shift_left3A_167 : i32 to vector<16xi32>
        %shift_left3A_169 = arith.shli %get3A_158, %shift_left3A_168 : vector<16xi32>
        %bitcast_convert_type3A_170 = tpu.bitcast %shift_left3A_169 : vector<16xi32> -> vector<16xf32>
        %and3A_171 = arith.constant -65536 : i32
        %and3A_172 = vector.broadcast %and3A_171 : i32 to vector<16xi32>
        %and3A_173 = arith.andi %get3A_158, %and3A_172 : vector<16xi32>
        %bitcast_convert_type3A_174 = tpu.bitcast %and3A_173 : vector<16xi32> -> vector<16xf32>
        %add3A_175 = arith.addf %bitcast_convert_type3A_162, %bitcast_convert_type3A_170 : vector<16xf32>
        %bitcast_convert_type3A_176 = tpu.bitcast %add3A_175 : vector<16xf32> -> vector<16xi32>
        %add3A_177 = arith.constant 32768 : i32
        %add3A_178 = vector.broadcast %add3A_177 : i32 to vector<16xi32>
        %add3A_179 = arith.addi %bitcast_convert_type3A_176, %add3A_178 : vector<16xi32>
        %add3A_180 = arith.addf %bitcast_convert_type3A_166, %bitcast_convert_type3A_174 : vector<16xf32>
        %bitcast_convert_type3A_181 = tpu.bitcast %add3A_180 : vector<16xf32> -> vector<16xi32>
        %add3A_182 = arith.constant 32768 : i32
        %add3A_183 = vector.broadcast %add3A_182 : i32 to vector<16xi32>
        %add3A_184 = arith.addi %bitcast_convert_type3A_181, %add3A_183 : vector<16xi32>
        %and3A_185 = arith.constant -65536 : i32
        %and3A_186 = vector.broadcast %and3A_185 : i32 to vector<16xi32>
        %and3A_187 = arith.andi %add3A_184, %and3A_186 : vector<16xi32>
        %shift_right_arithmetic3A_188 = arith.constant 16 : i32
        %shift_right_arithmetic3A_189 = vector.broadcast %shift_right_arithmetic3A_188 : i32 to vector<16xi32>
        %shift_right_arithmetic3A_190 = arith.shrsi %add3A_179, %shift_right_arithmetic3A_189 : vector<16xi32>
        %and3A_191 = arith.constant 65535 : i32
        %and3A_192 = vector.broadcast %and3A_191 : i32 to vector<16xi32>
        %and3A_193 = arith.andi %shift_right_arithmetic3A_190, %and3A_192 : vector<16xi32>
        %or3A_194 = arith.ori %and3A_187, %and3A_193 : vector<16xi32>
        %swap3A_195 = arith.index_cast %scan3A_59 : i32 to index
        %swap3A_196 = arith.constant 32 : index
        %swap3A_197 = tpu.vector_load %arg14[%swap3A_195, %swap3A_196] {strides = array<i32>} : memref<8x128xi32, #tpu.memory_space<vmem>>, vector<1x16xi32>,
        %swap3A_198 = vector.shape_cast %swap3A_197 : vector<1x16xi32> to vector<16xi32>
        %swap3A_199 = vector.shape_cast %or3A_194 : vector<16xi32> to vector<1x16xi32>
        tpu.vector_store %arg14[%swap3A_195, %swap3A_196], %swap3A_199 {strides = array<i32>} : memref<8x128xi32, #tpu.memory_space<vmem>>, vector<1x16xi32>,
        %get3A_200 = arith.index_cast %scan3A_59 : i32 to index
        %get3A_201 = arith.constant 48 : index
        %get3A_202 = tpu.vector_load %arg14[%get3A_200, %get3A_201] {strides = array<i32>} : memref<8x128xi32, #tpu.memory_space<vmem>>, vector<1x16xi32>,
        %get3A_203 = vector.shape_cast %get3A_202 : vector<1x16xi32> to vector<16xi32>
        %get3A_204 = arith.index_cast %scan3A_59 : i32 to index
        %get3A_205 = arith.constant 48 : index
        %get3A_206 = tpu.vector_load %arg15[%get3A_204, %get3A_205] {strides = array<i32>} : memref<8x128xi32, #tpu.memory_space<vmem>>, vector<1x16xi32>,
        %get3A_207 = vector.shape_cast %get3A_206 : vector<1x16xi32> to vector<16xi32>
        %shift_left3A_208 = arith.constant 16 : i32
        %shift_left3A_209 = vector.broadcast %shift_left3A_208 : i32 to vector<16xi32>
        %shift_left3A_210 = arith.shli %get3A_203, %shift_left3A_209 : vector<16xi32>
        %bitcast_convert_type3A_211 = tpu.bitcast %shift_left3A_210 : vector<16xi32> -> vector<16xf32>
        %and3A_212 = arith.constant -65536 : i32
        %and3A_213 = vector.broadcast %and3A_212 : i32 to vector<16xi32>
        %and3A_214 = arith.andi %get3A_203, %and3A_213 : vector<16xi32>
        %bitcast_convert_type3A_215 = tpu.bitcast %and3A_214 : vector<16xi32> -> vector<16xf32>
        %shift_left3A_216 = arith.constant 16 : i32
        %shift_left3A_217 = vector.broadcast %shift_left3A_216 : i32 to vector<16xi32>
        %shift_left3A_218 = arith.shli %get3A_207, %shift_left3A_217 : vector<16xi32>
        %bitcast_convert_type3A_219 = tpu.bitcast %shift_left3A_218 : vector<16xi32> -> vector<16xf32>
        %and3A_220 = arith.constant -65536 : i32
        %and3A_221 = vector.broadcast %and3A_220 : i32 to vector<16xi32>
        %and3A_222 = arith.andi %get3A_207, %and3A_221 : vector<16xi32>
        %bitcast_convert_type3A_223 = tpu.bitcast %and3A_222 : vector<16xi32> -> vector<16xf32>
        %add3A_224 = arith.addf %bitcast_convert_type3A_211, %bitcast_convert_type3A_219 : vector<16xf32>
        %bitcast_convert_type3A_225 = tpu.bitcast %add3A_224 : vector<16xf32> -> vector<16xi32>
        %add3A_226 = arith.constant 32768 : i32
        %add3A_227 = vector.broadcast %add3A_226 : i32 to vector<16xi32>
        %add3A_228 = arith.addi %bitcast_convert_type3A_225, %add3A_227 : vector<16xi32>
        %add3A_229 = arith.addf %bitcast_convert_type3A_215, %bitcast_convert_type3A_223 : vector<16xf32>
        %bitcast_convert_type3A_230 = tpu.bitcast %add3A_229 : vector<16xf32> -> vector<16xi32>
        %add3A_231 = arith.constant 32768 : i32
        %add3A_232 = vector.broadcast %add3A_231 : i32 to vector<16xi32>
        %add3A_233 = arith.addi %bitcast_convert_type3A_230, %add3A_232 : vector<16xi32>
        %and3A_234 = arith.constant -65536 : i32
        %and3A_235 = vector.broadcast %and3A_234 : i32 to vector<16xi32>
        %and3A_236 = arith.andi %add3A_233, %and3A_235 : vector<16xi32>
        %shift_right_arithmetic3A_237 = arith.constant 16 : i32
        %shift_right_arithmetic3A_238 = vector.broadcast %shift_right_arithmetic3A_237 : i32 to vector<16xi32>
        %shift_right_arithmetic3A_239 = arith.shrsi %add3A_228, %shift_right_arithmetic3A_238 : vector<16xi32>
        %and3A_240 = arith.constant 65535 : i32
        %and3A_241 = vector.broadcast %and3A_240 : i32 to vector<16xi32>
        %and3A_242 = arith.andi %shift_right_arithmetic3A_239, %and3A_241 : vector<16xi32>
        %or3A_243 = arith.ori %and3A_236, %and3A_242 : vector<16xi32>
        %swap3A_244 = arith.index_cast %scan3A_59 : i32 to index
        %swap3A_245 = arith.constant 48 : index
        %swap3A_246 = tpu.vector_load %arg14[%swap3A_244, %swap3A_245] {strides = array<i32>} : memref<8x128xi32, #tpu.memory_space<vmem>>, vector<1x16xi32>,
        %swap3A_247 = vector.shape_cast %swap3A_246 : vector<1x16xi32> to vector<16xi32>
        %swap3A_248 = vector.shape_cast %or3A_243 : vector<16xi32> to vector<1x16xi32>
        tpu.vector_store %arg14[%swap3A_244, %swap3A_245], %swap3A_248 {strides = array<i32>} : memref<8x128xi32, #tpu.memory_space<vmem>>, vector<1x16xi32>,
        %get3A_249 = arith.index_cast %scan3A_59 : i32 to index
        %get3A_250 = arith.constant 64 : index
        %get3A_251 = tpu.vector_load %arg14[%get3A_249, %get3A_250] {strides = array<i32>} : memref<8x128xi32, #tpu.memory_space<vmem>>, vector<1x16xi32>,
        %get3A_252 = vector.shape_cast %get3A_251 : vector<1x16xi32> to vector<16xi32>
        %get3A_253 = arith.index_cast %scan3A_59 : i32 to index
        %get3A_254 = arith.constant 64 : index
        %get3A_255 = tpu.vector_load %arg15[%get3A_253, %get3A_254] {strides = array<i32>} : memref<8x128xi32, #tpu.memory_space<vmem>>, vector<1x16xi32>,
        %get3A_256 = vector.shape_cast %get3A_255 : vector<1x16xi32> to vector<16xi32>
        %shift_left3A_257 = arith.constant 16 : i32
        %shift_left3A_258 = vector.broadcast %shift_left3A_257 : i32 to vector<16xi32>
        %shift_left3A_259 = arith.shli %get3A_252, %shift_left3A_258 : vector<16xi32>
        %bitcast_convert_type3A_260 = tpu.bitcast %shift_left3A_259 : vector<16xi32> -> vector<16xf32>
        %and3A_261 = arith.constant -65536 : i32
        %and3A_262 = vector.broadcast %and3A_261 : i32 to vector<16xi32>
        %and3A_263 = arith.andi %get3A_252, %and3A_262 : vector<16xi32>
        %bitcast_convert_type3A_264 = tpu.bitcast %and3A_263 : vector<16xi32> -> vector<16xf32>
        %shift_left3A_265 = arith.constant 16 : i32
        %shift_left3A_266 = vector.broadcast %shift_left3A_265 : i32 to vector<16xi32>
        %shift_left3A_267 = arith.shli %get3A_256, %shift_left3A_266 : vector<16xi32>
        %bitcast_convert_type3A_268 = tpu.bitcast %shift_left3A_267 : vector<16xi32> -> vector<16xf32>
        %and3A_269 = arith.constant -65536 : i32
        %and3A_270 = vector.broadcast %and3A_269 : i32 to vector<16xi32>
        %and3A_271 = arith.andi %get3A_256, %and3A_270 : vector<16xi32>
        %bitcast_convert_type3A_272 = tpu.bitcast %and3A_271 : vector<16xi32> -> vector<16xf32>
        %add3A_273 = arith.addf %bitcast_convert_type3A_260, %bitcast_convert_type3A_268 : vector<16xf32>
        %bitcast_convert_type3A_274 = tpu.bitcast %add3A_273 : vector<16xf32> -> vector<16xi32>
        %add3A_275 = arith.constant 32768 : i32
        %add3A_276 = vector.broadcast %add3A_275 : i32 to vector<16xi32>
        %add3A_277 = arith.addi %bitcast_convert_type3A_274, %add3A_276 : vector<16xi32>
        %add3A_278 = arith.addf %bitcast_convert_type3A_264, %bitcast_convert_type3A_272 : vector<16xf32>
        %bitcast_convert_type3A_279 = tpu.bitcast %add3A_278 : vector<16xf32> -> vector<16xi32>
        %add3A_280 = arith.constant 32768 : i32
        %add3A_281 = vector.broadcast %add3A_280 : i32 to vector<16xi32>
        %add3A_282 = arith.addi %bitcast_convert_type3A_279, %add3A_281 : vector<16xi32>
        %and3A_283 = arith.constant -65536 : i32
        %and3A_284 = vector.broadcast %and3A_283 : i32 to vector<16xi32>
        %and3A_285 = arith.andi %add3A_282, %and3A_284 : vector<16xi32>
        %shift_right_arithmetic3A_286 = arith.constant 16 : i32
        %shift_right_arithmetic3A_287 = vector.broadcast %shift_right_arithmetic3A_286 : i32 to vector<16xi32>
        %shift_right_arithmetic3A_288 = arith.shrsi %add3A_277, %shift_right_arithmetic3A_287 : vector<16xi32>
        %and3A_289 = arith.constant 65535 : i32
        %and3A_290 = vector.broadcast %and3A_289 : i32 to vector<16xi32>
        %and3A_291 = arith.andi %shift_right_arithmetic3A_288, %and3A_290 : vector<16xi32>
        %or3A_292 = arith.ori %and3A_285, %and3A_291 : vector<16xi32>
        %swap3A_293 = arith.index_cast %scan3A_59 : i32 to index
        %swap3A_294 = arith.constant 64 : index
        %swap3A_295 = tpu.vector_load %arg14[%swap3A_293, %swap3A_294] {strides = array<i32>} : memref<8x128xi32, #tpu.memory_space<vmem>>, vector<1x16xi32>,
        %swap3A_296 = vector.shape_cast %swap3A_295 : vector<1x16xi32> to vector<16xi32>
        %swap3A_297 = vector.shape_cast %or3A_292 : vector<16xi32> to vector<1x16xi32>
        tpu.vector_store %arg14[%swap3A_293, %swap3A_294], %swap3A_297 {strides = array<i32>} : memref<8x128xi32, #tpu.memory_space<vmem>>, vector<1x16xi32>,
        %get3A_298 = arith.index_cast %scan3A_59 : i32 to index
        %get3A_299 = arith.constant 80 : index
        %get3A_300 = tpu.vector_load %arg14[%get3A_298, %get3A_299] {strides = array<i32>} : memref<8x128xi32, #tpu.memory_space<vmem>>, vector<1x16xi32>,
        %get3A_301 = vector.shape_cast %get3A_300 : vector<1x16xi32> to vector<16xi32>
        %get3A_302 = arith.index_cast %scan3A_59 : i32 to index
        %get3A_303 = arith.constant 80 : index
        %get3A_304 = tpu.vector_load %arg15[%get3A_302, %get3A_303] {strides = array<i32>} : memref<8x128xi32, #tpu.memory_space<vmem>>, vector<1x16xi32>,
        %get3A_305 = vector.shape_cast %get3A_304 : vector<1x16xi32> to vector<16xi32>
        %shift_left3A_306 = arith.constant 16 : i32
        %shift_left3A_307 = vector.broadcast %shift_left3A_306 : i32 to vector<16xi32>
        %shift_left3A_308 = arith.shli %get3A_301, %shift_left3A_307 : vector<16xi32>
        %bitcast_convert_type3A_309 = tpu.bitcast %shift_left3A_308 : vector<16xi32> -> vector<16xf32>
        %and3A_310 = arith.constant -65536 : i32
        %and3A_311 = vector.broadcast %and3A_310 : i32 to vector<16xi32>
        %and3A_312 = arith.andi %get3A_301, %and3A_311 : vector<16xi32>
        %bitcast_convert_type3A_313 = tpu.bitcast %and3A_312 : vector<16xi32> -> vector<16xf32>
        %shift_left3A_314 = arith.constant 16 : i32
        %shift_left3A_315 = vector.broadcast %shift_left3A_314 : i32 to vector<16xi32>
        %shift_left3A_316 = arith.shli %get3A_305, %shift_left3A_315 : vector<16xi32>
        %bitcast_convert_type3A_317 = tpu.bitcast %shift_left3A_316 : vector<16xi32> -> vector<16xf32>
        %and3A_318 = arith.constant -65536 : i32
        %and3A_319 = vector.broadcast %and3A_318 : i32 to vector<16xi32>
        %and3A_320 = arith.andi %get3A_305, %and3A_319 : vector<16xi32>
        %bitcast_convert_type3A_321 = tpu.bitcast %and3A_320 : vector<16xi32> -> vector<16xf32>
        %add3A_322 = arith.addf %bitcast_convert_type3A_309, %bitcast_convert_type3A_317 : vector<16xf32>
        %bitcast_convert_type3A_323 = tpu.bitcast %add3A_322 : vector<16xf32> -> vector<16xi32>
        %add3A_324 = arith.constant 32768 : i32
        %add3A_325 = vector.broadcast %add3A_324 : i32 to vector<16xi32>
        %add3A_326 = arith.addi %bitcast_convert_type3A_323, %add3A_325 : vector<16xi32>
        %add3A_327 = arith.addf %bitcast_convert_type3A_313, %bitcast_convert_type3A_321 : vector<16xf32>
        %bitcast_convert_type3A_328 = tpu.bitcast %add3A_327 : vector<16xf32> -> vector<16xi32>
        %add3A_329 = arith.constant 32768 : i32
        %add3A_330 = vector.broadcast %add3A_329 : i32 to vector<16xi32>
        %add3A_331 = arith.addi %bitcast_convert_type3A_328, %add3A_330 : vector<16xi32>
        %and3A_332 = arith.constant -65536 : i32
        %and3A_333 = vector.broadcast %and3A_332 : i32 to vector<16xi32>
        %and3A_334 = arith.andi %add3A_331, %and3A_333 : vector<16xi32>
        %shift_right_arithmetic3A_335 = arith.constant 16 : i32
        %shift_right_arithmetic3A_336 = vector.broadcast %shift_right_arithmetic3A_335 : i32 to vector<16xi32>
        %shift_right_arithmetic3A_337 = arith.shrsi %add3A_326, %shift_right_arithmetic3A_336 : vector<16xi32>
        %and3A_338 = arith.constant 65535 : i32
        %and3A_339 = vector.broadcast %and3A_338 : i32 to vector<16xi32>
        %and3A_340 = arith.andi %shift_right_arithmetic3A_337, %and3A_339 : vector<16xi32>
        %or3A_341 = arith.ori %and3A_334, %and3A_340 : vector<16xi32>
        %swap3A_342 = arith.index_cast %scan3A_59 : i32 to index
        %swap3A_343 = arith.constant 80 : index
        %swap3A_344 = tpu.vector_load %arg14[%swap3A_342, %swap3A_343] {strides = array<i32>} : memref<8x128xi32, #tpu.memory_space<vmem>>, vector<1x16xi32>,
        %swap3A_345 = vector.shape_cast %swap3A_344 : vector<1x16xi32> to vector<16xi32>
        %swap3A_346 = vector.shape_cast %or3A_341 : vector<16xi32> to vector<1x16xi32>
        tpu.vector_store %arg14[%swap3A_342, %swap3A_343], %swap3A_346 {strides = array<i32>} : memref<8x128xi32, #tpu.memory_space<vmem>>, vector<1x16xi32>,
        %get3A_347 = arith.index_cast %scan3A_59 : i32 to index
        %get3A_348 = arith.constant 96 : index
        %get3A_349 = tpu.vector_load %arg14[%get3A_347, %get3A_348] {strides = array<i32>} : memref<8x128xi32, #tpu.memory_space<vmem>>, vector<1x16xi32>,
        %get3A_350 = vector.shape_cast %get3A_349 : vector<1x16xi32> to vector<16xi32>
        %get3A_351 = arith.index_cast %scan3A_59 : i32 to index
        %get3A_352 = arith.constant 96 : index
        %get3A_353 = tpu.vector_load %arg15[%get3A_351, %get3A_352] {strides = array<i32>} : memref<8x128xi32, #tpu.memory_space<vmem>>, vector<1x16xi32>,
        %get3A_354 = vector.shape_cast %get3A_353 : vector<1x16xi32> to vector<16xi32>
        %shift_left3A_355 = arith.constant 16 : i32
        %shift_left3A_356 = vector.broadcast %shift_left3A_355 : i32 to vector<16xi32>
        %shift_left3A_357 = arith.shli %get3A_350, %shift_left3A_356 : vector<16xi32>
        %bitcast_convert_type3A_358 = tpu.bitcast %shift_left3A_357 : vector<16xi32> -> vector<16xf32>
        %and3A_359 = arith.constant -65536 : i32
        %and3A_360 = vector.broadcast %and3A_359 : i32 to vector<16xi32>
        %and3A_361 = arith.andi %get3A_350, %and3A_360 : vector<16xi32>
        %bitcast_convert_type3A_362 = tpu.bitcast %and3A_361 : vector<16xi32> -> vector<16xf32>
        %shift_left3A_363 = arith.constant 16 : i32
        %shift_left3A_364 = vector.broadcast %shift_left3A_363 : i32 to vector<16xi32>
        %shift_left3A_365 = arith.shli %get3A_354, %shift_left3A_364 : vector<16xi32>
        %bitcast_convert_type3A_366 = tpu.bitcast %shift_left3A_365 : vector<16xi32> -> vector<16xf32>
        %and3A_367 = arith.constant -65536 : i32
        %and3A_368 = vector.broadcast %and3A_367 : i32 to vector<16xi32>
        %and3A_369 = arith.andi %get3A_354, %and3A_368 : vector<16xi32>
        %bitcast_convert_type3A_370 = tpu.bitcast %and3A_369 : vector<16xi32> -> vector<16xf32>
        %add3A_371 = arith.addf %bitcast_convert_type3A_358, %bitcast_convert_type3A_366 : vector<16xf32>
        %bitcast_convert_type3A_372 = tpu.bitcast %add3A_371 : vector<16xf32> -> vector<16xi32>
        %add3A_373 = arith.constant 32768 : i32
        %add3A_374 = vector.broadcast %add3A_373 : i32 to vector<16xi32>
        %add3A_375 = arith.addi %bitcast_convert_type3A_372, %add3A_374 : vector<16xi32>
        %add3A_376 = arith.addf %bitcast_convert_type3A_362, %bitcast_convert_type3A_370 : vector<16xf32>
        %bitcast_convert_type3A_377 = tpu.bitcast %add3A_376 : vector<16xf32> -> vector<16xi32>
        %add3A_378 = arith.constant 32768 : i32
        %add3A_379 = vector.broadcast %add3A_378 : i32 to vector<16xi32>
        %add3A_380 = arith.addi %bitcast_convert_type3A_377, %add3A_379 : vector<16xi32>
        %and3A_381 = arith.constant -65536 : i32
        %and3A_382 = vector.broadcast %and3A_381 : i32 to vector<16xi32>
        %and3A_383 = arith.andi %add3A_380, %and3A_382 : vector<16xi32>
        %shift_right_arithmetic3A_384 = arith.constant 16 : i32
        %shift_right_arithmetic3A_385 = vector.broadcast %shift_right_arithmetic3A_384 : i32 to vector<16xi32>
        %shift_right_arithmetic3A_386 = arith.shrsi %add3A_375, %shift_right_arithmetic3A_385 : vector<16xi32>
        %and3A_387 = arith.constant 65535 : i32
        %and3A_388 = vector.broadcast %and3A_387 : i32 to vector<16xi32>
        %and3A_389 = arith.andi %shift_right_arithmetic3A_386, %and3A_388 : vector<16xi32>
        %or3A_390 = arith.ori %and3A_383, %and3A_389 : vector<16xi32>
        %swap3A_391 = arith.index_cast %scan3A_59 : i32 to index
        %swap3A_392 = arith.constant 96 : index
        %swap3A_393 = tpu.vector_load %arg14[%swap3A_391, %swap3A_392] {strides = array<i32>} : memref<8x128xi32, #tpu.memory_space<vmem>>, vector<1x16xi32>,
        %swap3A_394 = vector.shape_cast %swap3A_393 : vector<1x16xi32> to vector<16xi32>
        %swap3A_395 = vector.shape_cast %or3A_390 : vector<16xi32> to vector<1x16xi32>
        tpu.vector_store %arg14[%swap3A_391, %swap3A_392], %swap3A_395 {strides = array<i32>} : memref<8x128xi32, #tpu.memory_space<vmem>>, vector<1x16xi32>,
        %get3A_396 = arith.index_cast %scan3A_59 : i32 to index
        %get3A_397 = arith.constant 112 : index
        %get3A_398 = tpu.vector_load %arg14[%get3A_396, %get3A_397] {strides = array<i32>} : memref<8x128xi32, #tpu.memory_space<vmem>>, vector<1x16xi32>,
        %get3A_399 = vector.shape_cast %get3A_398 : vector<1x16xi32> to vector<16xi32>
        %get3A_400 = arith.index_cast %scan3A_59 : i32 to index
        %get3A_401 = arith.constant 112 : index
        %get3A_402 = tpu.vector_load %arg15[%get3A_400, %get3A_401] {strides = array<i32>} : memref<8x128xi32, #tpu.memory_space<vmem>>, vector<1x16xi32>,
        %get3A_403 = vector.shape_cast %get3A_402 : vector<1x16xi32> to vector<16xi32>
        %shift_left3A_404 = arith.constant 16 : i32
        %shift_left3A_405 = vector.broadcast %shift_left3A_404 : i32 to vector<16xi32>
        %shift_left3A_406 = arith.shli %get3A_399, %shift_left3A_405 : vector<16xi32>
        %bitcast_convert_type3A_407 = tpu.bitcast %shift_left3A_406 : vector<16xi32> -> vector<16xf32>
        %and3A_408 = arith.constant -65536 : i32
        %and3A_409 = vector.broadcast %and3A_408 : i32 to vector<16xi32>
        %and3A_410 = arith.andi %get3A_399, %and3A_409 : vector<16xi32>
        %bitcast_convert_type3A_411 = tpu.bitcast %and3A_410 : vector<16xi32> -> vector<16xf32>
        %shift_left3A_412 = arith.constant 16 : i32
        %shift_left3A_413 = vector.broadcast %shift_left3A_412 : i32 to vector<16xi32>
        %shift_left3A_414 = arith.shli %get3A_403, %shift_left3A_413 : vector<16xi32>
        %bitcast_convert_type3A_415 = tpu.bitcast %shift_left3A_414 : vector<16xi32> -> vector<16xf32>
        %and3A_416 = arith.constant -65536 : i32
        %and3A_417 = vector.broadcast %and3A_416 : i32 to vector<16xi32>
        %and3A_418 = arith.andi %get3A_403, %and3A_417 : vector<16xi32>
        %bitcast_convert_type3A_419 = tpu.bitcast %and3A_418 : vector<16xi32> -> vector<16xf32>
        %add3A_420 = arith.addf %bitcast_convert_type3A_407, %bitcast_convert_type3A_415 : vector<16xf32>
        %bitcast_convert_type3A_421 = tpu.bitcast %add3A_420 : vector<16xf32> -> vector<16xi32>
        %add3A_422 = arith.constant 32768 : i32
        %add3A_423 = vector.broadcast %add3A_422 : i32 to vector<16xi32>
        %add3A_424 = arith.addi %bitcast_convert_type3A_421, %add3A_423 : vector<16xi32>
        %add3A_425 = arith.addf %bitcast_convert_type3A_411, %bitcast_convert_type3A_419 : vector<16xf32>
        %bitcast_convert_type3A_426 = tpu.bitcast %add3A_425 : vector<16xf32> -> vector<16xi32>
        %add3A_427 = arith.constant 32768 : i32
        %add3A_428 = vector.broadcast %add3A_427 : i32 to vector<16xi32>
        %add3A_429 = arith.addi %bitcast_convert_type3A_426, %add3A_428 : vector<16xi32>
        %and3A_430 = arith.constant -65536 : i32
        %and3A_431 = vector.broadcast %and3A_430 : i32 to vector<16xi32>
        %and3A_432 = arith.andi %add3A_429, %and3A_431 : vector<16xi32>
        %shift_right_arithmetic3A_433 = arith.constant 16 : i32
        %shift_right_arithmetic3A_434 = vector.broadcast %shift_right_arithmetic3A_433 : i32 to vector<16xi32>
        %shift_right_arithmetic3A_435 = arith.shrsi %add3A_424, %shift_right_arithmetic3A_434 : vector<16xi32>
        %and3A_436 = arith.constant 65535 : i32
        %and3A_437 = vector.broadcast %and3A_436 : i32 to vector<16xi32>
        %and3A_438 = arith.andi %shift_right_arithmetic3A_435, %and3A_437 : vector<16xi32>
        %or3A_439 = arith.ori %and3A_432, %and3A_438 : vector<16xi32>
        %swap3A_440 = arith.index_cast %scan3A_59 : i32 to index
        %swap3A_441 = arith.constant 112 : index
        %swap3A_442 = tpu.vector_load %arg14[%swap3A_440, %swap3A_441] {strides = array<i32>} : memref<8x128xi32, #tpu.memory_space<vmem>>, vector<1x16xi32>,
        %swap3A_443 = vector.shape_cast %swap3A_442 : vector<1x16xi32> to vector<16xi32>
        %swap3A_444 = vector.shape_cast %or3A_439 : vector<16xi32> to vector<1x16xi32>
        tpu.vector_store %arg14[%swap3A_440, %swap3A_441], %swap3A_444 {strides = array<i32>} : memref<8x128xi32, #tpu.memory_space<vmem>>, vector<1x16xi32>,
      }
      %scan3A_58 = arith.constant 8 : i32
      "tpu.region"() ({
        %run_scoped3A = tpu.sem_alloc : memref<!tpu.dma_semaphore, #tpu.memory_space<semaphore_mem>>
        %dma_start3A_59 = arith.constant 0 : i32
        %dma_start3A_60 = tpu.memref_slice %arg5[%add3A_40, %dma_start3A_59] : memref<57600x128xi32, #tpu.memory_space<hbm>> -> memref<8x128xi32, #tpu.memory_space<hbm>>
        %dma_start3A_61 = arith.constant 0 : i32
        %dma_start3A_62 = tpu.memref_slice %arg5[%add3A_40, %dma_start3A_61] : memref<57600x128xi32, #tpu.memory_space<hbm>> -> memref<8x128xi32, #tpu.memory_space<hbm>>
        tpu.enqueue_dma source(%arg14 : memref<8x128xi32, #tpu.memory_space<vmem>>) target(%dma_start3A_62 : memref<8x128xi32, #tpu.memory_space<hbm>>) target_semaphore(%run_scoped3A : memref<!tpu.dma_semaphore, #tpu.memory_space<semaphore_mem>>)
        %dma_wait3A_63 = arith.constant 0 : i32
        %dma_wait3A_64 = tpu.memref_slice %arg5[%add3A_40, %dma_wait3A_63] : memref<57600x128xi32, #tpu.memory_space<hbm>> -> memref<8x128xi32, #tpu.memory_space<hbm>>
        %dma_wait3A_65 = arith.constant 0 : i32
        %dma_wait3A_66 = tpu.memref_slice %arg5[%add3A_40, %dma_wait3A_65] : memref<57600x128xi32, #tpu.memory_space<hbm>> -> memref<8x128xi32, #tpu.memory_space<hbm>>
        tpu.wait_dma2 semaphore(%run_scoped3A : memref<!tpu.dma_semaphore, #tpu.memory_space<semaphore_mem>>) src(%arg14 : memref<8x128xi32, #tpu.memory_space<vmem>>) dst(%dma_wait3A_66 : memref<8x128xi32, #tpu.memory_space<hbm>>)
        tpu.yield
      }) : () -> ()
    } else {
    }
    %dma_wait3A = arith.constant 0 : i32
    %dma_wait3A_26 = arith.constant 0 : i32
    %dma_wait3A_27 = tpu.memref_slice %arg5[%dma_wait3A, %dma_wait3A_26] : memref<57600x128xi32, #tpu.memory_space<hbm>> -> memref<72x128xi32, #tpu.memory_space<hbm>>
    %dma_wait3A_28 = arith.constant 0 : i32
    %dma_wait3A_29 = arith.constant 0 : i32
    %dma_wait3A_30 = tpu.memref_slice %arg5[%dma_wait3A_28, %dma_wait3A_29] : memref<57600x128xi32, #tpu.memory_space<hbm>> -> memref<72x128xi32, #tpu.memory_space<hbm>>
    tpu.wait_dma2 semaphore(%arg20 : memref<!tpu.dma_semaphore, #tpu.memory_space<semaphore_mem>>) src(%arg10 : memref<72x128xi32, #tpu.memory_space<vmem>>) dst(%dma_wait3A_30 : memref<72x128xi32, #tpu.memory_space<hbm>>)
    %dma_wait3A_31 = arith.constant 0 : i32
    %dma_wait3A_32 = arith.constant 0 : i32
    %dma_wait3A_33 = tpu.memref_slice %arg5[%dma_wait3A_31, %dma_wait3A_32] : memref<57600x128xi32, #tpu.memory_space<hbm>> -> memref<72x128xi32, #tpu.memory_space<hbm>>
    %dma_wait3A_34 = arith.constant 0 : i32
    %dma_wait3A_35 = arith.constant 0 : i32
    %dma_wait3A_36 = tpu.memref_slice %arg5[%dma_wait3A_34, %dma_wait3A_35] : memref<57600x128xi32, #tpu.memory_space<hbm>> -> memref<72x128xi32, #tpu.memory_space<hbm>>
    tpu.wait_dma2 semaphore(%arg21 : memref<!tpu.dma_semaphore, #tpu.memory_space<semaphore_mem>>) src(%arg11 : memref<72x128xi32, #tpu.memory_space<vmem>>) dst(%dma_wait3A_36 : memref<72x128xi32, #tpu.memory_space<hbm>>)
    return
  }
}

#map = affine_map<(d0, d1) -> (0, 0)>
#map1 = affine_map<(d0, d1) -> (0)>
module attributes {stable_mosaic.version = 14 : i64} {
  func.func @k(%arg0: i32, %arg1: i32, %arg2: memref<10000x128xi32, #tpu.memory_space<hbm>>, %arg3: memref<160000xi32, #tpu.memory_space<hbm>>, %arg4: memref<160000xi32, #tpu.memory_space<hbm>>, %arg5: memref<102400x128xi32, #tpu.memory_space<hbm>>, %arg6: memref<3200xi32, #tpu.memory_space<vmem>>, %arg7: memref<3200xi32, #tpu.memory_space<vmem>>, %arg8: memref<8xi32, #tpu.memory_space<vmem>>, %arg9: memref<8xi32, #tpu.memory_space<vmem>>, %arg10: memref<128x128xi32, #tpu.memory_space<vmem>>, %arg11: memref<128x128xi32, #tpu.memory_space<vmem>>, %arg12: memref<128x128xi32, #tpu.memory_space<vmem>>, %arg13: memref<128x128xi32, #tpu.memory_space<vmem>>, %arg14: memref<8x128xi32, #tpu.memory_space<vmem>>, %arg15: memref<8x128xi32, #tpu.memory_space<vmem>>, %arg16: memref<!tpu.dma_semaphore, #tpu.memory_space<semaphore_mem>>, %arg17: memref<!tpu.dma_semaphore, #tpu.memory_space<semaphore_mem>>, %arg18: memref<!tpu.dma_semaphore, #tpu.memory_space<semaphore_mem>>, %arg19: memref<!tpu.dma_semaphore, #tpu.memory_space<semaphore_mem>>, %arg20: memref<!tpu.dma_semaphore, #tpu.memory_space<semaphore_mem>>, %arg21: memref<!tpu.dma_semaphore, #tpu.memory_space<semaphore_mem>>, %arg22: memref<!tpu.dma_semaphore, #tpu.memory_space<semaphore_mem>>, %arg23: memref<!tpu.dma_semaphore, #tpu.memory_space<semaphore_mem>>) attributes {dimension_semantics = [#tpu.dimension_semantics<core_parallel>, #tpu.dimension_semantics<subcore_parallel>], iteration_bounds = array<i64: 2, 16>, scalar_prefetch = 0 : i64, scratch_operands = 18 : i64, tpu.core_type = #tpu.core_type<sc_vector_subcore>, window_params = [{transform_indices = #map}, {transform_indices = #map1}, {transform_indices = #map1}, {transform_indices = #map}]} {
    %mul3A = arith.constant 2 : i32
    %mul3A_0 = arith.muli %arg1, %mul3A : i32
    %add3A = arith.addi %mul3A_0, %arg0 : i32
    %mul3A_1 = arith.constant 3200 : i32
    %mul3A_2 = arith.muli %add3A, %mul3A_1 : i32
    %add3A_3 = arith.constant 0 : i32
    %add3A_4 = arith.addi %add3A_3, %mul3A_2 : i32
    "tpu.region"() ({
      %run_scoped3A = tpu.sem_alloc : memref<!tpu.dma_semaphore, #tpu.memory_space<semaphore_mem>>
      %dma_start3A_37 = tpu.memref_slice %arg3[%add3A_4] : memref<160000xi32, #tpu.memory_space<hbm>> -> memref<3200xi32, #tpu.memory_space<hbm>>
      %dma_start3A_38 = tpu.memref_slice %arg3[%add3A_4] : memref<160000xi32, #tpu.memory_space<hbm>> -> memref<3200xi32, #tpu.memory_space<hbm>>
      tpu.enqueue_dma source(%dma_start3A_38 : memref<3200xi32, #tpu.memory_space<hbm>>) target(%arg6 : memref<3200xi32, #tpu.memory_space<vmem>>) target_semaphore(%run_scoped3A : memref<!tpu.dma_semaphore, #tpu.memory_space<semaphore_mem>>)
      %dma_wait3A_39 = tpu.memref_slice %arg3[%add3A_4] : memref<160000xi32, #tpu.memory_space<hbm>> -> memref<3200xi32, #tpu.memory_space<hbm>>
      %dma_wait3A_40 = tpu.memref_slice %arg3[%add3A_4] : memref<160000xi32, #tpu.memory_space<hbm>> -> memref<3200xi32, #tpu.memory_space<hbm>>
      tpu.wait_dma2 semaphore(%run_scoped3A : memref<!tpu.dma_semaphore, #tpu.memory_space<semaphore_mem>>) src(%dma_wait3A_40 : memref<3200xi32, #tpu.memory_space<hbm>>) dst(%arg6 : memref<3200xi32, #tpu.memory_space<vmem>>)
      tpu.yield
    }) : () -> ()
    "tpu.region"() ({
      %run_scoped3A = tpu.sem_alloc : memref<!tpu.dma_semaphore, #tpu.memory_space<semaphore_mem>>
      %dma_start3A_37 = tpu.memref_slice %arg4[%add3A_4] : memref<160000xi32, #tpu.memory_space<hbm>> -> memref<3200xi32, #tpu.memory_space<hbm>>
      %dma_start3A_38 = tpu.memref_slice %arg4[%add3A_4] : memref<160000xi32, #tpu.memory_space<hbm>> -> memref<3200xi32, #tpu.memory_space<hbm>>
      tpu.enqueue_dma source(%dma_start3A_38 : memref<3200xi32, #tpu.memory_space<hbm>>) target(%arg7 : memref<3200xi32, #tpu.memory_space<vmem>>) target_semaphore(%run_scoped3A : memref<!tpu.dma_semaphore, #tpu.memory_space<semaphore_mem>>)
      %dma_wait3A_39 = tpu.memref_slice %arg4[%add3A_4] : memref<160000xi32, #tpu.memory_space<hbm>> -> memref<3200xi32, #tpu.memory_space<hbm>>
      %dma_wait3A_40 = tpu.memref_slice %arg4[%add3A_4] : memref<160000xi32, #tpu.memory_space<hbm>> -> memref<3200xi32, #tpu.memory_space<hbm>>
      tpu.wait_dma2 semaphore(%run_scoped3A : memref<!tpu.dma_semaphore, #tpu.memory_space<semaphore_mem>>) src(%dma_wait3A_40 : memref<3200xi32, #tpu.memory_space<hbm>>) dst(%arg7 : memref<3200xi32, #tpu.memory_space<vmem>>)
      tpu.yield
    }) : () -> ()
    %lt3A = arith.constant 0 : i32
    %lt3A_5 = arith.cmpi slt, %add3A, %lt3A : i32
    %convert_element_type3A = arith.extui %lt3A_5 : i1 to i32
    %cond3A = arith.constant 0 : i32
    %cond3A_6 = arith.cmpi ne, %convert_element_type3A, %cond3A : i32
    scf.if %cond3A_6 {
      %mul3A_37 = arith.constant 8 : i32
      %mul3A_38 = arith.muli %add3A, %mul3A_37 : i32
      %add3A_39 = arith.constant 102400 : i32
      %add3A_40 = arith.addi %add3A_39, %mul3A_38 : i32
      %add3A_41 = arith.constant 0 : i32
      %add3A_42 = arith.addi %add3A_41, %add3A_40 : i32
      "tpu.region"() ({
        %run_scoped3A = tpu.sem_alloc : memref<!tpu.dma_semaphore, #tpu.memory_space<semaphore_mem>>
        %dma_start3A_49 = tpu.memref_slice %arg3[%add3A_42] : memref<160000xi32, #tpu.memory_space<hbm>> -> memref<8xi32, #tpu.memory_space<hbm>>
        %dma_start3A_50 = tpu.memref_slice %arg3[%add3A_42] : memref<160000xi32, #tpu.memory_space<hbm>> -> memref<8xi32, #tpu.memory_space<hbm>>
        tpu.enqueue_dma source(%dma_start3A_50 : memref<8xi32, #tpu.memory_space<hbm>>) target(%arg8 : memref<8xi32, #tpu.memory_space<vmem>>) target_semaphore(%run_scoped3A : memref<!tpu.dma_semaphore, #tpu.memory_space<semaphore_mem>>)
        %dma_wait3A_51 = tpu.memref_slice %arg3[%add3A_42] : memref<160000xi32, #tpu.memory_space<hbm>> -> memref<8xi32, #tpu.memory_space<hbm>>
        %dma_wait3A_52 = tpu.memref_slice %arg3[%add3A_42] : memref<160000xi32, #tpu.memory_space<hbm>> -> memref<8xi32, #tpu.memory_space<hbm>>
        tpu.wait_dma2 semaphore(%run_scoped3A : memref<!tpu.dma_semaphore, #tpu.memory_space<semaphore_mem>>) src(%dma_wait3A_52 : memref<8xi32, #tpu.memory_space<hbm>>) dst(%arg8 : memref<8xi32, #tpu.memory_space<vmem>>)
        tpu.yield
      }) : () -> ()
      "tpu.region"() ({
        %run_scoped3A = tpu.sem_alloc : memref<!tpu.dma_semaphore, #tpu.memory_space<semaphore_mem>>
        %dma_start3A_49 = tpu.memref_slice %arg4[%add3A_42] : memref<160000xi32, #tpu.memory_space<hbm>> -> memref<8xi32, #tpu.memory_space<hbm>>
        %dma_start3A_50 = tpu.memref_slice %arg4[%add3A_42] : memref<160000xi32, #tpu.memory_space<hbm>> -> memref<8xi32, #tpu.memory_space<hbm>>
        tpu.enqueue_dma source(%dma_start3A_50 : memref<8xi32, #tpu.memory_space<hbm>>) target(%arg9 : memref<8xi32, #tpu.memory_space<vmem>>) target_semaphore(%run_scoped3A : memref<!tpu.dma_semaphore, #tpu.memory_space<semaphore_mem>>)
        %dma_wait3A_51 = tpu.memref_slice %arg4[%add3A_42] : memref<160000xi32, #tpu.memory_space<hbm>> -> memref<8xi32, #tpu.memory_space<hbm>>
        %dma_wait3A_52 = tpu.memref_slice %arg4[%add3A_42] : memref<160000xi32, #tpu.memory_space<hbm>> -> memref<8xi32, #tpu.memory_space<hbm>>
        tpu.wait_dma2 semaphore(%run_scoped3A : memref<!tpu.dma_semaphore, #tpu.memory_space<semaphore_mem>>) src(%dma_wait3A_52 : memref<8xi32, #tpu.memory_space<hbm>>) dst(%arg9 : memref<8xi32, #tpu.memory_space<vmem>>)
        tpu.yield
      }) : () -> ()
      %dma_start3A_43 = arith.constant 0 : i32
      %dma_start3A_44 = arith.constant 0 : i32
      %dma_start3A_45 = tpu.memref_slice %arg2[%dma_start3A_43, %dma_start3A_44] : memref<10000x128xi32, #tpu.memory_space<hbm>> -> memref<10000x128xi32, #tpu.memory_space<hbm>>
      tpu.enqueue_indirect_dma source(%dma_start3A_45 : memref<10000x128xi32, #tpu.memory_space<hbm>>) target(%arg14 : memref<8x128xi32, #tpu.memory_space<vmem>>) offsets(%arg8 : memref<8xi32, #tpu.memory_space<vmem>>) semaphore(%arg22 : memref<!tpu.dma_semaphore, #tpu.memory_space<semaphore_mem>>)
      %dma_start3A_46 = arith.constant 0 : i32
      %dma_start3A_47 = arith.constant 0 : i32
      %dma_start3A_48 = tpu.memref_slice %arg2[%dma_start3A_46, %dma_start3A_47] : memref<10000x128xi32, #tpu.memory_space<hbm>> -> memref<10000x128xi32, #tpu.memory_space<hbm>>
      tpu.enqueue_indirect_dma source(%dma_start3A_48 : memref<10000x128xi32, #tpu.memory_space<hbm>>) target(%arg15 : memref<8x128xi32, #tpu.memory_space<vmem>>) offsets(%arg9 : memref<8xi32, #tpu.memory_space<vmem>>) semaphore(%arg23 : memref<!tpu.dma_semaphore, #tpu.memory_space<semaphore_mem>>)
    } else {
    }
    %dma_start3A = arith.constant 0 : i32
    %dma_start3A_7 = tpu.memref_slice %arg6[%dma_start3A] : memref<3200xi32, #tpu.memory_space<vmem>> -> memref<128xi32, #tpu.memory_space<vmem>>
    %dma_start3A_8 = arith.constant 0 : i32
    %dma_start3A_9 = arith.constant 0 : i32
    %dma_start3A_10 = tpu.memref_slice %arg2[%dma_start3A_8, %dma_start3A_9] : memref<10000x128xi32, #tpu.memory_space<hbm>> -> memref<10000x128xi32, #tpu.memory_space<hbm>>
    tpu.enqueue_indirect_dma source(%dma_start3A_10 : memref<10000x128xi32, #tpu.memory_space<hbm>>) target(%arg10 : memref<128x128xi32, #tpu.memory_space<vmem>>) offsets(%dma_start3A_7 : memref<128xi32, #tpu.memory_space<vmem>>) semaphore(%arg16 : memref<!tpu.dma_semaphore, #tpu.memory_space<semaphore_mem>>)
    %dma_start3A_11 = arith.constant 0 : i32
    %dma_start3A_12 = tpu.memref_slice %arg7[%dma_start3A_11] : memref<3200xi32, #tpu.memory_space<vmem>> -> memref<128xi32, #tpu.memory_space<vmem>>
    %dma_start3A_13 = arith.constant 0 : i32
    %dma_start3A_14 = arith.constant 0 : i32
    %dma_start3A_15 = tpu.memref_slice %arg2[%dma_start3A_13, %dma_start3A_14] : memref<10000x128xi32, #tpu.memory_space<hbm>> -> memref<10000x128xi32, #tpu.memory_space<hbm>>
    tpu.enqueue_indirect_dma source(%dma_start3A_15 : memref<10000x128xi32, #tpu.memory_space<hbm>>) target(%arg12 : memref<128x128xi32, #tpu.memory_space<vmem>>) offsets(%dma_start3A_12 : memref<128xi32, #tpu.memory_space<vmem>>) semaphore(%arg18 : memref<!tpu.dma_semaphore, #tpu.memory_space<semaphore_mem>>)
    %scan3A = arith.constant 0 : i32
    %scan3A_16 = arith.constant 0 : i32
    %scan3A_17 = arith.constant 13 : i32
    %scan3A_18 = arith.addi %scan3A_16, %scan3A_17 : i32
    %scan3A_19 = arith.constant 1 : i32
    scf.for %scan3A_37 = %scan3A_16 to %scan3A_18 step %scan3A_19  : i32 {
      %mul3A_38 = arith.constant 2 : i32
      %mul3A_39 = arith.muli %scan3A_37, %mul3A_38 : i32
      %dma_wait3A_40 = arith.constant 0 : i32
      %dma_wait3A_41 = arith.constant 0 : i32
      %dma_wait3A_42 = tpu.memref_slice %arg2[%dma_wait3A_40, %dma_wait3A_41] : memref<10000x128xi32, #tpu.memory_space<hbm>> -> memref<128x128xi32, #tpu.memory_space<hbm>>
      %dma_wait3A_43 = arith.constant 0 : i32
      %dma_wait3A_44 = arith.constant 0 : i32
      %dma_wait3A_45 = tpu.memref_slice %arg2[%dma_wait3A_43, %dma_wait3A_44] : memref<10000x128xi32, #tpu.memory_space<hbm>> -> memref<128x128xi32, #tpu.memory_space<hbm>>
      tpu.wait_dma2 semaphore(%arg16 : memref<!tpu.dma_semaphore, #tpu.memory_space<semaphore_mem>>) src(%dma_wait3A_45 : memref<128x128xi32, #tpu.memory_space<hbm>>) dst(%arg10 : memref<128x128xi32, #tpu.memory_space<vmem>>)
      %dma_wait3A_46 = arith.constant 0 : i32
      %dma_wait3A_47 = arith.constant 0 : i32
      %dma_wait3A_48 = tpu.memref_slice %arg2[%dma_wait3A_46, %dma_wait3A_47] : memref<10000x128xi32, #tpu.memory_space<hbm>> -> memref<128x128xi32, #tpu.memory_space<hbm>>
      %dma_wait3A_49 = arith.constant 0 : i32
      %dma_wait3A_50 = arith.constant 0 : i32
      %dma_wait3A_51 = tpu.memref_slice %arg2[%dma_wait3A_49, %dma_wait3A_50] : memref<10000x128xi32, #tpu.memory_space<hbm>> -> memref<128x128xi32, #tpu.memory_space<hbm>>
      tpu.wait_dma2 semaphore(%arg18 : memref<!tpu.dma_semaphore, #tpu.memory_space<semaphore_mem>>) src(%dma_wait3A_51 : memref<128x128xi32, #tpu.memory_space<hbm>>) dst(%arg12 : memref<128x128xi32, #tpu.memory_space<vmem>>)
      %add3A_52 = arith.constant 1 : i32
      %add3A_53 = arith.addi %mul3A_39, %add3A_52 : i32
      %lt3A_54 = arith.constant 25 : i32
      %lt3A_55 = arith.cmpi slt, %add3A_53, %lt3A_54 : i32
      %convert_element_type3A_56 = arith.extui %lt3A_55 : i1 to i32
      %cond3A_57 = arith.constant 0 : i32
      %cond3A_58 = arith.cmpi ne, %convert_element_type3A_56, %cond3A_57 : i32
      scf.if %cond3A_58 {
        %ge3A = arith.constant 1 : i32
        %ge3A_79 = arith.cmpi sge, %mul3A_39, %ge3A : i32
        %convert_element_type3A_80 = arith.extui %ge3A_79 : i1 to i32
        %cond3A_81 = arith.constant 0 : i32
        %cond3A_82 = arith.cmpi ne, %convert_element_type3A_80, %cond3A_81 : i32
        scf.if %cond3A_82 {
          %dma_wait3A_99 = arith.constant 0 : i32
          %dma_wait3A_100 = arith.constant 0 : i32
          %dma_wait3A_101 = tpu.memref_slice %arg5[%dma_wait3A_99, %dma_wait3A_100] : memref<102400x128xi32, #tpu.memory_space<hbm>> -> memref<128x128xi32, #tpu.memory_space<hbm>>
          %dma_wait3A_102 = arith.constant 0 : i32
          %dma_wait3A_103 = arith.constant 0 : i32
          %dma_wait3A_104 = tpu.memref_slice %arg5[%dma_wait3A_102, %dma_wait3A_103] : memref<102400x128xi32, #tpu.memory_space<hbm>> -> memref<128x128xi32, #tpu.memory_space<hbm>>
          tpu.wait_dma2 semaphore(%arg21 : memref<!tpu.dma_semaphore, #tpu.memory_space<semaphore_mem>>) src(%arg11 : memref<128x128xi32, #tpu.memory_space<vmem>>) dst(%dma_wait3A_104 : memref<128x128xi32, #tpu.memory_space<hbm>>)
        } else {
        }
        %add3A_83 = arith.constant 1 : i32
        %add3A_84 = arith.addi %mul3A_39, %add3A_83 : i32
        %mul3A_85 = arith.constant 128 : i32
        %mul3A_86 = arith.muli %add3A_84, %mul3A_85 : i32
        %dma_start3A_87 = tpu.memref_slice %arg6[%mul3A_86] : memref<3200xi32, #tpu.memory_space<vmem>> -> memref<128xi32, #tpu.memory_space<vmem>>
        %dma_start3A_88 = arith.constant 0 : i32
        %dma_start3A_89 = arith.constant 0 : i32
        %dma_start3A_90 = tpu.memref_slice %arg2[%dma_start3A_88, %dma_start3A_89] : memref<10000x128xi32, #tpu.memory_space<hbm>> -> memref<10000x128xi32, #tpu.memory_space<hbm>>
        tpu.enqueue_indirect_dma source(%dma_start3A_90 : memref<10000x128xi32, #tpu.memory_space<hbm>>) target(%arg11 : memref<128x128xi32, #tpu.memory_space<vmem>>) offsets(%dma_start3A_87 : memref<128xi32, #tpu.memory_space<vmem>>) semaphore(%arg17 : memref<!tpu.dma_semaphore, #tpu.memory_space<semaphore_mem>>)
        %add3A_91 = arith.constant 1 : i32
        %add3A_92 = arith.addi %mul3A_39, %add3A_91 : i32
        %mul3A_93 = arith.constant 128 : i32
        %mul3A_94 = arith.muli %add3A_92, %mul3A_93 : i32
        %dma_start3A_95 = tpu.memref_slice %arg7[%mul3A_94] : memref<3200xi32, #tpu.memory_space<vmem>> -> memref<128xi32, #tpu.memory_space<vmem>>
        %dma_start3A_96 = arith.constant 0 : i32
        %dma_start3A_97 = arith.constant 0 : i32
        %dma_start3A_98 = tpu.memref_slice %arg2[%dma_start3A_96, %dma_start3A_97] : memref<10000x128xi32, #tpu.memory_space<hbm>> -> memref<10000x128xi32, #tpu.memory_space<hbm>>
        tpu.enqueue_indirect_dma source(%dma_start3A_98 : memref<10000x128xi32, #tpu.memory_space<hbm>>) target(%arg13 : memref<128x128xi32, #tpu.memory_space<vmem>>) offsets(%dma_start3A_95 : memref<128xi32, #tpu.memory_space<vmem>>) semaphore(%arg19 : memref<!tpu.dma_semaphore, #tpu.memory_space<semaphore_mem>>)
      } else {
      }
      %scan3A_59 = arith.constant 0 : i32
      %scan3A_60 = arith.constant 0 : i32
      %scan3A_61 = arith.constant 128 : i32
      %scan3A_62 = arith.addi %scan3A_60, %scan3A_61 : i32
      %scan3A_63 = arith.constant 1 : i32
      scf.for %scan3A_79 = %scan3A_60 to %scan3A_62 step %scan3A_63  : i32 {
        %get3A = arith.index_cast %scan3A_79 : i32 to index
        %get3A_80 = arith.constant 0 : index
        %get3A_81 = tpu.vector_load %arg10[%get3A, %get3A_80] {strides = array<i32>} : memref<128x128xi32, #tpu.memory_space<vmem>>, vector<1x16xi32>,
        %get3A_82 = vector.shape_cast %get3A_81 : vector<1x16xi32> to vector<16xi32>
        %get3A_83 = arith.index_cast %scan3A_79 : i32 to index
        %get3A_84 = arith.constant 0 : index
        %get3A_85 = tpu.vector_load %arg12[%get3A_83, %get3A_84] {strides = array<i32>} : memref<128x128xi32, #tpu.memory_space<vmem>>, vector<1x16xi32>,
        %get3A_86 = vector.shape_cast %get3A_85 : vector<1x16xi32> to vector<16xi32>
        %shift_left3A = arith.constant 16 : i32
        %shift_left3A_87 = vector.broadcast %shift_left3A : i32 to vector<16xi32>
        %shift_left3A_88 = arith.shli %get3A_82, %shift_left3A_87 : vector<16xi32>
        %bitcast_convert_type3A = tpu.bitcast %shift_left3A_88 : vector<16xi32> -> vector<16xf32>
        %and3A = arith.constant -65536 : i32
        %and3A_89 = vector.broadcast %and3A : i32 to vector<16xi32>
        %and3A_90 = arith.andi %get3A_82, %and3A_89 : vector<16xi32>
        %bitcast_convert_type3A_91 = tpu.bitcast %and3A_90 : vector<16xi32> -> vector<16xf32>
        %shift_left3A_92 = arith.constant 16 : i32
        %shift_left3A_93 = vector.broadcast %shift_left3A_92 : i32 to vector<16xi32>
        %shift_left3A_94 = arith.shli %get3A_86, %shift_left3A_93 : vector<16xi32>
        %bitcast_convert_type3A_95 = tpu.bitcast %shift_left3A_94 : vector<16xi32> -> vector<16xf32>
        %and3A_96 = arith.constant -65536 : i32
        %and3A_97 = vector.broadcast %and3A_96 : i32 to vector<16xi32>
        %and3A_98 = arith.andi %get3A_86, %and3A_97 : vector<16xi32>
        %bitcast_convert_type3A_99 = tpu.bitcast %and3A_98 : vector<16xi32> -> vector<16xf32>
        %add3A_100 = arith.addf %bitcast_convert_type3A, %bitcast_convert_type3A_95 : vector<16xf32>
        %bitcast_convert_type3A_101 = tpu.bitcast %add3A_100 : vector<16xf32> -> vector<16xi32>
        %add3A_102 = arith.constant 32768 : i32
        %add3A_103 = vector.broadcast %add3A_102 : i32 to vector<16xi32>
        %add3A_104 = arith.addi %bitcast_convert_type3A_101, %add3A_103 : vector<16xi32>
        %add3A_105 = arith.addf %bitcast_convert_type3A_91, %bitcast_convert_type3A_99 : vector<16xf32>
        %bitcast_convert_type3A_106 = tpu.bitcast %add3A_105 : vector<16xf32> -> vector<16xi32>
        %add3A_107 = arith.constant 32768 : i32
        %add3A_108 = vector.broadcast %add3A_107 : i32 to vector<16xi32>
        %add3A_109 = arith.addi %bitcast_convert_type3A_106, %add3A_108 : vector<16xi32>
        %and3A_110 = arith.constant -65536 : i32
        %and3A_111 = vector.broadcast %and3A_110 : i32 to vector<16xi32>
        %and3A_112 = arith.andi %add3A_109, %and3A_111 : vector<16xi32>
        %shift_right_arithmetic3A = arith.constant 16 : i32
        %shift_right_arithmetic3A_113 = vector.broadcast %shift_right_arithmetic3A : i32 to vector<16xi32>
        %shift_right_arithmetic3A_114 = arith.shrsi %add3A_104, %shift_right_arithmetic3A_113 : vector<16xi32>
        %and3A_115 = arith.constant 65535 : i32
        %and3A_116 = vector.broadcast %and3A_115 : i32 to vector<16xi32>
        %and3A_117 = arith.andi %shift_right_arithmetic3A_114, %and3A_116 : vector<16xi32>
        %or3A = arith.ori %and3A_112, %and3A_117 : vector<16xi32>
        %swap3A = arith.index_cast %scan3A_79 : i32 to index
        %swap3A_118 = arith.constant 0 : index
        %swap3A_119 = tpu.vector_load %arg10[%swap3A, %swap3A_118] {strides = array<i32>} : memref<128x128xi32, #tpu.memory_space<vmem>>, vector<1x16xi32>,
        %swap3A_120 = vector.shape_cast %swap3A_119 : vector<1x16xi32> to vector<16xi32>
        %swap3A_121 = vector.shape_cast %or3A : vector<16xi32> to vector<1x16xi32>
        tpu.vector_store %arg10[%swap3A, %swap3A_118], %swap3A_121 {strides = array<i32>} : memref<128x128xi32, #tpu.memory_space<vmem>>, vector<1x16xi32>,
        %get3A_122 = arith.index_cast %scan3A_79 : i32 to index
        %get3A_123 = arith.constant 16 : index
        %get3A_124 = tpu.vector_load %arg10[%get3A_122, %get3A_123] {strides = array<i32>} : memref<128x128xi32, #tpu.memory_space<vmem>>, vector<1x16xi32>,
        %get3A_125 = vector.shape_cast %get3A_124 : vector<1x16xi32> to vector<16xi32>
        %get3A_126 = arith.index_cast %scan3A_79 : i32 to index
        %get3A_127 = arith.constant 16 : index
        %get3A_128 = tpu.vector_load %arg12[%get3A_126, %get3A_127] {strides = array<i32>} : memref<128x128xi32, #tpu.memory_space<vmem>>, vector<1x16xi32>,
        %get3A_129 = vector.shape_cast %get3A_128 : vector<1x16xi32> to vector<16xi32>
        %shift_left3A_130 = arith.constant 16 : i32
        %shift_left3A_131 = vector.broadcast %shift_left3A_130 : i32 to vector<16xi32>
        %shift_left3A_132 = arith.shli %get3A_125, %shift_left3A_131 : vector<16xi32>
        %bitcast_convert_type3A_133 = tpu.bitcast %shift_left3A_132 : vector<16xi32> -> vector<16xf32>
        %and3A_134 = arith.constant -65536 : i32
        %and3A_135 = vector.broadcast %and3A_134 : i32 to vector<16xi32>
        %and3A_136 = arith.andi %get3A_125, %and3A_135 : vector<16xi32>
        %bitcast_convert_type3A_137 = tpu.bitcast %and3A_136 : vector<16xi32> -> vector<16xf32>
        %shift_left3A_138 = arith.constant 16 : i32
        %shift_left3A_139 = vector.broadcast %shift_left3A_138 : i32 to vector<16xi32>
        %shift_left3A_140 = arith.shli %get3A_129, %shift_left3A_139 : vector<16xi32>
        %bitcast_convert_type3A_141 = tpu.bitcast %shift_left3A_140 : vector<16xi32> -> vector<16xf32>
        %and3A_142 = arith.constant -65536 : i32
        %and3A_143 = vector.broadcast %and3A_142 : i32 to vector<16xi32>
        %and3A_144 = arith.andi %get3A_129, %and3A_143 : vector<16xi32>
        %bitcast_convert_type3A_145 = tpu.bitcast %and3A_144 : vector<16xi32> -> vector<16xf32>
        %add3A_146 = arith.addf %bitcast_convert_type3A_133, %bitcast_convert_type3A_141 : vector<16xf32>
        %bitcast_convert_type3A_147 = tpu.bitcast %add3A_146 : vector<16xf32> -> vector<16xi32>
        %add3A_148 = arith.constant 32768 : i32
        %add3A_149 = vector.broadcast %add3A_148 : i32 to vector<16xi32>
        %add3A_150 = arith.addi %bitcast_convert_type3A_147, %add3A_149 : vector<16xi32>
        %add3A_151 = arith.addf %bitcast_convert_type3A_137, %bitcast_convert_type3A_145 : vector<16xf32>
        %bitcast_convert_type3A_152 = tpu.bitcast %add3A_151 : vector<16xf32> -> vector<16xi32>
        %add3A_153 = arith.constant 32768 : i32
        %add3A_154 = vector.broadcast %add3A_153 : i32 to vector<16xi32>
        %add3A_155 = arith.addi %bitcast_convert_type3A_152, %add3A_154 : vector<16xi32>
        %and3A_156 = arith.constant -65536 : i32
        %and3A_157 = vector.broadcast %and3A_156 : i32 to vector<16xi32>
        %and3A_158 = arith.andi %add3A_155, %and3A_157 : vector<16xi32>
        %shift_right_arithmetic3A_159 = arith.constant 16 : i32
        %shift_right_arithmetic3A_160 = vector.broadcast %shift_right_arithmetic3A_159 : i32 to vector<16xi32>
        %shift_right_arithmetic3A_161 = arith.shrsi %add3A_150, %shift_right_arithmetic3A_160 : vector<16xi32>
        %and3A_162 = arith.constant 65535 : i32
        %and3A_163 = vector.broadcast %and3A_162 : i32 to vector<16xi32>
        %and3A_164 = arith.andi %shift_right_arithmetic3A_161, %and3A_163 : vector<16xi32>
        %or3A_165 = arith.ori %and3A_158, %and3A_164 : vector<16xi32>
        %swap3A_166 = arith.index_cast %scan3A_79 : i32 to index
        %swap3A_167 = arith.constant 16 : index
        %swap3A_168 = tpu.vector_load %arg10[%swap3A_166, %swap3A_167] {strides = array<i32>} : memref<128x128xi32, #tpu.memory_space<vmem>>, vector<1x16xi32>,
        %swap3A_169 = vector.shape_cast %swap3A_168 : vector<1x16xi32> to vector<16xi32>
        %swap3A_170 = vector.shape_cast %or3A_165 : vector<16xi32> to vector<1x16xi32>
        tpu.vector_store %arg10[%swap3A_166, %swap3A_167], %swap3A_170 {strides = array<i32>} : memref<128x128xi32, #tpu.memory_space<vmem>>, vector<1x16xi32>,
        %get3A_171 = arith.index_cast %scan3A_79 : i32 to index
        %get3A_172 = arith.constant 32 : index
        %get3A_173 = tpu.vector_load %arg10[%get3A_171, %get3A_172] {strides = array<i32>} : memref<128x128xi32, #tpu.memory_space<vmem>>, vector<1x16xi32>,
        %get3A_174 = vector.shape_cast %get3A_173 : vector<1x16xi32> to vector<16xi32>
        %get3A_175 = arith.index_cast %scan3A_79 : i32 to index
        %get3A_176 = arith.constant 32 : index
        %get3A_177 = tpu.vector_load %arg12[%get3A_175, %get3A_176] {strides = array<i32>} : memref<128x128xi32, #tpu.memory_space<vmem>>, vector<1x16xi32>,
        %get3A_178 = vector.shape_cast %get3A_177 : vector<1x16xi32> to vector<16xi32>
        %shift_left3A_179 = arith.constant 16 : i32
        %shift_left3A_180 = vector.broadcast %shift_left3A_179 : i32 to vector<16xi32>
        %shift_left3A_181 = arith.shli %get3A_174, %shift_left3A_180 : vector<16xi32>
        %bitcast_convert_type3A_182 = tpu.bitcast %shift_left3A_181 : vector<16xi32> -> vector<16xf32>
        %and3A_183 = arith.constant -65536 : i32
        %and3A_184 = vector.broadcast %and3A_183 : i32 to vector<16xi32>
        %and3A_185 = arith.andi %get3A_174, %and3A_184 : vector<16xi32>
        %bitcast_convert_type3A_186 = tpu.bitcast %and3A_185 : vector<16xi32> -> vector<16xf32>
        %shift_left3A_187 = arith.constant 16 : i32
        %shift_left3A_188 = vector.broadcast %shift_left3A_187 : i32 to vector<16xi32>
        %shift_left3A_189 = arith.shli %get3A_178, %shift_left3A_188 : vector<16xi32>
        %bitcast_convert_type3A_190 = tpu.bitcast %shift_left3A_189 : vector<16xi32> -> vector<16xf32>
        %and3A_191 = arith.constant -65536 : i32
        %and3A_192 = vector.broadcast %and3A_191 : i32 to vector<16xi32>
        %and3A_193 = arith.andi %get3A_178, %and3A_192 : vector<16xi32>
        %bitcast_convert_type3A_194 = tpu.bitcast %and3A_193 : vector<16xi32> -> vector<16xf32>
        %add3A_195 = arith.addf %bitcast_convert_type3A_182, %bitcast_convert_type3A_190 : vector<16xf32>
        %bitcast_convert_type3A_196 = tpu.bitcast %add3A_195 : vector<16xf32> -> vector<16xi32>
        %add3A_197 = arith.constant 32768 : i32
        %add3A_198 = vector.broadcast %add3A_197 : i32 to vector<16xi32>
        %add3A_199 = arith.addi %bitcast_convert_type3A_196, %add3A_198 : vector<16xi32>
        %add3A_200 = arith.addf %bitcast_convert_type3A_186, %bitcast_convert_type3A_194 : vector<16xf32>
        %bitcast_convert_type3A_201 = tpu.bitcast %add3A_200 : vector<16xf32> -> vector<16xi32>
        %add3A_202 = arith.constant 32768 : i32
        %add3A_203 = vector.broadcast %add3A_202 : i32 to vector<16xi32>
        %add3A_204 = arith.addi %bitcast_convert_type3A_201, %add3A_203 : vector<16xi32>
        %and3A_205 = arith.constant -65536 : i32
        %and3A_206 = vector.broadcast %and3A_205 : i32 to vector<16xi32>
        %and3A_207 = arith.andi %add3A_204, %and3A_206 : vector<16xi32>
        %shift_right_arithmetic3A_208 = arith.constant 16 : i32
        %shift_right_arithmetic3A_209 = vector.broadcast %shift_right_arithmetic3A_208 : i32 to vector<16xi32>
        %shift_right_arithmetic3A_210 = arith.shrsi %add3A_199, %shift_right_arithmetic3A_209 : vector<16xi32>
        %and3A_211 = arith.constant 65535 : i32
        %and3A_212 = vector.broadcast %and3A_211 : i32 to vector<16xi32>
        %and3A_213 = arith.andi %shift_right_arithmetic3A_210, %and3A_212 : vector<16xi32>
        %or3A_214 = arith.ori %and3A_207, %and3A_213 : vector<16xi32>
        %swap3A_215 = arith.index_cast %scan3A_79 : i32 to index
        %swap3A_216 = arith.constant 32 : index
        %swap3A_217 = tpu.vector_load %arg10[%swap3A_215, %swap3A_216] {strides = array<i32>} : memref<128x128xi32, #tpu.memory_space<vmem>>, vector<1x16xi32>,
        %swap3A_218 = vector.shape_cast %swap3A_217 : vector<1x16xi32> to vector<16xi32>
        %swap3A_219 = vector.shape_cast %or3A_214 : vector<16xi32> to vector<1x16xi32>
        tpu.vector_store %arg10[%swap3A_215, %swap3A_216], %swap3A_219 {strides = array<i32>} : memref<128x128xi32, #tpu.memory_space<vmem>>, vector<1x16xi32>,
        %get3A_220 = arith.index_cast %scan3A_79 : i32 to index
        %get3A_221 = arith.constant 48 : index
        %get3A_222 = tpu.vector_load %arg10[%get3A_220, %get3A_221] {strides = array<i32>} : memref<128x128xi32, #tpu.memory_space<vmem>>, vector<1x16xi32>,
        %get3A_223 = vector.shape_cast %get3A_222 : vector<1x16xi32> to vector<16xi32>
        %get3A_224 = arith.index_cast %scan3A_79 : i32 to index
        %get3A_225 = arith.constant 48 : index
        %get3A_226 = tpu.vector_load %arg12[%get3A_224, %get3A_225] {strides = array<i32>} : memref<128x128xi32, #tpu.memory_space<vmem>>, vector<1x16xi32>,
        %get3A_227 = vector.shape_cast %get3A_226 : vector<1x16xi32> to vector<16xi32>
        %shift_left3A_228 = arith.constant 16 : i32
        %shift_left3A_229 = vector.broadcast %shift_left3A_228 : i32 to vector<16xi32>
        %shift_left3A_230 = arith.shli %get3A_223, %shift_left3A_229 : vector<16xi32>
        %bitcast_convert_type3A_231 = tpu.bitcast %shift_left3A_230 : vector<16xi32> -> vector<16xf32>
        %and3A_232 = arith.constant -65536 : i32
        %and3A_233 = vector.broadcast %and3A_232 : i32 to vector<16xi32>
        %and3A_234 = arith.andi %get3A_223, %and3A_233 : vector<16xi32>
        %bitcast_convert_type3A_235 = tpu.bitcast %and3A_234 : vector<16xi32> -> vector<16xf32>
        %shift_left3A_236 = arith.constant 16 : i32
        %shift_left3A_237 = vector.broadcast %shift_left3A_236 : i32 to vector<16xi32>
        %shift_left3A_238 = arith.shli %get3A_227, %shift_left3A_237 : vector<16xi32>
        %bitcast_convert_type3A_239 = tpu.bitcast %shift_left3A_238 : vector<16xi32> -> vector<16xf32>
        %and3A_240 = arith.constant -65536 : i32
        %and3A_241 = vector.broadcast %and3A_240 : i32 to vector<16xi32>
        %and3A_242 = arith.andi %get3A_227, %and3A_241 : vector<16xi32>
        %bitcast_convert_type3A_243 = tpu.bitcast %and3A_242 : vector<16xi32> -> vector<16xf32>
        %add3A_244 = arith.addf %bitcast_convert_type3A_231, %bitcast_convert_type3A_239 : vector<16xf32>
        %bitcast_convert_type3A_245 = tpu.bitcast %add3A_244 : vector<16xf32> -> vector<16xi32>
        %add3A_246 = arith.constant 32768 : i32
        %add3A_247 = vector.broadcast %add3A_246 : i32 to vector<16xi32>
        %add3A_248 = arith.addi %bitcast_convert_type3A_245, %add3A_247 : vector<16xi32>
        %add3A_249 = arith.addf %bitcast_convert_type3A_235, %bitcast_convert_type3A_243 : vector<16xf32>
        %bitcast_convert_type3A_250 = tpu.bitcast %add3A_249 : vector<16xf32> -> vector<16xi32>
        %add3A_251 = arith.constant 32768 : i32
        %add3A_252 = vector.broadcast %add3A_251 : i32 to vector<16xi32>
        %add3A_253 = arith.addi %bitcast_convert_type3A_250, %add3A_252 : vector<16xi32>
        %and3A_254 = arith.constant -65536 : i32
        %and3A_255 = vector.broadcast %and3A_254 : i32 to vector<16xi32>
        %and3A_256 = arith.andi %add3A_253, %and3A_255 : vector<16xi32>
        %shift_right_arithmetic3A_257 = arith.constant 16 : i32
        %shift_right_arithmetic3A_258 = vector.broadcast %shift_right_arithmetic3A_257 : i32 to vector<16xi32>
        %shift_right_arithmetic3A_259 = arith.shrsi %add3A_248, %shift_right_arithmetic3A_258 : vector<16xi32>
        %and3A_260 = arith.constant 65535 : i32
        %and3A_261 = vector.broadcast %and3A_260 : i32 to vector<16xi32>
        %and3A_262 = arith.andi %shift_right_arithmetic3A_259, %and3A_261 : vector<16xi32>
        %or3A_263 = arith.ori %and3A_256, %and3A_262 : vector<16xi32>
        %swap3A_264 = arith.index_cast %scan3A_79 : i32 to index
        %swap3A_265 = arith.constant 48 : index
        %swap3A_266 = tpu.vector_load %arg10[%swap3A_264, %swap3A_265] {strides = array<i32>} : memref<128x128xi32, #tpu.memory_space<vmem>>, vector<1x16xi32>,
        %swap3A_267 = vector.shape_cast %swap3A_266 : vector<1x16xi32> to vector<16xi32>
        %swap3A_268 = vector.shape_cast %or3A_263 : vector<16xi32> to vector<1x16xi32>
        tpu.vector_store %arg10[%swap3A_264, %swap3A_265], %swap3A_268 {strides = array<i32>} : memref<128x128xi32, #tpu.memory_space<vmem>>, vector<1x16xi32>,
        %get3A_269 = arith.index_cast %scan3A_79 : i32 to index
        %get3A_270 = arith.constant 64 : index
        %get3A_271 = tpu.vector_load %arg10[%get3A_269, %get3A_270] {strides = array<i32>} : memref<128x128xi32, #tpu.memory_space<vmem>>, vector<1x16xi32>,
        %get3A_272 = vector.shape_cast %get3A_271 : vector<1x16xi32> to vector<16xi32>
        %get3A_273 = arith.index_cast %scan3A_79 : i32 to index
        %get3A_274 = arith.constant 64 : index
        %get3A_275 = tpu.vector_load %arg12[%get3A_273, %get3A_274] {strides = array<i32>} : memref<128x128xi32, #tpu.memory_space<vmem>>, vector<1x16xi32>,
        %get3A_276 = vector.shape_cast %get3A_275 : vector<1x16xi32> to vector<16xi32>
        %shift_left3A_277 = arith.constant 16 : i32
        %shift_left3A_278 = vector.broadcast %shift_left3A_277 : i32 to vector<16xi32>
        %shift_left3A_279 = arith.shli %get3A_272, %shift_left3A_278 : vector<16xi32>
        %bitcast_convert_type3A_280 = tpu.bitcast %shift_left3A_279 : vector<16xi32> -> vector<16xf32>
        %and3A_281 = arith.constant -65536 : i32
        %and3A_282 = vector.broadcast %and3A_281 : i32 to vector<16xi32>
        %and3A_283 = arith.andi %get3A_272, %and3A_282 : vector<16xi32>
        %bitcast_convert_type3A_284 = tpu.bitcast %and3A_283 : vector<16xi32> -> vector<16xf32>
        %shift_left3A_285 = arith.constant 16 : i32
        %shift_left3A_286 = vector.broadcast %shift_left3A_285 : i32 to vector<16xi32>
        %shift_left3A_287 = arith.shli %get3A_276, %shift_left3A_286 : vector<16xi32>
        %bitcast_convert_type3A_288 = tpu.bitcast %shift_left3A_287 : vector<16xi32> -> vector<16xf32>
        %and3A_289 = arith.constant -65536 : i32
        %and3A_290 = vector.broadcast %and3A_289 : i32 to vector<16xi32>
        %and3A_291 = arith.andi %get3A_276, %and3A_290 : vector<16xi32>
        %bitcast_convert_type3A_292 = tpu.bitcast %and3A_291 : vector<16xi32> -> vector<16xf32>
        %add3A_293 = arith.addf %bitcast_convert_type3A_280, %bitcast_convert_type3A_288 : vector<16xf32>
        %bitcast_convert_type3A_294 = tpu.bitcast %add3A_293 : vector<16xf32> -> vector<16xi32>
        %add3A_295 = arith.constant 32768 : i32
        %add3A_296 = vector.broadcast %add3A_295 : i32 to vector<16xi32>
        %add3A_297 = arith.addi %bitcast_convert_type3A_294, %add3A_296 : vector<16xi32>
        %add3A_298 = arith.addf %bitcast_convert_type3A_284, %bitcast_convert_type3A_292 : vector<16xf32>
        %bitcast_convert_type3A_299 = tpu.bitcast %add3A_298 : vector<16xf32> -> vector<16xi32>
        %add3A_300 = arith.constant 32768 : i32
        %add3A_301 = vector.broadcast %add3A_300 : i32 to vector<16xi32>
        %add3A_302 = arith.addi %bitcast_convert_type3A_299, %add3A_301 : vector<16xi32>
        %and3A_303 = arith.constant -65536 : i32
        %and3A_304 = vector.broadcast %and3A_303 : i32 to vector<16xi32>
        %and3A_305 = arith.andi %add3A_302, %and3A_304 : vector<16xi32>
        %shift_right_arithmetic3A_306 = arith.constant 16 : i32
        %shift_right_arithmetic3A_307 = vector.broadcast %shift_right_arithmetic3A_306 : i32 to vector<16xi32>
        %shift_right_arithmetic3A_308 = arith.shrsi %add3A_297, %shift_right_arithmetic3A_307 : vector<16xi32>
        %and3A_309 = arith.constant 65535 : i32
        %and3A_310 = vector.broadcast %and3A_309 : i32 to vector<16xi32>
        %and3A_311 = arith.andi %shift_right_arithmetic3A_308, %and3A_310 : vector<16xi32>
        %or3A_312 = arith.ori %and3A_305, %and3A_311 : vector<16xi32>
        %swap3A_313 = arith.index_cast %scan3A_79 : i32 to index
        %swap3A_314 = arith.constant 64 : index
        %swap3A_315 = tpu.vector_load %arg10[%swap3A_313, %swap3A_314] {strides = array<i32>} : memref<128x128xi32, #tpu.memory_space<vmem>>, vector<1x16xi32>,
        %swap3A_316 = vector.shape_cast %swap3A_315 : vector<1x16xi32> to vector<16xi32>
        %swap3A_317 = vector.shape_cast %or3A_312 : vector<16xi32> to vector<1x16xi32>
        tpu.vector_store %arg10[%swap3A_313, %swap3A_314], %swap3A_317 {strides = array<i32>} : memref<128x128xi32, #tpu.memory_space<vmem>>, vector<1x16xi32>,
        %get3A_318 = arith.index_cast %scan3A_79 : i32 to index
        %get3A_319 = arith.constant 80 : index
        %get3A_320 = tpu.vector_load %arg10[%get3A_318, %get3A_319] {strides = array<i32>} : memref<128x128xi32, #tpu.memory_space<vmem>>, vector<1x16xi32>,
        %get3A_321 = vector.shape_cast %get3A_320 : vector<1x16xi32> to vector<16xi32>
        %get3A_322 = arith.index_cast %scan3A_79 : i32 to index
        %get3A_323 = arith.constant 80 : index
        %get3A_324 = tpu.vector_load %arg12[%get3A_322, %get3A_323] {strides = array<i32>} : memref<128x128xi32, #tpu.memory_space<vmem>>, vector<1x16xi32>,
        %get3A_325 = vector.shape_cast %get3A_324 : vector<1x16xi32> to vector<16xi32>
        %shift_left3A_326 = arith.constant 16 : i32
        %shift_left3A_327 = vector.broadcast %shift_left3A_326 : i32 to vector<16xi32>
        %shift_left3A_328 = arith.shli %get3A_321, %shift_left3A_327 : vector<16xi32>
        %bitcast_convert_type3A_329 = tpu.bitcast %shift_left3A_328 : vector<16xi32> -> vector<16xf32>
        %and3A_330 = arith.constant -65536 : i32
        %and3A_331 = vector.broadcast %and3A_330 : i32 to vector<16xi32>
        %and3A_332 = arith.andi %get3A_321, %and3A_331 : vector<16xi32>
        %bitcast_convert_type3A_333 = tpu.bitcast %and3A_332 : vector<16xi32> -> vector<16xf32>
        %shift_left3A_334 = arith.constant 16 : i32
        %shift_left3A_335 = vector.broadcast %shift_left3A_334 : i32 to vector<16xi32>
        %shift_left3A_336 = arith.shli %get3A_325, %shift_left3A_335 : vector<16xi32>
        %bitcast_convert_type3A_337 = tpu.bitcast %shift_left3A_336 : vector<16xi32> -> vector<16xf32>
        %and3A_338 = arith.constant -65536 : i32
        %and3A_339 = vector.broadcast %and3A_338 : i32 to vector<16xi32>
        %and3A_340 = arith.andi %get3A_325, %and3A_339 : vector<16xi32>
        %bitcast_convert_type3A_341 = tpu.bitcast %and3A_340 : vector<16xi32> -> vector<16xf32>
        %add3A_342 = arith.addf %bitcast_convert_type3A_329, %bitcast_convert_type3A_337 : vector<16xf32>
        %bitcast_convert_type3A_343 = tpu.bitcast %add3A_342 : vector<16xf32> -> vector<16xi32>
        %add3A_344 = arith.constant 32768 : i32
        %add3A_345 = vector.broadcast %add3A_344 : i32 to vector<16xi32>
        %add3A_346 = arith.addi %bitcast_convert_type3A_343, %add3A_345 : vector<16xi32>
        %add3A_347 = arith.addf %bitcast_convert_type3A_333, %bitcast_convert_type3A_341 : vector<16xf32>
        %bitcast_convert_type3A_348 = tpu.bitcast %add3A_347 : vector<16xf32> -> vector<16xi32>
        %add3A_349 = arith.constant 32768 : i32
        %add3A_350 = vector.broadcast %add3A_349 : i32 to vector<16xi32>
        %add3A_351 = arith.addi %bitcast_convert_type3A_348, %add3A_350 : vector<16xi32>
        %and3A_352 = arith.constant -65536 : i32
        %and3A_353 = vector.broadcast %and3A_352 : i32 to vector<16xi32>
        %and3A_354 = arith.andi %add3A_351, %and3A_353 : vector<16xi32>
        %shift_right_arithmetic3A_355 = arith.constant 16 : i32
        %shift_right_arithmetic3A_356 = vector.broadcast %shift_right_arithmetic3A_355 : i32 to vector<16xi32>
        %shift_right_arithmetic3A_357 = arith.shrsi %add3A_346, %shift_right_arithmetic3A_356 : vector<16xi32>
        %and3A_358 = arith.constant 65535 : i32
        %and3A_359 = vector.broadcast %and3A_358 : i32 to vector<16xi32>
        %and3A_360 = arith.andi %shift_right_arithmetic3A_357, %and3A_359 : vector<16xi32>
        %or3A_361 = arith.ori %and3A_354, %and3A_360 : vector<16xi32>
        %swap3A_362 = arith.index_cast %scan3A_79 : i32 to index
        %swap3A_363 = arith.constant 80 : index
        %swap3A_364 = tpu.vector_load %arg10[%swap3A_362, %swap3A_363] {strides = array<i32>} : memref<128x128xi32, #tpu.memory_space<vmem>>, vector<1x16xi32>,
        %swap3A_365 = vector.shape_cast %swap3A_364 : vector<1x16xi32> to vector<16xi32>
        %swap3A_366 = vector.shape_cast %or3A_361 : vector<16xi32> to vector<1x16xi32>
        tpu.vector_store %arg10[%swap3A_362, %swap3A_363], %swap3A_366 {strides = array<i32>} : memref<128x128xi32, #tpu.memory_space<vmem>>, vector<1x16xi32>,
        %get3A_367 = arith.index_cast %scan3A_79 : i32 to index
        %get3A_368 = arith.constant 96 : index
        %get3A_369 = tpu.vector_load %arg10[%get3A_367, %get3A_368] {strides = array<i32>} : memref<128x128xi32, #tpu.memory_space<vmem>>, vector<1x16xi32>,
        %get3A_370 = vector.shape_cast %get3A_369 : vector<1x16xi32> to vector<16xi32>
        %get3A_371 = arith.index_cast %scan3A_79 : i32 to index
        %get3A_372 = arith.constant 96 : index
        %get3A_373 = tpu.vector_load %arg12[%get3A_371, %get3A_372] {strides = array<i32>} : memref<128x128xi32, #tpu.memory_space<vmem>>, vector<1x16xi32>,
        %get3A_374 = vector.shape_cast %get3A_373 : vector<1x16xi32> to vector<16xi32>
        %shift_left3A_375 = arith.constant 16 : i32
        %shift_left3A_376 = vector.broadcast %shift_left3A_375 : i32 to vector<16xi32>
        %shift_left3A_377 = arith.shli %get3A_370, %shift_left3A_376 : vector<16xi32>
        %bitcast_convert_type3A_378 = tpu.bitcast %shift_left3A_377 : vector<16xi32> -> vector<16xf32>
        %and3A_379 = arith.constant -65536 : i32
        %and3A_380 = vector.broadcast %and3A_379 : i32 to vector<16xi32>
        %and3A_381 = arith.andi %get3A_370, %and3A_380 : vector<16xi32>
        %bitcast_convert_type3A_382 = tpu.bitcast %and3A_381 : vector<16xi32> -> vector<16xf32>
        %shift_left3A_383 = arith.constant 16 : i32
        %shift_left3A_384 = vector.broadcast %shift_left3A_383 : i32 to vector<16xi32>
        %shift_left3A_385 = arith.shli %get3A_374, %shift_left3A_384 : vector<16xi32>
        %bitcast_convert_type3A_386 = tpu.bitcast %shift_left3A_385 : vector<16xi32> -> vector<16xf32>
        %and3A_387 = arith.constant -65536 : i32
        %and3A_388 = vector.broadcast %and3A_387 : i32 to vector<16xi32>
        %and3A_389 = arith.andi %get3A_374, %and3A_388 : vector<16xi32>
        %bitcast_convert_type3A_390 = tpu.bitcast %and3A_389 : vector<16xi32> -> vector<16xf32>
        %add3A_391 = arith.addf %bitcast_convert_type3A_378, %bitcast_convert_type3A_386 : vector<16xf32>
        %bitcast_convert_type3A_392 = tpu.bitcast %add3A_391 : vector<16xf32> -> vector<16xi32>
        %add3A_393 = arith.constant 32768 : i32
        %add3A_394 = vector.broadcast %add3A_393 : i32 to vector<16xi32>
        %add3A_395 = arith.addi %bitcast_convert_type3A_392, %add3A_394 : vector<16xi32>
        %add3A_396 = arith.addf %bitcast_convert_type3A_382, %bitcast_convert_type3A_390 : vector<16xf32>
        %bitcast_convert_type3A_397 = tpu.bitcast %add3A_396 : vector<16xf32> -> vector<16xi32>
        %add3A_398 = arith.constant 32768 : i32
        %add3A_399 = vector.broadcast %add3A_398 : i32 to vector<16xi32>
        %add3A_400 = arith.addi %bitcast_convert_type3A_397, %add3A_399 : vector<16xi32>
        %and3A_401 = arith.constant -65536 : i32
        %and3A_402 = vector.broadcast %and3A_401 : i32 to vector<16xi32>
        %and3A_403 = arith.andi %add3A_400, %and3A_402 : vector<16xi32>
        %shift_right_arithmetic3A_404 = arith.constant 16 : i32
        %shift_right_arithmetic3A_405 = vector.broadcast %shift_right_arithmetic3A_404 : i32 to vector<16xi32>
        %shift_right_arithmetic3A_406 = arith.shrsi %add3A_395, %shift_right_arithmetic3A_405 : vector<16xi32>
        %and3A_407 = arith.constant 65535 : i32
        %and3A_408 = vector.broadcast %and3A_407 : i32 to vector<16xi32>
        %and3A_409 = arith.andi %shift_right_arithmetic3A_406, %and3A_408 : vector<16xi32>
        %or3A_410 = arith.ori %and3A_403, %and3A_409 : vector<16xi32>
        %swap3A_411 = arith.index_cast %scan3A_79 : i32 to index
        %swap3A_412 = arith.constant 96 : index
        %swap3A_413 = tpu.vector_load %arg10[%swap3A_411, %swap3A_412] {strides = array<i32>} : memref<128x128xi32, #tpu.memory_space<vmem>>, vector<1x16xi32>,
        %swap3A_414 = vector.shape_cast %swap3A_413 : vector<1x16xi32> to vector<16xi32>
        %swap3A_415 = vector.shape_cast %or3A_410 : vector<16xi32> to vector<1x16xi32>
        tpu.vector_store %arg10[%swap3A_411, %swap3A_412], %swap3A_415 {strides = array<i32>} : memref<128x128xi32, #tpu.memory_space<vmem>>, vector<1x16xi32>,
        %get3A_416 = arith.index_cast %scan3A_79 : i32 to index
        %get3A_417 = arith.constant 112 : index
        %get3A_418 = tpu.vector_load %arg10[%get3A_416, %get3A_417] {strides = array<i32>} : memref<128x128xi32, #tpu.memory_space<vmem>>, vector<1x16xi32>,
        %get3A_419 = vector.shape_cast %get3A_418 : vector<1x16xi32> to vector<16xi32>
        %get3A_420 = arith.index_cast %scan3A_79 : i32 to index
        %get3A_421 = arith.constant 112 : index
        %get3A_422 = tpu.vector_load %arg12[%get3A_420, %get3A_421] {strides = array<i32>} : memref<128x128xi32, #tpu.memory_space<vmem>>, vector<1x16xi32>,
        %get3A_423 = vector.shape_cast %get3A_422 : vector<1x16xi32> to vector<16xi32>
        %shift_left3A_424 = arith.constant 16 : i32
        %shift_left3A_425 = vector.broadcast %shift_left3A_424 : i32 to vector<16xi32>
        %shift_left3A_426 = arith.shli %get3A_419, %shift_left3A_425 : vector<16xi32>
        %bitcast_convert_type3A_427 = tpu.bitcast %shift_left3A_426 : vector<16xi32> -> vector<16xf32>
        %and3A_428 = arith.constant -65536 : i32
        %and3A_429 = vector.broadcast %and3A_428 : i32 to vector<16xi32>
        %and3A_430 = arith.andi %get3A_419, %and3A_429 : vector<16xi32>
        %bitcast_convert_type3A_431 = tpu.bitcast %and3A_430 : vector<16xi32> -> vector<16xf32>
        %shift_left3A_432 = arith.constant 16 : i32
        %shift_left3A_433 = vector.broadcast %shift_left3A_432 : i32 to vector<16xi32>
        %shift_left3A_434 = arith.shli %get3A_423, %shift_left3A_433 : vector<16xi32>
        %bitcast_convert_type3A_435 = tpu.bitcast %shift_left3A_434 : vector<16xi32> -> vector<16xf32>
        %and3A_436 = arith.constant -65536 : i32
        %and3A_437 = vector.broadcast %and3A_436 : i32 to vector<16xi32>
        %and3A_438 = arith.andi %get3A_423, %and3A_437 : vector<16xi32>
        %bitcast_convert_type3A_439 = tpu.bitcast %and3A_438 : vector<16xi32> -> vector<16xf32>
        %add3A_440 = arith.addf %bitcast_convert_type3A_427, %bitcast_convert_type3A_435 : vector<16xf32>
        %bitcast_convert_type3A_441 = tpu.bitcast %add3A_440 : vector<16xf32> -> vector<16xi32>
        %add3A_442 = arith.constant 32768 : i32
        %add3A_443 = vector.broadcast %add3A_442 : i32 to vector<16xi32>
        %add3A_444 = arith.addi %bitcast_convert_type3A_441, %add3A_443 : vector<16xi32>
        %add3A_445 = arith.addf %bitcast_convert_type3A_431, %bitcast_convert_type3A_439 : vector<16xf32>
        %bitcast_convert_type3A_446 = tpu.bitcast %add3A_445 : vector<16xf32> -> vector<16xi32>
        %add3A_447 = arith.constant 32768 : i32
        %add3A_448 = vector.broadcast %add3A_447 : i32 to vector<16xi32>
        %add3A_449 = arith.addi %bitcast_convert_type3A_446, %add3A_448 : vector<16xi32>
        %and3A_450 = arith.constant -65536 : i32
        %and3A_451 = vector.broadcast %and3A_450 : i32 to vector<16xi32>
        %and3A_452 = arith.andi %add3A_449, %and3A_451 : vector<16xi32>
        %shift_right_arithmetic3A_453 = arith.constant 16 : i32
        %shift_right_arithmetic3A_454 = vector.broadcast %shift_right_arithmetic3A_453 : i32 to vector<16xi32>
        %shift_right_arithmetic3A_455 = arith.shrsi %add3A_444, %shift_right_arithmetic3A_454 : vector<16xi32>
        %and3A_456 = arith.constant 65535 : i32
        %and3A_457 = vector.broadcast %and3A_456 : i32 to vector<16xi32>
        %and3A_458 = arith.andi %shift_right_arithmetic3A_455, %and3A_457 : vector<16xi32>
        %or3A_459 = arith.ori %and3A_452, %and3A_458 : vector<16xi32>
        %swap3A_460 = arith.index_cast %scan3A_79 : i32 to index
        %swap3A_461 = arith.constant 112 : index
        %swap3A_462 = tpu.vector_load %arg10[%swap3A_460, %swap3A_461] {strides = array<i32>} : memref<128x128xi32, #tpu.memory_space<vmem>>, vector<1x16xi32>,
        %swap3A_463 = vector.shape_cast %swap3A_462 : vector<1x16xi32> to vector<16xi32>
        %swap3A_464 = vector.shape_cast %or3A_459 : vector<16xi32> to vector<1x16xi32>
        tpu.vector_store %arg10[%swap3A_460, %swap3A_461], %swap3A_464 {strides = array<i32>} : memref<128x128xi32, #tpu.memory_space<vmem>>, vector<1x16xi32>,
      }
      %scan3A_64 = arith.constant 128 : i32
      %mul3A_65 = arith.constant 128 : i32
      %mul3A_66 = arith.muli %mul3A_39, %mul3A_65 : i32
      %add3A_67 = arith.addi %mul3A_2, %mul3A_66 : i32
      %dma_start3A_68 = arith.constant 0 : i32
      %dma_start3A_69 = tpu.memref_slice %arg5[%add3A_67, %dma_start3A_68] : memref<102400x128xi32, #tpu.memory_space<hbm>> -> memref<128x128xi32, #tpu.memory_space<hbm>>
      %dma_start3A_70 = arith.constant 0 : i32
      %dma_start3A_71 = tpu.memref_slice %arg5[%add3A_67, %dma_start3A_70] : memref<102400x128xi32, #tpu.memory_space<hbm>> -> memref<128x128xi32, #tpu.memory_space<hbm>>
      tpu.enqueue_dma source(%arg10 : memref<128x128xi32, #tpu.memory_space<vmem>>) target(%dma_start3A_71 : memref<128x128xi32, #tpu.memory_space<hbm>>) target_semaphore(%arg20 : memref<!tpu.dma_semaphore, #tpu.memory_space<semaphore_mem>>)
      %add3A_72 = arith.constant 1 : i32
      %add3A_73 = arith.addi %mul3A_39, %add3A_72 : i32
      %lt3A_74 = arith.constant 25 : i32
      %lt3A_75 = arith.cmpi slt, %add3A_73, %lt3A_74 : i32
      %convert_element_type3A_76 = arith.extui %lt3A_75 : i1 to i32
      %cond3A_77 = arith.constant 0 : i32
      %cond3A_78 = arith.cmpi ne, %convert_element_type3A_76, %cond3A_77 : i32
      scf.if %cond3A_78 {
        %add3A_79 = arith.constant 1 : i32
        %add3A_80 = arith.addi %mul3A_39, %add3A_79 : i32
        %dma_wait3A_81 = arith.constant 0 : i32
        %dma_wait3A_82 = arith.constant 0 : i32
        %dma_wait3A_83 = tpu.memref_slice %arg2[%dma_wait3A_81, %dma_wait3A_82] : memref<10000x128xi32, #tpu.memory_space<hbm>> -> memref<128x128xi32, #tpu.memory_space<hbm>>
        %dma_wait3A_84 = arith.constant 0 : i32
        %dma_wait3A_85 = arith.constant 0 : i32
        %dma_wait3A_86 = tpu.memref_slice %arg2[%dma_wait3A_84, %dma_wait3A_85] : memref<10000x128xi32, #tpu.memory_space<hbm>> -> memref<128x128xi32, #tpu.memory_space<hbm>>
        tpu.wait_dma2 semaphore(%arg17 : memref<!tpu.dma_semaphore, #tpu.memory_space<semaphore_mem>>) src(%dma_wait3A_86 : memref<128x128xi32, #tpu.memory_space<hbm>>) dst(%arg11 : memref<128x128xi32, #tpu.memory_space<vmem>>)
        %dma_wait3A_87 = arith.constant 0 : i32
        %dma_wait3A_88 = arith.constant 0 : i32
        %dma_wait3A_89 = tpu.memref_slice %arg2[%dma_wait3A_87, %dma_wait3A_88] : memref<10000x128xi32, #tpu.memory_space<hbm>> -> memref<128x128xi32, #tpu.memory_space<hbm>>
        %dma_wait3A_90 = arith.constant 0 : i32
        %dma_wait3A_91 = arith.constant 0 : i32
        %dma_wait3A_92 = tpu.memref_slice %arg2[%dma_wait3A_90, %dma_wait3A_91] : memref<10000x128xi32, #tpu.memory_space<hbm>> -> memref<128x128xi32, #tpu.memory_space<hbm>>
        tpu.wait_dma2 semaphore(%arg19 : memref<!tpu.dma_semaphore, #tpu.memory_space<semaphore_mem>>) src(%dma_wait3A_92 : memref<128x128xi32, #tpu.memory_space<hbm>>) dst(%arg13 : memref<128x128xi32, #tpu.memory_space<vmem>>)
        %add3A_93 = arith.constant 1 : i32
        %add3A_94 = arith.addi %add3A_80, %add3A_93 : i32
        %lt3A_95 = arith.constant 25 : i32
        %lt3A_96 = arith.cmpi slt, %add3A_94, %lt3A_95 : i32
        %convert_element_type3A_97 = arith.extui %lt3A_96 : i1 to i32
        %cond3A_98 = arith.constant 0 : i32
        %cond3A_99 = arith.cmpi ne, %convert_element_type3A_97, %cond3A_98 : i32
        scf.if %cond3A_99 {
          %ge3A = arith.constant 1 : i32
          %ge3A_113 = arith.cmpi sge, %add3A_80, %ge3A : i32
          %convert_element_type3A_114 = arith.extui %ge3A_113 : i1 to i32
          %cond3A_115 = arith.constant 0 : i32
          %cond3A_116 = arith.cmpi ne, %convert_element_type3A_114, %cond3A_115 : i32
          scf.if %cond3A_116 {
            %dma_wait3A_133 = arith.constant 0 : i32
            %dma_wait3A_134 = arith.constant 0 : i32
            %dma_wait3A_135 = tpu.memref_slice %arg5[%dma_wait3A_133, %dma_wait3A_134] : memref<102400x128xi32, #tpu.memory_space<hbm>> -> memref<128x128xi32, #tpu.memory_space<hbm>>
            %dma_wait3A_136 = arith.constant 0 : i32
            %dma_wait3A_137 = arith.constant 0 : i32
            %dma_wait3A_138 = tpu.memref_slice %arg5[%dma_wait3A_136, %dma_wait3A_137] : memref<102400x128xi32, #tpu.memory_space<hbm>> -> memref<128x128xi32, #tpu.memory_space<hbm>>
            tpu.wait_dma2 semaphore(%arg20 : memref<!tpu.dma_semaphore, #tpu.memory_space<semaphore_mem>>) src(%arg10 : memref<128x128xi32, #tpu.memory_space<vmem>>) dst(%dma_wait3A_138 : memref<128x128xi32, #tpu.memory_space<hbm>>)
          } else {
          }
          %add3A_117 = arith.constant 1 : i32
          %add3A_118 = arith.addi %add3A_80, %add3A_117 : i32
          %mul3A_119 = arith.constant 128 : i32
          %mul3A_120 = arith.muli %add3A_118, %mul3A_119 : i32
          %dma_start3A_121 = tpu.memref_slice %arg6[%mul3A_120] : memref<3200xi32, #tpu.memory_space<vmem>> -> memref<128xi32, #tpu.memory_space<vmem>>
          %dma_start3A_122 = arith.constant 0 : i32
          %dma_start3A_123 = arith.constant 0 : i32
          %dma_start3A_124 = tpu.memref_slice %arg2[%dma_start3A_122, %dma_start3A_123] : memref<10000x128xi32, #tpu.memory_space<hbm>> -> memref<10000x128xi32, #tpu.memory_space<hbm>>
          tpu.enqueue_indirect_dma source(%dma_start3A_124 : memref<10000x128xi32, #tpu.memory_space<hbm>>) target(%arg10 : memref<128x128xi32, #tpu.memory_space<vmem>>) offsets(%dma_start3A_121 : memref<128xi32, #tpu.memory_space<vmem>>) semaphore(%arg16 : memref<!tpu.dma_semaphore, #tpu.memory_space<semaphore_mem>>)
          %add3A_125 = arith.constant 1 : i32
          %add3A_126 = arith.addi %add3A_80, %add3A_125 : i32
          %mul3A_127 = arith.constant 128 : i32
          %mul3A_128 = arith.muli %add3A_126, %mul3A_127 : i32
          %dma_start3A_129 = tpu.memref_slice %arg7[%mul3A_128] : memref<3200xi32, #tpu.memory_space<vmem>> -> memref<128xi32, #tpu.memory_space<vmem>>
          %dma_start3A_130 = arith.constant 0 : i32
          %dma_start3A_131 = arith.constant 0 : i32
          %dma_start3A_132 = tpu.memref_slice %arg2[%dma_start3A_130, %dma_start3A_131] : memref<10000x128xi32, #tpu.memory_space<hbm>> -> memref<10000x128xi32, #tpu.memory_space<hbm>>
          tpu.enqueue_indirect_dma source(%dma_start3A_132 : memref<10000x128xi32, #tpu.memory_space<hbm>>) target(%arg12 : memref<128x128xi32, #tpu.memory_space<vmem>>) offsets(%dma_start3A_129 : memref<128xi32, #tpu.memory_space<vmem>>) semaphore(%arg18 : memref<!tpu.dma_semaphore, #tpu.memory_space<semaphore_mem>>)
        } else {
        }
        %scan3A_100 = arith.constant 0 : i32
        %scan3A_101 = arith.constant 0 : i32
        %scan3A_102 = arith.constant 128 : i32
        %scan3A_103 = arith.addi %scan3A_101, %scan3A_102 : i32
        %scan3A_104 = arith.constant 1 : i32
        scf.for %scan3A_113 = %scan3A_101 to %scan3A_103 step %scan3A_104  : i32 {
          %get3A = arith.index_cast %scan3A_113 : i32 to index
          %get3A_114 = arith.constant 0 : index
          %get3A_115 = tpu.vector_load %arg11[%get3A, %get3A_114] {strides = array<i32>} : memref<128x128xi32, #tpu.memory_space<vmem>>, vector<1x16xi32>,
          %get3A_116 = vector.shape_cast %get3A_115 : vector<1x16xi32> to vector<16xi32>
          %get3A_117 = arith.index_cast %scan3A_113 : i32 to index
          %get3A_118 = arith.constant 0 : index
          %get3A_119 = tpu.vector_load %arg13[%get3A_117, %get3A_118] {strides = array<i32>} : memref<128x128xi32, #tpu.memory_space<vmem>>, vector<1x16xi32>,
          %get3A_120 = vector.shape_cast %get3A_119 : vector<1x16xi32> to vector<16xi32>
          %shift_left3A = arith.constant 16 : i32
          %shift_left3A_121 = vector.broadcast %shift_left3A : i32 to vector<16xi32>
          %shift_left3A_122 = arith.shli %get3A_116, %shift_left3A_121 : vector<16xi32>
          %bitcast_convert_type3A = tpu.bitcast %shift_left3A_122 : vector<16xi32> -> vector<16xf32>
          %and3A = arith.constant -65536 : i32
          %and3A_123 = vector.broadcast %and3A : i32 to vector<16xi32>
          %and3A_124 = arith.andi %get3A_116, %and3A_123 : vector<16xi32>
          %bitcast_convert_type3A_125 = tpu.bitcast %and3A_124 : vector<16xi32> -> vector<16xf32>
          %shift_left3A_126 = arith.constant 16 : i32
          %shift_left3A_127 = vector.broadcast %shift_left3A_126 : i32 to vector<16xi32>
          %shift_left3A_128 = arith.shli %get3A_120, %shift_left3A_127 : vector<16xi32>
          %bitcast_convert_type3A_129 = tpu.bitcast %shift_left3A_128 : vector<16xi32> -> vector<16xf32>
          %and3A_130 = arith.constant -65536 : i32
          %and3A_131 = vector.broadcast %and3A_130 : i32 to vector<16xi32>
          %and3A_132 = arith.andi %get3A_120, %and3A_131 : vector<16xi32>
          %bitcast_convert_type3A_133 = tpu.bitcast %and3A_132 : vector<16xi32> -> vector<16xf32>
          %add3A_134 = arith.addf %bitcast_convert_type3A, %bitcast_convert_type3A_129 : vector<16xf32>
          %bitcast_convert_type3A_135 = tpu.bitcast %add3A_134 : vector<16xf32> -> vector<16xi32>
          %add3A_136 = arith.constant 32768 : i32
          %add3A_137 = vector.broadcast %add3A_136 : i32 to vector<16xi32>
          %add3A_138 = arith.addi %bitcast_convert_type3A_135, %add3A_137 : vector<16xi32>
          %add3A_139 = arith.addf %bitcast_convert_type3A_125, %bitcast_convert_type3A_133 : vector<16xf32>
          %bitcast_convert_type3A_140 = tpu.bitcast %add3A_139 : vector<16xf32> -> vector<16xi32>
          %add3A_141 = arith.constant 32768 : i32
          %add3A_142 = vector.broadcast %add3A_141 : i32 to vector<16xi32>
          %add3A_143 = arith.addi %bitcast_convert_type3A_140, %add3A_142 : vector<16xi32>
          %and3A_144 = arith.constant -65536 : i32
          %and3A_145 = vector.broadcast %and3A_144 : i32 to vector<16xi32>
          %and3A_146 = arith.andi %add3A_143, %and3A_145 : vector<16xi32>
          %shift_right_arithmetic3A = arith.constant 16 : i32
          %shift_right_arithmetic3A_147 = vector.broadcast %shift_right_arithmetic3A : i32 to vector<16xi32>
          %shift_right_arithmetic3A_148 = arith.shrsi %add3A_138, %shift_right_arithmetic3A_147 : vector<16xi32>
          %and3A_149 = arith.constant 65535 : i32
          %and3A_150 = vector.broadcast %and3A_149 : i32 to vector<16xi32>
          %and3A_151 = arith.andi %shift_right_arithmetic3A_148, %and3A_150 : vector<16xi32>
          %or3A = arith.ori %and3A_146, %and3A_151 : vector<16xi32>
          %swap3A = arith.index_cast %scan3A_113 : i32 to index
          %swap3A_152 = arith.constant 0 : index
          %swap3A_153 = tpu.vector_load %arg11[%swap3A, %swap3A_152] {strides = array<i32>} : memref<128x128xi32, #tpu.memory_space<vmem>>, vector<1x16xi32>,
          %swap3A_154 = vector.shape_cast %swap3A_153 : vector<1x16xi32> to vector<16xi32>
          %swap3A_155 = vector.shape_cast %or3A : vector<16xi32> to vector<1x16xi32>
          tpu.vector_store %arg11[%swap3A, %swap3A_152], %swap3A_155 {strides = array<i32>} : memref<128x128xi32, #tpu.memory_space<vmem>>, vector<1x16xi32>,
          %get3A_156 = arith.index_cast %scan3A_113 : i32 to index
          %get3A_157 = arith.constant 16 : index
          %get3A_158 = tpu.vector_load %arg11[%get3A_156, %get3A_157] {strides = array<i32>} : memref<128x128xi32, #tpu.memory_space<vmem>>, vector<1x16xi32>,
          %get3A_159 = vector.shape_cast %get3A_158 : vector<1x16xi32> to vector<16xi32>
          %get3A_160 = arith.index_cast %scan3A_113 : i32 to index
          %get3A_161 = arith.constant 16 : index
          %get3A_162 = tpu.vector_load %arg13[%get3A_160, %get3A_161] {strides = array<i32>} : memref<128x128xi32, #tpu.memory_space<vmem>>, vector<1x16xi32>,
          %get3A_163 = vector.shape_cast %get3A_162 : vector<1x16xi32> to vector<16xi32>
          %shift_left3A_164 = arith.constant 16 : i32
          %shift_left3A_165 = vector.broadcast %shift_left3A_164 : i32 to vector<16xi32>
          %shift_left3A_166 = arith.shli %get3A_159, %shift_left3A_165 : vector<16xi32>
          %bitcast_convert_type3A_167 = tpu.bitcast %shift_left3A_166 : vector<16xi32> -> vector<16xf32>
          %and3A_168 = arith.constant -65536 : i32
          %and3A_169 = vector.broadcast %and3A_168 : i32 to vector<16xi32>
          %and3A_170 = arith.andi %get3A_159, %and3A_169 : vector<16xi32>
          %bitcast_convert_type3A_171 = tpu.bitcast %and3A_170 : vector<16xi32> -> vector<16xf32>
          %shift_left3A_172 = arith.constant 16 : i32
          %shift_left3A_173 = vector.broadcast %shift_left3A_172 : i32 to vector<16xi32>
          %shift_left3A_174 = arith.shli %get3A_163, %shift_left3A_173 : vector<16xi32>
          %bitcast_convert_type3A_175 = tpu.bitcast %shift_left3A_174 : vector<16xi32> -> vector<16xf32>
          %and3A_176 = arith.constant -65536 : i32
          %and3A_177 = vector.broadcast %and3A_176 : i32 to vector<16xi32>
          %and3A_178 = arith.andi %get3A_163, %and3A_177 : vector<16xi32>
          %bitcast_convert_type3A_179 = tpu.bitcast %and3A_178 : vector<16xi32> -> vector<16xf32>
          %add3A_180 = arith.addf %bitcast_convert_type3A_167, %bitcast_convert_type3A_175 : vector<16xf32>
          %bitcast_convert_type3A_181 = tpu.bitcast %add3A_180 : vector<16xf32> -> vector<16xi32>
          %add3A_182 = arith.constant 32768 : i32
          %add3A_183 = vector.broadcast %add3A_182 : i32 to vector<16xi32>
          %add3A_184 = arith.addi %bitcast_convert_type3A_181, %add3A_183 : vector<16xi32>
          %add3A_185 = arith.addf %bitcast_convert_type3A_171, %bitcast_convert_type3A_179 : vector<16xf32>
          %bitcast_convert_type3A_186 = tpu.bitcast %add3A_185 : vector<16xf32> -> vector<16xi32>
          %add3A_187 = arith.constant 32768 : i32
          %add3A_188 = vector.broadcast %add3A_187 : i32 to vector<16xi32>
          %add3A_189 = arith.addi %bitcast_convert_type3A_186, %add3A_188 : vector<16xi32>
          %and3A_190 = arith.constant -65536 : i32
          %and3A_191 = vector.broadcast %and3A_190 : i32 to vector<16xi32>
          %and3A_192 = arith.andi %add3A_189, %and3A_191 : vector<16xi32>
          %shift_right_arithmetic3A_193 = arith.constant 16 : i32
          %shift_right_arithmetic3A_194 = vector.broadcast %shift_right_arithmetic3A_193 : i32 to vector<16xi32>
          %shift_right_arithmetic3A_195 = arith.shrsi %add3A_184, %shift_right_arithmetic3A_194 : vector<16xi32>
          %and3A_196 = arith.constant 65535 : i32
          %and3A_197 = vector.broadcast %and3A_196 : i32 to vector<16xi32>
          %and3A_198 = arith.andi %shift_right_arithmetic3A_195, %and3A_197 : vector<16xi32>
          %or3A_199 = arith.ori %and3A_192, %and3A_198 : vector<16xi32>
          %swap3A_200 = arith.index_cast %scan3A_113 : i32 to index
          %swap3A_201 = arith.constant 16 : index
          %swap3A_202 = tpu.vector_load %arg11[%swap3A_200, %swap3A_201] {strides = array<i32>} : memref<128x128xi32, #tpu.memory_space<vmem>>, vector<1x16xi32>,
          %swap3A_203 = vector.shape_cast %swap3A_202 : vector<1x16xi32> to vector<16xi32>
          %swap3A_204 = vector.shape_cast %or3A_199 : vector<16xi32> to vector<1x16xi32>
          tpu.vector_store %arg11[%swap3A_200, %swap3A_201], %swap3A_204 {strides = array<i32>} : memref<128x128xi32, #tpu.memory_space<vmem>>, vector<1x16xi32>,
          %get3A_205 = arith.index_cast %scan3A_113 : i32 to index
          %get3A_206 = arith.constant 32 : index
          %get3A_207 = tpu.vector_load %arg11[%get3A_205, %get3A_206] {strides = array<i32>} : memref<128x128xi32, #tpu.memory_space<vmem>>, vector<1x16xi32>,
          %get3A_208 = vector.shape_cast %get3A_207 : vector<1x16xi32> to vector<16xi32>
          %get3A_209 = arith.index_cast %scan3A_113 : i32 to index
          %get3A_210 = arith.constant 32 : index
          %get3A_211 = tpu.vector_load %arg13[%get3A_209, %get3A_210] {strides = array<i32>} : memref<128x128xi32, #tpu.memory_space<vmem>>, vector<1x16xi32>,
          %get3A_212 = vector.shape_cast %get3A_211 : vector<1x16xi32> to vector<16xi32>
          %shift_left3A_213 = arith.constant 16 : i32
          %shift_left3A_214 = vector.broadcast %shift_left3A_213 : i32 to vector<16xi32>
          %shift_left3A_215 = arith.shli %get3A_208, %shift_left3A_214 : vector<16xi32>
          %bitcast_convert_type3A_216 = tpu.bitcast %shift_left3A_215 : vector<16xi32> -> vector<16xf32>
          %and3A_217 = arith.constant -65536 : i32
          %and3A_218 = vector.broadcast %and3A_217 : i32 to vector<16xi32>
          %and3A_219 = arith.andi %get3A_208, %and3A_218 : vector<16xi32>
          %bitcast_convert_type3A_220 = tpu.bitcast %and3A_219 : vector<16xi32> -> vector<16xf32>
          %shift_left3A_221 = arith.constant 16 : i32
          %shift_left3A_222 = vector.broadcast %shift_left3A_221 : i32 to vector<16xi32>
          %shift_left3A_223 = arith.shli %get3A_212, %shift_left3A_222 : vector<16xi32>
          %bitcast_convert_type3A_224 = tpu.bitcast %shift_left3A_223 : vector<16xi32> -> vector<16xf32>
          %and3A_225 = arith.constant -65536 : i32
          %and3A_226 = vector.broadcast %and3A_225 : i32 to vector<16xi32>
          %and3A_227 = arith.andi %get3A_212, %and3A_226 : vector<16xi32>
          %bitcast_convert_type3A_228 = tpu.bitcast %and3A_227 : vector<16xi32> -> vector<16xf32>
          %add3A_229 = arith.addf %bitcast_convert_type3A_216, %bitcast_convert_type3A_224 : vector<16xf32>
          %bitcast_convert_type3A_230 = tpu.bitcast %add3A_229 : vector<16xf32> -> vector<16xi32>
          %add3A_231 = arith.constant 32768 : i32
          %add3A_232 = vector.broadcast %add3A_231 : i32 to vector<16xi32>
          %add3A_233 = arith.addi %bitcast_convert_type3A_230, %add3A_232 : vector<16xi32>
          %add3A_234 = arith.addf %bitcast_convert_type3A_220, %bitcast_convert_type3A_228 : vector<16xf32>
          %bitcast_convert_type3A_235 = tpu.bitcast %add3A_234 : vector<16xf32> -> vector<16xi32>
          %add3A_236 = arith.constant 32768 : i32
          %add3A_237 = vector.broadcast %add3A_236 : i32 to vector<16xi32>
          %add3A_238 = arith.addi %bitcast_convert_type3A_235, %add3A_237 : vector<16xi32>
          %and3A_239 = arith.constant -65536 : i32
          %and3A_240 = vector.broadcast %and3A_239 : i32 to vector<16xi32>
          %and3A_241 = arith.andi %add3A_238, %and3A_240 : vector<16xi32>
          %shift_right_arithmetic3A_242 = arith.constant 16 : i32
          %shift_right_arithmetic3A_243 = vector.broadcast %shift_right_arithmetic3A_242 : i32 to vector<16xi32>
          %shift_right_arithmetic3A_244 = arith.shrsi %add3A_233, %shift_right_arithmetic3A_243 : vector<16xi32>
          %and3A_245 = arith.constant 65535 : i32
          %and3A_246 = vector.broadcast %and3A_245 : i32 to vector<16xi32>
          %and3A_247 = arith.andi %shift_right_arithmetic3A_244, %and3A_246 : vector<16xi32>
          %or3A_248 = arith.ori %and3A_241, %and3A_247 : vector<16xi32>
          %swap3A_249 = arith.index_cast %scan3A_113 : i32 to index
          %swap3A_250 = arith.constant 32 : index
          %swap3A_251 = tpu.vector_load %arg11[%swap3A_249, %swap3A_250] {strides = array<i32>} : memref<128x128xi32, #tpu.memory_space<vmem>>, vector<1x16xi32>,
          %swap3A_252 = vector.shape_cast %swap3A_251 : vector<1x16xi32> to vector<16xi32>
          %swap3A_253 = vector.shape_cast %or3A_248 : vector<16xi32> to vector<1x16xi32>
          tpu.vector_store %arg11[%swap3A_249, %swap3A_250], %swap3A_253 {strides = array<i32>} : memref<128x128xi32, #tpu.memory_space<vmem>>, vector<1x16xi32>,
          %get3A_254 = arith.index_cast %scan3A_113 : i32 to index
          %get3A_255 = arith.constant 48 : index
          %get3A_256 = tpu.vector_load %arg11[%get3A_254, %get3A_255] {strides = array<i32>} : memref<128x128xi32, #tpu.memory_space<vmem>>, vector<1x16xi32>,
          %get3A_257 = vector.shape_cast %get3A_256 : vector<1x16xi32> to vector<16xi32>
          %get3A_258 = arith.index_cast %scan3A_113 : i32 to index
          %get3A_259 = arith.constant 48 : index
          %get3A_260 = tpu.vector_load %arg13[%get3A_258, %get3A_259] {strides = array<i32>} : memref<128x128xi32, #tpu.memory_space<vmem>>, vector<1x16xi32>,
          %get3A_261 = vector.shape_cast %get3A_260 : vector<1x16xi32> to vector<16xi32>
          %shift_left3A_262 = arith.constant 16 : i32
          %shift_left3A_263 = vector.broadcast %shift_left3A_262 : i32 to vector<16xi32>
          %shift_left3A_264 = arith.shli %get3A_257, %shift_left3A_263 : vector<16xi32>
          %bitcast_convert_type3A_265 = tpu.bitcast %shift_left3A_264 : vector<16xi32> -> vector<16xf32>
          %and3A_266 = arith.constant -65536 : i32
          %and3A_267 = vector.broadcast %and3A_266 : i32 to vector<16xi32>
          %and3A_268 = arith.andi %get3A_257, %and3A_267 : vector<16xi32>
          %bitcast_convert_type3A_269 = tpu.bitcast %and3A_268 : vector<16xi32> -> vector<16xf32>
          %shift_left3A_270 = arith.constant 16 : i32
          %shift_left3A_271 = vector.broadcast %shift_left3A_270 : i32 to vector<16xi32>
          %shift_left3A_272 = arith.shli %get3A_261, %shift_left3A_271 : vector<16xi32>
          %bitcast_convert_type3A_273 = tpu.bitcast %shift_left3A_272 : vector<16xi32> -> vector<16xf32>
          %and3A_274 = arith.constant -65536 : i32
          %and3A_275 = vector.broadcast %and3A_274 : i32 to vector<16xi32>
          %and3A_276 = arith.andi %get3A_261, %and3A_275 : vector<16xi32>
          %bitcast_convert_type3A_277 = tpu.bitcast %and3A_276 : vector<16xi32> -> vector<16xf32>
          %add3A_278 = arith.addf %bitcast_convert_type3A_265, %bitcast_convert_type3A_273 : vector<16xf32>
          %bitcast_convert_type3A_279 = tpu.bitcast %add3A_278 : vector<16xf32> -> vector<16xi32>
          %add3A_280 = arith.constant 32768 : i32
          %add3A_281 = vector.broadcast %add3A_280 : i32 to vector<16xi32>
          %add3A_282 = arith.addi %bitcast_convert_type3A_279, %add3A_281 : vector<16xi32>
          %add3A_283 = arith.addf %bitcast_convert_type3A_269, %bitcast_convert_type3A_277 : vector<16xf32>
          %bitcast_convert_type3A_284 = tpu.bitcast %add3A_283 : vector<16xf32> -> vector<16xi32>
          %add3A_285 = arith.constant 32768 : i32
          %add3A_286 = vector.broadcast %add3A_285 : i32 to vector<16xi32>
          %add3A_287 = arith.addi %bitcast_convert_type3A_284, %add3A_286 : vector<16xi32>
          %and3A_288 = arith.constant -65536 : i32
          %and3A_289 = vector.broadcast %and3A_288 : i32 to vector<16xi32>
          %and3A_290 = arith.andi %add3A_287, %and3A_289 : vector<16xi32>
          %shift_right_arithmetic3A_291 = arith.constant 16 : i32
          %shift_right_arithmetic3A_292 = vector.broadcast %shift_right_arithmetic3A_291 : i32 to vector<16xi32>
          %shift_right_arithmetic3A_293 = arith.shrsi %add3A_282, %shift_right_arithmetic3A_292 : vector<16xi32>
          %and3A_294 = arith.constant 65535 : i32
          %and3A_295 = vector.broadcast %and3A_294 : i32 to vector<16xi32>
          %and3A_296 = arith.andi %shift_right_arithmetic3A_293, %and3A_295 : vector<16xi32>
          %or3A_297 = arith.ori %and3A_290, %and3A_296 : vector<16xi32>
          %swap3A_298 = arith.index_cast %scan3A_113 : i32 to index
          %swap3A_299 = arith.constant 48 : index
          %swap3A_300 = tpu.vector_load %arg11[%swap3A_298, %swap3A_299] {strides = array<i32>} : memref<128x128xi32, #tpu.memory_space<vmem>>, vector<1x16xi32>,
          %swap3A_301 = vector.shape_cast %swap3A_300 : vector<1x16xi32> to vector<16xi32>
          %swap3A_302 = vector.shape_cast %or3A_297 : vector<16xi32> to vector<1x16xi32>
          tpu.vector_store %arg11[%swap3A_298, %swap3A_299], %swap3A_302 {strides = array<i32>} : memref<128x128xi32, #tpu.memory_space<vmem>>, vector<1x16xi32>,
          %get3A_303 = arith.index_cast %scan3A_113 : i32 to index
          %get3A_304 = arith.constant 64 : index
          %get3A_305 = tpu.vector_load %arg11[%get3A_303, %get3A_304] {strides = array<i32>} : memref<128x128xi32, #tpu.memory_space<vmem>>, vector<1x16xi32>,
          %get3A_306 = vector.shape_cast %get3A_305 : vector<1x16xi32> to vector<16xi32>
          %get3A_307 = arith.index_cast %scan3A_113 : i32 to index
          %get3A_308 = arith.constant 64 : index
          %get3A_309 = tpu.vector_load %arg13[%get3A_307, %get3A_308] {strides = array<i32>} : memref<128x128xi32, #tpu.memory_space<vmem>>, vector<1x16xi32>,
          %get3A_310 = vector.shape_cast %get3A_309 : vector<1x16xi32> to vector<16xi32>
          %shift_left3A_311 = arith.constant 16 : i32
          %shift_left3A_312 = vector.broadcast %shift_left3A_311 : i32 to vector<16xi32>
          %shift_left3A_313 = arith.shli %get3A_306, %shift_left3A_312 : vector<16xi32>
          %bitcast_convert_type3A_314 = tpu.bitcast %shift_left3A_313 : vector<16xi32> -> vector<16xf32>
          %and3A_315 = arith.constant -65536 : i32
          %and3A_316 = vector.broadcast %and3A_315 : i32 to vector<16xi32>
          %and3A_317 = arith.andi %get3A_306, %and3A_316 : vector<16xi32>
          %bitcast_convert_type3A_318 = tpu.bitcast %and3A_317 : vector<16xi32> -> vector<16xf32>
          %shift_left3A_319 = arith.constant 16 : i32
          %shift_left3A_320 = vector.broadcast %shift_left3A_319 : i32 to vector<16xi32>
          %shift_left3A_321 = arith.shli %get3A_310, %shift_left3A_320 : vector<16xi32>
          %bitcast_convert_type3A_322 = tpu.bitcast %shift_left3A_321 : vector<16xi32> -> vector<16xf32>
          %and3A_323 = arith.constant -65536 : i32
          %and3A_324 = vector.broadcast %and3A_323 : i32 to vector<16xi32>
          %and3A_325 = arith.andi %get3A_310, %and3A_324 : vector<16xi32>
          %bitcast_convert_type3A_326 = tpu.bitcast %and3A_325 : vector<16xi32> -> vector<16xf32>
          %add3A_327 = arith.addf %bitcast_convert_type3A_314, %bitcast_convert_type3A_322 : vector<16xf32>
          %bitcast_convert_type3A_328 = tpu.bitcast %add3A_327 : vector<16xf32> -> vector<16xi32>
          %add3A_329 = arith.constant 32768 : i32
          %add3A_330 = vector.broadcast %add3A_329 : i32 to vector<16xi32>
          %add3A_331 = arith.addi %bitcast_convert_type3A_328, %add3A_330 : vector<16xi32>
          %add3A_332 = arith.addf %bitcast_convert_type3A_318, %bitcast_convert_type3A_326 : vector<16xf32>
          %bitcast_convert_type3A_333 = tpu.bitcast %add3A_332 : vector<16xf32> -> vector<16xi32>
          %add3A_334 = arith.constant 32768 : i32
          %add3A_335 = vector.broadcast %add3A_334 : i32 to vector<16xi32>
          %add3A_336 = arith.addi %bitcast_convert_type3A_333, %add3A_335 : vector<16xi32>
          %and3A_337 = arith.constant -65536 : i32
          %and3A_338 = vector.broadcast %and3A_337 : i32 to vector<16xi32>
          %and3A_339 = arith.andi %add3A_336, %and3A_338 : vector<16xi32>
          %shift_right_arithmetic3A_340 = arith.constant 16 : i32
          %shift_right_arithmetic3A_341 = vector.broadcast %shift_right_arithmetic3A_340 : i32 to vector<16xi32>
          %shift_right_arithmetic3A_342 = arith.shrsi %add3A_331, %shift_right_arithmetic3A_341 : vector<16xi32>
          %and3A_343 = arith.constant 65535 : i32
          %and3A_344 = vector.broadcast %and3A_343 : i32 to vector<16xi32>
          %and3A_345 = arith.andi %shift_right_arithmetic3A_342, %and3A_344 : vector<16xi32>
          %or3A_346 = arith.ori %and3A_339, %and3A_345 : vector<16xi32>
          %swap3A_347 = arith.index_cast %scan3A_113 : i32 to index
          %swap3A_348 = arith.constant 64 : index
          %swap3A_349 = tpu.vector_load %arg11[%swap3A_347, %swap3A_348] {strides = array<i32>} : memref<128x128xi32, #tpu.memory_space<vmem>>, vector<1x16xi32>,
          %swap3A_350 = vector.shape_cast %swap3A_349 : vector<1x16xi32> to vector<16xi32>
          %swap3A_351 = vector.shape_cast %or3A_346 : vector<16xi32> to vector<1x16xi32>
          tpu.vector_store %arg11[%swap3A_347, %swap3A_348], %swap3A_351 {strides = array<i32>} : memref<128x128xi32, #tpu.memory_space<vmem>>, vector<1x16xi32>,
          %get3A_352 = arith.index_cast %scan3A_113 : i32 to index
          %get3A_353 = arith.constant 80 : index
          %get3A_354 = tpu.vector_load %arg11[%get3A_352, %get3A_353] {strides = array<i32>} : memref<128x128xi32, #tpu.memory_space<vmem>>, vector<1x16xi32>,
          %get3A_355 = vector.shape_cast %get3A_354 : vector<1x16xi32> to vector<16xi32>
          %get3A_356 = arith.index_cast %scan3A_113 : i32 to index
          %get3A_357 = arith.constant 80 : index
          %get3A_358 = tpu.vector_load %arg13[%get3A_356, %get3A_357] {strides = array<i32>} : memref<128x128xi32, #tpu.memory_space<vmem>>, vector<1x16xi32>,
          %get3A_359 = vector.shape_cast %get3A_358 : vector<1x16xi32> to vector<16xi32>
          %shift_left3A_360 = arith.constant 16 : i32
          %shift_left3A_361 = vector.broadcast %shift_left3A_360 : i32 to vector<16xi32>
          %shift_left3A_362 = arith.shli %get3A_355, %shift_left3A_361 : vector<16xi32>
          %bitcast_convert_type3A_363 = tpu.bitcast %shift_left3A_362 : vector<16xi32> -> vector<16xf32>
          %and3A_364 = arith.constant -65536 : i32
          %and3A_365 = vector.broadcast %and3A_364 : i32 to vector<16xi32>
          %and3A_366 = arith.andi %get3A_355, %and3A_365 : vector<16xi32>
          %bitcast_convert_type3A_367 = tpu.bitcast %and3A_366 : vector<16xi32> -> vector<16xf32>
          %shift_left3A_368 = arith.constant 16 : i32
          %shift_left3A_369 = vector.broadcast %shift_left3A_368 : i32 to vector<16xi32>
          %shift_left3A_370 = arith.shli %get3A_359, %shift_left3A_369 : vector<16xi32>
          %bitcast_convert_type3A_371 = tpu.bitcast %shift_left3A_370 : vector<16xi32> -> vector<16xf32>
          %and3A_372 = arith.constant -65536 : i32
          %and3A_373 = vector.broadcast %and3A_372 : i32 to vector<16xi32>
          %and3A_374 = arith.andi %get3A_359, %and3A_373 : vector<16xi32>
          %bitcast_convert_type3A_375 = tpu.bitcast %and3A_374 : vector<16xi32> -> vector<16xf32>
          %add3A_376 = arith.addf %bitcast_convert_type3A_363, %bitcast_convert_type3A_371 : vector<16xf32>
          %bitcast_convert_type3A_377 = tpu.bitcast %add3A_376 : vector<16xf32> -> vector<16xi32>
          %add3A_378 = arith.constant 32768 : i32
          %add3A_379 = vector.broadcast %add3A_378 : i32 to vector<16xi32>
          %add3A_380 = arith.addi %bitcast_convert_type3A_377, %add3A_379 : vector<16xi32>
          %add3A_381 = arith.addf %bitcast_convert_type3A_367, %bitcast_convert_type3A_375 : vector<16xf32>
          %bitcast_convert_type3A_382 = tpu.bitcast %add3A_381 : vector<16xf32> -> vector<16xi32>
          %add3A_383 = arith.constant 32768 : i32
          %add3A_384 = vector.broadcast %add3A_383 : i32 to vector<16xi32>
          %add3A_385 = arith.addi %bitcast_convert_type3A_382, %add3A_384 : vector<16xi32>
          %and3A_386 = arith.constant -65536 : i32
          %and3A_387 = vector.broadcast %and3A_386 : i32 to vector<16xi32>
          %and3A_388 = arith.andi %add3A_385, %and3A_387 : vector<16xi32>
          %shift_right_arithmetic3A_389 = arith.constant 16 : i32
          %shift_right_arithmetic3A_390 = vector.broadcast %shift_right_arithmetic3A_389 : i32 to vector<16xi32>
          %shift_right_arithmetic3A_391 = arith.shrsi %add3A_380, %shift_right_arithmetic3A_390 : vector<16xi32>
          %and3A_392 = arith.constant 65535 : i32
          %and3A_393 = vector.broadcast %and3A_392 : i32 to vector<16xi32>
          %and3A_394 = arith.andi %shift_right_arithmetic3A_391, %and3A_393 : vector<16xi32>
          %or3A_395 = arith.ori %and3A_388, %and3A_394 : vector<16xi32>
          %swap3A_396 = arith.index_cast %scan3A_113 : i32 to index
          %swap3A_397 = arith.constant 80 : index
          %swap3A_398 = tpu.vector_load %arg11[%swap3A_396, %swap3A_397] {strides = array<i32>} : memref<128x128xi32, #tpu.memory_space<vmem>>, vector<1x16xi32>,
          %swap3A_399 = vector.shape_cast %swap3A_398 : vector<1x16xi32> to vector<16xi32>
          %swap3A_400 = vector.shape_cast %or3A_395 : vector<16xi32> to vector<1x16xi32>
          tpu.vector_store %arg11[%swap3A_396, %swap3A_397], %swap3A_400 {strides = array<i32>} : memref<128x128xi32, #tpu.memory_space<vmem>>, vector<1x16xi32>,
          %get3A_401 = arith.index_cast %scan3A_113 : i32 to index
          %get3A_402 = arith.constant 96 : index
          %get3A_403 = tpu.vector_load %arg11[%get3A_401, %get3A_402] {strides = array<i32>} : memref<128x128xi32, #tpu.memory_space<vmem>>, vector<1x16xi32>,
          %get3A_404 = vector.shape_cast %get3A_403 : vector<1x16xi32> to vector<16xi32>
          %get3A_405 = arith.index_cast %scan3A_113 : i32 to index
          %get3A_406 = arith.constant 96 : index
          %get3A_407 = tpu.vector_load %arg13[%get3A_405, %get3A_406] {strides = array<i32>} : memref<128x128xi32, #tpu.memory_space<vmem>>, vector<1x16xi32>,
          %get3A_408 = vector.shape_cast %get3A_407 : vector<1x16xi32> to vector<16xi32>
          %shift_left3A_409 = arith.constant 16 : i32
          %shift_left3A_410 = vector.broadcast %shift_left3A_409 : i32 to vector<16xi32>
          %shift_left3A_411 = arith.shli %get3A_404, %shift_left3A_410 : vector<16xi32>
          %bitcast_convert_type3A_412 = tpu.bitcast %shift_left3A_411 : vector<16xi32> -> vector<16xf32>
          %and3A_413 = arith.constant -65536 : i32
          %and3A_414 = vector.broadcast %and3A_413 : i32 to vector<16xi32>
          %and3A_415 = arith.andi %get3A_404, %and3A_414 : vector<16xi32>
          %bitcast_convert_type3A_416 = tpu.bitcast %and3A_415 : vector<16xi32> -> vector<16xf32>
          %shift_left3A_417 = arith.constant 16 : i32
          %shift_left3A_418 = vector.broadcast %shift_left3A_417 : i32 to vector<16xi32>
          %shift_left3A_419 = arith.shli %get3A_408, %shift_left3A_418 : vector<16xi32>
          %bitcast_convert_type3A_420 = tpu.bitcast %shift_left3A_419 : vector<16xi32> -> vector<16xf32>
          %and3A_421 = arith.constant -65536 : i32
          %and3A_422 = vector.broadcast %and3A_421 : i32 to vector<16xi32>
          %and3A_423 = arith.andi %get3A_408, %and3A_422 : vector<16xi32>
          %bitcast_convert_type3A_424 = tpu.bitcast %and3A_423 : vector<16xi32> -> vector<16xf32>
          %add3A_425 = arith.addf %bitcast_convert_type3A_412, %bitcast_convert_type3A_420 : vector<16xf32>
          %bitcast_convert_type3A_426 = tpu.bitcast %add3A_425 : vector<16xf32> -> vector<16xi32>
          %add3A_427 = arith.constant 32768 : i32
          %add3A_428 = vector.broadcast %add3A_427 : i32 to vector<16xi32>
          %add3A_429 = arith.addi %bitcast_convert_type3A_426, %add3A_428 : vector<16xi32>
          %add3A_430 = arith.addf %bitcast_convert_type3A_416, %bitcast_convert_type3A_424 : vector<16xf32>
          %bitcast_convert_type3A_431 = tpu.bitcast %add3A_430 : vector<16xf32> -> vector<16xi32>
          %add3A_432 = arith.constant 32768 : i32
          %add3A_433 = vector.broadcast %add3A_432 : i32 to vector<16xi32>
          %add3A_434 = arith.addi %bitcast_convert_type3A_431, %add3A_433 : vector<16xi32>
          %and3A_435 = arith.constant -65536 : i32
          %and3A_436 = vector.broadcast %and3A_435 : i32 to vector<16xi32>
          %and3A_437 = arith.andi %add3A_434, %and3A_436 : vector<16xi32>
          %shift_right_arithmetic3A_438 = arith.constant 16 : i32
          %shift_right_arithmetic3A_439 = vector.broadcast %shift_right_arithmetic3A_438 : i32 to vector<16xi32>
          %shift_right_arithmetic3A_440 = arith.shrsi %add3A_429, %shift_right_arithmetic3A_439 : vector<16xi32>
          %and3A_441 = arith.constant 65535 : i32
          %and3A_442 = vector.broadcast %and3A_441 : i32 to vector<16xi32>
          %and3A_443 = arith.andi %shift_right_arithmetic3A_440, %and3A_442 : vector<16xi32>
          %or3A_444 = arith.ori %and3A_437, %and3A_443 : vector<16xi32>
          %swap3A_445 = arith.index_cast %scan3A_113 : i32 to index
          %swap3A_446 = arith.constant 96 : index
          %swap3A_447 = tpu.vector_load %arg11[%swap3A_445, %swap3A_446] {strides = array<i32>} : memref<128x128xi32, #tpu.memory_space<vmem>>, vector<1x16xi32>,
          %swap3A_448 = vector.shape_cast %swap3A_447 : vector<1x16xi32> to vector<16xi32>
          %swap3A_449 = vector.shape_cast %or3A_444 : vector<16xi32> to vector<1x16xi32>
          tpu.vector_store %arg11[%swap3A_445, %swap3A_446], %swap3A_449 {strides = array<i32>} : memref<128x128xi32, #tpu.memory_space<vmem>>, vector<1x16xi32>,
          %get3A_450 = arith.index_cast %scan3A_113 : i32 to index
          %get3A_451 = arith.constant 112 : index
          %get3A_452 = tpu.vector_load %arg11[%get3A_450, %get3A_451] {strides = array<i32>} : memref<128x128xi32, #tpu.memory_space<vmem>>, vector<1x16xi32>,
          %get3A_453 = vector.shape_cast %get3A_452 : vector<1x16xi32> to vector<16xi32>
          %get3A_454 = arith.index_cast %scan3A_113 : i32 to index
          %get3A_455 = arith.constant 112 : index
          %get3A_456 = tpu.vector_load %arg13[%get3A_454, %get3A_455] {strides = array<i32>} : memref<128x128xi32, #tpu.memory_space<vmem>>, vector<1x16xi32>,
          %get3A_457 = vector.shape_cast %get3A_456 : vector<1x16xi32> to vector<16xi32>
          %shift_left3A_458 = arith.constant 16 : i32
          %shift_left3A_459 = vector.broadcast %shift_left3A_458 : i32 to vector<16xi32>
          %shift_left3A_460 = arith.shli %get3A_453, %shift_left3A_459 : vector<16xi32>
          %bitcast_convert_type3A_461 = tpu.bitcast %shift_left3A_460 : vector<16xi32> -> vector<16xf32>
          %and3A_462 = arith.constant -65536 : i32
          %and3A_463 = vector.broadcast %and3A_462 : i32 to vector<16xi32>
          %and3A_464 = arith.andi %get3A_453, %and3A_463 : vector<16xi32>
          %bitcast_convert_type3A_465 = tpu.bitcast %and3A_464 : vector<16xi32> -> vector<16xf32>
          %shift_left3A_466 = arith.constant 16 : i32
          %shift_left3A_467 = vector.broadcast %shift_left3A_466 : i32 to vector<16xi32>
          %shift_left3A_468 = arith.shli %get3A_457, %shift_left3A_467 : vector<16xi32>
          %bitcast_convert_type3A_469 = tpu.bitcast %shift_left3A_468 : vector<16xi32> -> vector<16xf32>
          %and3A_470 = arith.constant -65536 : i32
          %and3A_471 = vector.broadcast %and3A_470 : i32 to vector<16xi32>
          %and3A_472 = arith.andi %get3A_457, %and3A_471 : vector<16xi32>
          %bitcast_convert_type3A_473 = tpu.bitcast %and3A_472 : vector<16xi32> -> vector<16xf32>
          %add3A_474 = arith.addf %bitcast_convert_type3A_461, %bitcast_convert_type3A_469 : vector<16xf32>
          %bitcast_convert_type3A_475 = tpu.bitcast %add3A_474 : vector<16xf32> -> vector<16xi32>
          %add3A_476 = arith.constant 32768 : i32
          %add3A_477 = vector.broadcast %add3A_476 : i32 to vector<16xi32>
          %add3A_478 = arith.addi %bitcast_convert_type3A_475, %add3A_477 : vector<16xi32>
          %add3A_479 = arith.addf %bitcast_convert_type3A_465, %bitcast_convert_type3A_473 : vector<16xf32>
          %bitcast_convert_type3A_480 = tpu.bitcast %add3A_479 : vector<16xf32> -> vector<16xi32>
          %add3A_481 = arith.constant 32768 : i32
          %add3A_482 = vector.broadcast %add3A_481 : i32 to vector<16xi32>
          %add3A_483 = arith.addi %bitcast_convert_type3A_480, %add3A_482 : vector<16xi32>
          %and3A_484 = arith.constant -65536 : i32
          %and3A_485 = vector.broadcast %and3A_484 : i32 to vector<16xi32>
          %and3A_486 = arith.andi %add3A_483, %and3A_485 : vector<16xi32>
          %shift_right_arithmetic3A_487 = arith.constant 16 : i32
          %shift_right_arithmetic3A_488 = vector.broadcast %shift_right_arithmetic3A_487 : i32 to vector<16xi32>
          %shift_right_arithmetic3A_489 = arith.shrsi %add3A_478, %shift_right_arithmetic3A_488 : vector<16xi32>
          %and3A_490 = arith.constant 65535 : i32
          %and3A_491 = vector.broadcast %and3A_490 : i32 to vector<16xi32>
          %and3A_492 = arith.andi %shift_right_arithmetic3A_489, %and3A_491 : vector<16xi32>
          %or3A_493 = arith.ori %and3A_486, %and3A_492 : vector<16xi32>
          %swap3A_494 = arith.index_cast %scan3A_113 : i32 to index
          %swap3A_495 = arith.constant 112 : index
          %swap3A_496 = tpu.vector_load %arg11[%swap3A_494, %swap3A_495] {strides = array<i32>} : memref<128x128xi32, #tpu.memory_space<vmem>>, vector<1x16xi32>,
          %swap3A_497 = vector.shape_cast %swap3A_496 : vector<1x16xi32> to vector<16xi32>
          %swap3A_498 = vector.shape_cast %or3A_493 : vector<16xi32> to vector<1x16xi32>
          tpu.vector_store %arg11[%swap3A_494, %swap3A_495], %swap3A_498 {strides = array<i32>} : memref<128x128xi32, #tpu.memory_space<vmem>>, vector<1x16xi32>,
        }
        %scan3A_105 = arith.constant 128 : i32
        %mul3A_106 = arith.constant 128 : i32
        %mul3A_107 = arith.muli %add3A_80, %mul3A_106 : i32
        %add3A_108 = arith.addi %mul3A_2, %mul3A_107 : i32
        %dma_start3A_109 = arith.constant 0 : i32
        %dma_start3A_110 = tpu.memref_slice %arg5[%add3A_108, %dma_start3A_109] : memref<102400x128xi32, #tpu.memory_space<hbm>> -> memref<128x128xi32, #tpu.memory_space<hbm>>
        %dma_start3A_111 = arith.constant 0 : i32
        %dma_start3A_112 = tpu.memref_slice %arg5[%add3A_108, %dma_start3A_111] : memref<102400x128xi32, #tpu.memory_space<hbm>> -> memref<128x128xi32, #tpu.memory_space<hbm>>
        tpu.enqueue_dma source(%arg11 : memref<128x128xi32, #tpu.memory_space<vmem>>) target(%dma_start3A_112 : memref<128x128xi32, #tpu.memory_space<hbm>>) target_semaphore(%arg21 : memref<!tpu.dma_semaphore, #tpu.memory_space<semaphore_mem>>)
      } else {
      }
    }
    %scan3A_20 = arith.constant 13 : i32
    %lt3A_21 = arith.constant 0 : i32
    %lt3A_22 = arith.cmpi slt, %add3A, %lt3A_21 : i32
    %convert_element_type3A_23 = arith.extui %lt3A_22 : i1 to i32
    %cond3A_24 = arith.constant 0 : i32
    %cond3A_25 = arith.cmpi ne, %convert_element_type3A_23, %cond3A_24 : i32
    scf.if %cond3A_25 {
      %mul3A_37 = arith.constant 8 : i32
      %mul3A_38 = arith.muli %add3A, %mul3A_37 : i32
      %add3A_39 = arith.constant 102400 : i32
      %add3A_40 = arith.addi %add3A_39, %mul3A_38 : i32
      %dma_wait3A_41 = arith.constant 0 : i32
      %dma_wait3A_42 = arith.constant 0 : i32
      %dma_wait3A_43 = tpu.memref_slice %arg2[%dma_wait3A_41, %dma_wait3A_42] : memref<10000x128xi32, #tpu.memory_space<hbm>> -> memref<8x128xi32, #tpu.memory_space<hbm>>
      %dma_wait3A_44 = arith.constant 0 : i32
      %dma_wait3A_45 = arith.constant 0 : i32
      %dma_wait3A_46 = tpu.memref_slice %arg2[%dma_wait3A_44, %dma_wait3A_45] : memref<10000x128xi32, #tpu.memory_space<hbm>> -> memref<8x128xi32, #tpu.memory_space<hbm>>
      tpu.wait_dma2 semaphore(%arg22 : memref<!tpu.dma_semaphore, #tpu.memory_space<semaphore_mem>>) src(%dma_wait3A_46 : memref<8x128xi32, #tpu.memory_space<hbm>>) dst(%arg14 : memref<8x128xi32, #tpu.memory_space<vmem>>)
      %dma_wait3A_47 = arith.constant 0 : i32
      %dma_wait3A_48 = arith.constant 0 : i32
      %dma_wait3A_49 = tpu.memref_slice %arg2[%dma_wait3A_47, %dma_wait3A_48] : memref<10000x128xi32, #tpu.memory_space<hbm>> -> memref<8x128xi32, #tpu.memory_space<hbm>>
      %dma_wait3A_50 = arith.constant 0 : i32
      %dma_wait3A_51 = arith.constant 0 : i32
      %dma_wait3A_52 = tpu.memref_slice %arg2[%dma_wait3A_50, %dma_wait3A_51] : memref<10000x128xi32, #tpu.memory_space<hbm>> -> memref<8x128xi32, #tpu.memory_space<hbm>>
      tpu.wait_dma2 semaphore(%arg23 : memref<!tpu.dma_semaphore, #tpu.memory_space<semaphore_mem>>) src(%dma_wait3A_52 : memref<8x128xi32, #tpu.memory_space<hbm>>) dst(%arg15 : memref<8x128xi32, #tpu.memory_space<vmem>>)
      %scan3A_53 = arith.constant 0 : i32
      %scan3A_54 = arith.constant 0 : i32
      %scan3A_55 = arith.constant 8 : i32
      %scan3A_56 = arith.addi %scan3A_54, %scan3A_55 : i32
      %scan3A_57 = arith.constant 1 : i32
      scf.for %scan3A_59 = %scan3A_54 to %scan3A_56 step %scan3A_57  : i32 {
        %get3A = arith.index_cast %scan3A_59 : i32 to index
        %get3A_60 = arith.constant 0 : index
        %get3A_61 = tpu.vector_load %arg14[%get3A, %get3A_60] {strides = array<i32>} : memref<8x128xi32, #tpu.memory_space<vmem>>, vector<1x16xi32>,
        %get3A_62 = vector.shape_cast %get3A_61 : vector<1x16xi32> to vector<16xi32>
        %get3A_63 = arith.index_cast %scan3A_59 : i32 to index
        %get3A_64 = arith.constant 0 : index
        %get3A_65 = tpu.vector_load %arg15[%get3A_63, %get3A_64] {strides = array<i32>} : memref<8x128xi32, #tpu.memory_space<vmem>>, vector<1x16xi32>,
        %get3A_66 = vector.shape_cast %get3A_65 : vector<1x16xi32> to vector<16xi32>
        %shift_left3A = arith.constant 16 : i32
        %shift_left3A_67 = vector.broadcast %shift_left3A : i32 to vector<16xi32>
        %shift_left3A_68 = arith.shli %get3A_62, %shift_left3A_67 : vector<16xi32>
        %bitcast_convert_type3A = tpu.bitcast %shift_left3A_68 : vector<16xi32> -> vector<16xf32>
        %and3A = arith.constant -65536 : i32
        %and3A_69 = vector.broadcast %and3A : i32 to vector<16xi32>
        %and3A_70 = arith.andi %get3A_62, %and3A_69 : vector<16xi32>
        %bitcast_convert_type3A_71 = tpu.bitcast %and3A_70 : vector<16xi32> -> vector<16xf32>
        %shift_left3A_72 = arith.constant 16 : i32
        %shift_left3A_73 = vector.broadcast %shift_left3A_72 : i32 to vector<16xi32>
        %shift_left3A_74 = arith.shli %get3A_66, %shift_left3A_73 : vector<16xi32>
        %bitcast_convert_type3A_75 = tpu.bitcast %shift_left3A_74 : vector<16xi32> -> vector<16xf32>
        %and3A_76 = arith.constant -65536 : i32
        %and3A_77 = vector.broadcast %and3A_76 : i32 to vector<16xi32>
        %and3A_78 = arith.andi %get3A_66, %and3A_77 : vector<16xi32>
        %bitcast_convert_type3A_79 = tpu.bitcast %and3A_78 : vector<16xi32> -> vector<16xf32>
        %add3A_80 = arith.addf %bitcast_convert_type3A, %bitcast_convert_type3A_75 : vector<16xf32>
        %bitcast_convert_type3A_81 = tpu.bitcast %add3A_80 : vector<16xf32> -> vector<16xi32>
        %add3A_82 = arith.constant 32768 : i32
        %add3A_83 = vector.broadcast %add3A_82 : i32 to vector<16xi32>
        %add3A_84 = arith.addi %bitcast_convert_type3A_81, %add3A_83 : vector<16xi32>
        %add3A_85 = arith.addf %bitcast_convert_type3A_71, %bitcast_convert_type3A_79 : vector<16xf32>
        %bitcast_convert_type3A_86 = tpu.bitcast %add3A_85 : vector<16xf32> -> vector<16xi32>
        %add3A_87 = arith.constant 32768 : i32
        %add3A_88 = vector.broadcast %add3A_87 : i32 to vector<16xi32>
        %add3A_89 = arith.addi %bitcast_convert_type3A_86, %add3A_88 : vector<16xi32>
        %and3A_90 = arith.constant -65536 : i32
        %and3A_91 = vector.broadcast %and3A_90 : i32 to vector<16xi32>
        %and3A_92 = arith.andi %add3A_89, %and3A_91 : vector<16xi32>
        %shift_right_arithmetic3A = arith.constant 16 : i32
        %shift_right_arithmetic3A_93 = vector.broadcast %shift_right_arithmetic3A : i32 to vector<16xi32>
        %shift_right_arithmetic3A_94 = arith.shrsi %add3A_84, %shift_right_arithmetic3A_93 : vector<16xi32>
        %and3A_95 = arith.constant 65535 : i32
        %and3A_96 = vector.broadcast %and3A_95 : i32 to vector<16xi32>
        %and3A_97 = arith.andi %shift_right_arithmetic3A_94, %and3A_96 : vector<16xi32>
        %or3A = arith.ori %and3A_92, %and3A_97 : vector<16xi32>
        %swap3A = arith.index_cast %scan3A_59 : i32 to index
        %swap3A_98 = arith.constant 0 : index
        %swap3A_99 = tpu.vector_load %arg14[%swap3A, %swap3A_98] {strides = array<i32>} : memref<8x128xi32, #tpu.memory_space<vmem>>, vector<1x16xi32>,
        %swap3A_100 = vector.shape_cast %swap3A_99 : vector<1x16xi32> to vector<16xi32>
        %swap3A_101 = vector.shape_cast %or3A : vector<16xi32> to vector<1x16xi32>
        tpu.vector_store %arg14[%swap3A, %swap3A_98], %swap3A_101 {strides = array<i32>} : memref<8x128xi32, #tpu.memory_space<vmem>>, vector<1x16xi32>,
        %get3A_102 = arith.index_cast %scan3A_59 : i32 to index
        %get3A_103 = arith.constant 16 : index
        %get3A_104 = tpu.vector_load %arg14[%get3A_102, %get3A_103] {strides = array<i32>} : memref<8x128xi32, #tpu.memory_space<vmem>>, vector<1x16xi32>,
        %get3A_105 = vector.shape_cast %get3A_104 : vector<1x16xi32> to vector<16xi32>
        %get3A_106 = arith.index_cast %scan3A_59 : i32 to index
        %get3A_107 = arith.constant 16 : index
        %get3A_108 = tpu.vector_load %arg15[%get3A_106, %get3A_107] {strides = array<i32>} : memref<8x128xi32, #tpu.memory_space<vmem>>, vector<1x16xi32>,
        %get3A_109 = vector.shape_cast %get3A_108 : vector<1x16xi32> to vector<16xi32>
        %shift_left3A_110 = arith.constant 16 : i32
        %shift_left3A_111 = vector.broadcast %shift_left3A_110 : i32 to vector<16xi32>
        %shift_left3A_112 = arith.shli %get3A_105, %shift_left3A_111 : vector<16xi32>
        %bitcast_convert_type3A_113 = tpu.bitcast %shift_left3A_112 : vector<16xi32> -> vector<16xf32>
        %and3A_114 = arith.constant -65536 : i32
        %and3A_115 = vector.broadcast %and3A_114 : i32 to vector<16xi32>
        %and3A_116 = arith.andi %get3A_105, %and3A_115 : vector<16xi32>
        %bitcast_convert_type3A_117 = tpu.bitcast %and3A_116 : vector<16xi32> -> vector<16xf32>
        %shift_left3A_118 = arith.constant 16 : i32
        %shift_left3A_119 = vector.broadcast %shift_left3A_118 : i32 to vector<16xi32>
        %shift_left3A_120 = arith.shli %get3A_109, %shift_left3A_119 : vector<16xi32>
        %bitcast_convert_type3A_121 = tpu.bitcast %shift_left3A_120 : vector<16xi32> -> vector<16xf32>
        %and3A_122 = arith.constant -65536 : i32
        %and3A_123 = vector.broadcast %and3A_122 : i32 to vector<16xi32>
        %and3A_124 = arith.andi %get3A_109, %and3A_123 : vector<16xi32>
        %bitcast_convert_type3A_125 = tpu.bitcast %and3A_124 : vector<16xi32> -> vector<16xf32>
        %add3A_126 = arith.addf %bitcast_convert_type3A_113, %bitcast_convert_type3A_121 : vector<16xf32>
        %bitcast_convert_type3A_127 = tpu.bitcast %add3A_126 : vector<16xf32> -> vector<16xi32>
        %add3A_128 = arith.constant 32768 : i32
        %add3A_129 = vector.broadcast %add3A_128 : i32 to vector<16xi32>
        %add3A_130 = arith.addi %bitcast_convert_type3A_127, %add3A_129 : vector<16xi32>
        %add3A_131 = arith.addf %bitcast_convert_type3A_117, %bitcast_convert_type3A_125 : vector<16xf32>
        %bitcast_convert_type3A_132 = tpu.bitcast %add3A_131 : vector<16xf32> -> vector<16xi32>
        %add3A_133 = arith.constant 32768 : i32
        %add3A_134 = vector.broadcast %add3A_133 : i32 to vector<16xi32>
        %add3A_135 = arith.addi %bitcast_convert_type3A_132, %add3A_134 : vector<16xi32>
        %and3A_136 = arith.constant -65536 : i32
        %and3A_137 = vector.broadcast %and3A_136 : i32 to vector<16xi32>
        %and3A_138 = arith.andi %add3A_135, %and3A_137 : vector<16xi32>
        %shift_right_arithmetic3A_139 = arith.constant 16 : i32
        %shift_right_arithmetic3A_140 = vector.broadcast %shift_right_arithmetic3A_139 : i32 to vector<16xi32>
        %shift_right_arithmetic3A_141 = arith.shrsi %add3A_130, %shift_right_arithmetic3A_140 : vector<16xi32>
        %and3A_142 = arith.constant 65535 : i32
        %and3A_143 = vector.broadcast %and3A_142 : i32 to vector<16xi32>
        %and3A_144 = arith.andi %shift_right_arithmetic3A_141, %and3A_143 : vector<16xi32>
        %or3A_145 = arith.ori %and3A_138, %and3A_144 : vector<16xi32>
        %swap3A_146 = arith.index_cast %scan3A_59 : i32 to index
        %swap3A_147 = arith.constant 16 : index
        %swap3A_148 = tpu.vector_load %arg14[%swap3A_146, %swap3A_147] {strides = array<i32>} : memref<8x128xi32, #tpu.memory_space<vmem>>, vector<1x16xi32>,
        %swap3A_149 = vector.shape_cast %swap3A_148 : vector<1x16xi32> to vector<16xi32>
        %swap3A_150 = vector.shape_cast %or3A_145 : vector<16xi32> to vector<1x16xi32>
        tpu.vector_store %arg14[%swap3A_146, %swap3A_147], %swap3A_150 {strides = array<i32>} : memref<8x128xi32, #tpu.memory_space<vmem>>, vector<1x16xi32>,
        %get3A_151 = arith.index_cast %scan3A_59 : i32 to index
        %get3A_152 = arith.constant 32 : index
        %get3A_153 = tpu.vector_load %arg14[%get3A_151, %get3A_152] {strides = array<i32>} : memref<8x128xi32, #tpu.memory_space<vmem>>, vector<1x16xi32>,
        %get3A_154 = vector.shape_cast %get3A_153 : vector<1x16xi32> to vector<16xi32>
        %get3A_155 = arith.index_cast %scan3A_59 : i32 to index
        %get3A_156 = arith.constant 32 : index
        %get3A_157 = tpu.vector_load %arg15[%get3A_155, %get3A_156] {strides = array<i32>} : memref<8x128xi32, #tpu.memory_space<vmem>>, vector<1x16xi32>,
        %get3A_158 = vector.shape_cast %get3A_157 : vector<1x16xi32> to vector<16xi32>
        %shift_left3A_159 = arith.constant 16 : i32
        %shift_left3A_160 = vector.broadcast %shift_left3A_159 : i32 to vector<16xi32>
        %shift_left3A_161 = arith.shli %get3A_154, %shift_left3A_160 : vector<16xi32>
        %bitcast_convert_type3A_162 = tpu.bitcast %shift_left3A_161 : vector<16xi32> -> vector<16xf32>
        %and3A_163 = arith.constant -65536 : i32
        %and3A_164 = vector.broadcast %and3A_163 : i32 to vector<16xi32>
        %and3A_165 = arith.andi %get3A_154, %and3A_164 : vector<16xi32>
        %bitcast_convert_type3A_166 = tpu.bitcast %and3A_165 : vector<16xi32> -> vector<16xf32>
        %shift_left3A_167 = arith.constant 16 : i32
        %shift_left3A_168 = vector.broadcast %shift_left3A_167 : i32 to vector<16xi32>
        %shift_left3A_169 = arith.shli %get3A_158, %shift_left3A_168 : vector<16xi32>
        %bitcast_convert_type3A_170 = tpu.bitcast %shift_left3A_169 : vector<16xi32> -> vector<16xf32>
        %and3A_171 = arith.constant -65536 : i32
        %and3A_172 = vector.broadcast %and3A_171 : i32 to vector<16xi32>
        %and3A_173 = arith.andi %get3A_158, %and3A_172 : vector<16xi32>
        %bitcast_convert_type3A_174 = tpu.bitcast %and3A_173 : vector<16xi32> -> vector<16xf32>
        %add3A_175 = arith.addf %bitcast_convert_type3A_162, %bitcast_convert_type3A_170 : vector<16xf32>
        %bitcast_convert_type3A_176 = tpu.bitcast %add3A_175 : vector<16xf32> -> vector<16xi32>
        %add3A_177 = arith.constant 32768 : i32
        %add3A_178 = vector.broadcast %add3A_177 : i32 to vector<16xi32>
        %add3A_179 = arith.addi %bitcast_convert_type3A_176, %add3A_178 : vector<16xi32>
        %add3A_180 = arith.addf %bitcast_convert_type3A_166, %bitcast_convert_type3A_174 : vector<16xf32>
        %bitcast_convert_type3A_181 = tpu.bitcast %add3A_180 : vector<16xf32> -> vector<16xi32>
        %add3A_182 = arith.constant 32768 : i32
        %add3A_183 = vector.broadcast %add3A_182 : i32 to vector<16xi32>
        %add3A_184 = arith.addi %bitcast_convert_type3A_181, %add3A_183 : vector<16xi32>
        %and3A_185 = arith.constant -65536 : i32
        %and3A_186 = vector.broadcast %and3A_185 : i32 to vector<16xi32>
        %and3A_187 = arith.andi %add3A_184, %and3A_186 : vector<16xi32>
        %shift_right_arithmetic3A_188 = arith.constant 16 : i32
        %shift_right_arithmetic3A_189 = vector.broadcast %shift_right_arithmetic3A_188 : i32 to vector<16xi32>
        %shift_right_arithmetic3A_190 = arith.shrsi %add3A_179, %shift_right_arithmetic3A_189 : vector<16xi32>
        %and3A_191 = arith.constant 65535 : i32
        %and3A_192 = vector.broadcast %and3A_191 : i32 to vector<16xi32>
        %and3A_193 = arith.andi %shift_right_arithmetic3A_190, %and3A_192 : vector<16xi32>
        %or3A_194 = arith.ori %and3A_187, %and3A_193 : vector<16xi32>
        %swap3A_195 = arith.index_cast %scan3A_59 : i32 to index
        %swap3A_196 = arith.constant 32 : index
        %swap3A_197 = tpu.vector_load %arg14[%swap3A_195, %swap3A_196] {strides = array<i32>} : memref<8x128xi32, #tpu.memory_space<vmem>>, vector<1x16xi32>,
        %swap3A_198 = vector.shape_cast %swap3A_197 : vector<1x16xi32> to vector<16xi32>
        %swap3A_199 = vector.shape_cast %or3A_194 : vector<16xi32> to vector<1x16xi32>
        tpu.vector_store %arg14[%swap3A_195, %swap3A_196], %swap3A_199 {strides = array<i32>} : memref<8x128xi32, #tpu.memory_space<vmem>>, vector<1x16xi32>,
        %get3A_200 = arith.index_cast %scan3A_59 : i32 to index
        %get3A_201 = arith.constant 48 : index
        %get3A_202 = tpu.vector_load %arg14[%get3A_200, %get3A_201] {strides = array<i32>} : memref<8x128xi32, #tpu.memory_space<vmem>>, vector<1x16xi32>,
        %get3A_203 = vector.shape_cast %get3A_202 : vector<1x16xi32> to vector<16xi32>
        %get3A_204 = arith.index_cast %scan3A_59 : i32 to index
        %get3A_205 = arith.constant 48 : index
        %get3A_206 = tpu.vector_load %arg15[%get3A_204, %get3A_205] {strides = array<i32>} : memref<8x128xi32, #tpu.memory_space<vmem>>, vector<1x16xi32>,
        %get3A_207 = vector.shape_cast %get3A_206 : vector<1x16xi32> to vector<16xi32>
        %shift_left3A_208 = arith.constant 16 : i32
        %shift_left3A_209 = vector.broadcast %shift_left3A_208 : i32 to vector<16xi32>
        %shift_left3A_210 = arith.shli %get3A_203, %shift_left3A_209 : vector<16xi32>
        %bitcast_convert_type3A_211 = tpu.bitcast %shift_left3A_210 : vector<16xi32> -> vector<16xf32>
        %and3A_212 = arith.constant -65536 : i32
        %and3A_213 = vector.broadcast %and3A_212 : i32 to vector<16xi32>
        %and3A_214 = arith.andi %get3A_203, %and3A_213 : vector<16xi32>
        %bitcast_convert_type3A_215 = tpu.bitcast %and3A_214 : vector<16xi32> -> vector<16xf32>
        %shift_left3A_216 = arith.constant 16 : i32
        %shift_left3A_217 = vector.broadcast %shift_left3A_216 : i32 to vector<16xi32>
        %shift_left3A_218 = arith.shli %get3A_207, %shift_left3A_217 : vector<16xi32>
        %bitcast_convert_type3A_219 = tpu.bitcast %shift_left3A_218 : vector<16xi32> -> vector<16xf32>
        %and3A_220 = arith.constant -65536 : i32
        %and3A_221 = vector.broadcast %and3A_220 : i32 to vector<16xi32>
        %and3A_222 = arith.andi %get3A_207, %and3A_221 : vector<16xi32>
        %bitcast_convert_type3A_223 = tpu.bitcast %and3A_222 : vector<16xi32> -> vector<16xf32>
        %add3A_224 = arith.addf %bitcast_convert_type3A_211, %bitcast_convert_type3A_219 : vector<16xf32>
        %bitcast_convert_type3A_225 = tpu.bitcast %add3A_224 : vector<16xf32> -> vector<16xi32>
        %add3A_226 = arith.constant 32768 : i32
        %add3A_227 = vector.broadcast %add3A_226 : i32 to vector<16xi32>
        %add3A_228 = arith.addi %bitcast_convert_type3A_225, %add3A_227 : vector<16xi32>
        %add3A_229 = arith.addf %bitcast_convert_type3A_215, %bitcast_convert_type3A_223 : vector<16xf32>
        %bitcast_convert_type3A_230 = tpu.bitcast %add3A_229 : vector<16xf32> -> vector<16xi32>
        %add3A_231 = arith.constant 32768 : i32
        %add3A_232 = vector.broadcast %add3A_231 : i32 to vector<16xi32>
        %add3A_233 = arith.addi %bitcast_convert_type3A_230, %add3A_232 : vector<16xi32>
        %and3A_234 = arith.constant -65536 : i32
        %and3A_235 = vector.broadcast %and3A_234 : i32 to vector<16xi32>
        %and3A_236 = arith.andi %add3A_233, %and3A_235 : vector<16xi32>
        %shift_right_arithmetic3A_237 = arith.constant 16 : i32
        %shift_right_arithmetic3A_238 = vector.broadcast %shift_right_arithmetic3A_237 : i32 to vector<16xi32>
        %shift_right_arithmetic3A_239 = arith.shrsi %add3A_228, %shift_right_arithmetic3A_238 : vector<16xi32>
        %and3A_240 = arith.constant 65535 : i32
        %and3A_241 = vector.broadcast %and3A_240 : i32 to vector<16xi32>
        %and3A_242 = arith.andi %shift_right_arithmetic3A_239, %and3A_241 : vector<16xi32>
        %or3A_243 = arith.ori %and3A_236, %and3A_242 : vector<16xi32>
        %swap3A_244 = arith.index_cast %scan3A_59 : i32 to index
        %swap3A_245 = arith.constant 48 : index
        %swap3A_246 = tpu.vector_load %arg14[%swap3A_244, %swap3A_245] {strides = array<i32>} : memref<8x128xi32, #tpu.memory_space<vmem>>, vector<1x16xi32>,
        %swap3A_247 = vector.shape_cast %swap3A_246 : vector<1x16xi32> to vector<16xi32>
        %swap3A_248 = vector.shape_cast %or3A_243 : vector<16xi32> to vector<1x16xi32>
        tpu.vector_store %arg14[%swap3A_244, %swap3A_245], %swap3A_248 {strides = array<i32>} : memref<8x128xi32, #tpu.memory_space<vmem>>, vector<1x16xi32>,
        %get3A_249 = arith.index_cast %scan3A_59 : i32 to index
        %get3A_250 = arith.constant 64 : index
        %get3A_251 = tpu.vector_load %arg14[%get3A_249, %get3A_250] {strides = array<i32>} : memref<8x128xi32, #tpu.memory_space<vmem>>, vector<1x16xi32>,
        %get3A_252 = vector.shape_cast %get3A_251 : vector<1x16xi32> to vector<16xi32>
        %get3A_253 = arith.index_cast %scan3A_59 : i32 to index
        %get3A_254 = arith.constant 64 : index
        %get3A_255 = tpu.vector_load %arg15[%get3A_253, %get3A_254] {strides = array<i32>} : memref<8x128xi32, #tpu.memory_space<vmem>>, vector<1x16xi32>,
        %get3A_256 = vector.shape_cast %get3A_255 : vector<1x16xi32> to vector<16xi32>
        %shift_left3A_257 = arith.constant 16 : i32
        %shift_left3A_258 = vector.broadcast %shift_left3A_257 : i32 to vector<16xi32>
        %shift_left3A_259 = arith.shli %get3A_252, %shift_left3A_258 : vector<16xi32>
        %bitcast_convert_type3A_260 = tpu.bitcast %shift_left3A_259 : vector<16xi32> -> vector<16xf32>
        %and3A_261 = arith.constant -65536 : i32
        %and3A_262 = vector.broadcast %and3A_261 : i32 to vector<16xi32>
        %and3A_263 = arith.andi %get3A_252, %and3A_262 : vector<16xi32>
        %bitcast_convert_type3A_264 = tpu.bitcast %and3A_263 : vector<16xi32> -> vector<16xf32>
        %shift_left3A_265 = arith.constant 16 : i32
        %shift_left3A_266 = vector.broadcast %shift_left3A_265 : i32 to vector<16xi32>
        %shift_left3A_267 = arith.shli %get3A_256, %shift_left3A_266 : vector<16xi32>
        %bitcast_convert_type3A_268 = tpu.bitcast %shift_left3A_267 : vector<16xi32> -> vector<16xf32>
        %and3A_269 = arith.constant -65536 : i32
        %and3A_270 = vector.broadcast %and3A_269 : i32 to vector<16xi32>
        %and3A_271 = arith.andi %get3A_256, %and3A_270 : vector<16xi32>
        %bitcast_convert_type3A_272 = tpu.bitcast %and3A_271 : vector<16xi32> -> vector<16xf32>
        %add3A_273 = arith.addf %bitcast_convert_type3A_260, %bitcast_convert_type3A_268 : vector<16xf32>
        %bitcast_convert_type3A_274 = tpu.bitcast %add3A_273 : vector<16xf32> -> vector<16xi32>
        %add3A_275 = arith.constant 32768 : i32
        %add3A_276 = vector.broadcast %add3A_275 : i32 to vector<16xi32>
        %add3A_277 = arith.addi %bitcast_convert_type3A_274, %add3A_276 : vector<16xi32>
        %add3A_278 = arith.addf %bitcast_convert_type3A_264, %bitcast_convert_type3A_272 : vector<16xf32>
        %bitcast_convert_type3A_279 = tpu.bitcast %add3A_278 : vector<16xf32> -> vector<16xi32>
        %add3A_280 = arith.constant 32768 : i32
        %add3A_281 = vector.broadcast %add3A_280 : i32 to vector<16xi32>
        %add3A_282 = arith.addi %bitcast_convert_type3A_279, %add3A_281 : vector<16xi32>
        %and3A_283 = arith.constant -65536 : i32
        %and3A_284 = vector.broadcast %and3A_283 : i32 to vector<16xi32>
        %and3A_285 = arith.andi %add3A_282, %and3A_284 : vector<16xi32>
        %shift_right_arithmetic3A_286 = arith.constant 16 : i32
        %shift_right_arithmetic3A_287 = vector.broadcast %shift_right_arithmetic3A_286 : i32 to vector<16xi32>
        %shift_right_arithmetic3A_288 = arith.shrsi %add3A_277, %shift_right_arithmetic3A_287 : vector<16xi32>
        %and3A_289 = arith.constant 65535 : i32
        %and3A_290 = vector.broadcast %and3A_289 : i32 to vector<16xi32>
        %and3A_291 = arith.andi %shift_right_arithmetic3A_288, %and3A_290 : vector<16xi32>
        %or3A_292 = arith.ori %and3A_285, %and3A_291 : vector<16xi32>
        %swap3A_293 = arith.index_cast %scan3A_59 : i32 to index
        %swap3A_294 = arith.constant 64 : index
        %swap3A_295 = tpu.vector_load %arg14[%swap3A_293, %swap3A_294] {strides = array<i32>} : memref<8x128xi32, #tpu.memory_space<vmem>>, vector<1x16xi32>,
        %swap3A_296 = vector.shape_cast %swap3A_295 : vector<1x16xi32> to vector<16xi32>
        %swap3A_297 = vector.shape_cast %or3A_292 : vector<16xi32> to vector<1x16xi32>
        tpu.vector_store %arg14[%swap3A_293, %swap3A_294], %swap3A_297 {strides = array<i32>} : memref<8x128xi32, #tpu.memory_space<vmem>>, vector<1x16xi32>,
        %get3A_298 = arith.index_cast %scan3A_59 : i32 to index
        %get3A_299 = arith.constant 80 : index
        %get3A_300 = tpu.vector_load %arg14[%get3A_298, %get3A_299] {strides = array<i32>} : memref<8x128xi32, #tpu.memory_space<vmem>>, vector<1x16xi32>,
        %get3A_301 = vector.shape_cast %get3A_300 : vector<1x16xi32> to vector<16xi32>
        %get3A_302 = arith.index_cast %scan3A_59 : i32 to index
        %get3A_303 = arith.constant 80 : index
        %get3A_304 = tpu.vector_load %arg15[%get3A_302, %get3A_303] {strides = array<i32>} : memref<8x128xi32, #tpu.memory_space<vmem>>, vector<1x16xi32>,
        %get3A_305 = vector.shape_cast %get3A_304 : vector<1x16xi32> to vector<16xi32>
        %shift_left3A_306 = arith.constant 16 : i32
        %shift_left3A_307 = vector.broadcast %shift_left3A_306 : i32 to vector<16xi32>
        %shift_left3A_308 = arith.shli %get3A_301, %shift_left3A_307 : vector<16xi32>
        %bitcast_convert_type3A_309 = tpu.bitcast %shift_left3A_308 : vector<16xi32> -> vector<16xf32>
        %and3A_310 = arith.constant -65536 : i32
        %and3A_311 = vector.broadcast %and3A_310 : i32 to vector<16xi32>
        %and3A_312 = arith.andi %get3A_301, %and3A_311 : vector<16xi32>
        %bitcast_convert_type3A_313 = tpu.bitcast %and3A_312 : vector<16xi32> -> vector<16xf32>
        %shift_left3A_314 = arith.constant 16 : i32
        %shift_left3A_315 = vector.broadcast %shift_left3A_314 : i32 to vector<16xi32>
        %shift_left3A_316 = arith.shli %get3A_305, %shift_left3A_315 : vector<16xi32>
        %bitcast_convert_type3A_317 = tpu.bitcast %shift_left3A_316 : vector<16xi32> -> vector<16xf32>
        %and3A_318 = arith.constant -65536 : i32
        %and3A_319 = vector.broadcast %and3A_318 : i32 to vector<16xi32>
        %and3A_320 = arith.andi %get3A_305, %and3A_319 : vector<16xi32>
        %bitcast_convert_type3A_321 = tpu.bitcast %and3A_320 : vector<16xi32> -> vector<16xf32>
        %add3A_322 = arith.addf %bitcast_convert_type3A_309, %bitcast_convert_type3A_317 : vector<16xf32>
        %bitcast_convert_type3A_323 = tpu.bitcast %add3A_322 : vector<16xf32> -> vector<16xi32>
        %add3A_324 = arith.constant 32768 : i32
        %add3A_325 = vector.broadcast %add3A_324 : i32 to vector<16xi32>
        %add3A_326 = arith.addi %bitcast_convert_type3A_323, %add3A_325 : vector<16xi32>
        %add3A_327 = arith.addf %bitcast_convert_type3A_313, %bitcast_convert_type3A_321 : vector<16xf32>
        %bitcast_convert_type3A_328 = tpu.bitcast %add3A_327 : vector<16xf32> -> vector<16xi32>
        %add3A_329 = arith.constant 32768 : i32
        %add3A_330 = vector.broadcast %add3A_329 : i32 to vector<16xi32>
        %add3A_331 = arith.addi %bitcast_convert_type3A_328, %add3A_330 : vector<16xi32>
        %and3A_332 = arith.constant -65536 : i32
        %and3A_333 = vector.broadcast %and3A_332 : i32 to vector<16xi32>
        %and3A_334 = arith.andi %add3A_331, %and3A_333 : vector<16xi32>
        %shift_right_arithmetic3A_335 = arith.constant 16 : i32
        %shift_right_arithmetic3A_336 = vector.broadcast %shift_right_arithmetic3A_335 : i32 to vector<16xi32>
        %shift_right_arithmetic3A_337 = arith.shrsi %add3A_326, %shift_right_arithmetic3A_336 : vector<16xi32>
        %and3A_338 = arith.constant 65535 : i32
        %and3A_339 = vector.broadcast %and3A_338 : i32 to vector<16xi32>
        %and3A_340 = arith.andi %shift_right_arithmetic3A_337, %and3A_339 : vector<16xi32>
        %or3A_341 = arith.ori %and3A_334, %and3A_340 : vector<16xi32>
        %swap3A_342 = arith.index_cast %scan3A_59 : i32 to index
        %swap3A_343 = arith.constant 80 : index
        %swap3A_344 = tpu.vector_load %arg14[%swap3A_342, %swap3A_343] {strides = array<i32>} : memref<8x128xi32, #tpu.memory_space<vmem>>, vector<1x16xi32>,
        %swap3A_345 = vector.shape_cast %swap3A_344 : vector<1x16xi32> to vector<16xi32>
        %swap3A_346 = vector.shape_cast %or3A_341 : vector<16xi32> to vector<1x16xi32>
        tpu.vector_store %arg14[%swap3A_342, %swap3A_343], %swap3A_346 {strides = array<i32>} : memref<8x128xi32, #tpu.memory_space<vmem>>, vector<1x16xi32>,
        %get3A_347 = arith.index_cast %scan3A_59 : i32 to index
        %get3A_348 = arith.constant 96 : index
        %get3A_349 = tpu.vector_load %arg14[%get3A_347, %get3A_348] {strides = array<i32>} : memref<8x128xi32, #tpu.memory_space<vmem>>, vector<1x16xi32>,
        %get3A_350 = vector.shape_cast %get3A_349 : vector<1x16xi32> to vector<16xi32>
        %get3A_351 = arith.index_cast %scan3A_59 : i32 to index
        %get3A_352 = arith.constant 96 : index
        %get3A_353 = tpu.vector_load %arg15[%get3A_351, %get3A_352] {strides = array<i32>} : memref<8x128xi32, #tpu.memory_space<vmem>>, vector<1x16xi32>,
        %get3A_354 = vector.shape_cast %get3A_353 : vector<1x16xi32> to vector<16xi32>
        %shift_left3A_355 = arith.constant 16 : i32
        %shift_left3A_356 = vector.broadcast %shift_left3A_355 : i32 to vector<16xi32>
        %shift_left3A_357 = arith.shli %get3A_350, %shift_left3A_356 : vector<16xi32>
        %bitcast_convert_type3A_358 = tpu.bitcast %shift_left3A_357 : vector<16xi32> -> vector<16xf32>
        %and3A_359 = arith.constant -65536 : i32
        %and3A_360 = vector.broadcast %and3A_359 : i32 to vector<16xi32>
        %and3A_361 = arith.andi %get3A_350, %and3A_360 : vector<16xi32>
        %bitcast_convert_type3A_362 = tpu.bitcast %and3A_361 : vector<16xi32> -> vector<16xf32>
        %shift_left3A_363 = arith.constant 16 : i32
        %shift_left3A_364 = vector.broadcast %shift_left3A_363 : i32 to vector<16xi32>
        %shift_left3A_365 = arith.shli %get3A_354, %shift_left3A_364 : vector<16xi32>
        %bitcast_convert_type3A_366 = tpu.bitcast %shift_left3A_365 : vector<16xi32> -> vector<16xf32>
        %and3A_367 = arith.constant -65536 : i32
        %and3A_368 = vector.broadcast %and3A_367 : i32 to vector<16xi32>
        %and3A_369 = arith.andi %get3A_354, %and3A_368 : vector<16xi32>
        %bitcast_convert_type3A_370 = tpu.bitcast %and3A_369 : vector<16xi32> -> vector<16xf32>
        %add3A_371 = arith.addf %bitcast_convert_type3A_358, %bitcast_convert_type3A_366 : vector<16xf32>
        %bitcast_convert_type3A_372 = tpu.bitcast %add3A_371 : vector<16xf32> -> vector<16xi32>
        %add3A_373 = arith.constant 32768 : i32
        %add3A_374 = vector.broadcast %add3A_373 : i32 to vector<16xi32>
        %add3A_375 = arith.addi %bitcast_convert_type3A_372, %add3A_374 : vector<16xi32>
        %add3A_376 = arith.addf %bitcast_convert_type3A_362, %bitcast_convert_type3A_370 : vector<16xf32>
        %bitcast_convert_type3A_377 = tpu.bitcast %add3A_376 : vector<16xf32> -> vector<16xi32>
        %add3A_378 = arith.constant 32768 : i32
        %add3A_379 = vector.broadcast %add3A_378 : i32 to vector<16xi32>
        %add3A_380 = arith.addi %bitcast_convert_type3A_377, %add3A_379 : vector<16xi32>
        %and3A_381 = arith.constant -65536 : i32
        %and3A_382 = vector.broadcast %and3A_381 : i32 to vector<16xi32>
        %and3A_383 = arith.andi %add3A_380, %and3A_382 : vector<16xi32>
        %shift_right_arithmetic3A_384 = arith.constant 16 : i32
        %shift_right_arithmetic3A_385 = vector.broadcast %shift_right_arithmetic3A_384 : i32 to vector<16xi32>
        %shift_right_arithmetic3A_386 = arith.shrsi %add3A_375, %shift_right_arithmetic3A_385 : vector<16xi32>
        %and3A_387 = arith.constant 65535 : i32
        %and3A_388 = vector.broadcast %and3A_387 : i32 to vector<16xi32>
        %and3A_389 = arith.andi %shift_right_arithmetic3A_386, %and3A_388 : vector<16xi32>
        %or3A_390 = arith.ori %and3A_383, %and3A_389 : vector<16xi32>
        %swap3A_391 = arith.index_cast %scan3A_59 : i32 to index
        %swap3A_392 = arith.constant 96 : index
        %swap3A_393 = tpu.vector_load %arg14[%swap3A_391, %swap3A_392] {strides = array<i32>} : memref<8x128xi32, #tpu.memory_space<vmem>>, vector<1x16xi32>,
        %swap3A_394 = vector.shape_cast %swap3A_393 : vector<1x16xi32> to vector<16xi32>
        %swap3A_395 = vector.shape_cast %or3A_390 : vector<16xi32> to vector<1x16xi32>
        tpu.vector_store %arg14[%swap3A_391, %swap3A_392], %swap3A_395 {strides = array<i32>} : memref<8x128xi32, #tpu.memory_space<vmem>>, vector<1x16xi32>,
        %get3A_396 = arith.index_cast %scan3A_59 : i32 to index
        %get3A_397 = arith.constant 112 : index
        %get3A_398 = tpu.vector_load %arg14[%get3A_396, %get3A_397] {strides = array<i32>} : memref<8x128xi32, #tpu.memory_space<vmem>>, vector<1x16xi32>,
        %get3A_399 = vector.shape_cast %get3A_398 : vector<1x16xi32> to vector<16xi32>
        %get3A_400 = arith.index_cast %scan3A_59 : i32 to index
        %get3A_401 = arith.constant 112 : index
        %get3A_402 = tpu.vector_load %arg15[%get3A_400, %get3A_401] {strides = array<i32>} : memref<8x128xi32, #tpu.memory_space<vmem>>, vector<1x16xi32>,
        %get3A_403 = vector.shape_cast %get3A_402 : vector<1x16xi32> to vector<16xi32>
        %shift_left3A_404 = arith.constant 16 : i32
        %shift_left3A_405 = vector.broadcast %shift_left3A_404 : i32 to vector<16xi32>
        %shift_left3A_406 = arith.shli %get3A_399, %shift_left3A_405 : vector<16xi32>
        %bitcast_convert_type3A_407 = tpu.bitcast %shift_left3A_406 : vector<16xi32> -> vector<16xf32>
        %and3A_408 = arith.constant -65536 : i32
        %and3A_409 = vector.broadcast %and3A_408 : i32 to vector<16xi32>
        %and3A_410 = arith.andi %get3A_399, %and3A_409 : vector<16xi32>
        %bitcast_convert_type3A_411 = tpu.bitcast %and3A_410 : vector<16xi32> -> vector<16xf32>
        %shift_left3A_412 = arith.constant 16 : i32
        %shift_left3A_413 = vector.broadcast %shift_left3A_412 : i32 to vector<16xi32>
        %shift_left3A_414 = arith.shli %get3A_403, %shift_left3A_413 : vector<16xi32>
        %bitcast_convert_type3A_415 = tpu.bitcast %shift_left3A_414 : vector<16xi32> -> vector<16xf32>
        %and3A_416 = arith.constant -65536 : i32
        %and3A_417 = vector.broadcast %and3A_416 : i32 to vector<16xi32>
        %and3A_418 = arith.andi %get3A_403, %and3A_417 : vector<16xi32>
        %bitcast_convert_type3A_419 = tpu.bitcast %and3A_418 : vector<16xi32> -> vector<16xf32>
        %add3A_420 = arith.addf %bitcast_convert_type3A_407, %bitcast_convert_type3A_415 : vector<16xf32>
        %bitcast_convert_type3A_421 = tpu.bitcast %add3A_420 : vector<16xf32> -> vector<16xi32>
        %add3A_422 = arith.constant 32768 : i32
        %add3A_423 = vector.broadcast %add3A_422 : i32 to vector<16xi32>
        %add3A_424 = arith.addi %bitcast_convert_type3A_421, %add3A_423 : vector<16xi32>
        %add3A_425 = arith.addf %bitcast_convert_type3A_411, %bitcast_convert_type3A_419 : vector<16xf32>
        %bitcast_convert_type3A_426 = tpu.bitcast %add3A_425 : vector<16xf32> -> vector<16xi32>
        %add3A_427 = arith.constant 32768 : i32
        %add3A_428 = vector.broadcast %add3A_427 : i32 to vector<16xi32>
        %add3A_429 = arith.addi %bitcast_convert_type3A_426, %add3A_428 : vector<16xi32>
        %and3A_430 = arith.constant -65536 : i32
        %and3A_431 = vector.broadcast %and3A_430 : i32 to vector<16xi32>
        %and3A_432 = arith.andi %add3A_429, %and3A_431 : vector<16xi32>
        %shift_right_arithmetic3A_433 = arith.constant 16 : i32
        %shift_right_arithmetic3A_434 = vector.broadcast %shift_right_arithmetic3A_433 : i32 to vector<16xi32>
        %shift_right_arithmetic3A_435 = arith.shrsi %add3A_424, %shift_right_arithmetic3A_434 : vector<16xi32>
        %and3A_436 = arith.constant 65535 : i32
        %and3A_437 = vector.broadcast %and3A_436 : i32 to vector<16xi32>
        %and3A_438 = arith.andi %shift_right_arithmetic3A_435, %and3A_437 : vector<16xi32>
        %or3A_439 = arith.ori %and3A_432, %and3A_438 : vector<16xi32>
        %swap3A_440 = arith.index_cast %scan3A_59 : i32 to index
        %swap3A_441 = arith.constant 112 : index
        %swap3A_442 = tpu.vector_load %arg14[%swap3A_440, %swap3A_441] {strides = array<i32>} : memref<8x128xi32, #tpu.memory_space<vmem>>, vector<1x16xi32>,
        %swap3A_443 = vector.shape_cast %swap3A_442 : vector<1x16xi32> to vector<16xi32>
        %swap3A_444 = vector.shape_cast %or3A_439 : vector<16xi32> to vector<1x16xi32>
        tpu.vector_store %arg14[%swap3A_440, %swap3A_441], %swap3A_444 {strides = array<i32>} : memref<8x128xi32, #tpu.memory_space<vmem>>, vector<1x16xi32>,
      }
      %scan3A_58 = arith.constant 8 : i32
      "tpu.region"() ({
        %run_scoped3A = tpu.sem_alloc : memref<!tpu.dma_semaphore, #tpu.memory_space<semaphore_mem>>
        %dma_start3A_59 = arith.constant 0 : i32
        %dma_start3A_60 = tpu.memref_slice %arg5[%add3A_40, %dma_start3A_59] : memref<102400x128xi32, #tpu.memory_space<hbm>> -> memref<8x128xi32, #tpu.memory_space<hbm>>
        %dma_start3A_61 = arith.constant 0 : i32
        %dma_start3A_62 = tpu.memref_slice %arg5[%add3A_40, %dma_start3A_61] : memref<102400x128xi32, #tpu.memory_space<hbm>> -> memref<8x128xi32, #tpu.memory_space<hbm>>
        tpu.enqueue_dma source(%arg14 : memref<8x128xi32, #tpu.memory_space<vmem>>) target(%dma_start3A_62 : memref<8x128xi32, #tpu.memory_space<hbm>>) target_semaphore(%run_scoped3A : memref<!tpu.dma_semaphore, #tpu.memory_space<semaphore_mem>>)
        %dma_wait3A_63 = arith.constant 0 : i32
        %dma_wait3A_64 = tpu.memref_slice %arg5[%add3A_40, %dma_wait3A_63] : memref<102400x128xi32, #tpu.memory_space<hbm>> -> memref<8x128xi32, #tpu.memory_space<hbm>>
        %dma_wait3A_65 = arith.constant 0 : i32
        %dma_wait3A_66 = tpu.memref_slice %arg5[%add3A_40, %dma_wait3A_65] : memref<102400x128xi32, #tpu.memory_space<hbm>> -> memref<8x128xi32, #tpu.memory_space<hbm>>
        tpu.wait_dma2 semaphore(%run_scoped3A : memref<!tpu.dma_semaphore, #tpu.memory_space<semaphore_mem>>) src(%arg14 : memref<8x128xi32, #tpu.memory_space<vmem>>) dst(%dma_wait3A_66 : memref<8x128xi32, #tpu.memory_space<hbm>>)
        tpu.yield
      }) : () -> ()
    } else {
    }
    %dma_wait3A = arith.constant 0 : i32
    %dma_wait3A_26 = arith.constant 0 : i32
    %dma_wait3A_27 = tpu.memref_slice %arg5[%dma_wait3A, %dma_wait3A_26] : memref<102400x128xi32, #tpu.memory_space<hbm>> -> memref<128x128xi32, #tpu.memory_space<hbm>>
    %dma_wait3A_28 = arith.constant 0 : i32
    %dma_wait3A_29 = arith.constant 0 : i32
    %dma_wait3A_30 = tpu.memref_slice %arg5[%dma_wait3A_28, %dma_wait3A_29] : memref<102400x128xi32, #tpu.memory_space<hbm>> -> memref<128x128xi32, #tpu.memory_space<hbm>>
    tpu.wait_dma2 semaphore(%arg20 : memref<!tpu.dma_semaphore, #tpu.memory_space<semaphore_mem>>) src(%arg10 : memref<128x128xi32, #tpu.memory_space<vmem>>) dst(%dma_wait3A_30 : memref<128x128xi32, #tpu.memory_space<hbm>>)
    %dma_wait3A_31 = arith.constant 0 : i32
    %dma_wait3A_32 = arith.constant 0 : i32
    %dma_wait3A_33 = tpu.memref_slice %arg5[%dma_wait3A_31, %dma_wait3A_32] : memref<102400x128xi32, #tpu.memory_space<hbm>> -> memref<128x128xi32, #tpu.memory_space<hbm>>
    %dma_wait3A_34 = arith.constant 0 : i32
    %dma_wait3A_35 = arith.constant 0 : i32
    %dma_wait3A_36 = tpu.memref_slice %arg5[%dma_wait3A_34, %dma_wait3A_35] : memref<102400x128xi32, #tpu.memory_space<hbm>> -> memref<128x128xi32, #tpu.memory_space<hbm>>
    tpu.wait_dma2 semaphore(%arg21 : memref<!tpu.dma_semaphore, #tpu.memory_space<semaphore_mem>>) src(%arg11 : memref<128x128xi32, #tpu.memory_space<vmem>>) dst(%dma_wait3A_36 : memref<128x128xi32, #tpu.memory_space<hbm>>)
    return
  }
}

module attributes {stable_mosaic.version = 14 : i64} {
  func.func @body(%arg0: i32, %arg1: memref<1000x256xf32, #tpu.memory_space<vmem>>, %arg2: memref<256x256xf32, #tpu.memory_space<vmem>>, %arg3: memref<1x256xf32, #tpu.memory_space<vmem>>, %arg4: memref<256x256xf32, #tpu.memory_space<vmem>>, %arg5: memref<1x256xf32, #tpu.memory_space<vmem>>, %arg6: memref<1000x128xi32, #tpu.memory_space<vmem>>) attributes {dimension_semantics = [#tpu.dimension_semantics<arbitrary>], iteration_bounds = array<i64: 10>, scalar_prefetch = 0 : i64, scratch_operands = 0 : i64, tpu.core_type = #tpu.core_type<tc>, window_params = [{transform_indices = @transform_0, window_bounds = array<i64: 1000, 256>}, {pipeline_mode = #tpu.pipeline_mode<synchronous>, transform_indices = @transform_1, window_bounds = array<i64: 256, 256>}, {pipeline_mode = #tpu.pipeline_mode<synchronous>, transform_indices = @transform_2, window_bounds = array<i64: 1, 256>}, {pipeline_mode = #tpu.pipeline_mode<synchronous>, transform_indices = @transform_3, window_bounds = array<i64: 256, 256>}, {pipeline_mode = #tpu.pipeline_mode<synchronous>, transform_indices = @transform_4, window_bounds = array<i64: 1, 256>}, {transform_indices = @transform_5, window_bounds = array<i64: 1000, 128>}]} {
    %get3A = arith.constant 0 : index
    %get3A_0 = arith.constant 0 : index
    %get3A_1 = vector.load %arg1[%get3A, %get3A_0] : memref<1000x256xf32, #tpu.memory_space<vmem>>, vector<1000x256xf32>
    %max3A = arith.constant 0.000000e+00 : f32
    %max3A_2 = vector.broadcast %max3A : f32 to vector<1000x256xf32>
    %max3A_3 = arith.maximumf %get3A_1, %max3A_2 : vector<1000x256xf32>
    %get3A_4 = arith.constant 0 : index
    %get3A_5 = arith.constant 0 : index
    %get3A_6 = vector.load %arg2[%get3A_4, %get3A_5] : memref<256x256xf32, #tpu.memory_space<vmem>>, vector<256x256xf32>
    %dot_general3A = arith.constant dense<0.000000e+00> : vector<1000x256xf32>
    %dot_general3A_7 = tpu.matmul %max3A_3, %get3A_6, %dot_general3A {dimension_numbers = #tpu.dot_dimension_numbers<[1], [0], [0], [1], [0, 0, 1, 1], [], []>, transpose_lhs_hint = false} : vector<1000x256xf32>, vector<256x256xf32>, vector<1000x256xf32> -> vector<1000x256xf32>
    %get3A_8 = arith.constant 0 : index
    %get3A_9 = arith.constant 0 : index
    %get3A_10 = vector.load %arg3[%get3A_8, %get3A_9] : memref<1x256xf32, #tpu.memory_space<vmem>>, vector<1x256xf32>
    %add3A = vector.broadcast %get3A_10 : vector<1x256xf32> to vector<1000x256xf32>
    %add3A_11 = arith.addf %dot_general3A_7, %add3A : vector<1000x256xf32>
    %mul3A = arith.constant 5.000000e-01 : f32
    %mul3A_12 = vector.broadcast %mul3A : f32 to vector<1000x256xf32>
    %mul3A_13 = arith.mulf %mul3A_12, %add3A_11 : vector<1000x256xf32>
    %max3A_14 = arith.constant 0.000000e+00 : f32
    %max3A_15 = vector.broadcast %max3A_14 : f32 to vector<1000x256xf32>
    %max3A_16 = arith.maximumf %mul3A_13, %max3A_15 : vector<1000x256xf32>
    %get3A_17 = arith.constant 0 : index
    %get3A_18 = arith.constant 0 : index
    %get3A_19 = vector.load %arg4[%get3A_17, %get3A_18] : memref<256x256xf32, #tpu.memory_space<vmem>>, vector<256x256xf32>
    %get3A_20 = arith.constant 0 : index
    %get3A_21 = arith.constant 0 : index
    %get3A_22 = vector.load %arg5[%get3A_20, %get3A_21] : memref<1x256xf32, #tpu.memory_space<vmem>>, vector<1x256xf32>
    %slice3A = vector.extract_strided_slice %get3A_19 {offsets = [0, 0], sizes = [256, 128], strides = [1, 1]} : vector<256x256xf32> to vector<256x128xf32>
    %dot_general3A_23 = arith.constant dense<0.000000e+00> : vector<1000x128xf32>
    %dot_general3A_24 = tpu.matmul %max3A_16, %slice3A, %dot_general3A_23 {dimension_numbers = #tpu.dot_dimension_numbers<[1], [0], [0], [1], [0, 0, 1, 1], [], []>, transpose_lhs_hint = false} : vector<1000x256xf32>, vector<256x128xf32>, vector<1000x128xf32> -> vector<1000x128xf32>
    %slice3A_25 = vector.extract_strided_slice %get3A_22 {offsets = [0, 0], sizes = [1, 128], strides = [1, 1]} : vector<1x256xf32> to vector<1x128xf32>
    %mul3A_26 = arith.constant 5.000000e-01 : f32
    %mul3A_27 = vector.broadcast %mul3A_26 : f32 to vector<1x128xf32>
    %mul3A_28 = arith.mulf %mul3A_27, %slice3A_25 : vector<1x128xf32>
    %add3A_29 = vector.broadcast %mul3A_28 : vector<1x128xf32> to vector<1000x128xf32>
    %add3A_30 = arith.addf %dot_general3A_24, %add3A_29 : vector<1000x128xf32>
    %slice3A_31 = vector.extract_strided_slice %get3A_19 {offsets = [0, 128], sizes = [256, 128], strides = [1, 1]} : vector<256x256xf32> to vector<256x128xf32>
    %dot_general3A_32 = arith.constant dense<0.000000e+00> : vector<1000x128xf32>
    %dot_general3A_33 = tpu.matmul %max3A_16, %slice3A_31, %dot_general3A_32 {dimension_numbers = #tpu.dot_dimension_numbers<[1], [0], [0], [1], [0, 0, 1, 1], [], []>, transpose_lhs_hint = false} : vector<1000x256xf32>, vector<256x128xf32>, vector<1000x128xf32> -> vector<1000x128xf32>
    %slice3A_34 = vector.extract_strided_slice %get3A_22 {offsets = [0, 128], sizes = [1, 128], strides = [1, 1]} : vector<1x256xf32> to vector<1x128xf32>
    %mul3A_35 = arith.constant 5.000000e-01 : f32
    %mul3A_36 = vector.broadcast %mul3A_35 : f32 to vector<1x128xf32>
    %mul3A_37 = arith.mulf %mul3A_36, %slice3A_34 : vector<1x128xf32>
    %add3A_38 = vector.broadcast %mul3A_37 : vector<1x128xf32> to vector<1000x128xf32>
    %add3A_39 = arith.addf %dot_general3A_33, %add3A_38 : vector<1000x128xf32>
    %bitcast_convert_type3A = tpu.bitcast %add3A_39 : vector<1000x128xf32> -> vector<1000x128xi32>
    %add3A_40 = arith.constant 32768 : i32
    %add3A_41 = vector.broadcast %add3A_40 : i32 to vector<1000x128xi32>
    %add3A_42 = arith.addi %bitcast_convert_type3A, %add3A_41 : vector<1000x128xi32>
    %and3A = arith.constant -65536 : i32
    %and3A_43 = vector.broadcast %and3A : i32 to vector<1000x128xi32>
    %and3A_44 = arith.andi %add3A_42, %and3A_43 : vector<1000x128xi32>
    %bitcast_convert_type3A_45 = tpu.bitcast %add3A_30 : vector<1000x128xf32> -> vector<1000x128xi32>
    %add3A_46 = arith.constant 32768 : i32
    %add3A_47 = vector.broadcast %add3A_46 : i32 to vector<1000x128xi32>
    %add3A_48 = arith.addi %bitcast_convert_type3A_45, %add3A_47 : vector<1000x128xi32>
    %shift_right_arithmetic3A = arith.constant 16 : i32
    %shift_right_arithmetic3A_49 = vector.broadcast %shift_right_arithmetic3A : i32 to vector<1000x128xi32>
    %shift_right_arithmetic3A_50 = arith.shrsi %add3A_48, %shift_right_arithmetic3A_49 : vector<1000x128xi32>
    %and3A_51 = arith.constant 65535 : i32
    %and3A_52 = vector.broadcast %and3A_51 : i32 to vector<1000x128xi32>
    %and3A_53 = arith.andi %shift_right_arithmetic3A_50, %and3A_52 : vector<1000x128xi32>
    %or3A = arith.ori %and3A_44, %and3A_53 : vector<1000x128xi32>
    %swap3A = arith.constant 0 : index
    %swap3A_54 = arith.constant 0 : index
    %swap3A_55 = vector.load %arg6[%swap3A, %swap3A_54] : memref<1000x128xi32, #tpu.memory_space<vmem>>, vector<1000x128xi32>
    tpu.vector_store %arg6[%swap3A, %swap3A_54], %or3A {strides = array<i32>} : memref<1000x128xi32, #tpu.memory_space<vmem>>, vector<1000x128xi32>,
    return
  }
  func.func @transform_0(%arg0: i32) -> (i32, i32) {
    %c0_i32 = arith.constant 0 : i32
    %c0_i32_0 = arith.constant 0 : i32
    return %arg0, %c0_i32 : i32, i32
  }
  func.func @transform_1(%arg0: i32) -> (i32, i32) {
    %c0_i32 = arith.constant 0 : i32
    %c0_i32_0 = arith.constant 0 : i32
    %c0_i32_1 = arith.constant 0 : i32
    return %c0_i32, %c0_i32_0 : i32, i32
  }
  func.func @transform_2(%arg0: i32) -> (i32, i32) {
    %c0_i32 = arith.constant 0 : i32
    %c0_i32_0 = arith.constant 0 : i32
    %c0_i32_1 = arith.constant 0 : i32
    return %c0_i32, %c0_i32_0 : i32, i32
  }
  func.func @transform_3(%arg0: i32) -> (i32, i32) {
    %c0_i32 = arith.constant 0 : i32
    %c0_i32_0 = arith.constant 0 : i32
    %c0_i32_1 = arith.constant 0 : i32
    return %c0_i32, %c0_i32_0 : i32, i32
  }
  func.func @transform_4(%arg0: i32) -> (i32, i32) {
    %c0_i32 = arith.constant 0 : i32
    %c0_i32_0 = arith.constant 0 : i32
    %c0_i32_1 = arith.constant 0 : i32
    return %c0_i32, %c0_i32_0 : i32, i32
  }
  func.func @transform_5(%arg0: i32) -> (i32, i32) {
    %c0_i32 = arith.constant 0 : i32
    %c0_i32_0 = arith.constant 0 : i32
    return %arg0, %c0_i32 : i32, i32
  }
}

module attributes {stable_mosaic.version = 14 : i64} {
  func.func @body(%arg0: memref<10000x256xf32, #tpu.memory_space<vmem>>, %arg1: memref<256x256xf32, #tpu.memory_space<vmem>>, %arg2: memref<1x256xf32, #tpu.memory_space<vmem>>, %arg3: memref<2x160000xi32, #tpu.memory_space<vmem>>, %arg4: memref<10000x256xf32, #tpu.memory_space<vmem>>, %arg5: memref<160000xi32, #tpu.memory_space<vmem>>, %arg6: memref<160000xi32, #tpu.memory_space<vmem>>) attributes {dimension_semantics = [], scalar_prefetch = 0 : i64, scratch_operands = 0 : i64, tpu.core_type = #tpu.core_type<tc>} {
    %get3A = arith.constant 0 : index
    %get3A_0 = arith.constant 0 : index
    %get3A_1 = vector.load %arg0[%get3A, %get3A_0] : memref<10000x256xf32, #tpu.memory_space<vmem>>, vector<10000x256xf32>
    %get3A_2 = arith.constant 0 : index
    %get3A_3 = arith.constant 0 : index
    %get3A_4 = vector.load %arg1[%get3A_2, %get3A_3] : memref<256x256xf32, #tpu.memory_space<vmem>>, vector<256x256xf32>
    %dot_general3A = arith.constant dense<0.000000e+00> : vector<10000x256xf32>
    %dot_general3A_5 = tpu.matmul %get3A_1, %get3A_4, %dot_general3A {dimension_numbers = #tpu.dot_dimension_numbers<[1], [0], [0], [1], [0, 0, 1, 1], [], []>, transpose_lhs_hint = false} : vector<10000x256xf32>, vector<256x256xf32>, vector<10000x256xf32> -> vector<10000x256xf32>
    %get3A_6 = arith.constant 0 : index
    %get3A_7 = arith.constant 0 : index
    %get3A_8 = vector.load %arg2[%get3A_6, %get3A_7] : memref<1x256xf32, #tpu.memory_space<vmem>>, vector<1x256xf32>
    %mul3A = arith.constant 5.000000e-01 : f32
    %mul3A_9 = vector.broadcast %mul3A : f32 to vector<1x256xf32>
    %mul3A_10 = arith.mulf %mul3A_9, %get3A_8 : vector<1x256xf32>
    %add3A = vector.broadcast %mul3A_10 : vector<1x256xf32> to vector<10000x256xf32>
    %add3A_11 = arith.addf %dot_general3A_5, %add3A : vector<10000x256xf32>
    %swap3A = arith.constant 0 : index
    %swap3A_12 = arith.constant 0 : index
    %swap3A_13 = vector.load %arg4[%swap3A, %swap3A_12] : memref<10000x256xf32, #tpu.memory_space<vmem>>, vector<10000x256xf32>
    tpu.vector_store %arg4[%swap3A, %swap3A_12], %add3A_11 {strides = array<i32>} : memref<10000x256xf32, #tpu.memory_space<vmem>>, vector<10000x256xf32>,
    %get3A_14 = arith.constant 0 : index
    %get3A_15 = arith.constant 0 : index
    %get3A_16 = vector.load %arg3[%get3A_14, %get3A_15] : memref<2x160000xi32, #tpu.memory_space<vmem>>, vector<1x160000xi32>
    %get3A_17 = vector.shape_cast %get3A_16 : vector<1x160000xi32> to vector<160000xi32>
    %swap3A_18 = arith.constant 0 : index
    %swap3A_19 = vector.load %arg5[%swap3A_18] : memref<160000xi32, #tpu.memory_space<vmem>>, vector<160000xi32>
    tpu.vector_store %arg5[%swap3A_18], %get3A_17 {strides = array<i32>} : memref<160000xi32, #tpu.memory_space<vmem>>, vector<160000xi32>,
    %get3A_20 = arith.constant 1 : index
    %get3A_21 = arith.constant 0 : index
    %get3A_22 = vector.load %arg3[%get3A_20, %get3A_21] : memref<2x160000xi32, #tpu.memory_space<vmem>>, vector<1x160000xi32>
    %get3A_23 = vector.shape_cast %get3A_22 : vector<1x160000xi32> to vector<160000xi32>
    %swap3A_24 = arith.constant 0 : index
    %swap3A_25 = vector.load %arg6[%swap3A_24] : memref<160000xi32, #tpu.memory_space<vmem>>, vector<160000xi32>
    tpu.vector_store %arg6[%swap3A_24], %get3A_23 {strides = array<i32>} : memref<160000xi32, #tpu.memory_space<vmem>>, vector<160000xi32>,
    return
  }
}

module attributes {stable_mosaic.version = 14 : i64} {
  func.func @body(%arg0: i32, %arg1: memref<6400x128xi32, #tpu.memory_space<vmem>>, %arg2: memref<256x40xf32, #tpu.memory_space<vmem>>, %arg3: memref<40x1xf32, #tpu.memory_space<vmem>>, %arg4: memref<40x160000xf32, #tpu.memory_space<any>>, %arg5: memref<40x6400xf32, #tpu.memory_space<vmem>>) attributes {dimension_semantics = [#tpu.dimension_semantics<arbitrary>], iteration_bounds = array<i64: 9>, scalar_prefetch = 0 : i64, scratch_operands = 0 : i64, tpu.core_type = #tpu.core_type<tc>, window_params = [{transform_indices = @transform_0, window_bounds = array<i64: 6400, 128>}, {pipeline_mode = #tpu.pipeline_mode<synchronous>, transform_indices = @transform_1, window_bounds = array<i64: 256, 40>}, {pipeline_mode = #tpu.pipeline_mode<synchronous>, transform_indices = @transform_2, window_bounds = array<i64: 40, 1>}, {}, {transform_indices = @transform_4, window_bounds = array<i64: 40, 6400>}]} {
    %get3A = arith.constant 0 : index
    %get3A_0 = arith.constant 0 : index
    %get3A_1 = vector.load %arg1[%get3A, %get3A_0] : memref<6400x128xi32, #tpu.memory_space<vmem>>, vector<6400x128xi32>
    %shift_left3A = arith.constant 16 : i32
    %shift_left3A_2 = vector.broadcast %shift_left3A : i32 to vector<6400x128xi32>
    %shift_left3A_3 = arith.shli %get3A_1, %shift_left3A_2 : vector<6400x128xi32>
    %bitcast_convert_type3A = tpu.bitcast %shift_left3A_3 : vector<6400x128xi32> -> vector<6400x128xf32>
    %and3A = arith.constant -65536 : i32
    %and3A_4 = vector.broadcast %and3A : i32 to vector<6400x128xi32>
    %and3A_5 = arith.andi %get3A_1, %and3A_4 : vector<6400x128xi32>
    %bitcast_convert_type3A_6 = tpu.bitcast %and3A_5 : vector<6400x128xi32> -> vector<6400x128xf32>
    %get3A_7 = arith.constant 0 : index
    %get3A_8 = arith.constant 0 : index
    %get3A_9 = vector.load %arg2[%get3A_7, %get3A_8] : memref<256x40xf32, #tpu.memory_space<vmem>>, vector<256x40xf32>
    %slice3A = vector.extract_strided_slice %get3A_9 {offsets = [0, 0], sizes = [128, 40], strides = [1, 1]} : vector<256x40xf32> to vector<128x40xf32>
    %max3A = arith.constant 0.000000e+00 : f32
    %max3A_10 = vector.broadcast %max3A : f32 to vector<6400x128xf32>
    %max3A_11 = arith.maximumf %bitcast_convert_type3A, %max3A_10 : vector<6400x128xf32>
    %dot_general3A = arith.constant dense<0.000000e+00> : vector<40x6400xf32>
    %dot_general3A_12 = tpu.matmul %slice3A, %max3A_11, %dot_general3A {dimension_numbers = #tpu.dot_dimension_numbers<[0], [1], [1], [0], [0, 1, 1, 0], [], []>, transpose_lhs_hint = false} : vector<128x40xf32>, vector<6400x128xf32>, vector<40x6400xf32> -> vector<40x6400xf32>
    %slice3A_13 = vector.extract_strided_slice %get3A_9 {offsets = [128, 0], sizes = [128, 40], strides = [1, 1]} : vector<256x40xf32> to vector<128x40xf32>
    %max3A_14 = arith.constant 0.000000e+00 : f32
    %max3A_15 = vector.broadcast %max3A_14 : f32 to vector<6400x128xf32>
    %max3A_16 = arith.maximumf %bitcast_convert_type3A_6, %max3A_15 : vector<6400x128xf32>
    %dot_general3A_17 = arith.constant dense<0.000000e+00> : vector<40x6400xf32>
    %dot_general3A_18 = tpu.matmul %slice3A_13, %max3A_16, %dot_general3A_17 {dimension_numbers = #tpu.dot_dimension_numbers<[0], [1], [1], [0], [0, 1, 1, 0], [], []>, transpose_lhs_hint = false} : vector<128x40xf32>, vector<6400x128xf32>, vector<40x6400xf32> -> vector<40x6400xf32>
    %add3A = arith.addf %dot_general3A_12, %dot_general3A_18 : vector<40x6400xf32>
    %get3A_19 = arith.constant 0 : index
    %get3A_20 = arith.constant 0 : index
    %get3A_21 = vector.load %arg3[%get3A_19, %get3A_20] : memref<40x1xf32, #tpu.memory_space<vmem>>, vector<40x1xf32>
    %add3A_22 = vector.broadcast %get3A_21 : vector<40x1xf32> to vector<40x6400xf32>
    %add3A_23 = arith.addf %add3A, %add3A_22 : vector<40x6400xf32>
    %mul3A = arith.constant 5.000000e-01 : f32
    %mul3A_24 = vector.broadcast %mul3A : f32 to vector<40x6400xf32>
    %mul3A_25 = arith.mulf %mul3A_24, %add3A_23 : vector<40x6400xf32>
    %swap3A = arith.constant 0 : index
    %swap3A_26 = arith.constant 0 : index
    %swap3A_27 = vector.load %arg5[%swap3A, %swap3A_26] : memref<40x6400xf32, #tpu.memory_space<vmem>>, vector<40x6400xf32>
    tpu.vector_store %arg5[%swap3A, %swap3A_26], %mul3A_25 {strides = array<i32>} : memref<40x6400xf32, #tpu.memory_space<vmem>>, vector<40x6400xf32>,
    return
  }
  func.func @transform_0(%arg0: i32) -> (i32, i32) {
    %c0_i32 = arith.constant 0 : i32
    %c0_i32_0 = arith.constant 0 : i32
    return %arg0, %c0_i32 : i32, i32
  }
  func.func @transform_1(%arg0: i32) -> (i32, i32) {
    %c0_i32 = arith.constant 0 : i32
    %c0_i32_0 = arith.constant 0 : i32
    %c0_i32_1 = arith.constant 0 : i32
    return %c0_i32, %c0_i32_0 : i32, i32
  }
  func.func @transform_2(%arg0: i32) -> (i32, i32) {
    %c0_i32 = arith.constant 0 : i32
    %c0_i32_0 = arith.constant 0 : i32
    %c0_i32_1 = arith.constant 0 : i32
    return %c0_i32, %c0_i32_0 : i32, i32
  }
  func.func @transform_4(%arg0: i32) -> (i32, i32) {
    %add3A = arith.constant 16 : i32
    %add3A_0 = arith.addi %arg0, %add3A : i32
    %c0_i32 = arith.constant 0 : i32
    %c0_i32_1 = arith.constant 0 : i32
    return %c0_i32, %add3A_0 : i32, i32
  }
}

module attributes {stable_mosaic.version = 14 : i64} {
  func.func @body(%arg0: i32, %arg1: memref<6400x128xi32, #tpu.memory_space<vmem>>, %arg2: memref<256x40xf32, #tpu.memory_space<vmem>>, %arg3: memref<40x1xf32, #tpu.memory_space<vmem>>, %arg4: memref<40x6400xf32, #tpu.memory_space<vmem>>) attributes {dimension_semantics = [#tpu.dimension_semantics<arbitrary>], iteration_bounds = array<i64: 16>, scalar_prefetch = 0 : i64, scratch_operands = 0 : i64, tpu.core_type = #tpu.core_type<tc>, window_params = [{transform_indices = @transform_0, window_bounds = array<i64: 6400, 128>}, {pipeline_mode = #tpu.pipeline_mode<synchronous>, transform_indices = @transform_1, window_bounds = array<i64: 256, 40>}, {pipeline_mode = #tpu.pipeline_mode<synchronous>, transform_indices = @transform_2, window_bounds = array<i64: 40, 1>}, {transform_indices = @transform_3, window_bounds = array<i64: 40, 6400>}]} {
    %get3A = arith.constant 0 : index
    %get3A_0 = arith.constant 0 : index
    %get3A_1 = vector.load %arg1[%get3A, %get3A_0] : memref<6400x128xi32, #tpu.memory_space<vmem>>, vector<6400x128xi32>
    %shift_left3A = arith.constant 16 : i32
    %shift_left3A_2 = vector.broadcast %shift_left3A : i32 to vector<6400x128xi32>
    %shift_left3A_3 = arith.shli %get3A_1, %shift_left3A_2 : vector<6400x128xi32>
    %bitcast_convert_type3A = tpu.bitcast %shift_left3A_3 : vector<6400x128xi32> -> vector<6400x128xf32>
    %and3A = arith.constant -65536 : i32
    %and3A_4 = vector.broadcast %and3A : i32 to vector<6400x128xi32>
    %and3A_5 = arith.andi %get3A_1, %and3A_4 : vector<6400x128xi32>
    %bitcast_convert_type3A_6 = tpu.bitcast %and3A_5 : vector<6400x128xi32> -> vector<6400x128xf32>
    %get3A_7 = arith.constant 0 : index
    %get3A_8 = arith.constant 0 : index
    %get3A_9 = vector.load %arg2[%get3A_7, %get3A_8] : memref<256x40xf32, #tpu.memory_space<vmem>>, vector<256x40xf32>
    %slice3A = vector.extract_strided_slice %get3A_9 {offsets = [0, 0], sizes = [128, 40], strides = [1, 1]} : vector<256x40xf32> to vector<128x40xf32>
    %max3A = arith.constant 0.000000e+00 : f32
    %max3A_10 = vector.broadcast %max3A : f32 to vector<6400x128xf32>
    %max3A_11 = arith.maximumf %bitcast_convert_type3A, %max3A_10 : vector<6400x128xf32>
    %dot_general3A = arith.constant dense<0.000000e+00> : vector<40x6400xf32>
    %dot_general3A_12 = tpu.matmul %slice3A, %max3A_11, %dot_general3A {dimension_numbers = #tpu.dot_dimension_numbers<[0], [1], [1], [0], [0, 1, 1, 0], [], []>, transpose_lhs_hint = false} : vector<128x40xf32>, vector<6400x128xf32>, vector<40x6400xf32> -> vector<40x6400xf32>
    %slice3A_13 = vector.extract_strided_slice %get3A_9 {offsets = [128, 0], sizes = [128, 40], strides = [1, 1]} : vector<256x40xf32> to vector<128x40xf32>
    %max3A_14 = arith.constant 0.000000e+00 : f32
    %max3A_15 = vector.broadcast %max3A_14 : f32 to vector<6400x128xf32>
    %max3A_16 = arith.maximumf %bitcast_convert_type3A_6, %max3A_15 : vector<6400x128xf32>
    %dot_general3A_17 = arith.constant dense<0.000000e+00> : vector<40x6400xf32>
    %dot_general3A_18 = tpu.matmul %slice3A_13, %max3A_16, %dot_general3A_17 {dimension_numbers = #tpu.dot_dimension_numbers<[0], [1], [1], [0], [0, 1, 1, 0], [], []>, transpose_lhs_hint = false} : vector<128x40xf32>, vector<6400x128xf32>, vector<40x6400xf32> -> vector<40x6400xf32>
    %add3A = arith.addf %dot_general3A_12, %dot_general3A_18 : vector<40x6400xf32>
    %get3A_19 = arith.constant 0 : index
    %get3A_20 = arith.constant 0 : index
    %get3A_21 = vector.load %arg3[%get3A_19, %get3A_20] : memref<40x1xf32, #tpu.memory_space<vmem>>, vector<40x1xf32>
    %add3A_22 = vector.broadcast %get3A_21 : vector<40x1xf32> to vector<40x6400xf32>
    %add3A_23 = arith.addf %add3A, %add3A_22 : vector<40x6400xf32>
    %mul3A = arith.constant 5.000000e-01 : f32
    %mul3A_24 = vector.broadcast %mul3A : f32 to vector<40x6400xf32>
    %mul3A_25 = arith.mulf %mul3A_24, %add3A_23 : vector<40x6400xf32>
    %swap3A = arith.constant 0 : index
    %swap3A_26 = arith.constant 0 : index
    %swap3A_27 = vector.load %arg4[%swap3A, %swap3A_26] : memref<40x6400xf32, #tpu.memory_space<vmem>>, vector<40x6400xf32>
    tpu.vector_store %arg4[%swap3A, %swap3A_26], %mul3A_25 {strides = array<i32>} : memref<40x6400xf32, #tpu.memory_space<vmem>>, vector<40x6400xf32>,
    return
  }
  func.func @transform_0(%arg0: i32) -> (i32, i32) {
    %c0_i32 = arith.constant 0 : i32
    %c0_i32_0 = arith.constant 0 : i32
    return %arg0, %c0_i32 : i32, i32
  }
  func.func @transform_1(%arg0: i32) -> (i32, i32) {
    %c0_i32 = arith.constant 0 : i32
    %c0_i32_0 = arith.constant 0 : i32
    %c0_i32_1 = arith.constant 0 : i32
    return %c0_i32, %c0_i32_0 : i32, i32
  }
  func.func @transform_2(%arg0: i32) -> (i32, i32) {
    %c0_i32 = arith.constant 0 : i32
    %c0_i32_0 = arith.constant 0 : i32
    %c0_i32_1 = arith.constant 0 : i32
    return %c0_i32, %c0_i32_0 : i32, i32
  }
  func.func @transform_3(%arg0: i32) -> (i32, i32) {
    %add3A = arith.constant 0 : i32
    %add3A_0 = arith.addi %arg0, %add3A : i32
    %c0_i32 = arith.constant 0 : i32
    %c0_i32_1 = arith.constant 0 : i32
    return %c0_i32, %add3A_0 : i32, i32
  }
}

</mosaic_0001>

<sc_bundles>
// kernel: kernel.12.cloned.1.call-start
scs
__scs_entry_jumppad:
0x0: {  	(pc) =	sbr.rel $0x88, $3  }
0x1: {  	(tag) =	ssettag $0x0;
	lr =	simm.s32 $0x1  }
0x2: {  	[smem:$0x3F97] =	sst lr;
	_ =	strace $0xD0000000  }
0x3: {  	_ = 	snop  }
0x4: {  	_ = 	snop  }
0x5: {  	_ = 	snop  }
0x6: {  	_ = 	snop  }
0x7: {  	_ = 	snop  }
__scs_overlays_trampoline_lowered:
0x8: {  	[smem:$0x3FA6] =	sst s0  }
0x9: {  	[smem:$0x3FA7] =	sst s1  }
0xa: {  	[smem:$0x3FA8] =	sst s2  }
0xb: {  	[smem:$0x3FA9] =	sst s3  }
0xc: {  	[smem:$0x3FAA] =	sst s4  }
0xd: {  	[smem:$0x3FAB] =	sst s5  }
0xe: {  	[smem:$0x3FAC] =	sst s6  }
0xf: {  	[smem:$0x3FAD] =	sst s7  }
0x10: {  	[smem:$0x3FAE] =	sst s8  }
0x11: {  	[smem:$0x3FAF] =	sst s9;
	s0 =	simm.s32 @!p0 $0x0  }
0x12: {  	s1 =	sld [smem:$0x3F95];
	s0 =	simm.s32 @p0 $0x1  }
0x13: {  	[smem:$0x3FB0] =	sst s0;
	s0 =	simm.s32 @!p1 $0x0  }
0x14: {  	s2 =	sld [smem:$0x3F94];
	s0 =	simm.s32 @p1 $0x1  }
0x15: {  	[smem:$0x3FB1] =	sst s0;
	s0 =	simm.s32 @!p2 $0x0  }
0x16: {  	s3 =	sld [smem:$0x3FDB];
	s0 =	simm.s32 @p2 $0x1  }
0x17: {  	s4 =	simm.s32 $0x1BF5;
	[smem:$0x3FB3] =	sst s0  }
0x18: {  	s0 =	sld [smem:$0x3F96];
	_ =	swait.ge [sflag:s4], $0x0  }
0x19: {  	s7 =	sld [smem:$0x3F97]  }
0x1a: {  	s8 =	sadd.s32 $0xFFFFE003, lr  }
0x1b: {  	s9 =	sadd.s32 $0xFFFFFEF7, lr;
	s5 =	simm.s32 $0xFFFFFFFF;
	p2 =	slt.u32 s8, $0xFFFFF086  }
0x1c: {  	p1 =	slt.u32 s9, $0xF7A;
	s5 =	simm.s32 @!p2 $0x0  }
0x1d: {  	s5 =	simm.s32 @p1 $0x1;
	p0 =	seq.s32 s7, s2  }
0x1e: {  	s7 =	smul.u32 @!p0 $0xF7A, s2;
	p2 =	seq.s32 @!p0 s5, $0x0  }
0x1f: {  	s9 =	smul.u32 $0xF7A, s1;
	s8 =	simm.s32 @!p0 $0x1BF5;
	p2 =	por !p2, p0  }
0x20: {  	[sflag:s8] =	ssyncset.s32 @!p0 $0xFFFFF086;
	s6 =	sadd.s32 @!p0 s3, s7;
	s7 =	simm.s32 @!p0 $0x108  }
0x21: {  	s3 =	sadd.s32 s3, s9;
	s6 =	sadd.s32 @!p0 $0x88, s6;
	s7 =	simm.s32 @p2 $0x1082  }
0x22: {  	[simem:s7], [sflag:s8] =	dma.local @!p0 [hbm:s6], $0xF7A  }
0x23: {  	s9 =	sor.u32 $0xD0000000, s2;
	s6 =	simm.s32 $0x108;
	_ =	swait.ge @!p0 [sflag:s8], $0x0  }
0x24: {  	s3 =	sadd.s32 $0x88, s3;
	s6 =	simm.s32 @!p1 $0x1082;
	[sflag:s4] =	ssyncset.s32 $0xFFFFF086  }
0x25: {  	[simem:s6], [sflag:s4] =	dma.local [hbm:s3], $0xF7A  }
0x26: {  	[smem:$0x3F97] =	sst s1;
	(tag) =	ssettag s2;
	_ =	strace s9  }
0x27: {  	s1 =	sld [smem:$0x3FA7]  }
0x28: {  	s2 =	sld [smem:$0x3FA8]  }
0x29: {  	s4 =	sld [smem:$0x3FAA]  }
0x2a: {  	p0 =	seq.s32 s5, $0x0;
	s5 =	sld [smem:$0x3FAB]  }
0x2b: {  	s6 =	sld [smem:$0x3FAC]  }
0x2c: {  	s7 =	sld [smem:$0x3FAD]  }
0x2d: {  	s3 =	simm.s32 $0x108;
	s8 =	sld [smem:$0x3FAE]  }
0x2e: {  	s3 =	simm.s32 @!p0 $0x1082;
	s9 =	sld [smem:$0x3FAF]  }
0x2f: {  	lr =	sadd.s32 s0, s3;
	s0 =	sld [smem:$0x3FA6]  }
0x30: {  	s3 =	sld [smem:$0x3FA9]  }
0x31: {  	[smem:$0x3FB2] =	sst s10  }
0x32: {  	s10 =	sld [smem:$0x3FB0];
	_ =	sdelay $0x3  }
0x33: {  	p0 =	seq.s32 s10, $0x1;
	s10 =	sld [smem:$0x3FB2];
	_ =	sdelay $0x3  }
0x34: {  	[smem:$0x3FB2] =	sst s10  }
0x35: {  	s10 =	sld [smem:$0x3FB1];
	_ =	sdelay $0x3  }
0x36: {  	p1 =	seq.s32 s10, $0x1;
	s10 =	sld [smem:$0x3FB2];
	_ =	sdelay $0x3  }
0x37: {  	[smem:$0x3FB2] =	sst s10  }
0x38: {  	s10 =	sld [smem:$0x3FB3]  }
0x39: {  	_ = 	snop;
	(pc) =	sbr.ind lr, $3  }
0x3a: {  	_ = 	snop  }
0x3b: {  	_ = 	snop  }
0x3c: {  	p2 =	seq.s32 s10, $0x1;
	s10 =	sld [smem:$0x3FB2]  }
0x3d: {  	_ =	shalt  }
0x3e: {  	_ =	shalt  }
0x3f: {  	_ =	shalt  }
0x40: {  	_ =	shalt  }
0x41: {  	_ =	shalt  }
0x42: {  	_ =	shalt  }
0x43: {  	_ =	shalt  }
0x44: {  	_ =	shalt  }
0x45: {  	_ =	shalt  }
0x46: {  	_ =	shalt  }
0x47: {  	_ =	shalt  }
0x48: {  	_ =	shalt  }
0x49: {  	_ =	shalt  }
0x4a: {  	_ =	shalt  }
0x4b: {  	_ =	shalt  }
0x4c: {  	_ =	shalt  }
0x4d: {  	_ =	shalt  }
0x4e: {  	_ =	shalt  }
0x4f: {  	_ =	shalt  }
0x50: {  	_ =	shalt  }
0x51: {  	_ =	shalt  }
0x52: {  	_ =	shalt  }
0x53: {  	_ =	shalt  }
0x54: {  	_ =	shalt  }
0x55: {  	_ =	shalt  }
0x56: {  	_ =	shalt  }
0x57: {  	_ =	shalt  }
0x58: {  	_ =	shalt  }
0x59: {  	_ =	shalt  }
0x5a: {  	_ =	shalt  }
0x5b: {  	_ =	shalt  }
0x5c: {  	_ =	shalt  }
0x5d: {  	_ =	shalt  }
0x5e: {  	_ =	shalt  }
0x5f: {  	_ =	shalt  }
0x60: {  	_ =	shalt  }
0x61: {  	_ =	shalt  }
0x62: {  	_ =	shalt  }
0x63: {  	_ =	shalt  }
0x64: {  	_ =	shalt  }
0x65: {  	_ =	shalt  }
0x66: {  	_ =	shalt  }
0x67: {  	_ =	shalt  }
0x68: {  	_ =	shalt  }
0x69: {  	_ =	shalt  }
0x6a: {  	_ =	shalt  }
0x6b: {  	_ =	shalt  }
0x6c: {  	_ =	shalt  }
0x6d: {  	_ =	shalt  }
0x6e: {  	_ =	shalt  }
0x6f: {  	_ =	shalt  }
0x70: {  	_ =	shalt  }
0x71: {  	_ =	shalt  }
0x72: {  	_ =	shalt  }
0x73: {  	_ =	shalt  }
0x74: {  	_ =	shalt  }
0x75: {  	_ =	shalt  }
0x76: {  	_ =	shalt  }
0x77: {  	_ =	shalt  }
0x78: {  	_ =	shalt  }
0x79: {  	_ =	shalt  }
0x7a: {  	_ =	shalt  }
0x7b: {  	_ =	shalt  }
0x7c: {  	_ =	shalt  }
0x7d: {  	_ =	shalt  }
0x7e: {  	_ =	shalt  }
0x7f: {  	_ =	shalt  }
0x80: {  	_ =	shalt  }
0x81: {  	_ =	shalt  }
0x82: {  	_ =	shalt  }
0x83: {  	_ =	shalt  }
0x84: {  	_ =	shalt  }
0x85: {  	_ =	shalt  }
0x86: {  	_ =	shalt  }
0x87: {  	_ =	shalt  }
.Lfunc_end0:
.L_simem_size_0:
called_computation.1_lowered:
.L_overlay_start_0:
0x88: {  	s2 =	sld [smem:$0x3FD9]  }
0x89: {  	s3 =	sld [smem:$0x3FFE];
	_ =	sdelay $0x1  }
0x8a: {  	s1 =	srdreg.scid  }
0x8b: {  	s0 =	sand.u32 $0x1, s1  }
0x8c: {  	s16 =	sshll.u32 s0, $0xA;
	s2 =	sadd.s32 s3, s2  }
0x8d: {  	s2 =	sadd.s32 s2, s16  }
0x8e: {  	[smem:$0x3FBE] =	sst s2  }
0x8f: {  	_ = 	snop  }
0x90: {  	(tm) =	ssettm $0x1  }
0x91: {  	s17 =	sld [smem:$0x3FFB];
	_ =	sdelay $0x3  }
0x92: {  	_ =	strace s17  }
0x93: {  	s2 =	sld [smem:$0x3FFC];
	_ =	sdelay $0x3  }
0x94: {  	_ =	strace s2  }
0x95: {  	s2 =	sld [smem:$0x3FFD];
	_ =	sdelay $0x3  }
0x96: {  	_ =	strace s2  }
0x97: {  	_ =	strace $0x8FFFFFFF  }
0x98: {  	s18 =	sld [smem:$0x3FDB];
	_ =	sdelay $0x1  }
0x99: {  	s19 =	simm.s32 $_scs_section_size  }
0x9a: {  	s4 =	simm.s32 $_size__tile_overlayer_lowered;
	s5 =	simm.s32 $_tile_overlayer_lowered  }
0x9b: {  	s22 =	simm.s32 $0x1BFF;
	s21 =	sshll.u32 s5, $0x1;
	s2 =	sadd.s32 s19, s18  }
0x9c: {  	s6 =	simm.s32 $0x0;
	s20 =	sshll.u32 s4, $0x1;
	s4 =	sadd.s32 s21, s2  }
0x9d: {  	[timem:s6], [sflag:s22] =	dma.local [hbm:s4], s20  }
0x9e: {  	_ =	swait.ge [sflag:s22], s20  }
0x9f: {  	s3 =	ssub.s32 $0x0, s20;
	[sflag:s22] =	ssyncset.done $0x0  }
0xa0: {  	[sflag:s22] =	ssyncadd.s32 s3;
	_ =	sdelay $0x1  }
0xa1: {  	s23 =	simm.s32 $0x1B8B  }
0xa2: {  	_ =	swait.ge [sflag:s23], $0x1  }
0xa3: {  	[sflag:s23] =	ssyncset.done $0x0  }
0xa4: {  	s25 =	simm.s32 $0x1B8E;
	s24 =	sld [smem:$0x3FFE];
	[sflag:s23] =	ssyncadd.s32 $0xFFFFFFFF  }
0xa5: {  	s26 =	simm.s32 $execute0_lowered;
	[smem:$0x3FD2] =	sst s25  }
0xa6: {  	s4 =	sshll.u32 s26, $0x1;
	_ =	strace $0x80000049;
	[dreg:$0x1] =	wrdreg $0xFFFFFFFF  }
0xa7: {  	s28 =	simm.s32 $_size_execute0_lowered;
	s2 =	sadd.s32 s2, s4;
	[dreg:$0x0] =	wrdreg $0x0  }
0xa8: {  	s4 =	sshll.u32 s28, $0x1;
	[dreg:$0x2] =	wrdreg s2  }
0xa9: {  	[dreg:$0x3] =	wrdreg s4  }
0xaa: {  	[dreg:$0x4] =	wrdreg $0xC0  }
0xab: {  	_ =	task [dreg:s6], $0x5FFFF  }
0xac: {  	[dreg:$0x1] =	wrdreg $0xFFFFFFFF  }
0xad: {  	[dreg:$0x0] =	wrdreg $0x60  }
0xae: {  	[dreg:$0x2] =	wrdreg s24  }
0xaf: {  	[dreg:$0x3] =	wrdreg $0x9  }
0xb0: {  	_ =	task.clear_ibuf [dreg:s6], $0x4FFFF;
	_ =	strace $0x90000049  }
0xb1: {  	s29 =	simm.s32 $0x9;
	_ =	strace $0x8000004B  }
0xb2: {  	_ =	swait.ge [sflag:s29], $0x1  }
0xb3: {  	[sflag:s29] =	ssyncadd.s32 $0xFFFFFFFF  }
0xb4: {  	_ =	strace $0x9000004B  }
0xb5: {  	_ =	sfence  }
0xb6: {  	s30 =	sld [smem:$0x0];
	_ =	sdelay $0x2  }
0xb7: {  	s31 =	sshll.u32 s1, $0xD;
	s1 =	sshrl.u32 s1, $0x2  }
0xb8: {  	s3 =	sand.u32 $0x4000, s31;
	s1 =	sadd.s32 s1, s30  }
0xb9: {  	s0 =	sor.u32 s3, s0;
	s1 =	sshll.u32 s1, $0x11  }
0xba: {  	s0 =	sor.u32 s1, s0  }
0xbb: {  	s0 =	sadd.s32 $0x8F2B, s0  }
0xbc: {  	[sflag:s0] =	ssyncadd.remote.s32 $0x1  }
0xbd: {  	_ =	sfence.sel $0xFFFF  }
0xbe: {  	[dreg:$0x0] =	wrdreg $0xFFFFFFFF;
	(pc) =	sbr.abs _section_cstart, $3  }
0xbf: {  	[dreg:$0x1] =	wrdreg $0xFFFFFFFF  }
0xc0: {  	_ =	task.clear_ibuf [dreg:s6], $0x2FFFF;
	_ =	strace $0x9FFFFFFF  }
0xc1: {  	(tm) =	ssettm $0x7FFFFFFF  }
tec
execute0_lowered:
.L_overlay_start_1:
0x0: {  	(tag) =	ssettag $0x1  }
0x1: {  	s1 =	srdreg.scid;
	s0 =	stileid.u32  }
0x2: {  	s4 =	rddreg [dreg:$0x0];
	s2 =	simm.s32 $0x0;
	s9 =	simm.s32 $0x9  }
0x3: {  	s10 =	simm.s32 $0xC80;
	s11 =	simm.s32 $0x80;
	s12 =	simm.s32 $0x1A00  }
0x4: {  	s13 =	simm.s32 $0x9A00;
	s14 =	simm.s32 $0x1;
	s15 =	simm.s32 $0x3  }
0x5: {  	s16 =	simm.s32 $0x2;
	s17 =	simm.s32 $0x4;
	s18 =	simm.s32 $0x5  }
0x6: {  	s19 =	simm.s32 $0x5A00;
	s20 =	simm.s32 $0x6;
	s21 =	simm.s32 $0x0  }
0x7: {  	s5 =	sand.u32 $0x1, s1;
	s3 =	sshll.u32 s0, $0x1;
	s1 =	rddreg [dreg:$0x1]  }
.Ltmp0:
0x8: {  	[smem:$0x7FF] =	sst s2;
	s7 =	sor.u32 s5, s3;
	(pc) =	sbr.rel .LBB2_1-.Ltmp0, $4  }
0x9: {  	_ =	strace $0x8000004A;
	s5 =	ssub.s32 $0x2, s5;
	s6 =	smul.u32 $0x190, s7  }
0xa: {  	s3 =	sadd.s32 $0xCA00, s4;
	s8 =	sshrl.u32 s5, $0x1;
	s7 =	smul.u32 $0x64000, s7  }
0xb: {  	s8 =	ssub.s32 s5, s8;
	s6 =	sadd.s32 s6, s4;
	s4 =	sadd.s32 $0x33C00, s4  }
0xc: {  	s8 =	smax.u32 s8, $0x1;
	s5 =	sadd.s32 $0x2A00, s6;
	s6 =	sadd.s32 $0x7A00, s6  }
.LBB2_9:
0xd: {  	s21 =	sadd.s32 $0x1, s21  }
0xe: {  	_ =	swait.ge [sflag:s18], $0x4000;
	p0 =	sne.s32 s21, s8  }
.Ltmp1:
0xf: {  	[sflag:s18] =	ssyncset.done $0x0;
	(pc) =	sbr.rel @!p0 .LBB2_10-.Ltmp1, $4  }
0x10: {  	[sflag:s18] =	ssyncadd.s32 $0xFFFFC000  }
0x11: {  	_ =	swait.ge [sflag:s20], $0x4000  }
0x12: {  	[sflag:s20] =	ssyncset.done $0x0  }
0x13: {  	[sflag:s20] =	ssyncadd.s32 $0xFFFFC000  }
.LBB2_1:
0x14: {  	[tilespmem:s2], [sflag:$0x9] =	stream.linear.gather [hbm4b:s5+s2], $0xC80, $0x38;
	[tilespmem:$0x12200] =	vst v63  }
0x15: {  	_ =	swait.ge [sflag:s9], $0xC80  }
0x16: {  	[sflag:s9] =	ssyncset.done $0x0  }
0x17: {  	[sflag:s9] =	ssyncadd.s32 $0xFFFFF380  }
0x18: {  	[tilespmem:s10], [sflag:$0x9] =	stream.linear.gather [hbm4b:s6+s2], $0xC80, $0x38;
	[tilespmem:$0x12200] =	vst v63  }
0x19: {  	_ =	swait.ge [sflag:s9], $0xC80  }
.Ltmp2:
0x1a: {  	[sflag:s9] =	ssyncset.done $0x0;
	(pc) =	sbr.rel .LBB2_2-.Ltmp2, $4  }
0x1b: {  	[sflag:s9] =	ssyncadd.s32 $0xFFFFF380  }
0x1c: {  	[tilespmem:s12], [sflag:$0x1] =	stream.indirect.gather [hbm4b:s3+s11], $0x80, s2, s11, $0xb8;
	[tilespmem:$0x12200] =	vst v63  }
0x1d: {  	s22 =	simm.s32 $0x0  }
0x1e: {  	[tilespmem:s13], [sflag:$0x3] =	stream.indirect.gather [hbm4b:s3+s11], $0x80, s10, s11, $0xb8;
	[tilespmem:$0x12200] =	vst v63  }
.LBB2_8:
0x1f: {  	s22 =	sadd.s32 $0x1, s22  }
0x20: {  	p0 =	sne.s32 s22, $0xD  }
.Ltmp3:
0x21: {  	_ = 	snop;
	(pc) =	sbr.rel @!p0 .LBB2_9-.Ltmp3, $1  }
0x22: {  	_ =	sdelay $0x3  }
.LBB2_2:
0x23: {  	_ =	swait.ge [sflag:s14], $0x4000  }
0x24: {  	s23 =	sshllo.u32 s22, $0x1;
	[sflag:s14] =	ssyncset.done $0x0  }
0x25: {  	p0 =	sgt.u32 s23, $0x18;
	[sflag:s14] =	ssyncadd.s32 $0xFFFFC000  }
0x26: {  	p1 =	seq.s32 @!p0 s22, $0x0;
	_ =	swait.ge [sflag:s15], $0x4000  }
0x27: {  	p1 =	por p1, p0;
	[sflag:s15] =	ssyncset.done $0x0  }
0x28: {  	s24 =	simm.s32 @!p1 $0x6;
	[sflag:s15] =	ssyncadd.s32 $0xFFFFC000  }
0x29: {  	_ =	swait.ge @!p1 [sflag:s24], $0x4000  }
0x2a: {  	s25 =	simm.s32 @!p0 $0x80;
	[sflag:s24] =	ssyncset.done @!p1 $0x0  }
0x2b: {  	s26 =	simm.s32 @!p0 $0x5A00;
	[sflag:s24] =	ssyncadd.s32 @!p1 $0xFFFFC000;
	s24 =	sshll.u32 @!p0 s23, $0x7  }
0x2c: {  	[tilespmem:s26], [sflag:$0x2] =	stream.indirect.gather @!p0 [hbm4b:s3+s25], $0x80, s24, s25, $0xb8;
	[tilespmem:$0x12200] =	vst v63  }
0x2d: {  	s24 =	sadd.s32 @!p0 $0xC80, s24;
	s26 =	simm.s32 @!p0 $0xDA00  }
0x2e: {  	[tilespmem:s26], [sflag:$0x4] =	stream.indirect.gather @!p0 [hbm4b:s3+s25], $0x80, s24, s25, $0xb8;
	[tilespmem:$0x12200] =	vst v63  }
0x2f: {  	s24 =	simm.s32 $0x0  }
0x30: {  	v0 =	vld [tilespmem:s24+$0x9A00]  }
0x31: {  	v1 =	vld [tilespmem:s24+$0x9A10]  }
0x32: {  	v2 =	vld [tilespmem:s24+$0x9A20]  }
0x33: {  	v3 =	vld [tilespmem:s24+$0x9A30]  }
0x34: {  	v4 =	vld [tilespmem:s24+$0x9A40]  }
0x35: {  	v5 =	vld [tilespmem:s24+$0x9A50]  }
0x36: {  	v7 =	vld [tilespmem:s24+$0x1A00]  }
0x37: {  	v6 =	vld [tilespmem:s24+$0x9A60]  }
0x38: {  	v10 =	vld [tilespmem:s24+$0x9A70];
	v8 =	vshll.u32 v0, $0x10;
	v0 =	vand.u32 $0xFFFF0000, v0;
	v9 =	vshll.u32 v1, $0x10  }
0x39: {  	v11 =	vld [tilespmem:s24+$0x1A10];
	v12 =	vand.u32 $0xFFFF0000, v1;
	v13 =	vshll.u32 v2, $0x10;
	v14 =	vand.u32 $0xFFFF0000, v2  }
0x3a: {  	v15 =	vshll.u32 v3, $0x10;
	v16 =	vand.u32 $0xFFFF0000, v3;
	v17 =	vshll.u32 v4, $0x10  }
0x3b: {  	v19 =	vld [tilespmem:s24+$0x1A20];
	v18 =	vand.u32 $0xFFFF0000, v4;
	v4 =	vshll.u32 v5, $0x10;
	v2 =	vand.u32 $0xFFFF0000, v7  }
0x3c: {  	v1 =	vshll.u32 v6, $0x10;
	v3 =	vand.u32 $0xFFFF0000, v6;
	v6 =	vshll.u32 v7, $0x10  }
0x3d: {  	v7 =	vadd.f32 v0, v2;
	v0 =	vshll.u32 v10, $0x10;
	v6 =	vadd.f32 v8, v6  }
0x3e: {  	v8 =	vshll.u32 v11, $0x10;
	v2 =	vand.u32 $0xFFFF0000, v10;
	v10 =	vand.u32 $0xFFFF0000, v11  }
0x3f: {  	v5 =	vand.u32 $0xFFFF0000, v5;
	v8 =	vadd.f32 v9, v8;
	v9 =	vadd.f32 v12, v10  }
0x40: {  	v11 =	vld [tilespmem:s24+$0x1A30];
	v10 =	vand.u32 $0xFFFF0000, v19;
	v12 =	vshll.u32 v19, $0x10;
	v7 =	vadd.s32 $0x8000, v7  }
0x41: {  	v6 =	vadd.s32 $0x8000, v6;
	v10 =	vadd.f32 v14, v10;
	v12 =	vadd.f32 v13, v12  }
0x42: {  	v14 =	vld [tilespmem:s24+$0x1A40];
	v7 =	vand.u32 $0xFFFF0000, v7;
	v8 =	vadd.s32 $0x8000, v8;
	v9 =	vadd.s32 $0x8000, v9  }
0x43: {  	v6 =	vshrl.u32 v6, $0x10;
	v9 =	vand.u32 $0xFFFF0000, v9;
	v8 =	vshrl.u32 v8, $0x10  }
0x44: {  	v7 =	vor.u32 v6, v7;
	v6 =	vor.u32 v8, v9;
	v8 =	vadd.s32 $0x8000, v10  }
0x45: {  	v9 =	vadd.s32 $0x8000, v12;
	v12 =	vand.u32 $0xFFFF0000, v11;
	v10 =	vld [tilespmem:s24+$0x1A50];
	v11 =	vshll.u32 v11, $0x10  }
0x46: {  	v8 =	vand.u32 $0xFFFF0000, v8;
	v9 =	vshrl.u32 v9, $0x10;
	v12 =	vadd.f32 v16, v12  }
0x47: {  	v8 =	vor.u32 v9, v8;
	v9 =	vadd.f32 v15, v11;
	v11 =	vshll.u32 v14, $0x10  }
0x48: {  	v13 =	vand.u32 $0xFFFF0000, v14;
	v12 =	vadd.s32 $0x8000, v12;
	v15 =	vadd.f32 v17, v11  }
0x49: {  	v14 =	vadd.f32 v18, v13;
	v16 =	vadd.s32 $0x8000, v9;
	v11 =	vand.u32 $0xFFFF0000, v12;
	v9 =	vld [tilespmem:s24+$0x1A60]  }
0x4a: {  	s25 =	simm.s32 $0x200;
	v12 =	vshrl.u32 v16, $0x10;
	v13 =	vadd.s32 $0x8000, v15;
	v15 =	vand.u32 $0xFFFF0000, v10  }
.LBB2_3:
0x4b: {  	p1 =	sne.s32 s25, $0xFE00;
	v14 =	vadd.s32 $0x8000, v14;
	v10 =	vshll.u32 v10, $0x10;
	v5 =	vadd.f32 v5, v15;
	v15 =	vld [tilespmem:s24+$0x1A70]  }
0x4c: {  	v13 =	vshrl.u32 v13, $0x10;
	v14 =	vand.u32 $0xFFFF0000, v14;
	v4 =	vadd.f32 v4, v10  }
0x4d: {  	s26 =	sshra.s32 s25, $0x2;
	v10 =	vor.u32 v12, v11;
	v11 =	vor.u32 v13, v14;
	v5 =	vadd.s32 $0x8000, v5  }
0x4e: {  	v12 =	vld [tilespmem:s26+$0x9A00];
	v4 =	vadd.s32 $0x8000, v4;
	v5 =	vand.u32 $0xFFFF0000, v5;
	v13 =	vand.u32 $0xFFFF0000, v9  }
0x4f: {  	v14 =	vld [tilespmem:s26+$0x9A10];
	[tilespmem:s24+$0x1A00] =	vst v7;
	v4 =	vshrl.u32 v4, $0x10;
	v7 =	vshll.u32 v9, $0x10;
	v3 =	vadd.f32 v3, v13  }
0x50: {  	v9 =	vld [tilespmem:s26+$0x9A20];
	[tilespmem:s24+$0x1A10] =	vst v6;
	v1 =	vadd.f32 v1, v7;
	v6 =	vshll.u32 v15, $0x10;
	v7 =	vand.u32 $0xFFFF0000, v15  }
0x51: {  	v13 =	vld [tilespmem:s26+$0x9A30];
	[tilespmem:s24+$0x1A20] =	vst v8;
	v3 =	vadd.s32 $0x8000, v3;
	v0 =	vadd.f32 v0, v6;
	v2 =	vadd.f32 v2, v7  }
0x52: {  	v4 =	vor.u32 v4, v5;
	v6 =	vld [tilespmem:s26+$0x9A40];
	[tilespmem:s24+$0x1A30] =	vst v10;
	v1 =	vadd.s32 $0x8000, v1;
	v3 =	vand.u32 $0xFFFF0000, v3  }
0x53: {  	v5 =	vld [tilespmem:s26+$0x9A50];
	[tilespmem:s24+$0x1A40] =	vst v11;
	v1 =	vshrl.u32 v1, $0x10;
	v0 =	vadd.s32 $0x8000, v0;
	v2 =	vadd.s32 $0x8000, v2  }
0x54: {  	v7 =	vld [tilespmem:s26+$0x9A60];
	[tilespmem:s24+$0x1A50] =	vst v4;
	v1 =	vor.u32 v1, v3;
	v2 =	vand.u32 $0xFFFF0000, v2;
	v0 =	vshrl.u32 v0, $0x10  }
0x55: {  	v8 =	vld [tilespmem:s26+$0x1A00];
	[tilespmem:s24+$0x1A60] =	vst v1;
	v0 =	vor.u32 v0, v2  }
0x56: {  	v10 =	vand.u32 $0xFFFF0000, v12;
	v11 =	vshll.u32 v14, $0x10;
	v2 =	vshll.u32 v12, $0x10;
	v12 =	vld [tilespmem:s26+$0x9A70];
	[tilespmem:s24+$0x1A70] =	vst v0;
	s24 =	smov.u32 s26  }
0x57: {  	v14 =	vand.u32 $0xFFFF0000, v14;
	v16 =	vshll.u32 v9, $0x10;
	v9 =	vand.u32 $0xFFFF0000, v9;
	v15 =	vld [tilespmem:s24+$0x1A10]  }
0x58: {  	v17 =	vshll.u32 v13, $0x10;
	v13 =	vand.u32 $0xFFFF0000, v13;
	v18 =	vshll.u32 v6, $0x10  }
0x59: {  	v19 =	vand.u32 $0xFFFF0000, v6;
	v4 =	vshll.u32 v5, $0x10;
	v5 =	vand.u32 $0xFFFF0000, v5  }
0x5a: {  	v1 =	vshll.u32 v7, $0x10;
	v3 =	vand.u32 $0xFFFF0000, v7;
	v0 =	vand.u32 $0xFFFF0000, v8;
	v6 =	vld [tilespmem:s24+$0x1A20]  }
0x5b: {  	v7 =	vshll.u32 v8, $0x10;
	v8 =	vadd.f32 v10, v0;
	v0 =	vshll.u32 v12, $0x10  }
0x5c: {  	v7 =	vadd.f32 v2, v7;
	v2 =	vand.u32 $0xFFFF0000, v12;
	v10 =	vshll.u32 v15, $0x10  }
0x5d: {  	v12 =	vand.u32 $0xFFFF0000, v15;
	v8 =	vadd.s32 $0x8000, v8;
	v10 =	vadd.f32 v11, v10  }
0x5e: {  	v7 =	vadd.s32 $0x8000, v7;
	v11 =	vadd.f32 v14, v12;
	v8 =	vand.u32 $0xFFFF0000, v8;
	v12 =	vld [tilespmem:s24+$0x1A30]  }
0x5f: {  	v7 =	vshrl.u32 v7, $0x10;
	v10 =	vadd.s32 $0x8000, v10;
	v14 =	vand.u32 $0xFFFF0000, v6  }
0x60: {  	v11 =	vadd.s32 $0x8000, v11;
	v6 =	vshll.u32 v6, $0x10;
	v9 =	vadd.f32 v9, v14;
	v14 =	vld [tilespmem:s24+$0x1A40]  }
0x61: {  	v11 =	vand.u32 $0xFFFF0000, v11;
	v10 =	vshrl.u32 v10, $0x10;
	v15 =	vadd.f32 v16, v6  }
0x62: {  	v7 =	vor.u32 v7, v8;
	v6 =	vor.u32 v10, v11;
	v8 =	vadd.s32 $0x8000, v9  }
0x63: {  	v9 =	vadd.s32 $0x8000, v15;
	v8 =	vand.u32 $0xFFFF0000, v8;
	v11 =	vand.u32 $0xFFFF0000, v12;
	v10 =	vld [tilespmem:s24+$0x1A50]  }
.Ltmp4:
0x64: {  	v9 =	vshrl.u32 v9, $0x10;
	v12 =	vshll.u32 v12, $0x10;
	v11 =	vadd.f32 v13, v11;
	(pc) =	sbr.rel @p1 .LBB2_3-.Ltmp4, $4  }
0x65: {  	v8 =	vor.u32 v9, v8;
	v9 =	vadd.f32 v17, v12;
	v12 =	vshll.u32 v14, $0x10  }
0x66: {  	v13 =	vand.u32 $0xFFFF0000, v14;
	v11 =	vadd.s32 $0x8000, v11;
	v15 =	vadd.f32 v18, v12  }
0x67: {  	v12 =	vadd.s32 $0x8000, v9;
	v14 =	vadd.f32 v19, v13;
	v11 =	vand.u32 $0xFFFF0000, v11;
	v9 =	vld [tilespmem:s24+$0x1A60]  }
0x68: {  	s25 =	sadd.s32 $0x200, s25;
	v12 =	vshrl.u32 v12, $0x10;
	v13 =	vadd.s32 $0x8000, v15;
	v15 =	vand.u32 $0xFFFF0000, v10  }
0x69: {  	v14 =	vadd.s32 $0x8000, v14;
	v10 =	vshll.u32 v10, $0x10;
	v5 =	vadd.f32 v5, v15;
	v57 =	vld [tilespmem:s24+$0x1A70]  }
0x6a: {  	v13 =	vshrl.u32 v13, $0x10;
	v14 =	vand.u32 $0xFFFF0000, v14;
	v4 =	vadd.f32 v4, v10  }
0x6b: {  	v58 =	vor.u32 v12, v11;
	v59 =	vor.u32 v13, v14;
	v5 =	vadd.s32 $0x8000, v5  }
0x6c: {  	v4 =	vadd.s32 $0x8000, v4;
	v5 =	vand.u32 $0xFFFF0000, v5;
	v60 =	vand.u32 $0xFFFF0000, v9  }
0x6d: {  	[tilespmem:s24+$0x1A00] =	vst v7;
	v61 =	vshll.u32 v9, $0x10;
	v4 =	vshrl.u32 v4, $0x10;
	v3 =	vadd.f32 v3, v60  }
0x6e: {  	[tilespmem:s24+$0x1A10] =	vst v6;
	v1 =	vadd.f32 v1, v61;
	v62 =	vshll.u32 v57, $0x10;
	v63 =	vand.u32 $0xFFFF0000, v57  }
0x6f: {  	[tilespmem:s24+$0x1A20] =	vst v8;
	v3 =	vadd.s32 $0x8000, v3;
	v0 =	vadd.f32 v0, v62;
	v2 =	vadd.f32 v2, v63  }
0x70: {  	[tilespmem:s24+$0x1A30] =	vst v58;
	v4 =	vor.u32 v4, v5;
	v1 =	vadd.s32 $0x8000, v1;
	v3 =	vand.u32 $0xFFFF0000, v3  }
.Ltmp5:
0x71: {  	s25 =	sshll.u32 s22, $0xF;
	[tilespmem:s24+$0x1A40] =	vst v59;
	v1 =	vshrl.u32 v1, $0x10;
	v0 =	vadd.s32 $0x8000, v0;
	v2 =	vadd.s32 $0x8000, v2;
	(pc) =	sbr.rel @p0 .LBB2_8-.Ltmp5, $4  }
0x72: {  	s25 =	sadd.s32 s7, s25;
	[tilespmem:s24+$0x1A50] =	vst v4;
	v1 =	vor.u32 v1, v3;
	v2 =	vand.u32 $0xFFFF0000, v2;
	v0 =	vshrl.u32 v0, $0x10  }
0x73: {  	s25 =	sshrl.u32 s25, $0x3;
	[tilespmem:s24+$0x1A60] =	vst v1;
	v0 =	vor.u32 v0, v2  }
0x74: {  	s31 =	sadd.s32 s4, s25;
	[tilespmem:s24+$0x1A70] =	vst v0  }
0x75: {  	[hbm4b:s31+s2] =	stream.linear.scatter [tilespmem:s12], [sflag:$0x5], $0x4000, $0x38;
	[tilespmem:$0x12200] =	vst v63  }
0x76: {  	_ =	swait.ge [sflag:s16], $0x4000  }
0x77: {  	[sflag:s16] =	ssyncset.done $0x0  }
0x78: {  	[sflag:s16] =	ssyncadd.s32 $0xFFFFC000  }
0x79: {  	_ =	swait.ge [sflag:s17], $0x4000  }
0x7a: {  	[sflag:s17] =	ssyncset.done $0x0  }
0x7b: {  	[sflag:s17] =	ssyncadd.s32 $0xFFFFC000  }
0x7c: {  	_ =	swait.ge [sflag:s18], $0x4000  }
0x7d: {  	s24 =	sshll.u32 s22, $0x8;
	[sflag:s18] =	ssyncset.done $0x0  }
0x7e: {  	s25 =	sadd.s32 $0x100, s24;
	[sflag:s18] =	ssyncadd.s32 $0xFFFFC000  }
0x7f: {  	[tilespmem:s12], [sflag:$0x1] =	stream.indirect.gather [hbm4b:s3+s11], $0x80, s25, s11, $0xb8;
	[tilespmem:$0x12200] =	vst v63  }
0x80: {  	s24 =	sadd.s32 $0xD80, s24  }
0x81: {  	[tilespmem:s13], [sflag:$0x3] =	stream.indirect.gather [hbm4b:s3+s11], $0x80, s24, s11, $0xb8;
	[tilespmem:$0x12200] =	vst v63  }
0x82: {  	s24 =	simm.s32 $0x0  }
0x83: {  	v0 =	vld [tilespmem:s24+$0xDA00]  }
0x84: {  	v1 =	vld [tilespmem:s24+$0xDA10]  }
0x85: {  	v2 =	vld [tilespmem:s24+$0xDA20]  }
0x86: {  	v3 =	vld [tilespmem:s24+$0xDA30]  }
0x87: {  	v4 =	vld [tilespmem:s24+$0xDA40]  }
0x88: {  	v5 =	vld [tilespmem:s24+$0xDA50]  }
0x89: {  	v7 =	vld [tilespmem:s24+$0x5A00]  }
0x8a: {  	v6 =	vld [tilespmem:s24+$0xDA60]  }
0x8b: {  	v10 =	vld [tilespmem:s24+$0xDA70];
	v8 =	vshll.u32 v0, $0x10;
	v0 =	vand.u32 $0xFFFF0000, v0;
	v9 =	vshll.u32 v1, $0x10  }
0x8c: {  	v11 =	vld [tilespmem:s24+$0x5A10];
	v12 =	vand.u32 $0xFFFF0000, v1;
	v13 =	vshll.u32 v2, $0x10;
	v14 =	vand.u32 $0xFFFF0000, v2  }
0x8d: {  	v15 =	vshll.u32 v3, $0x10;
	v16 =	vand.u32 $0xFFFF0000, v3;
	v17 =	vshll.u32 v4, $0x10  }
0x8e: {  	v19 =	vld [tilespmem:s24+$0x5A20];
	v18 =	vand.u32 $0xFFFF0000, v4;
	v4 =	vshll.u32 v5, $0x10;
	v2 =	vand.u32 $0xFFFF0000, v7  }
0x8f: {  	v1 =	vshll.u32 v6, $0x10;
	v3 =	vand.u32 $0xFFFF0000, v6;
	v6 =	vshll.u32 v7, $0x10  }
0x90: {  	v7 =	vadd.f32 v0, v2;
	v0 =	vshll.u32 v10, $0x10;
	v6 =	vadd.f32 v8, v6  }
0x91: {  	v8 =	vshll.u32 v11, $0x10;
	v2 =	vand.u32 $0xFFFF0000, v10;
	v10 =	vand.u32 $0xFFFF0000, v11  }
0x92: {  	v5 =	vand.u32 $0xFFFF0000, v5;
	v8 =	vadd.f32 v9, v8;
	v9 =	vadd.f32 v12, v10  }
0x93: {  	v11 =	vld [tilespmem:s24+$0x5A30];
	v10 =	vand.u32 $0xFFFF0000, v19;
	v12 =	vshll.u32 v19, $0x10;
	v7 =	vadd.s32 $0x8000, v7  }
0x94: {  	v6 =	vadd.s32 $0x8000, v6;
	v10 =	vadd.f32 v14, v10;
	v12 =	vadd.f32 v13, v12  }
0x95: {  	v14 =	vld [tilespmem:s24+$0x5A40];
	v7 =	vand.u32 $0xFFFF0000, v7;
	v8 =	vadd.s32 $0x8000, v8;
	v9 =	vadd.s32 $0x8000, v9  }
0x96: {  	v6 =	vshrl.u32 v6, $0x10;
	v9 =	vand.u32 $0xFFFF0000, v9;
	v8 =	vshrl.u32 v8, $0x10  }
0x97: {  	v7 =	vor.u32 v6, v7;
	v6 =	vor.u32 v8, v9;
	v8 =	vadd.s32 $0x8000, v10  }
0x98: {  	v9 =	vadd.s32 $0x8000, v12;
	v12 =	vand.u32 $0xFFFF0000, v11;
	v10 =	vld [tilespmem:s24+$0x5A50];
	v11 =	vshll.u32 v11, $0x10  }
0x99: {  	v8 =	vand.u32 $0xFFFF0000, v8;
	v9 =	vshrl.u32 v9, $0x10;
	v12 =	vadd.f32 v16, v12  }
0x9a: {  	v8 =	vor.u32 v9, v8;
	v9 =	vadd.f32 v15, v11;
	v11 =	vshll.u32 v14, $0x10  }
0x9b: {  	v13 =	vand.u32 $0xFFFF0000, v14;
	v12 =	vadd.s32 $0x8000, v12;
	v15 =	vadd.f32 v17, v11  }
0x9c: {  	v14 =	vadd.f32 v18, v13;
	v16 =	vadd.s32 $0x8000, v9;
	v11 =	vand.u32 $0xFFFF0000, v12;
	v9 =	vld [tilespmem:s24+$0x5A60]  }
0x9d: {  	s25 =	simm.s32 $0x200;
	v12 =	vshrl.u32 v16, $0x10;
	v13 =	vadd.s32 $0x8000, v15;
	v15 =	vand.u32 $0xFFFF0000, v10  }
.LBB2_6:
0x9e: {  	p0 =	sne.s32 s25, $0xFE00;
	v14 =	vadd.s32 $0x8000, v14;
	v10 =	vshll.u32 v10, $0x10;
	v5 =	vadd.f32 v5, v15;
	v15 =	vld [tilespmem:s24+$0x5A70]  }
0x9f: {  	v13 =	vshrl.u32 v13, $0x10;
	v14 =	vand.u32 $0xFFFF0000, v14;
	v4 =	vadd.f32 v4, v10  }
0xa0: {  	s26 =	sshra.s32 s25, $0x2;
	v10 =	vor.u32 v12, v11;
	v11 =	vor.u32 v13, v14;
	v5 =	vadd.s32 $0x8000, v5  }
0xa1: {  	v12 =	vld [tilespmem:s26+$0xDA00];
	v4 =	vadd.s32 $0x8000, v4;
	v5 =	vand.u32 $0xFFFF0000, v5;
	v13 =	vand.u32 $0xFFFF0000, v9  }
0xa2: {  	v14 =	vld [tilespmem:s26+$0xDA10];
	[tilespmem:s24+$0x5A00] =	vst v7;
	v4 =	vshrl.u32 v4, $0x10;
	v7 =	vshll.u32 v9, $0x10;
	v3 =	vadd.f32 v3, v13  }
0xa3: {  	v9 =	vld [tilespmem:s26+$0xDA20];
	[tilespmem:s24+$0x5A10] =	vst v6;
	v1 =	vadd.f32 v1, v7;
	v6 =	vshll.u32 v15, $0x10;
	v7 =	vand.u32 $0xFFFF0000, v15  }
0xa4: {  	v13 =	vld [tilespmem:s26+$0xDA30];
	[tilespmem:s24+$0x5A20] =	vst v8;
	v3 =	vadd.s32 $0x8000, v3;
	v0 =	vadd.f32 v0, v6;
	v2 =	vadd.f32 v2, v7  }
0xa5: {  	v4 =	vor.u32 v4, v5;
	v6 =	vld [tilespmem:s26+$0xDA40];
	[tilespmem:s24+$0x5A30] =	vst v10;
	v1 =	vadd.s32 $0x8000, v1;
	v3 =	vand.u32 $0xFFFF0000, v3  }
0xa6: {  	v5 =	vld [tilespmem:s26+$0xDA50];
	[tilespmem:s24+$0x5A40] =	vst v11;
	v1 =	vshrl.u32 v1, $0x10;
	v0 =	vadd.s32 $0x8000, v0;
	v2 =	vadd.s32 $0x8000, v2  }
0xa7: {  	v7 =	vld [tilespmem:s26+$0xDA60];
	[tilespmem:s24+$0x5A50] =	vst v4;
	v1 =	vor.u32 v1, v3;
	v2 =	vand.u32 $0xFFFF0000, v2;
	v0 =	vshrl.u32 v0, $0x10  }
0xa8: {  	v8 =	vld [tilespmem:s26+$0x5A00];
	[tilespmem:s24+$0x5A60] =	vst v1;
	v0 =	vor.u32 v0, v2  }
0xa9: {  	v10 =	vand.u32 $0xFFFF0000, v12;
	v11 =	vshll.u32 v14, $0x10;
	v2 =	vshll.u32 v12, $0x10;
	v12 =	vld [tilespmem:s26+$0xDA70];
	[tilespmem:s24+$0x5A70] =	vst v0;
	s24 =	smov.u32 s26  }
0xaa: {  	v14 =	vand.u32 $0xFFFF0000, v14;
	v16 =	vshll.u32 v9, $0x10;
	v9 =	vand.u32 $0xFFFF0000, v9;
	v15 =	vld [tilespmem:s24+$0x5A10]  }
0xab: {  	v17 =	vshll.u32 v13, $0x10;
	v13 =	vand.u32 $0xFFFF0000, v13;
	v18 =	vshll.u32 v6, $0x10  }
0xac: {  	v19 =	vand.u32 $0xFFFF0000, v6;
	v4 =	vshll.u32 v5, $0x10;
	v5 =	vand.u32 $0xFFFF0000, v5  }
0xad: {  	v1 =	vshll.u32 v7, $0x10;
	v3 =	vand.u32 $0xFFFF0000, v7;
	v0 =	vand.u32 $0xFFFF0000, v8;
	v6 =	vld [tilespmem:s24+$0x5A20]  }
0xae: {  	v7 =	vshll.u32 v8, $0x10;
	v8 =	vadd.f32 v10, v0;
	v0 =	vshll.u32 v12, $0x10  }
0xaf: {  	v7 =	vadd.f32 v2, v7;
	v2 =	vand.u32 $0xFFFF0000, v12;
	v10 =	vshll.u32 v15, $0x10  }
0xb0: {  	v12 =	vand.u32 $0xFFFF0000, v15;
	v8 =	vadd.s32 $0x8000, v8;
	v10 =	vadd.f32 v11, v10  }
0xb1: {  	v7 =	vadd.s32 $0x8000, v7;
	v11 =	vadd.f32 v14, v12;
	v8 =	vand.u32 $0xFFFF0000, v8;
	v12 =	vld [tilespmem:s24+$0x5A30]  }
0xb2: {  	v7 =	vshrl.u32 v7, $0x10;
	v10 =	vadd.s32 $0x8000, v10;
	v14 =	vand.u32 $0xFFFF0000, v6  }
0xb3: {  	v11 =	vadd.s32 $0x8000, v11;
	v6 =	vshll.u32 v6, $0x10;
	v9 =	vadd.f32 v9, v14;
	v14 =	vld [tilespmem:s24+$0x5A40]  }
0xb4: {  	v11 =	vand.u32 $0xFFFF0000, v11;
	v10 =	vshrl.u32 v10, $0x10;
	v15 =	vadd.f32 v16, v6  }
0xb5: {  	v7 =	vor.u32 v7, v8;
	v6 =	vor.u32 v10, v11;
	v8 =	vadd.s32 $0x8000, v9  }
0xb6: {  	v9 =	vadd.s32 $0x8000, v15;
	v8 =	vand.u32 $0xFFFF0000, v8;
	v11 =	vand.u32 $0xFFFF0000, v12;
	v10 =	vld [tilespmem:s24+$0x5A50]  }
.Ltmp6:
0xb7: {  	v9 =	vshrl.u32 v9, $0x10;
	v12 =	vshll.u32 v12, $0x10;
	v11 =	vadd.f32 v13, v11;
	(pc) =	sbr.rel @p0 .LBB2_6-.Ltmp6, $4  }
0xb8: {  	v8 =	vor.u32 v9, v8;
	v9 =	vadd.f32 v17, v12;
	v12 =	vshll.u32 v14, $0x10  }
0xb9: {  	v13 =	vand.u32 $0xFFFF0000, v14;
	v11 =	vadd.s32 $0x8000, v11;
	v15 =	vadd.f32 v18, v12  }
0xba: {  	v12 =	vadd.s32 $0x8000, v9;
	v14 =	vadd.f32 v19, v13;
	v11 =	vand.u32 $0xFFFF0000, v11;
	v9 =	vld [tilespmem:s24+$0x5A60]  }
0xbb: {  	s25 =	sadd.s32 $0x200, s25;
	v12 =	vshrl.u32 v12, $0x10;
	v13 =	vadd.s32 $0x8000, v15;
	v15 =	vand.u32 $0xFFFF0000, v10  }
0xbc: {  	v14 =	vadd.s32 $0x8000, v14;
	v10 =	vshll.u32 v10, $0x10;
	v5 =	vadd.f32 v5, v15;
	v57 =	vld [tilespmem:s24+$0x5A70]  }
0xbd: {  	v13 =	vshrl.u32 v13, $0x10;
	v14 =	vand.u32 $0xFFFF0000, v14;
	v4 =	vadd.f32 v4, v10  }
0xbe: {  	v58 =	vor.u32 v12, v11;
	v59 =	vor.u32 v13, v14;
	v5 =	vadd.s32 $0x8000, v5  }
0xbf: {  	v4 =	vadd.s32 $0x8000, v4;
	v5 =	vand.u32 $0xFFFF0000, v5;
	v60 =	vand.u32 $0xFFFF0000, v9  }
0xc0: {  	[tilespmem:s24+$0x5A00] =	vst v7;
	v61 =	vshll.u32 v9, $0x10;
	v4 =	vshrl.u32 v4, $0x10;
	v3 =	vadd.f32 v3, v60  }
0xc1: {  	[tilespmem:s24+$0x5A10] =	vst v6;
	v1 =	vadd.f32 v1, v61;
	v62 =	vshll.u32 v57, $0x10;
	v63 =	vand.u32 $0xFFFF0000, v57  }
0xc2: {  	[tilespmem:s24+$0x5A20] =	vst v8;
	v3 =	vadd.s32 $0x8000, v3;
	v0 =	vadd.f32 v0, v62;
	v2 =	vadd.f32 v2, v63  }
0xc3: {  	[tilespmem:s24+$0x5A30] =	vst v58;
	v4 =	vor.u32 v4, v5;
	v1 =	vadd.s32 $0x8000, v1;
	v3 =	vand.u32 $0xFFFF0000, v3  }
.Ltmp7:
0xc4: {  	s23 =	sshll.u32 s23, $0xE;
	[tilespmem:s24+$0x5A40] =	vst v59;
	v1 =	vshrl.u32 v1, $0x10;
	v0 =	vadd.s32 $0x8000, v0;
	v2 =	vadd.s32 $0x8000, v2;
	(pc) =	sbr.rel .LBB2_8-.Ltmp7, $4  }
0xc5: {  	s23 =	sadd.s32 s7, s23;
	[tilespmem:s24+$0x5A50] =	vst v4;
	v1 =	vor.u32 v1, v3;
	v2 =	vand.u32 $0xFFFF0000, v2;
	v0 =	vshrl.u32 v0, $0x10  }
0xc6: {  	s23 =	sshrl.u32 s23, $0x3;
	[tilespmem:s24+$0x5A60] =	vst v1;
	v0 =	vor.u32 v0, v2  }
0xc7: {  	s23 =	sadd.s32 s4, s23;
	[tilespmem:s24+$0x5A70] =	vst v0  }
0xc8: {  	[hbm4b:s23+s2] =	stream.linear.scatter [tilespmem:s19], [sflag:$0x6], $0x4000, $0x38;
	[tilespmem:$0x12200] =	vst v63  }
.LBB2_10:
0xc9: {  	_ =	sfence.sel $0x180000  }
0xca: {  	[bflag:$0x0] =	sbarrier.arrive $0xFFFF  }
0xcb: {  	p0 =	sne.s32 s0, $0x0;
	_ =	strace $0x9000004A  }
0xcc: {  	s0 =	sadd.s32 @!p0 $0x100000, s1;
	[bflag:$0x2] =	sbarrier.arrive $0xFFFF  }
0xcd: {  	[sflag:s0] =	ssyncadd.tile.s32 @!p0 $0x1;
	_ =	shalt  }
.Lfunc_end2:
_tile_overlayer_lowered:
.L_overlay_start_2:
0xce: {  	(tag) =	ssettag $0x2  }
0xcf: {  	s0 =	rddreg [dreg:$0x0];
	s2 =	stileid.u32  }
0xd0: {  	s1 =	rddreg [dreg:$0x1];
	p0 =	sne.s32 s2, $0x0  }
0xd1: {  	s3 =	rddreg [dreg:$0x2];
	[bflag:$0x3] =	sbarrier.arrive $0xFFFF;
	s2 =	simm.s32 @!p0 $0x1C09  }
0xd2: {  	[timem:s3], [sflag:s2] =	dma.local @!p0 [hbm:s0], s1  }
0xd3: {  	s0 =	simm.s32 @!p0 $0x9  }
0xd4: {  	_ =	swait.ge @!p0 [sflag:s0], s1  }
0xd5: {  	s1 =	ssub.s32 @!p0 $0x0, s1;
	[sflag:s0] =	ssyncset.done @!p0 $0x0  }
0xd6: {  	[sflag:s0] =	ssyncadd.s32 @!p0 s1  }
0xd7: {  	[bflag:$0x3] =	sbarrier.arrive $0xFFFF  }
0xd8: {  	_ =	shalt  }

// kernel: kernel.15.cloned.1.call-start
scs
__scs_entry_jumppad:
0x0: {  	(pc) =	sbr.rel $0x88, $3  }
0x1: {  	(tag) =	ssettag $0x0;
	lr =	simm.s32 $0x1  }
0x2: {  	[smem:$0x3F97] =	sst lr;
	_ =	strace $0xD0000000  }
0x3: {  	_ = 	snop  }
0x4: {  	_ = 	snop  }
0x5: {  	_ = 	snop  }
0x6: {  	_ = 	snop  }
0x7: {  	_ = 	snop  }
__scs_overlays_trampoline_lowered:
0x8: {  	[smem:$0x3FA6] =	sst s0  }
0x9: {  	[smem:$0x3FA7] =	sst s1  }
0xa: {  	[smem:$0x3FA8] =	sst s2  }
0xb: {  	[smem:$0x3FA9] =	sst s3  }
0xc: {  	[smem:$0x3FAA] =	sst s4  }
0xd: {  	[smem:$0x3FAB] =	sst s5  }
0xe: {  	[smem:$0x3FAC] =	sst s6  }
0xf: {  	[smem:$0x3FAD] =	sst s7  }
0x10: {  	[smem:$0x3FAE] =	sst s8  }
0x11: {  	[smem:$0x3FAF] =	sst s9;
	s0 =	simm.s32 @!p0 $0x0  }
0x12: {  	s1 =	sld [smem:$0x3F95];
	s0 =	simm.s32 @p0 $0x1  }
0x13: {  	[smem:$0x3FB0] =	sst s0;
	s0 =	simm.s32 @!p1 $0x0  }
0x14: {  	s2 =	sld [smem:$0x3F94];
	s0 =	simm.s32 @p1 $0x1  }
0x15: {  	[smem:$0x3FB1] =	sst s0;
	s0 =	simm.s32 @!p2 $0x0  }
0x16: {  	s3 =	sld [smem:$0x3FDB];
	s0 =	simm.s32 @p2 $0x1  }
0x17: {  	s4 =	simm.s32 $0x1BF5;
	[smem:$0x3FB3] =	sst s0  }
0x18: {  	s0 =	sld [smem:$0x3F96];
	_ =	swait.ge [sflag:s4], $0x0  }
0x19: {  	s7 =	sld [smem:$0x3F97]  }
0x1a: {  	s8 =	sadd.s32 $0xFFFFE003, lr  }
0x1b: {  	s9 =	sadd.s32 $0xFFFFFEF7, lr;
	s5 =	simm.s32 $0xFFFFFFFF;
	p2 =	slt.u32 s8, $0xFFFFF086  }
0x1c: {  	p1 =	slt.u32 s9, $0xF7A;
	s5 =	simm.s32 @!p2 $0x0  }
0x1d: {  	s5 =	simm.s32 @p1 $0x1;
	p0 =	seq.s32 s7, s2  }
0x1e: {  	s7 =	smul.u32 @!p0 $0xF7A, s2;
	p2 =	seq.s32 @!p0 s5, $0x0  }
0x1f: {  	s9 =	smul.u32 $0xF7A, s1;
	s8 =	simm.s32 @!p0 $0x1BF5;
	p2 =	por !p2, p0  }
0x20: {  	[sflag:s8] =	ssyncset.s32 @!p0 $0xFFFFF086;
	s6 =	sadd.s32 @!p0 s3, s7;
	s7 =	simm.s32 @!p0 $0x108  }
0x21: {  	s3 =	sadd.s32 s3, s9;
	s6 =	sadd.s32 @!p0 $0x88, s6;
	s7 =	simm.s32 @p2 $0x1082  }
0x22: {  	[simem:s7], [sflag:s8] =	dma.local @!p0 [hbm:s6], $0xF7A  }
0x23: {  	s9 =	sor.u32 $0xD0000000, s2;
	s6 =	simm.s32 $0x108;
	_ =	swait.ge @!p0 [sflag:s8], $0x0  }
0x24: {  	s3 =	sadd.s32 $0x88, s3;
	s6 =	simm.s32 @!p1 $0x1082;
	[sflag:s4] =	ssyncset.s32 $0xFFFFF086  }
0x25: {  	[simem:s6], [sflag:s4] =	dma.local [hbm:s3], $0xF7A  }
0x26: {  	[smem:$0x3F97] =	sst s1;
	(tag) =	ssettag s2;
	_ =	strace s9  }
0x27: {  	s1 =	sld [smem:$0x3FA7]  }
0x28: {  	s2 =	sld [smem:$0x3FA8]  }
0x29: {  	s4 =	sld [smem:$0x3FAA]  }
0x2a: {  	p0 =	seq.s32 s5, $0x0;
	s5 =	sld [smem:$0x3FAB]  }
0x2b: {  	s6 =	sld [smem:$0x3FAC]  }
0x2c: {  	s7 =	sld [smem:$0x3FAD]  }
0x2d: {  	s3 =	simm.s32 $0x108;
	s8 =	sld [smem:$0x3FAE]  }
0x2e: {  	s3 =	simm.s32 @!p0 $0x1082;
	s9 =	sld [smem:$0x3FAF]  }
0x2f: {  	lr =	sadd.s32 s0, s3;
	s0 =	sld [smem:$0x3FA6]  }
0x30: {  	s3 =	sld [smem:$0x3FA9]  }
0x31: {  	[smem:$0x3FB2] =	sst s10  }
0x32: {  	s10 =	sld [smem:$0x3FB0];
	_ =	sdelay $0x3  }
0x33: {  	p0 =	seq.s32 s10, $0x1;
	s10 =	sld [smem:$0x3FB2];
	_ =	sdelay $0x3  }
0x34: {  	[smem:$0x3FB2] =	sst s10  }
0x35: {  	s10 =	sld [smem:$0x3FB1];
	_ =	sdelay $0x3  }
0x36: {  	p1 =	seq.s32 s10, $0x1;
	s10 =	sld [smem:$0x3FB2];
	_ =	sdelay $0x3  }
0x37: {  	[smem:$0x3FB2] =	sst s10  }
0x38: {  	s10 =	sld [smem:$0x3FB3]  }
0x39: {  	_ = 	snop;
	(pc) =	sbr.ind lr, $3  }
0x3a: {  	_ = 	snop  }
0x3b: {  	_ = 	snop  }
0x3c: {  	p2 =	seq.s32 s10, $0x1;
	s10 =	sld [smem:$0x3FB2]  }
0x3d: {  	_ =	shalt  }
0x3e: {  	_ =	shalt  }
0x3f: {  	_ =	shalt  }
0x40: {  	_ =	shalt  }
0x41: {  	_ =	shalt  }
0x42: {  	_ =	shalt  }
0x43: {  	_ =	shalt  }
0x44: {  	_ =	shalt  }
0x45: {  	_ =	shalt  }
0x46: {  	_ =	shalt  }
0x47: {  	_ =	shalt  }
0x48: {  	_ =	shalt  }
0x49: {  	_ =	shalt  }
0x4a: {  	_ =	shalt  }
0x4b: {  	_ =	shalt  }
0x4c: {  	_ =	shalt  }
0x4d: {  	_ =	shalt  }
0x4e: {  	_ =	shalt  }
0x4f: {  	_ =	shalt  }
0x50: {  	_ =	shalt  }
0x51: {  	_ =	shalt  }
0x52: {  	_ =	shalt  }
0x53: {  	_ =	shalt  }
0x54: {  	_ =	shalt  }
0x55: {  	_ =	shalt  }
0x56: {  	_ =	shalt  }
0x57: {  	_ =	shalt  }
0x58: {  	_ =	shalt  }
0x59: {  	_ =	shalt  }
0x5a: {  	_ =	shalt  }
0x5b: {  	_ =	shalt  }
0x5c: {  	_ =	shalt  }
0x5d: {  	_ =	shalt  }
0x5e: {  	_ =	shalt  }
0x5f: {  	_ =	shalt  }
0x60: {  	_ =	shalt  }
0x61: {  	_ =	shalt  }
0x62: {  	_ =	shalt  }
0x63: {  	_ =	shalt  }
0x64: {  	_ =	shalt  }
0x65: {  	_ =	shalt  }
0x66: {  	_ =	shalt  }
0x67: {  	_ =	shalt  }
0x68: {  	_ =	shalt  }
0x69: {  	_ =	shalt  }
0x6a: {  	_ =	shalt  }
0x6b: {  	_ =	shalt  }
0x6c: {  	_ =	shalt  }
0x6d: {  	_ =	shalt  }
0x6e: {  	_ =	shalt  }
0x6f: {  	_ =	shalt  }
0x70: {  	_ =	shalt  }
0x71: {  	_ =	shalt  }
0x72: {  	_ =	shalt  }
0x73: {  	_ =	shalt  }
0x74: {  	_ =	shalt  }
0x75: {  	_ =	shalt  }
0x76: {  	_ =	shalt  }
0x77: {  	_ =	shalt  }
0x78: {  	_ =	shalt  }
0x79: {  	_ =	shalt  }
0x7a: {  	_ =	shalt  }
0x7b: {  	_ =	shalt  }
0x7c: {  	_ =	shalt  }
0x7d: {  	_ =	shalt  }
0x7e: {  	_ =	shalt  }
0x7f: {  	_ =	shalt  }
0x80: {  	_ =	shalt  }
0x81: {  	_ =	shalt  }
0x82: {  	_ =	shalt  }
0x83: {  	_ =	shalt  }
0x84: {  	_ =	shalt  }
0x85: {  	_ =	shalt  }
0x86: {  	_ =	shalt  }
0x87: {  	_ =	shalt  }
.Lfunc_end0:
.L_simem_size_0:
called_computation.2_lowered:
.L_overlay_start_0:
0x88: {  	s2 =	sld [smem:$0x3FD9]  }
0x89: {  	s3 =	sld [smem:$0x3FFE];
	_ =	sdelay $0x1  }
0x8a: {  	s1 =	srdreg.scid  }
0x8b: {  	s0 =	sand.u32 $0x1, s1  }
0x8c: {  	s17 =	sshll.u32 s0, $0xA;
	s2 =	sadd.s32 s3, s2  }
0x8d: {  	s2 =	sadd.s32 s2, s17  }
0x8e: {  	[smem:$0x3FBE] =	sst s2  }
0x8f: {  	_ = 	snop  }
0x90: {  	(tm) =	ssettm $0x1  }
0x91: {  	s18 =	sld [smem:$0x3FFB];
	_ =	sdelay $0x3  }
0x92: {  	_ =	strace s18  }
0x93: {  	s2 =	sld [smem:$0x3FFC];
	_ =	sdelay $0x3  }
0x94: {  	_ =	strace s2  }
0x95: {  	s2 =	sld [smem:$0x3FFD];
	_ =	sdelay $0x3  }
0x96: {  	_ =	strace s2  }
0x97: {  	_ =	strace $0x8FFFFFFF  }
0x98: {  	s19 =	sld [smem:$0x3FDB];
	_ =	sdelay $0x1  }
0x99: {  	s20 =	simm.s32 $_scs_section_size  }
0x9a: {  	s4 =	simm.s32 $_size__tile_overlayer_lowered;
	s5 =	simm.s32 $_tile_overlayer_lowered  }
0x9b: {  	s6 =	simm.s32 $0x1BFF;
	s21 =	sshll.u32 s5, $0x1;
	s3 =	sadd.s32 s20, s19  }
0x9c: {  	s22 =	simm.s32 $0x0;
	s4 =	sshll.u32 s4, $0x1;
	s5 =	sadd.s32 s21, s3  }
0x9d: {  	[timem:s22], [sflag:s6] =	dma.local [hbm:s5], s4  }
0x9e: {  	_ =	swait.ge [sflag:s6], s4  }
0x9f: {  	s4 =	ssub.s32 $0x0, s4;
	[sflag:s6] =	ssyncset.done $0x0  }
0xa0: {  	[sflag:s6] =	ssyncadd.s32 s4;
	_ =	sdelay $0x1  }
0xa1: {  	s23 =	simm.s32 $0x1B8B  }
0xa2: {  	_ =	swait.ge [sflag:s23], $0x1  }
0xa3: {  	[sflag:s23] =	ssyncset.done $0x0  }
0xa4: {  	[sflag:s23] =	ssyncadd.s32 $0xFFFFFFFF  }
0xa5: {  	s4 =	sld [smem:$0x0]  }
0xa6: {  	s5 =	sand.u32 $0xFFFFFFFE, s1  }
0xa7: {  	p0 =	sne.s32 s1, s5  }
0xa8: {  	s5 =	sshll.u32 @p0 s5, $0xE  }
0xa9: {  	s5 =	sadd.s32 @p0 $0x11B8D, s5;
	s6 =	sshll.u32 @p0 s4, $0x11  }
0xaa: {  	s5 =	sor.u32 @p0 s6, s5  }
0xab: {  	[sflag:s5] =	ssyncadd.remote.s32 @p0 $0x1;
	_ =	sdelay $0x1  }
0xac: {  	s5 =	simm.s32 @p0 $0x1B8D  }
0xad: {  	_ =	swait.eq @p0 [sflag:s5], $0x1  }
0xae: {  	[sflag:s5] =	ssyncadd.s32 @p0 $0xFFFFFFFF  }
0xaf: {  	s6 =	sshll.u32 @!p0 s1, $0xE  }
0xb0: {  	s6 =	sor.u32 @!p0 $0x4000, s6;
	s5 =	simm.s32 @!p0 $0x1B8D  }
0xb1: {  	s4 =	sshll.u32 @!p0 s4, $0x11;
	s6 =	sadd.s32 @!p0 $0x11B8D, s6;
	_ =	swait.eq @!p0 [sflag:s5], $0x1  }
0xb2: {  	s4 =	sor.u32 @!p0 s4, s6;
	[sflag:s5] =	ssyncadd.s32 @!p0 $0xFFFFFFFF  }
0xb3: {  	s25 =	simm.s32 $0x1B8E;
	s24 =	sld [smem:$0x3FFE];
	[sflag:s4] =	ssyncadd.remote.s32 @!p0 $0x1  }
0xb4: {  	s26 =	simm.s32 $execute0_lowered;
	[smem:$0x3FD2] =	sst s25  }
0xb5: {  	s5 =	sshll.u32 s26, $0x1;
	_ =	strace $0x8000004C;
	[dreg:$0x1] =	wrdreg $0xFFFFFFFF  }
0xb6: {  	s28 =	simm.s32 $_size_execute0_lowered;
	s3 =	sadd.s32 s3, s5;
	[dreg:$0x0] =	wrdreg $0x0  }
0xb7: {  	s5 =	sshll.u32 s28, $0x1;
	[dreg:$0x2] =	wrdreg s3  }
0xb8: {  	[dreg:$0x3] =	wrdreg s5  }
0xb9: {  	[dreg:$0x4] =	wrdreg $0xC0  }
0xba: {  	_ =	task [dreg:s22], $0x5FFFF  }
0xbb: {  	[dreg:$0x1] =	wrdreg $0xFFFFFFFF  }
0xbc: {  	[dreg:$0x0] =	wrdreg $0x60  }
0xbd: {  	[dreg:$0x2] =	wrdreg s24  }
0xbe: {  	[dreg:$0x3] =	wrdreg $0xA  }
0xbf: {  	_ =	task.clear_ibuf [dreg:s22], $0x4FFFF;
	_ =	strace $0x9000004C  }
0xc0: {  	s29 =	simm.s32 $0xA;
	_ =	strace $0x8000004E  }
0xc1: {  	_ =	swait.ge [sflag:s29], $0x1  }
0xc2: {  	[sflag:s29] =	ssyncadd.s32 $0xFFFFFFFF  }
0xc3: {  	_ =	strace $0x9000004E  }
0xc4: {  	_ =	sfence  }
0xc5: {  	s30 =	sld [smem:$0x0];
	_ =	sdelay $0x2  }
0xc6: {  	s31 =	sshll.u32 s1, $0xD;
	s1 =	sshrl.u32 s1, $0x2  }
0xc7: {  	s4 =	sand.u32 $0x4000, s31;
	s1 =	sadd.s32 s1, s30  }
0xc8: {  	s0 =	sor.u32 s4, s0;
	s1 =	sshll.u32 s1, $0x11  }
0xc9: {  	s0 =	sor.u32 s1, s0  }
0xca: {  	s0 =	sadd.s32 $0x8F2B, s0  }
0xcb: {  	[sflag:s0] =	ssyncadd.remote.s32 $0x1  }
0xcc: {  	_ =	sfence.sel $0xFFFF  }
0xcd: {  	[dreg:$0x0] =	wrdreg $0xFFFFFFFF;
	(pc) =	sbr.abs _section_cstart, $3  }
0xce: {  	[dreg:$0x1] =	wrdreg $0xFFFFFFFF  }
0xcf: {  	_ =	task.clear_ibuf [dreg:s22], $0x2FFFF;
	_ =	strace $0x9FFFFFFF  }
0xd0: {  	(tm) =	ssettm $0x7FFFFFFF  }
0xd1: {  	_ =	shalt  }
tec
execute0_lowered:
.L_overlay_start_1:
0x0: {  	(tag) =	ssettag $0x1  }
0x1: {  	s1 =	srdreg.scid;
	s0 =	stileid.u32  }
0x2: {  	s5 =	rddreg [dreg:$0x0];
	s2 =	simm.s32 $0x0;
	s9 =	simm.s32 $0x9  }
0x3: {  	s10 =	simm.s32 $0x780;
	s11 =	simm.s32 $0x48;
	s12 =	simm.s32 $0x1000  }
0x4: {  	s13 =	simm.s32 $0x5800;
	s14 =	simm.s32 $0x1;
	s15 =	simm.s32 $0x3  }
0x5: {  	s16 =	simm.s32 $0x2;
	s4 =	sand.u32 $0x1, s1;
	s31 =	sshll.u32 s0, $0x1  }
0x6: {  	s17 =	simm.s32 $0x4;
	s18 =	simm.s32 $0x5;
	s3 =	sor.u32 s4, s31  }
0x7: {  	s19 =	simm.s32 $0x3400;
	s20 =	simm.s32 $0x6;
	s3 =	smul.u32 $0x708, s3  }
.Ltmp0:
0x8: {  	s1 =	rddreg [dreg:$0x1];
	s6 =	ssub.s32 $0x2, s4;
	(pc) =	sbr.rel .LBB2_1-.Ltmp0, $4  }
0x9: {  	s21 =	simm.s32 $0x0;
	[smem:$0x7FF] =	sst s2;
	s8 =	sshrl.u32 s6, $0x1  }
0xa: {  	_ =	strace $0x8000004D;
	s8 =	ssub.s32 s6, s8;
	s7 =	sshrl.u32 s3, $0x3  }
0xb: {  	s4 =	sadd.s32 $0xCA00, s5;
	s8 =	smax.u32 s8, $0x1;
	s7 =	sadd.s32 s5, s7  }
0xc: {  	s5 =	sadd.s32 $0x1C3C00, s5;
	s6 =	sadd.s32 $0x5C00, s7;
	s7 =	sadd.s32 $0xAC00, s7  }
.LBB2_9:
0xd: {  	s21 =	sadd.s32 $0x1, s21  }
0xe: {  	_ =	swait.ge [sflag:s18], $0x2400;
	p0 =	sne.s32 s21, s8  }
.Ltmp1:
0xf: {  	[sflag:s18] =	ssyncset.done $0x0;
	(pc) =	sbr.rel @!p0 .LBB2_10-.Ltmp1, $4  }
0x10: {  	[sflag:s18] =	ssyncadd.s32 $0xFFFFDC00  }
0x11: {  	_ =	swait.ge [sflag:s20], $0x2400  }
0x12: {  	[sflag:s20] =	ssyncset.done $0x0  }
0x13: {  	[sflag:s20] =	ssyncadd.s32 $0xFFFFDC00  }
.LBB2_1:
0x14: {  	[tilespmem:s2], [sflag:$0x9] =	stream.linear.gather [hbm4b:s6+s2], $0x708, $0x38;
	[tilespmem:$0xA800] =	vst v63  }
0x15: {  	_ =	swait.ge [sflag:s9], $0x708  }
0x16: {  	[sflag:s9] =	ssyncset.done $0x0  }
0x17: {  	[sflag:s9] =	ssyncadd.s32 $0xFFFFF8F8  }
0x18: {  	[tilespmem:s10], [sflag:$0x9] =	stream.linear.gather [hbm4b:s7+s2], $0x708, $0x38;
	[tilespmem:$0xA800] =	vst v63  }
0x19: {  	_ =	swait.ge [sflag:s9], $0x708  }
.Ltmp2:
0x1a: {  	[sflag:s9] =	ssyncset.done $0x0;
	(pc) =	sbr.rel .LBB2_2-.Ltmp2, $4  }
0x1b: {  	[sflag:s9] =	ssyncadd.s32 $0xFFFFF8F8  }
0x1c: {  	[tilespmem:s12], [sflag:$0x1] =	stream.indirect.gather [hbm4b:s4+s11], $0x80, s2, s11, $0xb8;
	[tilespmem:$0xA800] =	vst v63  }
0x1d: {  	s22 =	simm.s32 $0x0  }
0x1e: {  	[tilespmem:s13], [sflag:$0x3] =	stream.indirect.gather [hbm4b:s4+s11], $0x80, s10, s11, $0xb8;
	[tilespmem:$0xA800] =	vst v63  }
.LBB2_8:
0x1f: {  	s22 =	sadd.s32 $0x1, s22  }
0x20: {  	p0 =	sne.s32 s22, $0xD  }
.Ltmp3:
0x21: {  	_ = 	snop;
	(pc) =	sbr.rel @!p0 .LBB2_9-.Ltmp3, $1  }
0x22: {  	_ =	sdelay $0x3  }
.LBB2_2:
0x23: {  	_ =	swait.ge [sflag:s14], $0x2400  }
0x24: {  	s23 =	sshllo.u32 s22, $0x1;
	[sflag:s14] =	ssyncset.done $0x0  }
0x25: {  	p0 =	sgt.u32 s23, $0x18;
	[sflag:s14] =	ssyncadd.s32 $0xFFFFDC00  }
0x26: {  	p1 =	seq.s32 @!p0 s22, $0x0;
	_ =	swait.ge [sflag:s15], $0x2400  }
0x27: {  	p1 =	por p1, p0;
	[sflag:s15] =	ssyncset.done $0x0  }
0x28: {  	s24 =	simm.s32 @!p1 $0x6;
	[sflag:s15] =	ssyncadd.s32 $0xFFFFDC00  }
0x29: {  	_ =	swait.ge @!p1 [sflag:s24], $0x2400  }
0x2a: {  	s25 =	smul.u32 @!p0 $0x48, s23;
	[sflag:s24] =	ssyncset.done @!p1 $0x0  }
0x2b: {  	s26 =	simm.s32 @!p0 $0x3400;
	[sflag:s24] =	ssyncadd.s32 @!p1 $0xFFFFDC00;
	s24 =	simm.s32 @!p0 $0x48  }
0x2c: {  	[tilespmem:s26], [sflag:$0x2] =	stream.indirect.gather @!p0 [hbm4b:s4+s24], $0x80, s25, s24, $0xb8;
	[tilespmem:$0xA800] =	vst v63  }
0x2d: {  	s25 =	sadd.s32 @!p0 $0x780, s25;
	s26 =	simm.s32 @!p0 $0x7C00  }
0x2e: {  	[tilespmem:s26], [sflag:$0x4] =	stream.indirect.gather @!p0 [hbm4b:s4+s24], $0x80, s25, s24, $0xb8;
	[tilespmem:$0xA800] =	vst v63  }
0x2f: {  	s24 =	simm.s32 $0x0  }
0x30: {  	v0 =	vld [tilespmem:s24+$0x5800]  }
0x31: {  	v1 =	vld [tilespmem:s24+$0x5810]  }
0x32: {  	v2 =	vld [tilespmem:s24+$0x5820]  }
0x33: {  	v3 =	vld [tilespmem:s24+$0x5830]  }
0x34: {  	v4 =	vld [tilespmem:s24+$0x5840]  }
0x35: {  	v5 =	vld [tilespmem:s24+$0x5850]  }
0x36: {  	v7 =	vld [tilespmem:s24+$0x1000]  }
0x37: {  	v6 =	vld [tilespmem:s24+$0x5860]  }
0x38: {  	v10 =	vld [tilespmem:s24+$0x5870];
	v8 =	vshll.u32 v0, $0x10;
	v0 =	vand.u32 $0xFFFF0000, v0;
	v9 =	vshll.u32 v1, $0x10  }
0x39: {  	v11 =	vld [tilespmem:s24+$0x1010];
	v12 =	vand.u32 $0xFFFF0000, v1;
	v13 =	vshll.u32 v2, $0x10;
	v14 =	vand.u32 $0xFFFF0000, v2  }
0x3a: {  	v15 =	vshll.u32 v3, $0x10;
	v16 =	vand.u32 $0xFFFF0000, v3;
	v17 =	vshll.u32 v4, $0x10  }
0x3b: {  	v19 =	vld [tilespmem:s24+$0x1020];
	v18 =	vand.u32 $0xFFFF0000, v4;
	v4 =	vshll.u32 v5, $0x10;
	v2 =	vand.u32 $0xFFFF0000, v7  }
0x3c: {  	v1 =	vshll.u32 v6, $0x10;
	v3 =	vand.u32 $0xFFFF0000, v6;
	v6 =	vshll.u32 v7, $0x10  }
0x3d: {  	v7 =	vadd.f32 v0, v2;
	v0 =	vshll.u32 v10, $0x10;
	v6 =	vadd.f32 v8, v6  }
0x3e: {  	v8 =	vshll.u32 v11, $0x10;
	v2 =	vand.u32 $0xFFFF0000, v10;
	v10 =	vand.u32 $0xFFFF0000, v11  }
0x3f: {  	v5 =	vand.u32 $0xFFFF0000, v5;
	v8 =	vadd.f32 v9, v8;
	v9 =	vadd.f32 v12, v10  }
0x40: {  	v11 =	vld [tilespmem:s24+$0x1030];
	v10 =	vand.u32 $0xFFFF0000, v19;
	v12 =	vshll.u32 v19, $0x10;
	v7 =	vadd.s32 $0x8000, v7  }
0x41: {  	v6 =	vadd.s32 $0x8000, v6;
	v10 =	vadd.f32 v14, v10;
	v12 =	vadd.f32 v13, v12  }
0x42: {  	v14 =	vld [tilespmem:s24+$0x1040];
	v7 =	vand.u32 $0xFFFF0000, v7;
	v8 =	vadd.s32 $0x8000, v8;
	v9 =	vadd.s32 $0x8000, v9  }
0x43: {  	v6 =	vshrl.u32 v6, $0x10;
	v9 =	vand.u32 $0xFFFF0000, v9;
	v8 =	vshrl.u32 v8, $0x10  }
0x44: {  	v7 =	vor.u32 v6, v7;
	v6 =	vor.u32 v8, v9;
	v8 =	vadd.s32 $0x8000, v10  }
0x45: {  	v9 =	vadd.s32 $0x8000, v12;
	v12 =	vand.u32 $0xFFFF0000, v11;
	v10 =	vld [tilespmem:s24+$0x1050];
	v11 =	vshll.u32 v11, $0x10  }
0x46: {  	v8 =	vand.u32 $0xFFFF0000, v8;
	v9 =	vshrl.u32 v9, $0x10;
	v12 =	vadd.f32 v16, v12  }
0x47: {  	v8 =	vor.u32 v9, v8;
	v9 =	vadd.f32 v15, v11;
	v11 =	vshll.u32 v14, $0x10  }
0x48: {  	v13 =	vand.u32 $0xFFFF0000, v14;
	v12 =	vadd.s32 $0x8000, v12;
	v15 =	vadd.f32 v17, v11  }
0x49: {  	v14 =	vadd.f32 v18, v13;
	v16 =	vadd.s32 $0x8000, v9;
	v11 =	vand.u32 $0xFFFF0000, v12;
	v9 =	vld [tilespmem:s24+$0x1060]  }
0x4a: {  	s25 =	simm.s32 $0x200;
	v12 =	vshrl.u32 v16, $0x10;
	v13 =	vadd.s32 $0x8000, v15;
	v15 =	vand.u32 $0xFFFF0000, v10  }
.LBB2_3:
0x4b: {  	p1 =	sne.s32 s25, $0x8E00;
	v14 =	vadd.s32 $0x8000, v14;
	v10 =	vshll.u32 v10, $0x10;
	v5 =	vadd.f32 v5, v15;
	v15 =	vld [tilespmem:s24+$0x1070]  }
0x4c: {  	v13 =	vshrl.u32 v13, $0x10;
	v14 =	vand.u32 $0xFFFF0000, v14;
	v4 =	vadd.f32 v4, v10  }
0x4d: {  	s26 =	sshra.s32 s25, $0x2;
	v10 =	vor.u32 v12, v11;
	v11 =	vor.u32 v13, v14;
	v5 =	vadd.s32 $0x8000, v5  }
0x4e: {  	v12 =	vld [tilespmem:s26+$0x5800];
	v4 =	vadd.s32 $0x8000, v4;
	v5 =	vand.u32 $0xFFFF0000, v5;
	v13 =	vand.u32 $0xFFFF0000, v9  }
0x4f: {  	v14 =	vld [tilespmem:s26+$0x5810];
	[tilespmem:s24+$0x1000] =	vst v7;
	v4 =	vshrl.u32 v4, $0x10;
	v7 =	vshll.u32 v9, $0x10;
	v3 =	vadd.f32 v3, v13  }
0x50: {  	v9 =	vld [tilespmem:s26+$0x5820];
	[tilespmem:s24+$0x1010] =	vst v6;
	v1 =	vadd.f32 v1, v7;
	v6 =	vshll.u32 v15, $0x10;
	v7 =	vand.u32 $0xFFFF0000, v15  }
0x51: {  	v13 =	vld [tilespmem:s26+$0x5830];
	[tilespmem:s24+$0x1020] =	vst v8;
	v3 =	vadd.s32 $0x8000, v3;
	v0 =	vadd.f32 v0, v6;
	v2 =	vadd.f32 v2, v7  }
0x52: {  	v4 =	vor.u32 v4, v5;
	v6 =	vld [tilespmem:s26+$0x5840];
	[tilespmem:s24+$0x1030] =	vst v10;
	v1 =	vadd.s32 $0x8000, v1;
	v3 =	vand.u32 $0xFFFF0000, v3  }
0x53: {  	v5 =	vld [tilespmem:s26+$0x5850];
	[tilespmem:s24+$0x1040] =	vst v11;
	v1 =	vshrl.u32 v1, $0x10;
	v0 =	vadd.s32 $0x8000, v0;
	v2 =	vadd.s32 $0x8000, v2  }
0x54: {  	v7 =	vld [tilespmem:s26+$0x5860];
	[tilespmem:s24+$0x1050] =	vst v4;
	v1 =	vor.u32 v1, v3;
	v2 =	vand.u32 $0xFFFF0000, v2;
	v0 =	vshrl.u32 v0, $0x10  }
0x55: {  	v8 =	vld [tilespmem:s26+$0x1000];
	[tilespmem:s24+$0x1060] =	vst v1;
	v0 =	vor.u32 v0, v2  }
0x56: {  	v10 =	vand.u32 $0xFFFF0000, v12;
	v11 =	vshll.u32 v14, $0x10;
	v2 =	vshll.u32 v12, $0x10;
	v12 =	vld [tilespmem:s26+$0x5870];
	[tilespmem:s24+$0x1070] =	vst v0;
	s24 =	smov.u32 s26  }
0x57: {  	v14 =	vand.u32 $0xFFFF0000, v14;
	v16 =	vshll.u32 v9, $0x10;
	v9 =	vand.u32 $0xFFFF0000, v9;
	v15 =	vld [tilespmem:s24+$0x1010]  }
0x58: {  	v17 =	vshll.u32 v13, $0x10;
	v13 =	vand.u32 $0xFFFF0000, v13;
	v18 =	vshll.u32 v6, $0x10  }
0x59: {  	v19 =	vand.u32 $0xFFFF0000, v6;
	v4 =	vshll.u32 v5, $0x10;
	v5 =	vand.u32 $0xFFFF0000, v5  }
0x5a: {  	v1 =	vshll.u32 v7, $0x10;
	v3 =	vand.u32 $0xFFFF0000, v7;
	v0 =	vand.u32 $0xFFFF0000, v8;
	v6 =	vld [tilespmem:s24+$0x1020]  }
0x5b: {  	v7 =	vshll.u32 v8, $0x10;
	v8 =	vadd.f32 v10, v0;
	v0 =	vshll.u32 v12, $0x10  }
0x5c: {  	v7 =	vadd.f32 v2, v7;
	v2 =	vand.u32 $0xFFFF0000, v12;
	v10 =	vshll.u32 v15, $0x10  }
0x5d: {  	v12 =	vand.u32 $0xFFFF0000, v15;
	v8 =	vadd.s32 $0x8000, v8;
	v10 =	vadd.f32 v11, v10  }
0x5e: {  	v7 =	vadd.s32 $0x8000, v7;
	v11 =	vadd.f32 v14, v12;
	v8 =	vand.u32 $0xFFFF0000, v8;
	v12 =	vld [tilespmem:s24+$0x1030]  }
0x5f: {  	v7 =	vshrl.u32 v7, $0x10;
	v10 =	vadd.s32 $0x8000, v10;
	v14 =	vand.u32 $0xFFFF0000, v6  }
0x60: {  	v11 =	vadd.s32 $0x8000, v11;
	v6 =	vshll.u32 v6, $0x10;
	v9 =	vadd.f32 v9, v14;
	v14 =	vld [tilespmem:s24+$0x1040]  }
0x61: {  	v11 =	vand.u32 $0xFFFF0000, v11;
	v10 =	vshrl.u32 v10, $0x10;
	v15 =	vadd.f32 v16, v6  }
0x62: {  	v7 =	vor.u32 v7, v8;
	v6 =	vor.u32 v10, v11;
	v8 =	vadd.s32 $0x8000, v9  }
0x63: {  	v9 =	vadd.s32 $0x8000, v15;
	v8 =	vand.u32 $0xFFFF0000, v8;
	v11 =	vand.u32 $0xFFFF0000, v12;
	v10 =	vld [tilespmem:s24+$0x1050]  }
.Ltmp4:
0x64: {  	v9 =	vshrl.u32 v9, $0x10;
	v12 =	vshll.u32 v12, $0x10;
	v11 =	vadd.f32 v13, v11;
	(pc) =	sbr.rel @p1 .LBB2_3-.Ltmp4, $4  }
0x65: {  	v8 =	vor.u32 v9, v8;
	v9 =	vadd.f32 v17, v12;
	v12 =	vshll.u32 v14, $0x10  }
0x66: {  	v13 =	vand.u32 $0xFFFF0000, v14;
	v11 =	vadd.s32 $0x8000, v11;
	v15 =	vadd.f32 v18, v12  }
0x67: {  	v12 =	vadd.s32 $0x8000, v9;
	v14 =	vadd.f32 v19, v13;
	v11 =	vand.u32 $0xFFFF0000, v11;
	v9 =	vld [tilespmem:s24+$0x1060]  }
0x68: {  	s25 =	sadd.s32 $0x200, s25;
	v12 =	vshrl.u32 v12, $0x10;
	v13 =	vadd.s32 $0x8000, v15;
	v15 =	vand.u32 $0xFFFF0000, v10  }
0x69: {  	v14 =	vadd.s32 $0x8000, v14;
	v10 =	vshll.u32 v10, $0x10;
	v5 =	vadd.f32 v5, v15;
	v57 =	vld [tilespmem:s24+$0x1070]  }
0x6a: {  	v13 =	vshrl.u32 v13, $0x10;
	v14 =	vand.u32 $0xFFFF0000, v14;
	v4 =	vadd.f32 v4, v10  }
0x6b: {  	v58 =	vor.u32 v12, v11;
	v59 =	vor.u32 v13, v14;
	v5 =	vadd.s32 $0x8000, v5  }
0x6c: {  	v4 =	vadd.s32 $0x8000, v4;
	v5 =	vand.u32 $0xFFFF0000, v5;
	v60 =	vand.u32 $0xFFFF0000, v9  }
0x6d: {  	[tilespmem:s24+$0x1000] =	vst v7;
	v61 =	vshll.u32 v9, $0x10;
	v4 =	vshrl.u32 v4, $0x10;
	v3 =	vadd.f32 v3, v60  }
0x6e: {  	[tilespmem:s24+$0x1010] =	vst v6;
	v1 =	vadd.f32 v1, v61;
	v62 =	vshll.u32 v57, $0x10;
	v63 =	vand.u32 $0xFFFF0000, v57  }
0x6f: {  	[tilespmem:s24+$0x1020] =	vst v8;
	v3 =	vadd.s32 $0x8000, v3;
	v0 =	vadd.f32 v0, v62;
	v2 =	vadd.f32 v2, v63  }
0x70: {  	s25 =	smul.u32 $0x90, s22;
	[tilespmem:s24+$0x1030] =	vst v58;
	v4 =	vor.u32 v4, v5;
	v1 =	vadd.s32 $0x8000, v1;
	v3 =	vand.u32 $0xFFFF0000, v3  }
.Ltmp5:
0x71: {  	[tilespmem:s24+$0x1040] =	vst v59;
	v1 =	vshrl.u32 v1, $0x10;
	v0 =	vadd.s32 $0x8000, v0;
	v2 =	vadd.s32 $0x8000, v2;
	(pc) =	sbr.rel @p0 .LBB2_8-.Ltmp5, $4  }
0x72: {  	s26 =	sadd.s32 s3, s25;
	[tilespmem:s24+$0x1050] =	vst v4;
	v1 =	vor.u32 v1, v3;
	v2 =	vand.u32 $0xFFFF0000, v2;
	v0 =	vshrl.u32 v0, $0x10  }
0x73: {  	s26 =	sshll.u32 s26, $0x4;
	[tilespmem:s24+$0x1060] =	vst v1;
	v0 =	vor.u32 v0, v2  }
0x74: {  	s31 =	sadd.s32 s5, s26;
	[tilespmem:s24+$0x1070] =	vst v0  }
0x75: {  	[hbm4b:s31+s2] =	stream.linear.scatter [tilespmem:s12], [sflag:$0x5], $0x2400, $0x38;
	[tilespmem:$0xA800] =	vst v63  }
0x76: {  	_ =	swait.ge [sflag:s16], $0x2400  }
0x77: {  	[sflag:s16] =	ssyncset.done $0x0  }
0x78: {  	[sflag:s16] =	ssyncadd.s32 $0xFFFFDC00  }
0x79: {  	_ =	swait.ge [sflag:s17], $0x2400  }
0x7a: {  	[sflag:s17] =	ssyncset.done $0x0  }
0x7b: {  	[sflag:s17] =	ssyncadd.s32 $0xFFFFDC00  }
0x7c: {  	_ =	swait.ge [sflag:s18], $0x2400  }
0x7d: {  	[sflag:s18] =	ssyncset.done $0x0  }
0x7e: {  	s24 =	sadd.s32 $0x90, s25;
	[sflag:s18] =	ssyncadd.s32 $0xFFFFDC00  }
0x7f: {  	[tilespmem:s12], [sflag:$0x1] =	stream.indirect.gather [hbm4b:s4+s11], $0x80, s24, s11, $0xb8;
	[tilespmem:$0xA800] =	vst v63  }
0x80: {  	s31 =	sadd.s32 $0x810, s25;
	s24 =	simm.s32 $0x0  }
0x81: {  	[tilespmem:s13], [sflag:$0x3] =	stream.indirect.gather [hbm4b:s4+s11], $0x80, s31, s11, $0xb8;
	[tilespmem:$0xA800] =	vst v63  }
0x82: {  	v0 =	vld [tilespmem:s24+$0x7C00]  }
0x83: {  	v1 =	vld [tilespmem:s24+$0x7C10]  }
0x84: {  	v2 =	vld [tilespmem:s24+$0x7C20]  }
0x85: {  	v3 =	vld [tilespmem:s24+$0x7C30]  }
0x86: {  	v4 =	vld [tilespmem:s24+$0x7C40]  }
0x87: {  	v5 =	vld [tilespmem:s24+$0x7C50]  }
0x88: {  	v7 =	vld [tilespmem:s24+$0x3400]  }
0x89: {  	v6 =	vld [tilespmem:s24+$0x7C60]  }
0x8a: {  	v10 =	vld [tilespmem:s24+$0x7C70];
	v8 =	vshll.u32 v0, $0x10;
	v0 =	vand.u32 $0xFFFF0000, v0;
	v9 =	vshll.u32 v1, $0x10  }
0x8b: {  	v11 =	vld [tilespmem:s24+$0x3410];
	v12 =	vand.u32 $0xFFFF0000, v1;
	v13 =	vshll.u32 v2, $0x10;
	v14 =	vand.u32 $0xFFFF0000, v2  }
0x8c: {  	v15 =	vshll.u32 v3, $0x10;
	v16 =	vand.u32 $0xFFFF0000, v3;
	v17 =	vshll.u32 v4, $0x10  }
0x8d: {  	v19 =	vld [tilespmem:s24+$0x3420];
	v18 =	vand.u32 $0xFFFF0000, v4;
	v4 =	vshll.u32 v5, $0x10;
	v2 =	vand.u32 $0xFFFF0000, v7  }
0x8e: {  	v1 =	vshll.u32 v6, $0x10;
	v3 =	vand.u32 $0xFFFF0000, v6;
	v6 =	vshll.u32 v7, $0x10  }
0x8f: {  	v7 =	vadd.f32 v0, v2;
	v0 =	vshll.u32 v10, $0x10;
	v6 =	vadd.f32 v8, v6  }
0x90: {  	v8 =	vshll.u32 v11, $0x10;
	v2 =	vand.u32 $0xFFFF0000, v10;
	v10 =	vand.u32 $0xFFFF0000, v11  }
0x91: {  	v5 =	vand.u32 $0xFFFF0000, v5;
	v8 =	vadd.f32 v9, v8;
	v9 =	vadd.f32 v12, v10  }
0x92: {  	v11 =	vld [tilespmem:s24+$0x3430];
	v10 =	vand.u32 $0xFFFF0000, v19;
	v12 =	vshll.u32 v19, $0x10;
	v7 =	vadd.s32 $0x8000, v7  }
0x93: {  	v6 =	vadd.s32 $0x8000, v6;
	v10 =	vadd.f32 v14, v10;
	v12 =	vadd.f32 v13, v12  }
0x94: {  	v14 =	vld [tilespmem:s24+$0x3440];
	v7 =	vand.u32 $0xFFFF0000, v7;
	v8 =	vadd.s32 $0x8000, v8;
	v9 =	vadd.s32 $0x8000, v9  }
0x95: {  	v6 =	vshrl.u32 v6, $0x10;
	v9 =	vand.u32 $0xFFFF0000, v9;
	v8 =	vshrl.u32 v8, $0x10  }
0x96: {  	v7 =	vor.u32 v6, v7;
	v6 =	vor.u32 v8, v9;
	v8 =	vadd.s32 $0x8000, v10  }
0x97: {  	v9 =	vadd.s32 $0x8000, v12;
	v12 =	vand.u32 $0xFFFF0000, v11;
	v10 =	vld [tilespmem:s24+$0x3450];
	v11 =	vshll.u32 v11, $0x10  }
0x98: {  	v8 =	vand.u32 $0xFFFF0000, v8;
	v9 =	vshrl.u32 v9, $0x10;
	v12 =	vadd.f32 v16, v12  }
0x99: {  	v8 =	vor.u32 v9, v8;
	v9 =	vadd.f32 v15, v11;
	v11 =	vshll.u32 v14, $0x10  }
0x9a: {  	v13 =	vand.u32 $0xFFFF0000, v14;
	v12 =	vadd.s32 $0x8000, v12;
	v15 =	vadd.f32 v17, v11  }
0x9b: {  	v14 =	vadd.f32 v18, v13;
	v16 =	vadd.s32 $0x8000, v9;
	v11 =	vand.u32 $0xFFFF0000, v12;
	v9 =	vld [tilespmem:s24+$0x3460]  }
0x9c: {  	s25 =	simm.s32 $0x200;
	v12 =	vshrl.u32 v16, $0x10;
	v13 =	vadd.s32 $0x8000, v15;
	v15 =	vand.u32 $0xFFFF0000, v10  }
.LBB2_6:
0x9d: {  	p0 =	sne.s32 s25, $0x8E00;
	v14 =	vadd.s32 $0x8000, v14;
	v10 =	vshll.u32 v10, $0x10;
	v5 =	vadd.f32 v5, v15;
	v15 =	vld [tilespmem:s24+$0x3470]  }
0x9e: {  	v13 =	vshrl.u32 v13, $0x10;
	v14 =	vand.u32 $0xFFFF0000, v14;
	v4 =	vadd.f32 v4, v10  }
0x9f: {  	s26 =	sshra.s32 s25, $0x2;
	v10 =	vor.u32 v12, v11;
	v11 =	vor.u32 v13, v14;
	v5 =	vadd.s32 $0x8000, v5  }
0xa0: {  	v12 =	vld [tilespmem:s26+$0x7C00];
	v4 =	vadd.s32 $0x8000, v4;
	v5 =	vand.u32 $0xFFFF0000, v5;
	v13 =	vand.u32 $0xFFFF0000, v9  }
0xa1: {  	v14 =	vld [tilespmem:s26+$0x7C10];
	[tilespmem:s24+$0x3400] =	vst v7;
	v4 =	vshrl.u32 v4, $0x10;
	v7 =	vshll.u32 v9, $0x10;
	v3 =	vadd.f32 v3, v13  }
0xa2: {  	v9 =	vld [tilespmem:s26+$0x7C20];
	[tilespmem:s24+$0x3410] =	vst v6;
	v1 =	vadd.f32 v1, v7;
	v6 =	vshll.u32 v15, $0x10;
	v7 =	vand.u32 $0xFFFF0000, v15  }
0xa3: {  	v13 =	vld [tilespmem:s26+$0x7C30];
	[tilespmem:s24+$0x3420] =	vst v8;
	v3 =	vadd.s32 $0x8000, v3;
	v0 =	vadd.f32 v0, v6;
	v2 =	vadd.f32 v2, v7  }
0xa4: {  	v4 =	vor.u32 v4, v5;
	v6 =	vld [tilespmem:s26+$0x7C40];
	[tilespmem:s24+$0x3430] =	vst v10;
	v1 =	vadd.s32 $0x8000, v1;
	v3 =	vand.u32 $0xFFFF0000, v3  }
0xa5: {  	v5 =	vld [tilespmem:s26+$0x7C50];
	[tilespmem:s24+$0x3440] =	vst v11;
	v1 =	vshrl.u32 v1, $0x10;
	v0 =	vadd.s32 $0x8000, v0;
	v2 =	vadd.s32 $0x8000, v2  }
0xa6: {  	v7 =	vld [tilespmem:s26+$0x7C60];
	[tilespmem:s24+$0x3450] =	vst v4;
	v1 =	vor.u32 v1, v3;
	v2 =	vand.u32 $0xFFFF0000, v2;
	v0 =	vshrl.u32 v0, $0x10  }
0xa7: {  	v8 =	vld [tilespmem:s26+$0x3400];
	[tilespmem:s24+$0x3460] =	vst v1;
	v0 =	vor.u32 v0, v2  }
0xa8: {  	v10 =	vand.u32 $0xFFFF0000, v12;
	v11 =	vshll.u32 v14, $0x10;
	v2 =	vshll.u32 v12, $0x10;
	v12 =	vld [tilespmem:s26+$0x7C70];
	[tilespmem:s24+$0x3470] =	vst v0;
	s24 =	smov.u32 s26  }
0xa9: {  	v14 =	vand.u32 $0xFFFF0000, v14;
	v16 =	vshll.u32 v9, $0x10;
	v9 =	vand.u32 $0xFFFF0000, v9;
	v15 =	vld [tilespmem:s24+$0x3410]  }
0xaa: {  	v17 =	vshll.u32 v13, $0x10;
	v13 =	vand.u32 $0xFFFF0000, v13;
	v18 =	vshll.u32 v6, $0x10  }
0xab: {  	v19 =	vand.u32 $0xFFFF0000, v6;
	v4 =	vshll.u32 v5, $0x10;
	v5 =	vand.u32 $0xFFFF0000, v5  }
0xac: {  	v1 =	vshll.u32 v7, $0x10;
	v3 =	vand.u32 $0xFFFF0000, v7;
	v0 =	vand.u32 $0xFFFF0000, v8;
	v6 =	vld [tilespmem:s24+$0x3420]  }
0xad: {  	v7 =	vshll.u32 v8, $0x10;
	v8 =	vadd.f32 v10, v0;
	v0 =	vshll.u32 v12, $0x10  }
0xae: {  	v7 =	vadd.f32 v2, v7;
	v2 =	vand.u32 $0xFFFF0000, v12;
	v10 =	vshll.u32 v15, $0x10  }
0xaf: {  	v12 =	vand.u32 $0xFFFF0000, v15;
	v8 =	vadd.s32 $0x8000, v8;
	v10 =	vadd.f32 v11, v10  }
0xb0: {  	v7 =	vadd.s32 $0x8000, v7;
	v11 =	vadd.f32 v14, v12;
	v8 =	vand.u32 $0xFFFF0000, v8;
	v12 =	vld [tilespmem:s24+$0x3430]  }
0xb1: {  	v7 =	vshrl.u32 v7, $0x10;
	v10 =	vadd.s32 $0x8000, v10;
	v14 =	vand.u32 $0xFFFF0000, v6  }
0xb2: {  	v11 =	vadd.s32 $0x8000, v11;
	v6 =	vshll.u32 v6, $0x10;
	v9 =	vadd.f32 v9, v14;
	v14 =	vld [tilespmem:s24+$0x3440]  }
0xb3: {  	v11 =	vand.u32 $0xFFFF0000, v11;
	v10 =	vshrl.u32 v10, $0x10;
	v15 =	vadd.f32 v16, v6  }
0xb4: {  	v7 =	vor.u32 v7, v8;
	v6 =	vor.u32 v10, v11;
	v8 =	vadd.s32 $0x8000, v9  }
0xb5: {  	v9 =	vadd.s32 $0x8000, v15;
	v8 =	vand.u32 $0xFFFF0000, v8;
	v11 =	vand.u32 $0xFFFF0000, v12;
	v10 =	vld [tilespmem:s24+$0x3450]  }
.Ltmp6:
0xb6: {  	v9 =	vshrl.u32 v9, $0x10;
	v12 =	vshll.u32 v12, $0x10;
	v11 =	vadd.f32 v13, v11;
	(pc) =	sbr.rel @p0 .LBB2_6-.Ltmp6, $4  }
0xb7: {  	v8 =	vor.u32 v9, v8;
	v9 =	vadd.f32 v17, v12;
	v12 =	vshll.u32 v14, $0x10  }
0xb8: {  	v13 =	vand.u32 $0xFFFF0000, v14;
	v11 =	vadd.s32 $0x8000, v11;
	v15 =	vadd.f32 v18, v12  }
0xb9: {  	v12 =	vadd.s32 $0x8000, v9;
	v14 =	vadd.f32 v19, v13;
	v11 =	vand.u32 $0xFFFF0000, v11;
	v9 =	vld [tilespmem:s24+$0x3460]  }
0xba: {  	s25 =	sadd.s32 $0x200, s25;
	v12 =	vshrl.u32 v12, $0x10;
	v13 =	vadd.s32 $0x8000, v15;
	v15 =	vand.u32 $0xFFFF0000, v10  }
0xbb: {  	v14 =	vadd.s32 $0x8000, v14;
	v10 =	vshll.u32 v10, $0x10;
	v5 =	vadd.f32 v5, v15;
	v57 =	vld [tilespmem:s24+$0x3470]  }
0xbc: {  	v13 =	vshrl.u32 v13, $0x10;
	v14 =	vand.u32 $0xFFFF0000, v14;
	v4 =	vadd.f32 v4, v10  }
0xbd: {  	v58 =	vor.u32 v12, v11;
	v59 =	vor.u32 v13, v14;
	v5 =	vadd.s32 $0x8000, v5  }
0xbe: {  	v4 =	vadd.s32 $0x8000, v4;
	v5 =	vand.u32 $0xFFFF0000, v5;
	v60 =	vand.u32 $0xFFFF0000, v9  }
0xbf: {  	[tilespmem:s24+$0x3400] =	vst v7;
	v61 =	vshll.u32 v9, $0x10;
	v4 =	vshrl.u32 v4, $0x10;
	v3 =	vadd.f32 v3, v60  }
0xc0: {  	[tilespmem:s24+$0x3410] =	vst v6;
	v1 =	vadd.f32 v1, v61;
	v62 =	vshll.u32 v57, $0x10;
	v63 =	vand.u32 $0xFFFF0000, v57  }
0xc1: {  	[tilespmem:s24+$0x3420] =	vst v8;
	v3 =	vadd.s32 $0x8000, v3;
	v0 =	vadd.f32 v0, v62;
	v2 =	vadd.f32 v2, v63  }
0xc2: {  	s23 =	smul.u32 $0x48, s23;
	[tilespmem:s24+$0x3430] =	vst v58;
	v4 =	vor.u32 v4, v5;
	v1 =	vadd.s32 $0x8000, v1;
	v3 =	vand.u32 $0xFFFF0000, v3  }
.Ltmp7:
0xc3: {  	[tilespmem:s24+$0x3440] =	vst v59;
	v1 =	vshrl.u32 v1, $0x10;
	v0 =	vadd.s32 $0x8000, v0;
	v2 =	vadd.s32 $0x8000, v2;
	(pc) =	sbr.rel .LBB2_8-.Ltmp7, $4  }
0xc4: {  	s23 =	sadd.s32 s3, s23;
	[tilespmem:s24+$0x3450] =	vst v4;
	v1 =	vor.u32 v1, v3;
	v2 =	vand.u32 $0xFFFF0000, v2;
	v0 =	vshrl.u32 v0, $0x10  }
0xc5: {  	s23 =	sshll.u32 s23, $0x4;
	[tilespmem:s24+$0x3460] =	vst v1;
	v0 =	vor.u32 v0, v2  }
0xc6: {  	s23 =	sadd.s32 s5, s23;
	[tilespmem:s24+$0x3470] =	vst v0  }
0xc7: {  	[hbm4b:s23+s2] =	stream.linear.scatter [tilespmem:s19], [sflag:$0x6], $0x2400, $0x38;
	[tilespmem:$0xA800] =	vst v63  }
.LBB2_10:
0xc8: {  	_ =	sfence.sel $0x180000  }
0xc9: {  	[bflag:$0x0] =	sbarrier.arrive $0xFFFF  }
0xca: {  	p0 =	sne.s32 s0, $0x0;
	_ =	strace $0x9000004D  }
0xcb: {  	s0 =	sadd.s32 @!p0 $0x100000, s1;
	[bflag:$0x2] =	sbarrier.arrive $0xFFFF  }
0xcc: {  	[sflag:s0] =	ssyncadd.tile.s32 @!p0 $0x1;
	_ =	shalt  }
.Lfunc_end2:
_tile_overlayer_lowered:
.L_overlay_start_2:
0xcd: {  	(tag) =	ssettag $0x2  }
0xce: {  	s0 =	rddreg [dreg:$0x0];
	s2 =	stileid.u32  }
0xcf: {  	s1 =	rddreg [dreg:$0x1];
	p0 =	sne.s32 s2, $0x0  }
0xd0: {  	s3 =	rddreg [dreg:$0x2];
	[bflag:$0x3] =	sbarrier.arrive $0xFFFF;
	s2 =	simm.s32 @!p0 $0x1C09  }
0xd1: {  	[timem:s3], [sflag:s2] =	dma.local @!p0 [hbm:s0], s1  }
0xd2: {  	s0 =	simm.s32 @!p0 $0x9  }
0xd3: {  	_ =	swait.ge @!p0 [sflag:s0], s1  }
0xd4: {  	s1 =	ssub.s32 @!p0 $0x0, s1;
	[sflag:s0] =	ssyncset.done @!p0 $0x0  }
0xd5: {  	[sflag:s0] =	ssyncadd.s32 @!p0 s1  }
0xd6: {  	[bflag:$0x3] =	sbarrier.arrive $0xFFFF  }
0xd7: {  	_ =	shalt  }

// kernel: kernel.9.cloned.1.call-start
scs
__scs_entry_jumppad:
0x0: {  	(pc) =	sbr.rel $0x88, $3  }
0x1: {  	(tag) =	ssettag $0x0;
	lr =	simm.s32 $0x1  }
0x2: {  	[smem:$0x3F97] =	sst lr;
	_ =	strace $0xD0000000  }
0x3: {  	_ = 	snop  }
0x4: {  	_ = 	snop  }
0x5: {  	_ = 	snop  }
0x6: {  	_ = 	snop  }
0x7: {  	_ = 	snop  }
__scs_overlays_trampoline_lowered:
0x8: {  	[smem:$0x3FA6] =	sst s0  }
0x9: {  	[smem:$0x3FA7] =	sst s1  }
0xa: {  	[smem:$0x3FA8] =	sst s2  }
0xb: {  	[smem:$0x3FA9] =	sst s3  }
0xc: {  	[smem:$0x3FAA] =	sst s4  }
0xd: {  	[smem:$0x3FAB] =	sst s5  }
0xe: {  	[smem:$0x3FAC] =	sst s6  }
0xf: {  	[smem:$0x3FAD] =	sst s7  }
0x10: {  	[smem:$0x3FAE] =	sst s8  }
0x11: {  	[smem:$0x3FAF] =	sst s9;
	s0 =	simm.s32 @!p0 $0x0  }
0x12: {  	s1 =	sld [smem:$0x3F95];
	s0 =	simm.s32 @p0 $0x1  }
0x13: {  	[smem:$0x3FB0] =	sst s0;
	s0 =	simm.s32 @!p1 $0x0  }
0x14: {  	s2 =	sld [smem:$0x3F94];
	s0 =	simm.s32 @p1 $0x1  }
0x15: {  	[smem:$0x3FB1] =	sst s0;
	s0 =	simm.s32 @!p2 $0x0  }
0x16: {  	s3 =	sld [smem:$0x3FDB];
	s0 =	simm.s32 @p2 $0x1  }
0x17: {  	s4 =	simm.s32 $0x1BF5;
	[smem:$0x3FB3] =	sst s0  }
0x18: {  	s0 =	sld [smem:$0x3F96];
	_ =	swait.ge [sflag:s4], $0x0  }
0x19: {  	s7 =	sld [smem:$0x3F97]  }
0x1a: {  	s8 =	sadd.s32 $0xFFFFE003, lr  }
0x1b: {  	s9 =	sadd.s32 $0xFFFFFEF7, lr;
	s5 =	simm.s32 $0xFFFFFFFF;
	p2 =	slt.u32 s8, $0xFFFFF086  }
0x1c: {  	p1 =	slt.u32 s9, $0xF7A;
	s5 =	simm.s32 @!p2 $0x0  }
0x1d: {  	s5 =	simm.s32 @p1 $0x1;
	p0 =	seq.s32 s7, s2  }
0x1e: {  	s7 =	smul.u32 @!p0 $0xF7A, s2;
	p2 =	seq.s32 @!p0 s5, $0x0  }
0x1f: {  	s9 =	smul.u32 $0xF7A, s1;
	s8 =	simm.s32 @!p0 $0x1BF5;
	p2 =	por !p2, p0  }
0x20: {  	[sflag:s8] =	ssyncset.s32 @!p0 $0xFFFFF086;
	s6 =	sadd.s32 @!p0 s3, s7;
	s7 =	simm.s32 @!p0 $0x108  }
0x21: {  	s3 =	sadd.s32 s3, s9;
	s6 =	sadd.s32 @!p0 $0x88, s6;
	s7 =	simm.s32 @p2 $0x1082  }
0x22: {  	[simem:s7], [sflag:s8] =	dma.local @!p0 [hbm:s6], $0xF7A  }
0x23: {  	s9 =	sor.u32 $0xD0000000, s2;
	s6 =	simm.s32 $0x108;
	_ =	swait.ge @!p0 [sflag:s8], $0x0  }
0x24: {  	s3 =	sadd.s32 $0x88, s3;
	s6 =	simm.s32 @!p1 $0x1082;
	[sflag:s4] =	ssyncset.s32 $0xFFFFF086  }
0x25: {  	[simem:s6], [sflag:s4] =	dma.local [hbm:s3], $0xF7A  }
0x26: {  	[smem:$0x3F97] =	sst s1;
	(tag) =	ssettag s2;
	_ =	strace s9  }
0x27: {  	s1 =	sld [smem:$0x3FA7]  }
0x28: {  	s2 =	sld [smem:$0x3FA8]  }
0x29: {  	s4 =	sld [smem:$0x3FAA]  }
0x2a: {  	p0 =	seq.s32 s5, $0x0;
	s5 =	sld [smem:$0x3FAB]  }
0x2b: {  	s6 =	sld [smem:$0x3FAC]  }
0x2c: {  	s7 =	sld [smem:$0x3FAD]  }
0x2d: {  	s3 =	simm.s32 $0x108;
	s8 =	sld [smem:$0x3FAE]  }
0x2e: {  	s3 =	simm.s32 @!p0 $0x1082;
	s9 =	sld [smem:$0x3FAF]  }
0x2f: {  	lr =	sadd.s32 s0, s3;
	s0 =	sld [smem:$0x3FA6]  }
0x30: {  	s3 =	sld [smem:$0x3FA9]  }
0x31: {  	[smem:$0x3FB2] =	sst s10  }
0x32: {  	s10 =	sld [smem:$0x3FB0];
	_ =	sdelay $0x3  }
0x33: {  	p0 =	seq.s32 s10, $0x1;
	s10 =	sld [smem:$0x3FB2];
	_ =	sdelay $0x3  }
0x34: {  	[smem:$0x3FB2] =	sst s10  }
0x35: {  	s10 =	sld [smem:$0x3FB1];
	_ =	sdelay $0x3  }
0x36: {  	p1 =	seq.s32 s10, $0x1;
	s10 =	sld [smem:$0x3FB2];
	_ =	sdelay $0x3  }
0x37: {  	[smem:$0x3FB2] =	sst s10  }
0x38: {  	s10 =	sld [smem:$0x3FB3]  }
0x39: {  	_ = 	snop;
	(pc) =	sbr.ind lr, $3  }
0x3a: {  	_ = 	snop  }
0x3b: {  	_ = 	snop  }
0x3c: {  	p2 =	seq.s32 s10, $0x1;
	s10 =	sld [smem:$0x3FB2]  }
0x3d: {  	_ =	shalt  }
0x3e: {  	_ =	shalt  }
0x3f: {  	_ =	shalt  }
0x40: {  	_ =	shalt  }
0x41: {  	_ =	shalt  }
0x42: {  	_ =	shalt  }
0x43: {  	_ =	shalt  }
0x44: {  	_ =	shalt  }
0x45: {  	_ =	shalt  }
0x46: {  	_ =	shalt  }
0x47: {  	_ =	shalt  }
0x48: {  	_ =	shalt  }
0x49: {  	_ =	shalt  }
0x4a: {  	_ =	shalt  }
0x4b: {  	_ =	shalt  }
0x4c: {  	_ =	shalt  }
0x4d: {  	_ =	shalt  }
0x4e: {  	_ =	shalt  }
0x4f: {  	_ =	shalt  }
0x50: {  	_ =	shalt  }
0x51: {  	_ =	shalt  }
0x52: {  	_ =	shalt  }
0x53: {  	_ =	shalt  }
0x54: {  	_ =	shalt  }
0x55: {  	_ =	shalt  }
0x56: {  	_ =	shalt  }
0x57: {  	_ =	shalt  }
0x58: {  	_ =	shalt  }
0x59: {  	_ =	shalt  }
0x5a: {  	_ =	shalt  }
0x5b: {  	_ =	shalt  }
0x5c: {  	_ =	shalt  }
0x5d: {  	_ =	shalt  }
0x5e: {  	_ =	shalt  }
0x5f: {  	_ =	shalt  }
0x60: {  	_ =	shalt  }
0x61: {  	_ =	shalt  }
0x62: {  	_ =	shalt  }
0x63: {  	_ =	shalt  }
0x64: {  	_ =	shalt  }
0x65: {  	_ =	shalt  }
0x66: {  	_ =	shalt  }
0x67: {  	_ =	shalt  }
0x68: {  	_ =	shalt  }
0x69: {  	_ =	shalt  }
0x6a: {  	_ =	shalt  }
0x6b: {  	_ =	shalt  }
0x6c: {  	_ =	shalt  }
0x6d: {  	_ =	shalt  }
0x6e: {  	_ =	shalt  }
0x6f: {  	_ =	shalt  }
0x70: {  	_ =	shalt  }
0x71: {  	_ =	shalt  }
0x72: {  	_ =	shalt  }
0x73: {  	_ =	shalt  }
0x74: {  	_ =	shalt  }
0x75: {  	_ =	shalt  }
0x76: {  	_ =	shalt  }
0x77: {  	_ =	shalt  }
0x78: {  	_ =	shalt  }
0x79: {  	_ =	shalt  }
0x7a: {  	_ =	shalt  }
0x7b: {  	_ =	shalt  }
0x7c: {  	_ =	shalt  }
0x7d: {  	_ =	shalt  }
0x7e: {  	_ =	shalt  }
0x7f: {  	_ =	shalt  }
0x80: {  	_ =	shalt  }
0x81: {  	_ =	shalt  }
0x82: {  	_ =	shalt  }
0x83: {  	_ =	shalt  }
0x84: {  	_ =	shalt  }
0x85: {  	_ =	shalt  }
0x86: {  	_ =	shalt  }
0x87: {  	_ =	shalt  }
.Lfunc_end0:
.L_simem_size_0:
called_computation_lowered:
.L_overlay_start_0:
0x88: {  	s2 =	sld [smem:$0x3FD9]  }
0x89: {  	s3 =	sld [smem:$0x3FFE];
	_ =	sdelay $0x1  }
0x8a: {  	s1 =	srdreg.scid  }
0x8b: {  	s0 =	sand.u32 $0x1, s1  }
0x8c: {  	s17 =	sshll.u32 s0, $0xA;
	s2 =	sadd.s32 s3, s2  }
0x8d: {  	s2 =	sadd.s32 s2, s17  }
0x8e: {  	[smem:$0x3FBE] =	sst s2  }
0x8f: {  	_ = 	snop  }
0x90: {  	s2 =	sld [smem:$0x3FD0];
	(tm) =	ssettm $0x1  }
0x91: {  	s18 =	sld [smem:$0x3FFB];
	_ =	sdelay $0x3  }
0x92: {  	_ =	strace s18  }
0x93: {  	s3 =	sld [smem:$0x3FFC];
	_ =	sdelay $0x3  }
0x94: {  	_ =	strace s3  }
0x95: {  	s3 =	sld [smem:$0x3FFD];
	_ =	sdelay $0x3  }
0x96: {  	_ =	strace s3  }
0x97: {  	_ =	strace $0x8FFFFFFF  }
0x98: {  	s19 =	sld [smem:$0x3FDB];
	_ =	sdelay $0x1  }
0x99: {  	s4 =	simm.s32 $_scs_section_size  }
0x9a: {  	s5 =	simm.s32 $_size__tile_overlayer_lowered;
	s6 =	simm.s32 $_tile_overlayer_lowered  }
0x9b: {  	s22 =	simm.s32 $0x1BFF;
	s21 =	sshll.u32 s6, $0x1;
	s3 =	sadd.s32 s4, s19  }
0x9c: {  	s7 =	simm.s32 $0x0;
	s20 =	sshll.u32 s5, $0x1;
	s5 =	sadd.s32 s21, s3  }
0x9d: {  	[timem:s7], [sflag:s22] =	dma.local [hbm:s5], s20  }
0x9e: {  	_ =	swait.ge [sflag:s22], s20  }
0x9f: {  	s4 =	ssub.s32 $0x0, s20;
	[sflag:s22] =	ssyncset.done $0x0  }
0xa0: {  	[sflag:s22] =	ssyncadd.s32 s4;
	_ =	sdelay $0x1  }
0xa1: {  	s23 =	simm.s32 $0x1B8B  }
0xa2: {  	_ =	swait.ge [sflag:s23], $0x1  }
0xa3: {  	[sflag:s23] =	ssyncset.done $0x0  }
0xa4: {  	s25 =	simm.s32 $0x1B8E;
	s24 =	sld [smem:$0x3FFE];
	[sflag:s23] =	ssyncadd.s32 $0xFFFFFFFF  }
0xa5: {  	s26 =	simm.s32 $execute0_lowered;
	[smem:$0x3FD2] =	sst s25  }
0xa6: {  	s5 =	sshll.u32 s26, $0x1;
	_ =	strace $0x80000046;
	[dreg:$0x1] =	wrdreg $0xFFFFFFFF  }
0xa7: {  	s28 =	simm.s32 $_size_execute0_lowered;
	s3 =	sadd.s32 s3, s5;
	[dreg:$0x0] =	wrdreg $0x0  }
0xa8: {  	s5 =	sshll.u32 s28, $0x1;
	[dreg:$0x2] =	wrdreg s3  }
0xa9: {  	[dreg:$0x3] =	wrdreg s5  }
0xaa: {  	[dreg:$0x4] =	wrdreg $0xC0  }
0xab: {  	_ =	task [dreg:s7], $0x5FFFF  }
0xac: {  	[dreg:$0x1] =	wrdreg $0xFFFFFFFF  }
0xad: {  	[dreg:$0x0] =	wrdreg $0x60  }
0xae: {  	[dreg:$0x2] =	wrdreg s2  }
0xaf: {  	[dreg:$0x3] =	wrdreg s24  }
0xb0: {  	[dreg:$0x4] =	wrdreg $0x9  }
0xb1: {  	_ =	task.clear_ibuf [dreg:s7], $0x5FFFF;
	_ =	strace $0x90000046  }
0xb2: {  	s29 =	simm.s32 $0x9;
	_ =	strace $0x80000048  }
0xb3: {  	_ =	swait.ge [sflag:s29], $0x1  }
0xb4: {  	[sflag:s29] =	ssyncadd.s32 $0xFFFFFFFF  }
0xb5: {  	_ =	strace $0x90000048  }
0xb6: {  	_ =	sfence  }
0xb7: {  	s30 =	sld [smem:$0x0];
	_ =	sdelay $0x2  }
0xb8: {  	s31 =	sshll.u32 s1, $0xD;
	s1 =	sshrl.u32 s1, $0x2  }
0xb9: {  	s3 =	sand.u32 $0x4000, s31;
	s1 =	sadd.s32 s1, s30  }
0xba: {  	s0 =	sor.u32 s3, s0;
	s1 =	sshll.u32 s1, $0x11  }
0xbb: {  	s0 =	sor.u32 s1, s0  }
0xbc: {  	s0 =	sadd.s32 $0x8F2B, s0  }
0xbd: {  	[sflag:s0] =	ssyncadd.remote.s32 $0x1  }
0xbe: {  	_ =	sfence.sel $0xFFFF  }
0xbf: {  	[dreg:$0x0] =	wrdreg $0xFFFFFFFF;
	(pc) =	sbr.abs _section_cstart, $3  }
0xc0: {  	[dreg:$0x1] =	wrdreg $0xFFFFFFFF  }
0xc1: {  	_ =	task.clear_ibuf [dreg:s7], $0x2FFFF;
	_ =	strace $0x9FFFFFFF  }
0xc2: {  	(tm) =	ssettm $0x7FFFFFFF  }
0xc3: {  	_ =	shalt  }
tec
execute0_lowered:
.L_overlay_start_1:
0x0: {  	(tag) =	ssettag $0x1  }
0x1: {  	s0 =	srdreg.scid;
	s2 =	rddreg [dreg:$0x0]  }
0x2: {  	s1 =	stileid.u32;
	s6 =	rddreg [dreg:$0x1]  }
0x3: {  	s3 =	simm.s32 $0x0;
	s14 =	simm.s32 $0x400;
	s28 =	simm.s32 $0xD400  }
0x4: {  	s29 =	simm.s32 $0xDC00;
	s30 =	simm.s32 $0xE400;
	s31 =	simm.s32 $0xEC00  }
0x5: {  	s10 =	simm.s32 $0x10400;
	s13 =	simm.s32 $0x10C00;
	s9 =	simm.s32 $0x12C00  }
0x6: {  	s11 =	simm.s32 $0x13400;
	s12 =	simm.s32 $0x1;
	s15 =	simm.s32 $0x3  }
0x7: {  	s16 =	simm.s32 $0x6C00;
	s17 =	simm.s32 $0x2;
	s18 =	simm.s32 $0x4  }
0x8: {  	s19 =	simm.s32 $0x5;
	s22 =	simm.s32 $0x0;
	s0 =	sand.u32 $0x1, s0  }
0x9: {  	s1 =	sshll.u32 s1, $0x1;
	[smem:$0x7FF] =	sst s3;
	s25 =	sadd.s32 $0x2EE0, s6  }
0xa: {  	s26 =	sadd.s32 $0x7EE0, s6;
	s1 =	sor.u32 s0, s1;
	_ =	strace $0x80000047  }
0xb: {  	s0 =	ssub.s32 $0x2, s0;
	[dreg:$0x5] =	wrdreg s25;
	s4 =	smul.u32 $0x138, s1  }
0xc: {  	[dreg:$0x6] =	wrdreg s26;
	s8 =	sshrl.u32 s0, $0x1;
	p0 =	sne.s32 s1, $0x0  }
0xd: {  	s1 =	simm.s32 $0xF400;
	s0 =	ssub.s32 s0, s8;
	s5 =	sshrl.u32 s4, $0x3  }
.Ltmp0:
0xe: {  	s0 =	smax.u32 s0, $0x1;
	s7 =	sadd.s32 s5, s6;
	(pc) =	sbr.rel .LBB2_1-.Ltmp0, $4  }
0xf: {  	s5 =	sadd.s32 $0xCA00, s6;
	s6 =	sadd.s32 $0x5AA00, s6;
	[dreg:$0x8] =	wrdreg s0  }
0x10: {  	v2 =	vlaneseq.u32;
	s8 =	simm.s32 $0x12400;
	s24 =	sadd.s32 $0x2A00, s7;
	[dreg:$0x7] =	wrdreg s6  }
0x11: {  	vm1 =	vmmov $0xffff;
	v0 =	vand.u32 $0x7, v2;
	v1 =	vshrl.u32 v2, $0x3;
	s0 =	simm.s32 $0xFC00;
	s7 =	sadd.s32 $0x7A00, s7;
	[dreg:$0x3] =	wrdreg s24  }
0x12: {  	v2 =	vor.u32 $0x8, v2;
	v1 =	vmul.u32 $0x8, v1;
	vm0 =	vmmov @!p0 $0xffff;
	s6 =	simm.s32 $0x11400;
	[dreg:$0x4] =	wrdreg s7;
	s7 =	simm.s32 $0x11C00  }
.LBB2_10:
.Ltmp1:
0x13: {  	(pc) =	sbr.rel @!p0 .LBB2_11-.Ltmp1, $2  }
0x14: {  	_ =	sdelay $0x2  }
0x15: {  	s22 =	rddreg [dreg:$0x9]  }
.LBB2_14:
0x16: {  	_ =	swait.ge [sflag:s19], $0x6800  }
0x17: {  	[sflag:s19] =	ssyncset.done $0x0  }
0x18: {  	s21 =	simm.s32 $0x6;
	[sflag:s19] =	ssyncadd.s32 $0xFFFF9800  }
0x19: {  	_ =	swait.ge [sflag:s21], $0x6800  }
0x1a: {  	s22 =	sadd.s32 $0x1, s22;
	s20 =	rddreg [dreg:$0x8]  }
0x1b: {  	p1 =	sne.s32 s22, s20  }
.Ltmp2:
0x1c: {  	_ = 	snop;
	(pc) =	sbr.rel @!p1 .LBB2_15-.Ltmp2, $3  }
0x1d: {  	_ =	sdelay $0x1  }
0x1e: {  	[sflag:s21] =	ssyncset.done $0x0  }
0x1f: {  	[sflag:s21] =	ssyncadd.s32 $0xFFFF9800  }
.LBB2_1:
0x20: {  	[dreg:$0x9] =	wrdreg s22  }
0x21: {  	s20 =	rddreg [dreg:$0x3];
	s21 =	simm.s32 $0x9  }
0x22: {  	[tilespmem:s3], [sflag:$0x9] =	stream.linear.gather [hbm4b:s20+s3], $0x138, $0x38;
	[tilespmem:$0x1C400] =	vst v63  }
0x23: {  	_ =	swait.ge [sflag:s21], $0x138  }
0x24: {  	[sflag:s21] =	ssyncset.done $0x0  }
0x25: {  	s26 =	simm.s32 $0x180;
	s25 =	rddreg [dreg:$0x4];
	[sflag:s21] =	ssyncadd.s32 $0xFFFFFEC8  }
0x26: {  	[tilespmem:s26], [sflag:$0x9] =	stream.linear.gather [hbm4b:s25+s3], $0x138, $0x38;
	[tilespmem:$0x1C400] =	vst v63  }
0x27: {  	_ =	swait.ge [sflag:s21], $0x138  }
0x28: {  	s20 =	simm.s32 @!p0 $0x0;
	[sflag:s21] =	ssyncset.done $0x0  }
0x29: {  	s22 =	rddreg [dreg:$0x5];
	[sflag:s21] =	ssyncadd.s32 $0xFFFFFEC8;
	s21 =	simm.s32 @!p0 $0x300  }
0x2a: {  	[tilespmem:s21], [sflag:$0x9] =	stream.linear.gather @!p0 [hbm4b:s22+s20], $0x10, $0x38;
	[tilespmem:$0x1C400] =	vst v63  }
0x2b: {  	s21 =	simm.s32 @!p0 $0x9  }
0x2c: {  	_ =	swait.ge @!p0 [sflag:s21], $0x10  }
0x2d: {  	[sflag:s21] =	ssyncset.done @!p0 $0x0  }
0x2e: {  	s22 =	simm.s32 @!p0 $0x380;
	s23 =	rddreg [dreg:$0x6];
	[sflag:s21] =	ssyncadd.s32 @!p0 $0xFFFFFFF0  }
0x2f: {  	[tilespmem:s22], [sflag:$0x9] =	stream.linear.gather @!p0 [hbm4b:s23+s20], $0x10, $0x38;
	[tilespmem:$0x1C400] =	vst v63  }
0x30: {  	_ =	swait.ge @!p0 [sflag:s21], $0x10  }
0x31: {  	[sflag:s21] =	ssyncset.done @!p0 $0x0  }
0x32: {  	[sflag:s21] =	ssyncadd.s32 @!p0 $0xFFFFFFF0  }
0x33: {  	v3 =	vld @!p0 [tilespmem:$0x300];
	_ =	sdelay $0x4  }
0x34: {  	v4 =	vshll.u32 @!p0 v3, $0x1  }
0x35: {  	v5 =	vlaneseq.u32 @!p0;
	v3 =	vand.u32 @!p0 $0x7, v3;
	v4 =	vand.u32 @!p0 $0xFFFFFFF0, v4  }
0x36: {  	v6 =	vshrl.u32 @!p0 v5, $0x3;
	v3 =	vor.u32 @!p0 v3, v4;
	v4 =	vand.u32 @!p0 $0x7, v5  }
0x37: {  	v6 =	vmul.u32 @!p0 $0x8, v6;
	v7 =	vperm.xlane @!p0 v3, v4  }
0x38: {  	v5 =	vor.u32 @!p0 $0x8, v5  }
0x39: {  	v3 =	vperm.xlane @!p0 v3, v5;
	v7 =	vadd.s32 @!p0 v6, v7;
	_ =	sdelay $0x1  }
0x3a: {  	v3 =	vadd.s32 @!p0 v6, v3;
	_ =	sdelay $0x1  }
0x3b: {  	s21 =	simm.s32 @!p0 $0x1A400  }
0x3c: {  	[tilespmem:s21], [sflag:$0x7] =	stream.indirect_vreg.gather @!p0 [hbm4b:s2+s20], $0x80, v7, vm0, $0xb8;
	[tilespmem:$0x1C400] =	vst v63  }
0x3d: {  	s21 =	simm.s32 @!p0 $0x1AC00  }
0x3e: {  	[tilespmem:s21], [sflag:$0x7] =	stream.indirect_vreg.gather @!p0 [hbm4b:s2+s20], $0x80, v3, vm0, $0xb8;
	[tilespmem:$0x1C400] =	vst v63  }
0x3f: {  	v3 =	vld @!p0 [tilespmem:$0x380];
	_ =	sdelay $0x4  }
0x40: {  	v7 =	vshll.u32 @!p0 v3, $0x1  }
0x41: {  	v3 =	vand.u32 @!p0 $0x7, v3;
	v7 =	vand.u32 @!p0 $0xFFFFFFF0, v7  }
0x42: {  	v3 =	vor.u32 @!p0 v3, v7  }
0x43: {  	v4 =	vperm.xlane @!p0 v3, v4;
	_ =	sdelay $0x1  }
0x44: {  	v3 =	vperm.xlane @!p0 v3, v5;
	v4 =	vadd.s32 @!p0 v6, v4;
	_ =	sdelay $0x1  }
0x45: {  	v3 =	vadd.s32 @!p0 v6, v3;
	_ =	sdelay $0x1  }
0x46: {  	s21 =	simm.s32 @!p0 $0x1B400  }
0x47: {  	[tilespmem:s21], [sflag:$0x8] =	stream.indirect_vreg.gather @!p0 [hbm4b:s2+s20], $0x80, v4, vm0, $0xb8;
	[tilespmem:$0x1C400] =	vst v63  }
0x48: {  	s21 =	simm.s32 @!p0 $0x1BC00  }
0x49: {  	[tilespmem:s21], [sflag:$0x8] =	stream.indirect_vreg.gather @!p0 [hbm4b:s2+s20], $0x80, v3, vm0, $0xb8;
	[tilespmem:$0x1C400] =	vst v63  }
0x4a: {  	v3 =	vld [tilespmem:$0x0];
	_ =	sdelay $0x4  }
0x4b: {  	v50 =	vshll.u32 v3, $0x1  }
0x4c: {  	v3 =	vand.u32 $0x7, v3;
	v4 =	vand.u32 $0xFFFFFFF0, v50  }
0x4d: {  	v3 =	vor.u32 v3, v4  }
0x4e: {  	v4 =	vperm.xlane v3, v0;
	_ =	sdelay $0x1  }
0x4f: {  	v3 =	vperm.xlane v3, v2;
	v4 =	vadd.s32 v1, v4;
	_ =	sdelay $0x1  }
0x50: {  	v3 =	vadd.s32 v1, v3;
	_ =	sdelay $0x2  }
0x51: {  	[tilespmem:s14], [sflag:$0x1] =	stream.indirect_vreg.gather [hbm4b:s2+s3], $0x80, v4, vm1, $0xb8;
	[tilespmem:$0x1C400] =	vst v63  }
0x52: {  	s21 =	simm.s32 $0xC00  }
0x53: {  	[tilespmem:s21], [sflag:$0x1] =	stream.indirect_vreg.gather [hbm4b:s2+s3], $0x80, v3, vm1, $0xb8;
	[tilespmem:$0x1C400] =	vst v63  }
0x54: {  	v3 =	vld [tilespmem:$0x10];
	_ =	sdelay $0x4  }
0x55: {  	v51 =	vshll.u32 v3, $0x1  }
0x56: {  	v3 =	vand.u32 $0x7, v3;
	v4 =	vand.u32 $0xFFFFFFF0, v51  }
0x57: {  	v3 =	vor.u32 v3, v4  }
0x58: {  	v4 =	vperm.xlane v3, v0;
	_ =	sdelay $0x1  }
0x59: {  	v3 =	vperm.xlane v3, v2;
	v4 =	vadd.s32 v1, v4;
	_ =	sdelay $0x1  }
0x5a: {  	v3 =	vadd.s32 v1, v3;
	_ =	sdelay $0x1  }
0x5b: {  	s22 =	simm.s32 $0x1400  }
0x5c: {  	[tilespmem:s22], [sflag:$0x1] =	stream.indirect_vreg.gather [hbm4b:s2+s3], $0x80, v4, vm1, $0xb8;
	[tilespmem:$0x1C400] =	vst v63  }
0x5d: {  	s23 =	simm.s32 $0x1C00  }
0x5e: {  	[tilespmem:s23], [sflag:$0x1] =	stream.indirect_vreg.gather [hbm4b:s2+s3], $0x80, v3, vm1, $0xb8;
	[tilespmem:$0x1C400] =	vst v63  }
0x5f: {  	v3 =	vld [tilespmem:$0x20];
	_ =	sdelay $0x4  }
0x60: {  	v52 =	vshll.u32 v3, $0x1  }
0x61: {  	v3 =	vand.u32 $0x7, v3;
	v4 =	vand.u32 $0xFFFFFFF0, v52  }
0x62: {  	v3 =	vor.u32 v3, v4  }
0x63: {  	v4 =	vperm.xlane v3, v0;
	_ =	sdelay $0x1  }
0x64: {  	v3 =	vperm.xlane v3, v2;
	v4 =	vadd.s32 v1, v4;
	_ =	sdelay $0x1  }
0x65: {  	v3 =	vadd.s32 v1, v3;
	_ =	sdelay $0x1  }
0x66: {  	s24 =	simm.s32 $0x2400  }
0x67: {  	[tilespmem:s24], [sflag:$0x1] =	stream.indirect_vreg.gather [hbm4b:s2+s3], $0x80, v4, vm1, $0xb8;
	[tilespmem:$0x1C400] =	vst v63  }
0x68: {  	s25 =	simm.s32 $0x2C00  }
0x69: {  	[tilespmem:s25], [sflag:$0x1] =	stream.indirect_vreg.gather [hbm4b:s2+s3], $0x80, v3, vm1, $0xb8;
	[tilespmem:$0x1C400] =	vst v63  }
0x6a: {  	v3 =	vld [tilespmem:$0x30];
	_ =	sdelay $0x4  }
0x6b: {  	v53 =	vshll.u32 v3, $0x1  }
0x6c: {  	v3 =	vand.u32 $0x7, v3;
	v4 =	vand.u32 $0xFFFFFFF0, v53  }
0x6d: {  	v3 =	vor.u32 v3, v4  }
0x6e: {  	v4 =	vperm.xlane v3, v0;
	_ =	sdelay $0x1  }
0x6f: {  	v3 =	vperm.xlane v3, v2;
	v4 =	vadd.s32 v1, v4;
	_ =	sdelay $0x1  }
0x70: {  	v3 =	vadd.s32 v1, v3;
	_ =	sdelay $0x1  }
0x71: {  	s26 =	simm.s32 $0x3400  }
0x72: {  	[tilespmem:s26], [sflag:$0x1] =	stream.indirect_vreg.gather [hbm4b:s2+s3], $0x80, v4, vm1, $0xb8;
	[tilespmem:$0x1C400] =	vst v63  }
0x73: {  	s21 =	simm.s32 $0x3C00  }
0x74: {  	[tilespmem:s21], [sflag:$0x1] =	stream.indirect_vreg.gather [hbm4b:s2+s3], $0x80, v3, vm1, $0xb8;
	[tilespmem:$0x1C400] =	vst v63  }
0x75: {  	v3 =	vld [tilespmem:$0x40];
	_ =	sdelay $0x4  }
0x76: {  	v54 =	vshll.u32 v3, $0x1  }
0x77: {  	v3 =	vand.u32 $0x7, v3;
	v4 =	vand.u32 $0xFFFFFFF0, v54  }
0x78: {  	v3 =	vor.u32 v3, v4  }
0x79: {  	v4 =	vperm.xlane v3, v0;
	_ =	sdelay $0x1  }
0x7a: {  	v3 =	vperm.xlane v3, v2;
	v4 =	vadd.s32 v1, v4;
	_ =	sdelay $0x1  }
0x7b: {  	v3 =	vadd.s32 v1, v3;
	_ =	sdelay $0x1  }
0x7c: {  	s22 =	simm.s32 $0x4400  }
0x7d: {  	[tilespmem:s22], [sflag:$0x1] =	stream.indirect_vreg.gather [hbm4b:s2+s3], $0x80, v4, vm1, $0xb8;
	[tilespmem:$0x1C400] =	vst v63  }
0x7e: {  	s23 =	simm.s32 $0x4C00  }
0x7f: {  	[tilespmem:s23], [sflag:$0x1] =	stream.indirect_vreg.gather [hbm4b:s2+s3], $0x80, v3, vm1, $0xb8;
	[tilespmem:$0x1C400] =	vst v63  }
0x80: {  	v3 =	vld [tilespmem:$0x50];
	_ =	sdelay $0x4  }
0x81: {  	v55 =	vshll.u32 v3, $0x1  }
0x82: {  	v3 =	vand.u32 $0x7, v3;
	v4 =	vand.u32 $0xFFFFFFF0, v55  }
0x83: {  	v3 =	vor.u32 v3, v4  }
0x84: {  	v4 =	vperm.xlane v3, v0;
	_ =	sdelay $0x1  }
0x85: {  	v3 =	vperm.xlane v3, v2;
	v4 =	vadd.s32 v1, v4;
	_ =	sdelay $0x1  }
0x86: {  	v3 =	vadd.s32 v1, v3;
	_ =	sdelay $0x1  }
0x87: {  	s24 =	simm.s32 $0x5400  }
0x88: {  	[tilespmem:s24], [sflag:$0x1] =	stream.indirect_vreg.gather [hbm4b:s2+s3], $0x80, v4, vm1, $0xb8;
	[tilespmem:$0x1C400] =	vst v63  }
0x89: {  	s25 =	simm.s32 $0x5C00  }
0x8a: {  	[tilespmem:s25], [sflag:$0x1] =	stream.indirect_vreg.gather [hbm4b:s2+s3], $0x80, v3, vm1, $0xb8;
	[tilespmem:$0x1C400] =	vst v63  }
0x8b: {  	v3 =	vld.msk [tilespmem:$0x60], $0xff;
	_ =	sdelay $0x4  }
0x8c: {  	v56 =	vshll.u32 v3, $0x1  }
0x8d: {  	v3 =	vand.u32 $0x7, v3;
	v4 =	vand.u32 $0xFFFFFFF0, v56  }
0x8e: {  	v3 =	vor.u32 v3, v4  }
0x8f: {  	v3 =	vperm.xlane v3, v0;
	_ =	sdelay $0x1  }
0x90: {  	v3 =	vadd.s32 v1, v3;
	_ =	sdelay $0x3  }
0x91: {  	s26 =	simm.s32 $0x6400  }
0x92: {  	[tilespmem:s26], [sflag:$0x1] =	stream.indirect_vreg.gather [hbm4b:s2+s3], $0x80, v3, vm1, $0xb8;
	[tilespmem:$0x1C400] =	vst v63  }
0x93: {  	v3 =	vld [tilespmem:$0x180];
	_ =	sdelay $0x4  }
0x94: {  	v57 =	vshll.u32 v3, $0x1  }
0x95: {  	v3 =	vand.u32 $0x7, v3;
	v4 =	vand.u32 $0xFFFFFFF0, v57  }
0x96: {  	v3 =	vor.u32 v3, v4  }
0x97: {  	v4 =	vperm.xlane v3, v0;
	_ =	sdelay $0x1  }
0x98: {  	v3 =	vperm.xlane v3, v2;
	v4 =	vadd.s32 v1, v4;
	_ =	sdelay $0x1  }
0x99: {  	v3 =	vadd.s32 v1, v3;
	_ =	sdelay $0x2  }
0x9a: {  	[tilespmem:s28], [sflag:$0x3] =	stream.indirect_vreg.gather [hbm4b:s2+s3], $0x80, v4, vm1, $0xb8;
	[tilespmem:$0x1C400] =	vst v63  }
0x9b: {  	_ = 	snop  }
0x9c: {  	[tilespmem:s29], [sflag:$0x3] =	stream.indirect_vreg.gather [hbm4b:s2+s3], $0x80, v3, vm1, $0xb8;
	[tilespmem:$0x1C400] =	vst v63  }
0x9d: {  	v3 =	vld [tilespmem:$0x190];
	_ =	sdelay $0x4  }
0x9e: {  	v58 =	vshll.u32 v3, $0x1  }
0x9f: {  	v3 =	vand.u32 $0x7, v3;
	v4 =	vand.u32 $0xFFFFFFF0, v58  }
0xa0: {  	v3 =	vor.u32 v3, v4  }
0xa1: {  	v4 =	vperm.xlane v3, v0;
	_ =	sdelay $0x1  }
0xa2: {  	v3 =	vperm.xlane v3, v2;
	v4 =	vadd.s32 v1, v4;
	_ =	sdelay $0x1  }
0xa3: {  	v3 =	vadd.s32 v1, v3;
	_ =	sdelay $0x2  }
0xa4: {  	[tilespmem:s30], [sflag:$0x3] =	stream.indirect_vreg.gather [hbm4b:s2+s3], $0x80, v4, vm1, $0xb8;
	[tilespmem:$0x1C400] =	vst v63  }
0xa5: {  	_ = 	snop  }
0xa6: {  	[tilespmem:s31], [sflag:$0x3] =	stream.indirect_vreg.gather [hbm4b:s2+s3], $0x80, v3, vm1, $0xb8;
	[tilespmem:$0x1C400] =	vst v63  }
0xa7: {  	v3 =	vld [tilespmem:$0x1A0];
	_ =	sdelay $0x4  }
0xa8: {  	v59 =	vshll.u32 v3, $0x1  }
0xa9: {  	v3 =	vand.u32 $0x7, v3;
	v4 =	vand.u32 $0xFFFFFFF0, v59  }
0xaa: {  	v3 =	vor.u32 v3, v4  }
0xab: {  	v4 =	vperm.xlane v3, v0;
	_ =	sdelay $0x1  }
0xac: {  	v3 =	vperm.xlane v3, v2;
	v4 =	vadd.s32 v1, v4;
	_ =	sdelay $0x1  }
0xad: {  	v3 =	vadd.s32 v1, v3;
	_ =	sdelay $0x2  }
0xae: {  	[tilespmem:s1], [sflag:$0x3] =	stream.indirect_vreg.gather [hbm4b:s2+s3], $0x80, v4, vm1, $0xb8;
	[tilespmem:$0x1C400] =	vst v63  }
0xaf: {  	_ = 	snop  }
0xb0: {  	[tilespmem:s0], [sflag:$0x3] =	stream.indirect_vreg.gather [hbm4b:s2+s3], $0x80, v3, vm1, $0xb8;
	[tilespmem:$0x1C400] =	vst v63  }
0xb1: {  	v3 =	vld [tilespmem:$0x1B0];
	_ =	sdelay $0x4  }
0xb2: {  	v60 =	vshll.u32 v3, $0x1  }
0xb3: {  	v3 =	vand.u32 $0x7, v3;
	v4 =	vand.u32 $0xFFFFFFF0, v60  }
0xb4: {  	v3 =	vor.u32 v3, v4  }
0xb5: {  	v4 =	vperm.xlane v3, v0;
	_ =	sdelay $0x1  }
0xb6: {  	v3 =	vperm.xlane v3, v2;
	v4 =	vadd.s32 v1, v4;
	_ =	sdelay $0x1  }
0xb7: {  	v3 =	vadd.s32 v1, v3;
	_ =	sdelay $0x2  }
0xb8: {  	[tilespmem:s10], [sflag:$0x3] =	stream.indirect_vreg.gather [hbm4b:s2+s3], $0x80, v4, vm1, $0xb8;
	[tilespmem:$0x1C400] =	vst v63  }
0xb9: {  	_ = 	snop  }
0xba: {  	[tilespmem:s13], [sflag:$0x3] =	stream.indirect_vreg.gather [hbm4b:s2+s3], $0x80, v3, vm1, $0xb8;
	[tilespmem:$0x1C400] =	vst v63  }
0xbb: {  	v3 =	vld [tilespmem:$0x1C0];
	_ =	sdelay $0x4  }
0xbc: {  	v61 =	vshll.u32 v3, $0x1  }
0xbd: {  	v3 =	vand.u32 $0x7, v3;
	v4 =	vand.u32 $0xFFFFFFF0, v61  }
0xbe: {  	v3 =	vor.u32 v3, v4  }
0xbf: {  	v4 =	vperm.xlane v3, v0;
	_ =	sdelay $0x1  }
0xc0: {  	v3 =	vperm.xlane v3, v2;
	v4 =	vadd.s32 v1, v4;
	_ =	sdelay $0x1  }
0xc1: {  	v3 =	vadd.s32 v1, v3;
	_ =	sdelay $0x2  }
0xc2: {  	[tilespmem:s6], [sflag:$0x3] =	stream.indirect_vreg.gather [hbm4b:s2+s3], $0x80, v4, vm1, $0xb8;
	[tilespmem:$0x1C400] =	vst v63  }
0xc3: {  	_ = 	snop  }
0xc4: {  	[tilespmem:s7], [sflag:$0x3] =	stream.indirect_vreg.gather [hbm4b:s2+s3], $0x80, v3, vm1, $0xb8;
	[tilespmem:$0x1C400] =	vst v63  }
0xc5: {  	v3 =	vld [tilespmem:$0x1D0];
	_ =	sdelay $0x4  }
0xc6: {  	v62 =	vshll.u32 v3, $0x1  }
0xc7: {  	v3 =	vand.u32 $0x7, v3;
	v4 =	vand.u32 $0xFFFFFFF0, v62  }
0xc8: {  	v3 =	vor.u32 v3, v4  }
0xc9: {  	v4 =	vperm.xlane v3, v0;
	_ =	sdelay $0x1  }
0xca: {  	v3 =	vperm.xlane v3, v2;
	v4 =	vadd.s32 v1, v4;
	_ =	sdelay $0x1  }
0xcb: {  	v3 =	vadd.s32 v1, v3;
	_ =	sdelay $0x2  }
0xcc: {  	[tilespmem:s8], [sflag:$0x3] =	stream.indirect_vreg.gather [hbm4b:s2+s3], $0x80, v4, vm1, $0xb8;
	[tilespmem:$0x1C400] =	vst v63  }
0xcd: {  	_ = 	snop  }
0xce: {  	[tilespmem:s9], [sflag:$0x3] =	stream.indirect_vreg.gather [hbm4b:s2+s3], $0x80, v3, vm1, $0xb8;
	[tilespmem:$0x1C400] =	vst v63  }
0xcf: {  	v3 =	vld.msk [tilespmem:$0x1E0], $0xff;
	_ =	sdelay $0x4  }
0xd0: {  	v63 =	vshll.u32 v3, $0x1  }
0xd1: {  	v3 =	vand.u32 $0x7, v3;
	v4 =	vand.u32 $0xFFFFFFF0, v63  }
0xd2: {  	v3 =	vor.u32 v3, v4  }
0xd3: {  	v3 =	vperm.xlane v3, v0;
	_ =	sdelay $0x1  }
0xd4: {  	v3 =	vadd.s32 v1, v3;
	_ =	sdelay $0x3  }
0xd5: {  	p1 =	por $0x1, $0x1;
	s21 =	simm.s32 $0x0  }
0xd6: {  	[tilespmem:s11], [sflag:$0x3] =	stream.indirect_vreg.gather [hbm4b:s2+s3], $0x80, v3, vm1, $0xb8;
	[tilespmem:$0x1C400] =	vst v63  }
.LBB2_2:
0xd7: {  	_ =	swait.ge [sflag:s12], $0x6800  }
.Ltmp3:
0xd8: {  	[sflag:s12] =	ssyncset.done $0x0;
	(pc) =	sbr.rel @!p1 .LBB2_4-.Ltmp3, $4  }
0xd9: {  	[sflag:s12] =	ssyncadd.s32 $0xFFFF9800  }
0xda: {  	_ =	swait.ge [sflag:s15], $0x6800  }
0xdb: {  	s20 =	sshllo.u32 s21, $0x1;
	[sflag:s15] =	ssyncset.done $0x0  }
0xdc: {  	s20 =	smul.u32 $0x68, s20;
	[sflag:s15] =	ssyncadd.s32 $0xFFFF9800  }
0xdd: {  	_ = 	snop  }
0xde: {  	v3 =	vld [tilespmem:s20+$0x0];
	_ =	sdelay $0x4  }
0xdf: {  	v4 =	vshll.u32 v3, $0x1  }
0xe0: {  	v3 =	vand.u32 $0x7, v3;
	v4 =	vand.u32 $0xFFFFFFF0, v4  }
0xe1: {  	v3 =	vor.u32 v3, v4  }
0xe2: {  	v4 =	vperm.xlane v3, v0;
	_ =	sdelay $0x1  }
0xe3: {  	v3 =	vperm.xlane v3, v2;
	v4 =	vadd.s32 v1, v4;
	_ =	sdelay $0x1  }
0xe4: {  	v3 =	vadd.s32 v1, v3;
	_ =	sdelay $0x2  }
0xe5: {  	[tilespmem:s16], [sflag:$0x2] =	stream.indirect_vreg.gather [hbm4b:s2+s3], $0x80, v4, vm1, $0xb8;
	[tilespmem:$0x1C400] =	vst v63  }
0xe6: {  	s22 =	simm.s32 $0x7400  }
0xe7: {  	[tilespmem:s22], [sflag:$0x2] =	stream.indirect_vreg.gather [hbm4b:s2+s3], $0x80, v3, vm1, $0xb8;
	[tilespmem:$0x1C400] =	vst v63  }
0xe8: {  	v3 =	vld [tilespmem:s20+$0x10];
	_ =	sdelay $0x4  }
0xe9: {  	v51 =	vshll.u32 v3, $0x1  }
0xea: {  	v3 =	vand.u32 $0x7, v3;
	v4 =	vand.u32 $0xFFFFFFF0, v51  }
0xeb: {  	v3 =	vor.u32 v3, v4  }
0xec: {  	v4 =	vperm.xlane v3, v0;
	_ =	sdelay $0x1  }
0xed: {  	v3 =	vperm.xlane v3, v2;
	v4 =	vadd.s32 v1, v4;
	_ =	sdelay $0x1  }
0xee: {  	v3 =	vadd.s32 v1, v3;
	_ =	sdelay $0x1  }
0xef: {  	s23 =	simm.s32 $0x7C00  }
0xf0: {  	[tilespmem:s23], [sflag:$0x2] =	stream.indirect_vreg.gather [hbm4b:s2+s3], $0x80, v4, vm1, $0xb8;
	[tilespmem:$0x1C400] =	vst v63  }
0xf1: {  	s24 =	simm.s32 $0x8400  }
0xf2: {  	[tilespmem:s24], [sflag:$0x2] =	stream.indirect_vreg.gather [hbm4b:s2+s3], $0x80, v3, vm1, $0xb8;
	[tilespmem:$0x1C400] =	vst v63  }
0xf3: {  	v3 =	vld [tilespmem:s20+$0x20];
	_ =	sdelay $0x4  }
0xf4: {  	v52 =	vshll.u32 v3, $0x1  }
0xf5: {  	v3 =	vand.u32 $0x7, v3;
	v4 =	vand.u32 $0xFFFFFFF0, v52  }
0xf6: {  	v3 =	vor.u32 v3, v4  }
0xf7: {  	v4 =	vperm.xlane v3, v0;
	_ =	sdelay $0x1  }
0xf8: {  	v3 =	vperm.xlane v3, v2;
	v4 =	vadd.s32 v1, v4;
	_ =	sdelay $0x1  }
0xf9: {  	v3 =	vadd.s32 v1, v3;
	_ =	sdelay $0x1  }
0xfa: {  	s25 =	simm.s32 $0x8C00  }
0xfb: {  	[tilespmem:s25], [sflag:$0x2] =	stream.indirect_vreg.gather [hbm4b:s2+s3], $0x80, v4, vm1, $0xb8;
	[tilespmem:$0x1C400] =	vst v63  }
0xfc: {  	s26 =	simm.s32 $0x9400  }
0xfd: {  	[tilespmem:s26], [sflag:$0x2] =	stream.indirect_vreg.gather [hbm4b:s2+s3], $0x80, v3, vm1, $0xb8;
	[tilespmem:$0x1C400] =	vst v63  }
0xfe: {  	v3 =	vld [tilespmem:s20+$0x30];
	_ =	sdelay $0x4  }
0xff: {  	v53 =	vshll.u32 v3, $0x1  }
0x100: {  	v3 =	vand.u32 $0x7, v3;
	v4 =	vand.u32 $0xFFFFFFF0, v53  }
0x101: {  	v3 =	vor.u32 v3, v4  }
0x102: {  	v4 =	vperm.xlane v3, v0;
	_ =	sdelay $0x1  }
0x103: {  	v3 =	vperm.xlane v3, v2;
	v4 =	vadd.s32 v1, v4;
	_ =	sdelay $0x1  }
0x104: {  	v3 =	vadd.s32 v1, v3;
	_ =	sdelay $0x1  }
0x105: {  	s23 =	simm.s32 $0x9C00  }
0x106: {  	[tilespmem:s23], [sflag:$0x2] =	stream.indirect_vreg.gather [hbm4b:s2+s3], $0x80, v4, vm1, $0xb8;
	[tilespmem:$0x1C400] =	vst v63  }
0x107: {  	s24 =	simm.s32 $0xA400  }
0x108: {  	[tilespmem:s24], [sflag:$0x2] =	stream.indirect_vreg.gather [hbm4b:s2+s3], $0x80, v3, vm1, $0xb8;
	[tilespmem:$0x1C400] =	vst v63  }
0x109: {  	v3 =	vld [tilespmem:s20+$0x40];
	_ =	sdelay $0x4  }
0x10a: {  	v54 =	vshll.u32 v3, $0x1  }
0x10b: {  	v3 =	vand.u32 $0x7, v3;
	v4 =	vand.u32 $0xFFFFFFF0, v54  }
0x10c: {  	v3 =	vor.u32 v3, v4  }
0x10d: {  	v4 =	vperm.xlane v3, v0;
	_ =	sdelay $0x1  }
0x10e: {  	v3 =	vperm.xlane v3, v2;
	v4 =	vadd.s32 v1, v4;
	_ =	sdelay $0x1  }
0x10f: {  	v3 =	vadd.s32 v1, v3;
	_ =	sdelay $0x1  }
0x110: {  	s25 =	simm.s32 $0xAC00  }
0x111: {  	[tilespmem:s25], [sflag:$0x2] =	stream.indirect_vreg.gather [hbm4b:s2+s3], $0x80, v4, vm1, $0xb8;
	[tilespmem:$0x1C400] =	vst v63  }
0x112: {  	s26 =	simm.s32 $0xB400  }
0x113: {  	[tilespmem:s26], [sflag:$0x2] =	stream.indirect_vreg.gather [hbm4b:s2+s3], $0x80, v3, vm1, $0xb8;
	[tilespmem:$0x1C400] =	vst v63  }
0x114: {  	v3 =	vld [tilespmem:s20+$0x50];
	_ =	sdelay $0x4  }
0x115: {  	v55 =	vshll.u32 v3, $0x1  }
0x116: {  	v3 =	vand.u32 $0x7, v3;
	v4 =	vand.u32 $0xFFFFFFF0, v55  }
0x117: {  	v3 =	vor.u32 v3, v4  }
0x118: {  	v4 =	vperm.xlane v3, v0;
	_ =	sdelay $0x1  }
0x119: {  	v3 =	vperm.xlane v3, v2;
	v4 =	vadd.s32 v1, v4;
	_ =	sdelay $0x1  }
0x11a: {  	v3 =	vadd.s32 v1, v3;
	_ =	sdelay $0x1  }
0x11b: {  	s23 =	simm.s32 $0xBC00  }
0x11c: {  	[tilespmem:s23], [sflag:$0x2] =	stream.indirect_vreg.gather [hbm4b:s2+s3], $0x80, v4, vm1, $0xb8;
	[tilespmem:$0x1C400] =	vst v63  }
0x11d: {  	s24 =	simm.s32 $0xC400  }
0x11e: {  	[tilespmem:s24], [sflag:$0x2] =	stream.indirect_vreg.gather [hbm4b:s2+s3], $0x80, v3, vm1, $0xb8;
	[tilespmem:$0x1C400] =	vst v63  }
0x11f: {  	v3 =	vld.msk [tilespmem:s20+$0x60], $0xff;
	_ =	sdelay $0x4  }
0x120: {  	v56 =	vshll.u32 v3, $0x1  }
0x121: {  	v3 =	vand.u32 $0x7, v3;
	v4 =	vand.u32 $0xFFFFFFF0, v56  }
0x122: {  	v3 =	vor.u32 v3, v4  }
0x123: {  	v3 =	vperm.xlane v3, v0;
	_ =	sdelay $0x1  }
0x124: {  	v3 =	vadd.s32 v1, v3;
	_ =	sdelay $0x3  }
0x125: {  	s25 =	simm.s32 $0xCC00  }
0x126: {  	[tilespmem:s25], [sflag:$0x2] =	stream.indirect_vreg.gather [hbm4b:s2+s3], $0x80, v3, vm1, $0xb8;
	[tilespmem:$0x1C400] =	vst v63  }
0x127: {  	v3 =	vld [tilespmem:s20+$0x180];
	_ =	sdelay $0x4  }
0x128: {  	v57 =	vshll.u32 v3, $0x1  }
0x129: {  	v3 =	vand.u32 $0x7, v3;
	v4 =	vand.u32 $0xFFFFFFF0, v57  }
0x12a: {  	v3 =	vor.u32 v3, v4  }
0x12b: {  	v4 =	vperm.xlane v3, v0;
	_ =	sdelay $0x1  }
0x12c: {  	v3 =	vperm.xlane v3, v2;
	v4 =	vadd.s32 v1, v4;
	_ =	sdelay $0x1  }
0x12d: {  	v3 =	vadd.s32 v1, v3;
	_ =	sdelay $0x1  }
0x12e: {  	s26 =	simm.s32 $0x13C00  }
0x12f: {  	[tilespmem:s26], [sflag:$0x4] =	stream.indirect_vreg.gather [hbm4b:s2+s3], $0x80, v4, vm1, $0xb8;
	[tilespmem:$0x1C400] =	vst v63  }
0x130: {  	s23 =	simm.s32 $0x14400  }
0x131: {  	[tilespmem:s23], [sflag:$0x4] =	stream.indirect_vreg.gather [hbm4b:s2+s3], $0x80, v3, vm1, $0xb8;
	[tilespmem:$0x1C400] =	vst v63  }
0x132: {  	v3 =	vld [tilespmem:s20+$0x190];
	_ =	sdelay $0x4  }
0x133: {  	v58 =	vshll.u32 v3, $0x1  }
0x134: {  	v3 =	vand.u32 $0x7, v3;
	v4 =	vand.u32 $0xFFFFFFF0, v58  }
0x135: {  	v3 =	vor.u32 v3, v4  }
0x136: {  	v4 =	vperm.xlane v3, v0;
	_ =	sdelay $0x1  }
0x137: {  	v3 =	vperm.xlane v3, v2;
	v4 =	vadd.s32 v1, v4;
	_ =	sdelay $0x1  }
0x138: {  	v3 =	vadd.s32 v1, v3;
	_ =	sdelay $0x1  }
0x139: {  	s24 =	simm.s32 $0x14C00  }
0x13a: {  	[tilespmem:s24], [sflag:$0x4] =	stream.indirect_vreg.gather [hbm4b:s2+s3], $0x80, v4, vm1, $0xb8;
	[tilespmem:$0x1C400] =	vst v63  }
0x13b: {  	s25 =	simm.s32 $0x15400  }
0x13c: {  	[tilespmem:s25], [sflag:$0x4] =	stream.indirect_vreg.gather [hbm4b:s2+s3], $0x80, v3, vm1, $0xb8;
	[tilespmem:$0x1C400] =	vst v63  }
0x13d: {  	v3 =	vld [tilespmem:s20+$0x1A0];
	_ =	sdelay $0x4  }
0x13e: {  	v59 =	vshll.u32 v3, $0x1  }
0x13f: {  	v3 =	vand.u32 $0x7, v3;
	v4 =	vand.u32 $0xFFFFFFF0, v59  }
0x140: {  	v3 =	vor.u32 v3, v4  }
0x141: {  	v4 =	vperm.xlane v3, v0;
	_ =	sdelay $0x1  }
0x142: {  	v3 =	vperm.xlane v3, v2;
	v4 =	vadd.s32 v1, v4;
	_ =	sdelay $0x1  }
0x143: {  	v3 =	vadd.s32 v1, v3;
	_ =	sdelay $0x1  }
0x144: {  	s26 =	simm.s32 $0x15C00  }
0x145: {  	[tilespmem:s26], [sflag:$0x4] =	stream.indirect_vreg.gather [hbm4b:s2+s3], $0x80, v4, vm1, $0xb8;
	[tilespmem:$0x1C400] =	vst v63  }
0x146: {  	s23 =	simm.s32 $0x16400  }
0x147: {  	[tilespmem:s23], [sflag:$0x4] =	stream.indirect_vreg.gather [hbm4b:s2+s3], $0x80, v3, vm1, $0xb8;
	[tilespmem:$0x1C400] =	vst v63  }
0x148: {  	v3 =	vld [tilespmem:s20+$0x1B0];
	_ =	sdelay $0x4  }
0x149: {  	v60 =	vshll.u32 v3, $0x1  }
0x14a: {  	v3 =	vand.u32 $0x7, v3;
	v4 =	vand.u32 $0xFFFFFFF0, v60  }
0x14b: {  	v3 =	vor.u32 v3, v4  }
0x14c: {  	v4 =	vperm.xlane v3, v0;
	_ =	sdelay $0x1  }
0x14d: {  	v3 =	vperm.xlane v3, v2;
	v4 =	vadd.s32 v1, v4;
	_ =	sdelay $0x1  }
0x14e: {  	v3 =	vadd.s32 v1, v3;
	_ =	sdelay $0x1  }
0x14f: {  	s24 =	simm.s32 $0x16C00  }
0x150: {  	[tilespmem:s24], [sflag:$0x4] =	stream.indirect_vreg.gather [hbm4b:s2+s3], $0x80, v4, vm1, $0xb8;
	[tilespmem:$0x1C400] =	vst v63  }
0x151: {  	s25 =	simm.s32 $0x17400  }
0x152: {  	[tilespmem:s25], [sflag:$0x4] =	stream.indirect_vreg.gather [hbm4b:s2+s3], $0x80, v3, vm1, $0xb8;
	[tilespmem:$0x1C400] =	vst v63  }
0x153: {  	v3 =	vld [tilespmem:s20+$0x1C0];
	_ =	sdelay $0x4  }
0x154: {  	v61 =	vshll.u32 v3, $0x1  }
0x155: {  	v3 =	vand.u32 $0x7, v3;
	v4 =	vand.u32 $0xFFFFFFF0, v61  }
0x156: {  	v3 =	vor.u32 v3, v4  }
0x157: {  	v4 =	vperm.xlane v3, v0;
	_ =	sdelay $0x1  }
0x158: {  	v3 =	vperm.xlane v3, v2;
	v4 =	vadd.s32 v1, v4;
	_ =	sdelay $0x1  }
0x159: {  	v3 =	vadd.s32 v1, v3;
	_ =	sdelay $0x1  }
0x15a: {  	s26 =	simm.s32 $0x17C00  }
0x15b: {  	[tilespmem:s26], [sflag:$0x4] =	stream.indirect_vreg.gather [hbm4b:s2+s3], $0x80, v4, vm1, $0xb8;
	[tilespmem:$0x1C400] =	vst v63  }
0x15c: {  	s23 =	simm.s32 $0x18400  }
0x15d: {  	[tilespmem:s23], [sflag:$0x4] =	stream.indirect_vreg.gather [hbm4b:s2+s3], $0x80, v3, vm1, $0xb8;
	[tilespmem:$0x1C400] =	vst v63  }
0x15e: {  	v3 =	vld [tilespmem:s20+$0x1D0];
	_ =	sdelay $0x4  }
0x15f: {  	v62 =	vshll.u32 v3, $0x1  }
0x160: {  	v3 =	vand.u32 $0x7, v3;
	v4 =	vand.u32 $0xFFFFFFF0, v62  }
0x161: {  	v3 =	vor.u32 v3, v4  }
0x162: {  	v4 =	vperm.xlane v3, v0;
	_ =	sdelay $0x1  }
0x163: {  	v3 =	vperm.xlane v3, v2;
	v4 =	vadd.s32 v1, v4;
	_ =	sdelay $0x1  }
0x164: {  	v3 =	vadd.s32 v1, v3;
	_ =	sdelay $0x1  }
0x165: {  	s24 =	simm.s32 $0x18C00  }
0x166: {  	[tilespmem:s24], [sflag:$0x4] =	stream.indirect_vreg.gather [hbm4b:s2+s3], $0x80, v4, vm1, $0xb8;
	[tilespmem:$0x1C400] =	vst v63  }
0x167: {  	s25 =	simm.s32 $0x19400  }
0x168: {  	[tilespmem:s25], [sflag:$0x4] =	stream.indirect_vreg.gather [hbm4b:s2+s3], $0x80, v3, vm1, $0xb8;
	[tilespmem:$0x1C400] =	vst v63  }
0x169: {  	v3 =	vld.msk [tilespmem:s20+$0x1E0], $0xff;
	_ =	sdelay $0x4  }
0x16a: {  	v63 =	vshll.u32 v3, $0x1  }
0x16b: {  	v3 =	vand.u32 $0x7, v3;
	v4 =	vand.u32 $0xFFFFFFF0, v63  }
0x16c: {  	v3 =	vor.u32 v3, v4  }
0x16d: {  	v3 =	vperm.xlane v3, v0;
	_ =	sdelay $0x1  }
0x16e: {  	v3 =	vadd.s32 v1, v3;
	_ =	sdelay $0x3  }
0x16f: {  	s26 =	simm.s32 $0x19C00  }
0x170: {  	[tilespmem:s26], [sflag:$0x4] =	stream.indirect_vreg.gather [hbm4b:s2+s3], $0x80, v3, vm1, $0xb8;
	[tilespmem:$0x1C400] =	vst v63  }
.LBB2_4:
0x171: {  	s22 =	simm.s32 $0x0  }
0x172: {  	s23 =	sand.u32 $0x7800, s22;
	s22 =	sand.u32 $0x380, s22  }
0x173: {  	s22 =	sor.u32 s22, s23  }
0x174: {  	v10 =	vld [tilespmem:s22+$0xD400]  }
0x175: {  	v11 =	vld [tilespmem:s22+$0xD410]  }
0x176: {  	v12 =	vld [tilespmem:s22+$0xD420]  }
0x177: {  	v13 =	vld [tilespmem:s22+$0xD430]  }
0x178: {  	v14 =	vld [tilespmem:s22+$0xD440]  }
0x179: {  	v15 =	vld [tilespmem:s22+$0xD450]  }
0x17a: {  	v16 =	vld [tilespmem:s22+$0xD460]  }
0x17b: {  	v17 =	vld [tilespmem:s22+$0xD470]  }
0x17c: {  	v18 =	vld [tilespmem:s22+$0xD800]  }
0x17d: {  	v9 =	vld [tilespmem:s22+$0xD810]  }
0x17e: {  	v8 =	vld [tilespmem:s22+$0xD820]  }
0x17f: {  	v7 =	vld [tilespmem:s22+$0xD830]  }
0x180: {  	v6 =	vld [tilespmem:s22+$0xD840]  }
0x181: {  	v5 =	vld [tilespmem:s22+$0xD850]  }
0x182: {  	v4 =	vld [tilespmem:s22+$0xD860]  }
0x183: {  	v3 =	vld [tilespmem:s22+$0xD870]  }
0x184: {  	v19 =	vld [tilespmem:s22+$0x400]  }
0x185: {  	v20 =	vld [tilespmem:s22+$0x410]  }
0x186: {  	v21 =	vld [tilespmem:s22+$0x420]  }
0x187: {  	v22 =	vld [tilespmem:s22+$0x430]  }
0x188: {  	v23 =	vld [tilespmem:s22+$0x440]  }
0x189: {  	v10 =	vadd.f32 v10, v19;
	v19 =	vld [tilespmem:s22+$0x450]  }
0x18a: {  	v61 =	vld [tilespmem:s22+$0x460];
	v11 =	vadd.f32 v11, v20  }
0x18b: {  	v62 =	vld [tilespmem:s22+$0x470];
	[tilespmem:s22+$0x400] =	vst v10;
	v10 =	vadd.f32 v12, v21  }
0x18c: {  	v63 =	vld [tilespmem:s22+$0x800];
	[tilespmem:s22+$0x410] =	vst v11;
	v11 =	vadd.f32 v13, v22  }
0x18d: {  	v13 =	vld [tilespmem:s22+$0x810];
	[tilespmem:s22+$0x420] =	vst v10;
	v10 =	vadd.f32 v14, v23  }
0x18e: {  	v12 =	vld [tilespmem:s22+$0x820];
	[tilespmem:s22+$0x430] =	vst v11;
	v11 =	vadd.f32 v15, v19  }
0x18f: {  	v14 =	vadd.f32 v16, v61;
	[tilespmem:s22+$0x440] =	vst v10;
	v10 =	vld [tilespmem:s22+$0x830]  }
0x190: {  	v16 =	vadd.f32 v17, v62;
	[tilespmem:s22+$0x450] =	vst v11;
	v11 =	vld [tilespmem:s22+$0x840]  }
0x191: {  	s24 =	simm.s32 $0x100;
	s23 =	simm.s32 $0x80;
	v15 =	vadd.f32 v18, v63;
	[tilespmem:s22+$0x460] =	vst v14;
	v14 =	vld [tilespmem:s22+$0x850]  }
.LBB2_5:
0x192: {  	s25 =	sand.u32 $0x7800, s24;
	s26 =	sand.u32 $0x380, s23;
	p2 =	sne.s32 s24, $0x6700;
	[tilespmem:s22+$0x470] =	vst v16;
	v9 =	vadd.f32 v9, v13;
	v13 =	vld [tilespmem:s22+$0x860]  }
0x193: {  	s25 =	sor.u32 s26, s25;
	[tilespmem:s22+$0x800] =	vst v15;
	v8 =	vadd.f32 v8, v12;
	v12 =	vld [tilespmem:s22+$0x870]  }
0x194: {  	v15 =	vld [tilespmem:s25+$0xD400];
	[tilespmem:s22+$0x810] =	vst v9;
	v7 =	vadd.f32 v7, v10  }
0x195: {  	v10 =	vld [tilespmem:s25+$0xD410];
	[tilespmem:s22+$0x820] =	vst v8;
	v6 =	vadd.f32 v6, v11  }
0x196: {  	v11 =	vld [tilespmem:s25+$0xD420];
	[tilespmem:s22+$0x830] =	vst v7;
	v5 =	vadd.f32 v5, v14  }
0x197: {  	v14 =	vld [tilespmem:s25+$0xD430];
	[tilespmem:s22+$0x840] =	vst v6;
	v4 =	vadd.f32 v4, v13  }
0x198: {  	v13 =	vld [tilespmem:s25+$0xD440];
	[tilespmem:s22+$0x850] =	vst v5;
	v3 =	vadd.f32 v3, v12  }
0x199: {  	v12 =	vld [tilespmem:s25+$0xD450];
	[tilespmem:s22+$0x860] =	vst v4  }
0x19a: {  	v16 =	vld [tilespmem:s25+$0xD460];
	[tilespmem:s22+$0x870] =	vst v3;
	s22 =	smov.u32 s25  }
0x19b: {  	v17 =	vld [tilespmem:s22+$0xD470]  }
0x19c: {  	v18 =	vld [tilespmem:s22+$0xD800]  }
0x19d: {  	v9 =	vld [tilespmem:s22+$0xD810]  }
0x19e: {  	v8 =	vld [tilespmem:s22+$0xD820]  }
0x19f: {  	v7 =	vld [tilespmem:s22+$0xD830]  }
0x1a0: {  	v6 =	vld [tilespmem:s22+$0xD840]  }
0x1a1: {  	v5 =	vld [tilespmem:s22+$0xD850]  }
0x1a2: {  	v4 =	vld [tilespmem:s22+$0xD860]  }
0x1a3: {  	v3 =	vld [tilespmem:s22+$0xD870]  }
0x1a4: {  	v19 =	vld [tilespmem:s22+$0x400]  }
0x1a5: {  	v20 =	vld [tilespmem:s22+$0x410]  }
0x1a6: {  	v21 =	vld [tilespmem:s22+$0x420]  }
0x1a7: {  	v22 =	vld [tilespmem:s22+$0x430]  }
0x1a8: {  	v23 =	vld [tilespmem:s22+$0x440]  }
0x1a9: {  	v15 =	vadd.f32 v15, v19;
	v19 =	vld [tilespmem:s22+$0x450]  }
0x1aa: {  	v10 =	vadd.f32 v10, v20;
	v20 =	vld [tilespmem:s22+$0x460]  }
0x1ab: {  	[tilespmem:s22+$0x400] =	vst v15;
	v11 =	vadd.f32 v11, v21;
	v15 =	vld [tilespmem:s22+$0x470]  }
0x1ac: {  	[tilespmem:s22+$0x410] =	vst v10;
	v10 =	vadd.f32 v14, v22;
	v14 =	vld [tilespmem:s22+$0x800]  }
.Ltmp4:
0x1ad: {  	[tilespmem:s22+$0x420] =	vst v11;
	v11 =	vadd.f32 v13, v23;
	v13 =	vld [tilespmem:s22+$0x810];
	(pc) =	sbr.rel @p2 .LBB2_5-.Ltmp4, $4  }
0x1ae: {  	[tilespmem:s22+$0x430] =	vst v10;
	v19 =	vadd.f32 v12, v19;
	v12 =	vld [tilespmem:s22+$0x820]  }
0x1af: {  	[tilespmem:s22+$0x440] =	vst v11;
	v20 =	vadd.f32 v16, v20;
	v10 =	vld [tilespmem:s22+$0x830]  }
0x1b0: {  	[tilespmem:s22+$0x450] =	vst v19;
	v16 =	vadd.f32 v17, v15;
	v11 =	vld [tilespmem:s22+$0x840]  }
0x1b1: {  	s23 =	sadd.s32 $0x80, s23;
	s24 =	sadd.s32 $0x100, s24;
	[tilespmem:s22+$0x460] =	vst v20;
	v15 =	vadd.f32 v18, v14;
	v14 =	vld [tilespmem:s22+$0x850]  }
0x1b2: {  	[tilespmem:s22+$0x470] =	vst v16;
	v9 =	vadd.f32 v9, v13;
	v62 =	vld [tilespmem:s22+$0x860]  }
0x1b3: {  	v63 =	vld [tilespmem:s22+$0x870];
	[tilespmem:s22+$0x800] =	vst v15;
	v8 =	vadd.f32 v8, v12  }
0x1b4: {  	[tilespmem:s22+$0x810] =	vst v9;
	v7 =	vadd.f32 v7, v10  }
0x1b5: {  	[tilespmem:s22+$0x820] =	vst v8;
	v6 =	vadd.f32 v6, v11  }
0x1b6: {  	s21 =	smul.u32 $0xD0, s21;
	[tilespmem:s22+$0x830] =	vst v7;
	v5 =	vadd.f32 v5, v14  }
.Ltmp5:
0x1b7: {  	[tilespmem:s22+$0x840] =	vst v6;
	v4 =	vadd.f32 v4, v62;
	(pc) =	sbr.rel @!p1 .LBB2_10-.Ltmp5, $4  }
0x1b8: {  	s21 =	sadd.s32 s4, s21;
	v3 =	vadd.f32 v3, v63;
	[tilespmem:s22+$0x850] =	vst v5  }
0x1b9: {  	s21 =	sshll.u32 s21, $0x5;
	[tilespmem:s22+$0x860] =	vst v4  }
0x1ba: {  	s21 =	sadd.s32 s5, s21;
	[tilespmem:s22+$0x870] =	vst v3  }
0x1bb: {  	[hbm4b:s21+s3] =	stream.linear.scatter [tilespmem:s14], [sflag:$0x5], $0x6800, $0x38;
	[tilespmem:$0x1C400] =	vst v63  }
0x1bc: {  	_ =	swait.ge [sflag:s17], $0x6800  }
0x1bd: {  	[sflag:s17] =	ssyncset.done $0x0  }
0x1be: {  	[sflag:s17] =	ssyncadd.s32 $0xFFFF9800  }
0x1bf: {  	_ =	swait.ge [sflag:s18], $0x6800  }
0x1c0: {  	[sflag:s18] =	ssyncset.done $0x0  }
0x1c1: {  	[sflag:s18] =	ssyncadd.s32 $0xFFFF9800  }
0x1c2: {  	_ =	swait.ge [sflag:s19], $0x6800  }
0x1c3: {  	[sflag:s19] =	ssyncset.done $0x0  }
0x1c4: {  	[sflag:s19] =	ssyncadd.s32 $0xFFFF9800  }
0x1c5: {  	v3 =	vld [tilespmem:$0xD0];
	_ =	sdelay $0x4  }
0x1c6: {  	v4 =	vshll.u32 v3, $0x1  }
0x1c7: {  	v3 =	vand.u32 $0x7, v3;
	v4 =	vand.u32 $0xFFFFFFF0, v4  }
0x1c8: {  	v3 =	vor.u32 v3, v4  }
0x1c9: {  	v4 =	vperm.xlane v3, v0;
	_ =	sdelay $0x1  }
0x1ca: {  	v3 =	vperm.xlane v3, v2;
	v4 =	vadd.s32 v1, v4;
	_ =	sdelay $0x1  }
0x1cb: {  	v3 =	vadd.s32 v1, v3;
	_ =	sdelay $0x1  }
0x1cc: {  	s21 =	simm.s32 $0x0  }
0x1cd: {  	[tilespmem:s14], [sflag:$0x1] =	stream.indirect_vreg.gather [hbm4b:s2+s21], $0x80, v4, vm1, $0xb8;
	[tilespmem:$0x1C400] =	vst v63  }
0x1ce: {  	s22 =	simm.s32 $0xC00  }
0x1cf: {  	[tilespmem:s22], [sflag:$0x1] =	stream.indirect_vreg.gather [hbm4b:s2+s21], $0x80, v3, vm1, $0xb8;
	[tilespmem:$0x1C400] =	vst v63  }
0x1d0: {  	v3 =	vld [tilespmem:$0xE0];
	_ =	sdelay $0x4  }
0x1d1: {  	v4 =	vshll.u32 v3, $0x1  }
0x1d2: {  	v3 =	vand.u32 $0x7, v3;
	v4 =	vand.u32 $0xFFFFFFF0, v4  }
0x1d3: {  	v3 =	vor.u32 v3, v4  }
0x1d4: {  	v4 =	vperm.xlane v3, v0;
	_ =	sdelay $0x1  }
0x1d5: {  	v3 =	vperm.xlane v3, v2;
	v4 =	vadd.s32 v1, v4;
	_ =	sdelay $0x1  }
0x1d6: {  	v3 =	vadd.s32 v1, v3;
	_ =	sdelay $0x1  }
0x1d7: {  	s23 =	simm.s32 $0x1400  }
0x1d8: {  	[tilespmem:s23], [sflag:$0x1] =	stream.indirect_vreg.gather [hbm4b:s2+s21], $0x80, v4, vm1, $0xb8;
	[tilespmem:$0x1C400] =	vst v63  }
0x1d9: {  	s24 =	simm.s32 $0x1C00  }
0x1da: {  	[tilespmem:s24], [sflag:$0x1] =	stream.indirect_vreg.gather [hbm4b:s2+s21], $0x80, v3, vm1, $0xb8;
	[tilespmem:$0x1C400] =	vst v63  }
0x1db: {  	v3 =	vld [tilespmem:$0xF0];
	_ =	sdelay $0x4  }
0x1dc: {  	v4 =	vshll.u32 v3, $0x1  }
0x1dd: {  	v3 =	vand.u32 $0x7, v3;
	v4 =	vand.u32 $0xFFFFFFF0, v4  }
0x1de: {  	v3 =	vor.u32 v3, v4  }
0x1df: {  	v4 =	vperm.xlane v3, v0;
	_ =	sdelay $0x1  }
0x1e0: {  	v3 =	vperm.xlane v3, v2;
	v4 =	vadd.s32 v1, v4;
	_ =	sdelay $0x1  }
0x1e1: {  	v3 =	vadd.s32 v1, v3;
	_ =	sdelay $0x1  }
0x1e2: {  	s25 =	simm.s32 $0x2400  }
0x1e3: {  	[tilespmem:s25], [sflag:$0x1] =	stream.indirect_vreg.gather [hbm4b:s2+s21], $0x80, v4, vm1, $0xb8;
	[tilespmem:$0x1C400] =	vst v63  }
0x1e4: {  	s26 =	simm.s32 $0x2C00  }
0x1e5: {  	[tilespmem:s26], [sflag:$0x1] =	stream.indirect_vreg.gather [hbm4b:s2+s21], $0x80, v3, vm1, $0xb8;
	[tilespmem:$0x1C400] =	vst v63  }
0x1e6: {  	v3 =	vld [tilespmem:$0x100];
	_ =	sdelay $0x4  }
0x1e7: {  	v4 =	vshll.u32 v3, $0x1  }
0x1e8: {  	v3 =	vand.u32 $0x7, v3;
	v4 =	vand.u32 $0xFFFFFFF0, v4  }
0x1e9: {  	v3 =	vor.u32 v3, v4  }
0x1ea: {  	v4 =	vperm.xlane v3, v0;
	_ =	sdelay $0x1  }
0x1eb: {  	v3 =	vperm.xlane v3, v2;
	v4 =	vadd.s32 v1, v4;
	_ =	sdelay $0x1  }
0x1ec: {  	v3 =	vadd.s32 v1, v3;
	_ =	sdelay $0x1  }
0x1ed: {  	s23 =	simm.s32 $0x3400  }
0x1ee: {  	[tilespmem:s23], [sflag:$0x1] =	stream.indirect_vreg.gather [hbm4b:s2+s21], $0x80, v4, vm1, $0xb8;
	[tilespmem:$0x1C400] =	vst v63  }
0x1ef: {  	s24 =	simm.s32 $0x3C00  }
0x1f0: {  	[tilespmem:s24], [sflag:$0x1] =	stream.indirect_vreg.gather [hbm4b:s2+s21], $0x80, v3, vm1, $0xb8;
	[tilespmem:$0x1C400] =	vst v63  }
0x1f1: {  	v3 =	vld [tilespmem:$0x110];
	_ =	sdelay $0x4  }
0x1f2: {  	v4 =	vshll.u32 v3, $0x1  }
0x1f3: {  	v3 =	vand.u32 $0x7, v3;
	v4 =	vand.u32 $0xFFFFFFF0, v4  }
0x1f4: {  	v3 =	vor.u32 v3, v4  }
0x1f5: {  	v4 =	vperm.xlane v3, v0;
	_ =	sdelay $0x1  }
0x1f6: {  	v3 =	vperm.xlane v3, v2;
	v4 =	vadd.s32 v1, v4;
	_ =	sdelay $0x1  }
0x1f7: {  	v3 =	vadd.s32 v1, v3;
	_ =	sdelay $0x1  }
0x1f8: {  	s25 =	simm.s32 $0x4400  }
0x1f9: {  	[tilespmem:s25], [sflag:$0x1] =	stream.indirect_vreg.gather [hbm4b:s2+s21], $0x80, v4, vm1, $0xb8;
	[tilespmem:$0x1C400] =	vst v63  }
0x1fa: {  	s26 =	simm.s32 $0x4C00  }
0x1fb: {  	[tilespmem:s26], [sflag:$0x1] =	stream.indirect_vreg.gather [hbm4b:s2+s21], $0x80, v3, vm1, $0xb8;
	[tilespmem:$0x1C400] =	vst v63  }
0x1fc: {  	v3 =	vld [tilespmem:$0x120];
	_ =	sdelay $0x4  }
0x1fd: {  	v4 =	vshll.u32 v3, $0x1  }
0x1fe: {  	v3 =	vand.u32 $0x7, v3;
	v4 =	vand.u32 $0xFFFFFFF0, v4  }
0x1ff: {  	v3 =	vor.u32 v3, v4  }
0x200: {  	v4 =	vperm.xlane v3, v0;
	_ =	sdelay $0x1  }
0x201: {  	v3 =	vperm.xlane v3, v2;
	v4 =	vadd.s32 v1, v4;
	_ =	sdelay $0x1  }
0x202: {  	v3 =	vadd.s32 v1, v3;
	_ =	sdelay $0x1  }
0x203: {  	s23 =	simm.s32 $0x5400  }
0x204: {  	[tilespmem:s23], [sflag:$0x1] =	stream.indirect_vreg.gather [hbm4b:s2+s21], $0x80, v4, vm1, $0xb8;
	[tilespmem:$0x1C400] =	vst v63  }
0x205: {  	s24 =	simm.s32 $0x5C00  }
0x206: {  	[tilespmem:s24], [sflag:$0x1] =	stream.indirect_vreg.gather [hbm4b:s2+s21], $0x80, v3, vm1, $0xb8;
	[tilespmem:$0x1C400] =	vst v63  }
0x207: {  	v3 =	vld.msk [tilespmem:$0x130], $0xff;
	_ =	sdelay $0x4  }
0x208: {  	v4 =	vshll.u32 v3, $0x1  }
0x209: {  	v3 =	vand.u32 $0x7, v3;
	v4 =	vand.u32 $0xFFFFFFF0, v4  }
0x20a: {  	v3 =	vor.u32 v3, v4  }
0x20b: {  	v3 =	vperm.xlane v3, v0;
	_ =	sdelay $0x1  }
0x20c: {  	v3 =	vadd.s32 v1, v3;
	_ =	sdelay $0x3  }
0x20d: {  	s25 =	simm.s32 $0x6400  }
0x20e: {  	[tilespmem:s25], [sflag:$0x1] =	stream.indirect_vreg.gather [hbm4b:s2+s21], $0x80, v3, vm1, $0xb8;
	[tilespmem:$0x1C400] =	vst v63  }
0x20f: {  	v3 =	vld [tilespmem:$0x250];
	_ =	sdelay $0x4  }
0x210: {  	v4 =	vshll.u32 v3, $0x1  }
0x211: {  	v3 =	vand.u32 $0x7, v3;
	v4 =	vand.u32 $0xFFFFFFF0, v4  }
0x212: {  	v3 =	vor.u32 v3, v4  }
0x213: {  	v4 =	vperm.xlane v3, v0;
	_ =	sdelay $0x1  }
0x214: {  	v3 =	vperm.xlane v3, v2;
	v4 =	vadd.s32 v1, v4;
	_ =	sdelay $0x1  }
0x215: {  	v3 =	vadd.s32 v1, v3;
	_ =	sdelay $0x2  }
0x216: {  	[tilespmem:s28], [sflag:$0x3] =	stream.indirect_vreg.gather [hbm4b:s2+s21], $0x80, v4, vm1, $0xb8;
	[tilespmem:$0x1C400] =	vst v63  }
0x217: {  	_ = 	snop  }
0x218: {  	[tilespmem:s29], [sflag:$0x3] =	stream.indirect_vreg.gather [hbm4b:s2+s21], $0x80, v3, vm1, $0xb8;
	[tilespmem:$0x1C400] =	vst v63  }
0x219: {  	v3 =	vld [tilespmem:$0x260];
	_ =	sdelay $0x4  }
0x21a: {  	v4 =	vshll.u32 v3, $0x1  }
0x21b: {  	v3 =	vand.u32 $0x7, v3;
	v4 =	vand.u32 $0xFFFFFFF0, v4  }
0x21c: {  	v3 =	vor.u32 v3, v4  }
0x21d: {  	v4 =	vperm.xlane v3, v0;
	_ =	sdelay $0x1  }
0x21e: {  	v3 =	vperm.xlane v3, v2;
	v4 =	vadd.s32 v1, v4;
	_ =	sdelay $0x1  }
0x21f: {  	v3 =	vadd.s32 v1, v3;
	_ =	sdelay $0x2  }
0x220: {  	[tilespmem:s30], [sflag:$0x3] =	stream.indirect_vreg.gather [hbm4b:s2+s21], $0x80, v4, vm1, $0xb8;
	[tilespmem:$0x1C400] =	vst v63  }
0x221: {  	_ = 	snop  }
0x222: {  	[tilespmem:s31], [sflag:$0x3] =	stream.indirect_vreg.gather [hbm4b:s2+s21], $0x80, v3, vm1, $0xb8;
	[tilespmem:$0x1C400] =	vst v63  }
0x223: {  	v3 =	vld [tilespmem:$0x270];
	_ =	sdelay $0x4  }
0x224: {  	v4 =	vshll.u32 v3, $0x1  }
0x225: {  	v3 =	vand.u32 $0x7, v3;
	v4 =	vand.u32 $0xFFFFFFF0, v4  }
0x226: {  	v3 =	vor.u32 v3, v4  }
0x227: {  	v4 =	vperm.xlane v3, v0;
	_ =	sdelay $0x1  }
0x228: {  	v3 =	vperm.xlane v3, v2;
	v4 =	vadd.s32 v1, v4;
	_ =	sdelay $0x1  }
0x229: {  	v3 =	vadd.s32 v1, v3;
	_ =	sdelay $0x2  }
0x22a: {  	[tilespmem:s1], [sflag:$0x3] =	stream.indirect_vreg.gather [hbm4b:s2+s21], $0x80, v4, vm1, $0xb8;
	[tilespmem:$0x1C400] =	vst v63  }
0x22b: {  	_ = 	snop  }
0x22c: {  	[tilespmem:s0], [sflag:$0x3] =	stream.indirect_vreg.gather [hbm4b:s2+s21], $0x80, v3, vm1, $0xb8;
	[tilespmem:$0x1C400] =	vst v63  }
0x22d: {  	v3 =	vld [tilespmem:$0x280];
	_ =	sdelay $0x4  }
0x22e: {  	v4 =	vshll.u32 v3, $0x1  }
0x22f: {  	v3 =	vand.u32 $0x7, v3;
	v4 =	vand.u32 $0xFFFFFFF0, v4  }
0x230: {  	v3 =	vor.u32 v3, v4  }
0x231: {  	v4 =	vperm.xlane v3, v0;
	_ =	sdelay $0x1  }
0x232: {  	v3 =	vperm.xlane v3, v2;
	v4 =	vadd.s32 v1, v4;
	_ =	sdelay $0x1  }
0x233: {  	v3 =	vadd.s32 v1, v3;
	_ =	sdelay $0x2  }
0x234: {  	[tilespmem:s10], [sflag:$0x3] =	stream.indirect_vreg.gather [hbm4b:s2+s21], $0x80, v4, vm1, $0xb8;
	[tilespmem:$0x1C400] =	vst v63  }
0x235: {  	_ = 	snop  }
0x236: {  	[tilespmem:s13], [sflag:$0x3] =	stream.indirect_vreg.gather [hbm4b:s2+s21], $0x80, v3, vm1, $0xb8;
	[tilespmem:$0x1C400] =	vst v63  }
0x237: {  	v3 =	vld [tilespmem:$0x290];
	_ =	sdelay $0x4  }
0x238: {  	v4 =	vshll.u32 v3, $0x1  }
0x239: {  	v3 =	vand.u32 $0x7, v3;
	v4 =	vand.u32 $0xFFFFFFF0, v4  }
0x23a: {  	v3 =	vor.u32 v3, v4  }
0x23b: {  	v4 =	vperm.xlane v3, v0;
	_ =	sdelay $0x1  }
0x23c: {  	v3 =	vperm.xlane v3, v2;
	v4 =	vadd.s32 v1, v4;
	_ =	sdelay $0x1  }
0x23d: {  	v3 =	vadd.s32 v1, v3;
	_ =	sdelay $0x2  }
0x23e: {  	[tilespmem:s6], [sflag:$0x3] =	stream.indirect_vreg.gather [hbm4b:s2+s21], $0x80, v4, vm1, $0xb8;
	[tilespmem:$0x1C400] =	vst v63  }
0x23f: {  	_ = 	snop  }
0x240: {  	[tilespmem:s7], [sflag:$0x3] =	stream.indirect_vreg.gather [hbm4b:s2+s21], $0x80, v3, vm1, $0xb8;
	[tilespmem:$0x1C400] =	vst v63  }
0x241: {  	v3 =	vld [tilespmem:$0x2A0];
	_ =	sdelay $0x4  }
0x242: {  	v4 =	vshll.u32 v3, $0x1  }
0x243: {  	v3 =	vand.u32 $0x7, v3;
	v4 =	vand.u32 $0xFFFFFFF0, v4  }
0x244: {  	v3 =	vor.u32 v3, v4  }
0x245: {  	v4 =	vperm.xlane v3, v0;
	_ =	sdelay $0x1  }
0x246: {  	v3 =	vperm.xlane v3, v2;
	v4 =	vadd.s32 v1, v4;
	_ =	sdelay $0x1  }
0x247: {  	v3 =	vadd.s32 v1, v3;
	_ =	sdelay $0x2  }
0x248: {  	[tilespmem:s8], [sflag:$0x3] =	stream.indirect_vreg.gather [hbm4b:s2+s21], $0x80, v4, vm1, $0xb8;
	[tilespmem:$0x1C400] =	vst v63  }
0x249: {  	_ = 	snop  }
0x24a: {  	[tilespmem:s9], [sflag:$0x3] =	stream.indirect_vreg.gather [hbm4b:s2+s21], $0x80, v3, vm1, $0xb8;
	[tilespmem:$0x1C400] =	vst v63  }
0x24b: {  	v3 =	vld.msk [tilespmem:$0x2B0], $0xff;
	_ =	sdelay $0x4  }
0x24c: {  	v4 =	vshll.u32 v3, $0x1  }
0x24d: {  	v3 =	vand.u32 $0x7, v3;
	v4 =	vand.u32 $0xFFFFFFF0, v4  }
0x24e: {  	v3 =	vor.u32 v3, v4  }
0x24f: {  	v3 =	vperm.xlane v3, v0;
	_ =	sdelay $0x1  }
0x250: {  	v3 =	vadd.s32 v1, v3;
	_ =	sdelay $0x4  }
0x251: {  	[tilespmem:s11], [sflag:$0x3] =	stream.indirect_vreg.gather [hbm4b:s2+s21], $0x80, v3, vm1, $0xb8;
	[tilespmem:$0x1C400] =	vst v63  }
0x252: {  	s26 =	sand.u32 $0x7800, s21;
	s21 =	sand.u32 $0x380, s21  }
0x253: {  	s21 =	sor.u32 s21, s26  }
0x254: {  	v10 =	vld [tilespmem:s21+$0x13C00]  }
0x255: {  	v11 =	vld [tilespmem:s21+$0x13C10]  }
0x256: {  	v12 =	vld [tilespmem:s21+$0x13C20]  }
0x257: {  	v13 =	vld [tilespmem:s21+$0x13C30]  }
0x258: {  	v14 =	vld [tilespmem:s21+$0x13C40]  }
0x259: {  	v15 =	vld [tilespmem:s21+$0x13C50]  }
0x25a: {  	v16 =	vld [tilespmem:s21+$0x13C60]  }
0x25b: {  	v17 =	vld [tilespmem:s21+$0x13C70]  }
0x25c: {  	v18 =	vld [tilespmem:s21+$0x14000]  }
0x25d: {  	v9 =	vld [tilespmem:s21+$0x14010]  }
0x25e: {  	v8 =	vld [tilespmem:s21+$0x14020]  }
0x25f: {  	v7 =	vld [tilespmem:s21+$0x14030]  }
0x260: {  	v6 =	vld [tilespmem:s21+$0x14040]  }
0x261: {  	v5 =	vld [tilespmem:s21+$0x14050]  }
0x262: {  	v4 =	vld [tilespmem:s21+$0x14060]  }
0x263: {  	v3 =	vld [tilespmem:s21+$0x14070]  }
0x264: {  	v19 =	vld [tilespmem:s21+$0x6C00]  }
0x265: {  	v20 =	vld [tilespmem:s21+$0x6C10]  }
0x266: {  	v21 =	vld [tilespmem:s21+$0x6C20]  }
0x267: {  	v22 =	vld [tilespmem:s21+$0x6C30]  }
0x268: {  	v23 =	vld [tilespmem:s21+$0x6C40]  }
0x269: {  	v10 =	vadd.f32 v10, v19;
	v19 =	vld [tilespmem:s21+$0x6C50]  }
0x26a: {  	v61 =	vld [tilespmem:s21+$0x6C60];
	v11 =	vadd.f32 v11, v20  }
0x26b: {  	v62 =	vld [tilespmem:s21+$0x6C70];
	[tilespmem:s21+$0x6C00] =	vst v10;
	v10 =	vadd.f32 v12, v21  }
0x26c: {  	v63 =	vld [tilespmem:s21+$0x7000];
	[tilespmem:s21+$0x6C10] =	vst v11;
	v11 =	vadd.f32 v13, v22  }
0x26d: {  	v13 =	vld [tilespmem:s21+$0x7010];
	[tilespmem:s21+$0x6C20] =	vst v10;
	v10 =	vadd.f32 v14, v23  }
0x26e: {  	v12 =	vld [tilespmem:s21+$0x7020];
	[tilespmem:s21+$0x6C30] =	vst v11;
	v11 =	vadd.f32 v15, v19  }
0x26f: {  	v14 =	vadd.f32 v16, v61;
	[tilespmem:s21+$0x6C40] =	vst v10;
	v10 =	vld [tilespmem:s21+$0x7030]  }
0x270: {  	v16 =	vadd.f32 v17, v62;
	[tilespmem:s21+$0x6C50] =	vst v11;
	v11 =	vld [tilespmem:s21+$0x7040]  }
0x271: {  	s22 =	simm.s32 $0x80;
	s23 =	simm.s32 $0x100;
	v15 =	vadd.f32 v18, v63;
	[tilespmem:s21+$0x6C60] =	vst v14;
	v14 =	vld [tilespmem:s21+$0x7050]  }
.LBB2_8:
0x272: {  	s24 =	sand.u32 $0x7800, s23;
	s25 =	sand.u32 $0x380, s22;
	p1 =	sne.s32 s23, $0x6700;
	[tilespmem:s21+$0x6C70] =	vst v16;
	v9 =	vadd.f32 v9, v13;
	v13 =	vld [tilespmem:s21+$0x7060]  }
0x273: {  	s24 =	sor.u32 s25, s24;
	[tilespmem:s21+$0x7000] =	vst v15;
	v8 =	vadd.f32 v8, v12;
	v12 =	vld [tilespmem:s21+$0x7070]  }
0x274: {  	v15 =	vld [tilespmem:s24+$0x13C00];
	[tilespmem:s21+$0x7010] =	vst v9;
	v7 =	vadd.f32 v7, v10  }
0x275: {  	v10 =	vld [tilespmem:s24+$0x13C10];
	[tilespmem:s21+$0x7020] =	vst v8;
	v6 =	vadd.f32 v6, v11  }
0x276: {  	v11 =	vld [tilespmem:s24+$0x13C20];
	[tilespmem:s21+$0x7030] =	vst v7;
	v5 =	vadd.f32 v5, v14  }
0x277: {  	v14 =	vld [tilespmem:s24+$0x13C30];
	[tilespmem:s21+$0x7040] =	vst v6;
	v4 =	vadd.f32 v4, v13  }
0x278: {  	v13 =	vld [tilespmem:s24+$0x13C40];
	[tilespmem:s21+$0x7050] =	vst v5;
	v3 =	vadd.f32 v3, v12  }
0x279: {  	v12 =	vld [tilespmem:s24+$0x13C50];
	[tilespmem:s21+$0x7060] =	vst v4  }
0x27a: {  	v16 =	vld [tilespmem:s24+$0x13C60];
	[tilespmem:s21+$0x7070] =	vst v3;
	s21 =	smov.u32 s24  }
0x27b: {  	v17 =	vld [tilespmem:s21+$0x13C70]  }
0x27c: {  	v18 =	vld [tilespmem:s21+$0x14000]  }
0x27d: {  	v9 =	vld [tilespmem:s21+$0x14010]  }
0x27e: {  	v8 =	vld [tilespmem:s21+$0x14020]  }
0x27f: {  	v7 =	vld [tilespmem:s21+$0x14030]  }
0x280: {  	v6 =	vld [tilespmem:s21+$0x14040]  }
0x281: {  	v5 =	vld [tilespmem:s21+$0x14050]  }
0x282: {  	v4 =	vld [tilespmem:s21+$0x14060]  }
0x283: {  	v3 =	vld [tilespmem:s21+$0x14070]  }
0x284: {  	v19 =	vld [tilespmem:s21+$0x6C00]  }
0x285: {  	v20 =	vld [tilespmem:s21+$0x6C10]  }
0x286: {  	v21 =	vld [tilespmem:s21+$0x6C20]  }
0x287: {  	v22 =	vld [tilespmem:s21+$0x6C30]  }
0x288: {  	v23 =	vld [tilespmem:s21+$0x6C40]  }
0x289: {  	v15 =	vadd.f32 v15, v19;
	v19 =	vld [tilespmem:s21+$0x6C50]  }
0x28a: {  	v10 =	vadd.f32 v10, v20;
	v20 =	vld [tilespmem:s21+$0x6C60]  }
0x28b: {  	[tilespmem:s21+$0x6C00] =	vst v15;
	v11 =	vadd.f32 v11, v21;
	v15 =	vld [tilespmem:s21+$0x6C70]  }
0x28c: {  	[tilespmem:s21+$0x6C10] =	vst v10;
	v10 =	vadd.f32 v14, v22;
	v14 =	vld [tilespmem:s21+$0x7000]  }
.Ltmp6:
0x28d: {  	[tilespmem:s21+$0x6C20] =	vst v11;
	v11 =	vadd.f32 v13, v23;
	v13 =	vld [tilespmem:s21+$0x7010];
	(pc) =	sbr.rel @p1 .LBB2_8-.Ltmp6, $4  }
0x28e: {  	[tilespmem:s21+$0x6C30] =	vst v10;
	v19 =	vadd.f32 v12, v19;
	v12 =	vld [tilespmem:s21+$0x7020]  }
0x28f: {  	[tilespmem:s21+$0x6C40] =	vst v11;
	v20 =	vadd.f32 v16, v20;
	v10 =	vld [tilespmem:s21+$0x7030]  }
0x290: {  	[tilespmem:s21+$0x6C50] =	vst v19;
	v16 =	vadd.f32 v17, v15;
	v11 =	vld [tilespmem:s21+$0x7040]  }
0x291: {  	s22 =	sadd.s32 $0x80, s22;
	s23 =	sadd.s32 $0x100, s23;
	[tilespmem:s21+$0x6C60] =	vst v20;
	v15 =	vadd.f32 v18, v14;
	v14 =	vld [tilespmem:s21+$0x7050]  }
0x292: {  	[tilespmem:s21+$0x6C70] =	vst v16;
	v9 =	vadd.f32 v9, v13;
	v62 =	vld [tilespmem:s21+$0x7060]  }
0x293: {  	v63 =	vld [tilespmem:s21+$0x7070];
	[tilespmem:s21+$0x7000] =	vst v15;
	v8 =	vadd.f32 v8, v12  }
0x294: {  	[tilespmem:s21+$0x7010] =	vst v9;
	v7 =	vadd.f32 v7, v10  }
0x295: {  	[tilespmem:s21+$0x7020] =	vst v8;
	v6 =	vadd.f32 v6, v11  }
0x296: {  	[tilespmem:s21+$0x7030] =	vst v7;
	v5 =	vadd.f32 v5, v14  }
.Ltmp7:
0x297: {  	[tilespmem:s21+$0x7040] =	vst v6;
	v4 =	vadd.f32 v4, v62;
	(pc) =	sbr.rel .LBB2_2-.Ltmp7, $4  }
0x298: {  	s20 =	sadd.s32 s4, s20;
	v3 =	vadd.f32 v3, v63;
	[tilespmem:s21+$0x7050] =	vst v5  }
0x299: {  	s20 =	sshll.u32 s20, $0x5;
	[tilespmem:s21+$0x7060] =	vst v4  }
0x29a: {  	p1 =	por $0x0, $0x0;
	s20 =	sadd.s32 s5, s20;
	[tilespmem:s21+$0x7070] =	vst v3;
	s21 =	simm.s32 $0x1  }
0x29b: {  	[hbm4b:s20+s3] =	stream.linear.scatter [tilespmem:s16], [sflag:$0x6], $0x6800, $0x38;
	[tilespmem:$0x1C400] =	vst v63  }
.LBB2_11:
0x29c: {  	s20 =	simm.s32 $0x7  }
0x29d: {  	_ =	swait.ge [sflag:s20], $0x1000  }
0x29e: {  	[sflag:s20] =	ssyncset.done $0x0  }
0x29f: {  	s22 =	simm.s32 $0x8;
	[sflag:s20] =	ssyncadd.s32 $0xFFFFF000  }
0x2a0: {  	s26 =	simm.s32 $0x0;
	_ =	swait.ge [sflag:s22], $0x1000  }
0x2a1: {  	s21 =	sand.u32 $0x800, s26;
	s20 =	sand.u32 $0x380, s26;
	[sflag:s22] =	ssyncset.done $0x0  }
0x2a2: {  	s20 =	sor.u32 s20, s21;
	[sflag:s22] =	ssyncadd.s32 $0xFFFFF000  }
0x2a3: {  	v10 =	vld [tilespmem:s20+$0x1B400]  }
0x2a4: {  	v11 =	vld [tilespmem:s20+$0x1B410]  }
0x2a5: {  	v12 =	vld [tilespmem:s20+$0x1B420]  }
0x2a6: {  	v13 =	vld [tilespmem:s20+$0x1B430]  }
0x2a7: {  	v14 =	vld [tilespmem:s20+$0x1B440]  }
0x2a8: {  	v15 =	vld [tilespmem:s20+$0x1B450]  }
0x2a9: {  	v16 =	vld [tilespmem:s20+$0x1B460]  }
0x2aa: {  	v17 =	vld [tilespmem:s20+$0x1B470]  }
0x2ab: {  	v18 =	vld [tilespmem:s20+$0x1B800]  }
0x2ac: {  	v9 =	vld [tilespmem:s20+$0x1B810]  }
0x2ad: {  	v8 =	vld [tilespmem:s20+$0x1B820]  }
0x2ae: {  	v7 =	vld [tilespmem:s20+$0x1B830]  }
0x2af: {  	v6 =	vld [tilespmem:s20+$0x1B840]  }
0x2b0: {  	v5 =	vld [tilespmem:s20+$0x1B850]  }
0x2b1: {  	v4 =	vld [tilespmem:s20+$0x1B860]  }
0x2b2: {  	v3 =	vld [tilespmem:s20+$0x1B870]  }
0x2b3: {  	v19 =	vld [tilespmem:s20+$0x1A400]  }
0x2b4: {  	v20 =	vld [tilespmem:s20+$0x1A410]  }
0x2b5: {  	v21 =	vld [tilespmem:s20+$0x1A420]  }
0x2b6: {  	v22 =	vld [tilespmem:s20+$0x1A430]  }
0x2b7: {  	v23 =	vld [tilespmem:s20+$0x1A440]  }
0x2b8: {  	v10 =	vadd.f32 v10, v19;
	v19 =	vld [tilespmem:s20+$0x1A450]  }
0x2b9: {  	v61 =	vld [tilespmem:s20+$0x1A460];
	v11 =	vadd.f32 v11, v20  }
0x2ba: {  	v62 =	vld [tilespmem:s20+$0x1A470];
	[tilespmem:s20+$0x1A400] =	vst v10;
	v10 =	vadd.f32 v12, v21  }
0x2bb: {  	v63 =	vld [tilespmem:s20+$0x1A800];
	[tilespmem:s20+$0x1A410] =	vst v11;
	v11 =	vadd.f32 v13, v22  }
0x2bc: {  	v13 =	vld [tilespmem:s20+$0x1A810];
	[tilespmem:s20+$0x1A420] =	vst v10;
	v10 =	vadd.f32 v14, v23  }
0x2bd: {  	v12 =	vld [tilespmem:s20+$0x1A820];
	[tilespmem:s20+$0x1A430] =	vst v11;
	v11 =	vadd.f32 v15, v19  }
0x2be: {  	v14 =	vadd.f32 v16, v61;
	[tilespmem:s20+$0x1A440] =	vst v10;
	v10 =	vld [tilespmem:s20+$0x1A830]  }
0x2bf: {  	v16 =	vadd.f32 v17, v62;
	[tilespmem:s20+$0x1A450] =	vst v11;
	v11 =	vld [tilespmem:s20+$0x1A840]  }
0x2c0: {  	s21 =	simm.s32 $0x80;
	s22 =	simm.s32 $0x100;
	v15 =	vadd.f32 v18, v63;
	[tilespmem:s20+$0x1A460] =	vst v14;
	v14 =	vld [tilespmem:s20+$0x1A850]  }
.LBB2_12:
0x2c1: {  	s23 =	sand.u32 $0x800, s22;
	s24 =	sand.u32 $0x380, s21;
	p1 =	sne.s32 s22, $0xF00;
	[tilespmem:s20+$0x1A470] =	vst v16;
	v9 =	vadd.f32 v9, v13;
	v13 =	vld [tilespmem:s20+$0x1A860]  }
0x2c2: {  	s23 =	sor.u32 s24, s23;
	[tilespmem:s20+$0x1A800] =	vst v15;
	v8 =	vadd.f32 v8, v12;
	v12 =	vld [tilespmem:s20+$0x1A870]  }
0x2c3: {  	v15 =	vld [tilespmem:s23+$0x1B400];
	[tilespmem:s20+$0x1A810] =	vst v9;
	v7 =	vadd.f32 v7, v10  }
0x2c4: {  	v10 =	vld [tilespmem:s23+$0x1B410];
	[tilespmem:s20+$0x1A820] =	vst v8;
	v6 =	vadd.f32 v6, v11  }
0x2c5: {  	v11 =	vld [tilespmem:s23+$0x1B420];
	[tilespmem:s20+$0x1A830] =	vst v7;
	v5 =	vadd.f32 v5, v14  }
0x2c6: {  	v14 =	vld [tilespmem:s23+$0x1B430];
	[tilespmem:s20+$0x1A840] =	vst v6;
	v4 =	vadd.f32 v4, v13  }
0x2c7: {  	v13 =	vld [tilespmem:s23+$0x1B440];
	[tilespmem:s20+$0x1A850] =	vst v5;
	v3 =	vadd.f32 v3, v12  }
0x2c8: {  	v12 =	vld [tilespmem:s23+$0x1B450];
	[tilespmem:s20+$0x1A860] =	vst v4  }
0x2c9: {  	v16 =	vld [tilespmem:s23+$0x1B460];
	[tilespmem:s20+$0x1A870] =	vst v3;
	s20 =	smov.u32 s23  }
0x2ca: {  	v17 =	vld [tilespmem:s20+$0x1B470]  }
0x2cb: {  	v18 =	vld [tilespmem:s20+$0x1B800]  }
0x2cc: {  	v9 =	vld [tilespmem:s20+$0x1B810]  }
0x2cd: {  	v8 =	vld [tilespmem:s20+$0x1B820]  }
0x2ce: {  	v7 =	vld [tilespmem:s20+$0x1B830]  }
0x2cf: {  	v6 =	vld [tilespmem:s20+$0x1B840]  }
0x2d0: {  	v5 =	vld [tilespmem:s20+$0x1B850]  }
0x2d1: {  	v4 =	vld [tilespmem:s20+$0x1B860]  }
0x2d2: {  	v3 =	vld [tilespmem:s20+$0x1B870]  }
0x2d3: {  	v19 =	vld [tilespmem:s20+$0x1A400]  }
0x2d4: {  	v20 =	vld [tilespmem:s20+$0x1A410]  }
0x2d5: {  	v21 =	vld [tilespmem:s20+$0x1A420]  }
0x2d6: {  	v22 =	vld [tilespmem:s20+$0x1A430]  }
0x2d7: {  	v23 =	vld [tilespmem:s20+$0x1A440]  }
0x2d8: {  	v15 =	vadd.f32 v15, v19;
	v19 =	vld [tilespmem:s20+$0x1A450]  }
0x2d9: {  	v10 =	vadd.f32 v10, v20;
	v20 =	vld [tilespmem:s20+$0x1A460]  }
0x2da: {  	[tilespmem:s20+$0x1A400] =	vst v15;
	v11 =	vadd.f32 v11, v21;
	v15 =	vld [tilespmem:s20+$0x1A470]  }
0x2db: {  	[tilespmem:s20+$0x1A410] =	vst v10;
	v10 =	vadd.f32 v14, v22;
	v14 =	vld [tilespmem:s20+$0x1A800]  }
.Ltmp8:
0x2dc: {  	[tilespmem:s20+$0x1A420] =	vst v11;
	v11 =	vadd.f32 v13, v23;
	v13 =	vld [tilespmem:s20+$0x1A810];
	(pc) =	sbr.rel @p1 .LBB2_12-.Ltmp8, $4  }
0x2dd: {  	[tilespmem:s20+$0x1A430] =	vst v10;
	v19 =	vadd.f32 v12, v19;
	v12 =	vld [tilespmem:s20+$0x1A820]  }
0x2de: {  	[tilespmem:s20+$0x1A440] =	vst v11;
	v20 =	vadd.f32 v16, v20;
	v10 =	vld [tilespmem:s20+$0x1A830]  }
0x2df: {  	[tilespmem:s20+$0x1A450] =	vst v19;
	v16 =	vadd.f32 v17, v15;
	v11 =	vld [tilespmem:s20+$0x1A840]  }
0x2e0: {  	s21 =	sadd.s32 $0x80, s21;
	s22 =	sadd.s32 $0x100, s22;
	[tilespmem:s20+$0x1A460] =	vst v20;
	v15 =	vadd.f32 v18, v14;
	v14 =	vld [tilespmem:s20+$0x1A850]  }
0x2e1: {  	[tilespmem:s20+$0x1A470] =	vst v16;
	v9 =	vadd.f32 v9, v13;
	v62 =	vld [tilespmem:s20+$0x1A860]  }
0x2e2: {  	v63 =	vld [tilespmem:s20+$0x1A870];
	[tilespmem:s20+$0x1A800] =	vst v15;
	v8 =	vadd.f32 v8, v12  }
0x2e3: {  	[tilespmem:s20+$0x1A810] =	vst v9;
	v7 =	vadd.f32 v7, v10  }
0x2e4: {  	[tilespmem:s20+$0x1A820] =	vst v8;
	v6 =	vadd.f32 v6, v11  }
0x2e5: {  	[tilespmem:s20+$0x1A830] =	vst v7;
	v5 =	vadd.f32 v5, v14  }
0x2e6: {  	[tilespmem:s20+$0x1A840] =	vst v6;
	v4 =	vadd.f32 v4, v62  }
0x2e7: {  	v3 =	vadd.f32 v3, v63;
	[tilespmem:s20+$0x1A850] =	vst v5  }
0x2e8: {  	s25 =	rddreg [dreg:$0x7];
	[tilespmem:s20+$0x1A860] =	vst v4  }
.Ltmp9:
0x2e9: {  	s21 =	simm.s32 $0x1A400;
	s26 =	simm.s32 $0x9;
	[tilespmem:s20+$0x1A870] =	vst v3;
	(pc) =	sbr.rel .LBB2_14-.Ltmp9, $4  }
0x2ea: {  	[hbm4b:s25+s3] =	stream.linear.scatter [tilespmem:s21], [sflag:$0x9], $0x1000, $0x38;
	[tilespmem:$0x1C400] =	vst v63  }
0x2eb: {  	_ =	swait.ge [sflag:s26], $0x1000  }
0x2ec: {  	[sflag:s26] =	ssyncset.done $0x0  }
0x2ed: {  	s22 =	rddreg [dreg:$0x9];
	[sflag:s26] =	ssyncadd.s32 $0xFFFFF000  }
.LBB2_15:
0x2ee: {  	_ =	sfence.sel $0x180000  }
0x2ef: {  	[bflag:$0x0] =	sbarrier.arrive $0xFFFF  }
0x2f0: {  	_ =	strace $0x90000047  }
0x2f1: {  	s0 =	stileid.u32;
	[bflag:$0x2] =	sbarrier.arrive $0xFFFF  }
0x2f2: {  	p0 =	sne.s32 s0, $0x0;
	s0 =	rddreg [dreg:$0x2]  }
0x2f3: {  	s0 =	sadd.s32 @!p0 $0x100000, s0  }
0x2f4: {  	[sflag:s0] =	ssyncadd.tile.s32 @!p0 $0x1;
	_ =	shalt  }
.Lfunc_end2:
_tile_overlayer_lowered:
.L_overlay_start_2:
0x2f5: {  	(tag) =	ssettag $0x2  }
0x2f6: {  	s0 =	rddreg [dreg:$0x0];
	s2 =	stileid.u32  }
0x2f7: {  	s1 =	rddreg [dreg:$0x1];
	p0 =	sne.s32 s2, $0x0  }
0x2f8: {  	s3 =	rddreg [dreg:$0x2];
	[bflag:$0x3] =	sbarrier.arrive $0xFFFF;
	s2 =	simm.s32 @!p0 $0x1C09  }
0x2f9: {  	[timem:s3], [sflag:s2] =	dma.local @!p0 [hbm:s0], s1  }
0x2fa: {  	s0 =	simm.s32 @!p0 $0x9  }
0x2fb: {  	_ =	swait.ge @!p0 [sflag:s0], s1  }
0x2fc: {  	s1 =	ssub.s32 @!p0 $0x0, s1;
	[sflag:s0] =	ssyncset.done @!p0 $0x0  }
0x2fd: {  	[sflag:s0] =	ssyncadd.s32 @!p0 s1  }
0x2fe: {  	[bflag:$0x3] =	sbarrier.arrive $0xFFFF  }
0x2ff: {  	_ =	shalt  }

</sc_bundles>
